<compile_context>
chip_gen: v7x
topology: tpu7x:2x2x1
jax: 0.10.2.dev20260603
libtpu: 0.0.44.dev20260713+nightly
codegen_flags: <defaults>
</compile_context>

<pallas_src>
import functools

import jax
import jax.numpy as jnp
from jax import lax
from jax.experimental import pallas as pl
from jax.experimental.pallas import tpu as pltpu
from jax.experimental.pallas import tpu_sc as plsc

N_NODES = 10000
N_EDGES = 320000
D = 128
G = 64
HEADS = 4
NLAYER = 3

NC = 2
NS = 16
NW = NC * NS
CHUNK = 128
E_PER_W = 10240
E_PAD = NW * E_PER_W
NCHUNK = E_PER_W // CHUNK
NPAD = 10240
ROWS_T = NPAD // NS
PADBASE = 10112

BLK = 1000
NB = N_NODES // BLK


def _leaky(v):
    return jnp.where(v > 0, v, 0.1 * v)


def _sc_edge_agg(h_hbm, srcs_hbm, dsts_hbm, zeros_hbm, out_hbm,
                 src_v, dst_v, rows0, agg_sh, sem0, sem_s):
    c = lax.axis_index("c")
    s = lax.axis_index("s")
    wid = c * NS + s
    pltpu.async_copy(srcs_hbm.at[wid], src_v, sem0).wait()
    pltpu.async_copy(dsts_hbm.at[wid], dst_v, sem0).wait()
    pltpu.async_copy(zeros_hbm, agg_sh.at[pl.ds(s * ROWS_T, ROWS_T)],
                     sem0).wait()
    plsc.subcore_barrier()

    iota = jax.lax.iota(jnp.int32, 16)
    padvs = [PADBASE + 16 * e + iota for e in range(CHUNK // 16)]

    def body(j, carry):
        pltpu.async_copy(h_hbm.at[src_v.at[j]], rows0, sem0).wait()
        for e in range(CHUNK // 16):
            pk = dst_v[j, pl.ds(16 * e, 16)]
            dstv = pk & 0x3FFF
            occ = (pk >> 14) & 0xF
            grp = rows0.at[pl.ds(16 * e, 16)]
            idx0 = jnp.where(occ == 0, dstv, padvs[e])
            pltpu.async_copy(grp, agg_sh.at[idx0], sem_s, add=True)
        for e in range(CHUNK // 16):
            grp = rows0.at[pl.ds(16 * e, 16)]
            pltpu.make_async_copy(grp, agg_sh.at[padvs[e]], sem_s).wait()
        for e in range(CHUNK // 16):
            pk = dst_v[j, pl.ds(16 * e, 16)]
            dstv = pk & 0x3FFF
            occ = (pk >> 14) & 0xF
            grp = rows0.at[pl.ds(16 * e, 16)]
            me = ((pk >> 18) & 0xF)[0]

            padv = padvs[e]

            @pl.when(me > 0)
            def _():
                def peel(k, carry2):
                    idxk = jnp.where(occ == k, dstv, padv)
                    pltpu.async_copy(grp, agg_sh.at[idxk], sem_s, add=True)
                    pltpu.make_async_copy(grp, agg_sh.at[idxk], sem_s).wait()
                    return carry2

                lax.fori_loop(1, me + 1, peel, 0)
        return carry

    lax.fori_loop(0, NCHUNK, body, 0)
    plsc.subcore_barrier()
    pltpu.async_copy(agg_sh.at[pl.ds(s * ROWS_T, ROWS_T)],
                     out_hbm.at[c, pl.ds(s * ROWS_T, ROWS_T)], sem0).wait()


@functools.lru_cache(maxsize=1)
def _get_sc_edge_agg_call():
    return functools.partial(
        pl.kernel,
        mesh=plsc.VectorSubcoreMesh(core_axis_name="c", subcore_axis_name="s"),
        out_type=jax.ShapeDtypeStruct((NC, NPAD, D), jnp.float32),
        scratch_types=[
            pltpu.VMEM((NCHUNK, CHUNK), jnp.int32),
            pltpu.VMEM((NCHUNK, CHUNK), jnp.int32),
            pltpu.VMEM((CHUNK, D), jnp.float32),
            pltpu.VMEM_SHARED((NPAD, D), jnp.float32),
            pltpu.SemaphoreType.DMA,
            pltpu.SemaphoreType.DMA,
        ],
    )(_sc_edge_agg)


OCCR = E_PAD // 16
OBLK = 2048


def _tc_occ(dst_ref, pk_ref):
    d = dst_ref[...]
    occ = jnp.zeros_like(d)
    for t in range(1, 16):
        eq = (d[:, t:] == d[:, :16 - t]).astype(jnp.int32)
        occ += jnp.concatenate(
            [jnp.zeros((OBLK, t), jnp.int32), eq], axis=1)
    gmax = jnp.broadcast_to(jnp.max(occ, axis=1, keepdims=True), d.shape)
    pk_ref[...] = d | (occ << 14) | (gmax << 18)


def _occ_pack(dst):
    spec = pl.BlockSpec((OBLK, 16), lambda i: (i, 0))
    return pl.pallas_call(
        _tc_occ,
        grid=(OCCR // OBLK,),
        in_specs=[spec],
        out_specs=spec,
        out_shape=jax.ShapeDtypeStruct((OCCR, 16), jnp.int32),
    )(dst.reshape(OCCR, 16)).reshape(E_PAD)


def _tc_layer(p0_ref, p1_ref, h_ref, wrel_ref, wroot_ref, b_ref, o_ref):
    agg = p0_ref[...] + p1_ref[...]
    o_ref[...] = (
        jnp.dot(agg, wrel_ref[...], preferred_element_type=jnp.float32)
        + jnp.dot(h_ref[...], wroot_ref[...], preferred_element_type=jnp.float32)
        + b_ref[...]
    )


def _layer_update(p0, p1, h, wrel, wroot, brel):
    row = pl.BlockSpec((BLK, D), lambda i: (i, 0))
    full = pl.BlockSpec((D, D), lambda i: (0, 0))
    bias = pl.BlockSpec((1, D), lambda i: (0, 0))
    return pl.pallas_call(
        _tc_layer,
        grid=(NB,),
        in_specs=[row, row, row, full, full, bias],
        out_specs=row,
        out_shape=jax.ShapeDtypeStruct((N_NODES, D), jnp.float32),
    )(p0, p1, h, wrel, wroot, brel.reshape(1, D))


def _tc_epilogue(h_ref, batch_ref, seq_ref, gf_ref, ws_ref, bs_ref, wg_ref,
                 bg_ref, wq_ref, bq_ref, wk_ref, bk_ref, wv_ref, bv_ref,
                 wp_ref, bp_ref, scale_ref, w1_ref, b1_ref, w2_ref, b2_ref,
                 o_ref, pool_ref):
    j = pl.program_id(0)

    @pl.when(j == 0)
    def _():
        pool_ref[...] = jnp.zeros_like(pool_ref)

    b = batch_ref[0, 0, :]
    gids = lax.broadcasted_iota(jnp.int32, (G, BLK), 0)
    mask = (b[None, :] == gids).astype(jnp.float32)
    pool_ref[...] += jnp.dot(mask, h_ref[...], preferred_element_type=jnp.float32)

    @pl.when(j == NB - 1)
    def _():
        graph_rep = pool_ref[...]
        seq_rep = _leaky(
            jnp.dot(seq_ref[...], ws_ref[...], preferred_element_type=jnp.float32)
            + bs_ref[...])
        glob = _leaky(
            jnp.dot(gf_ref[...], wg_ref[...], preferred_element_type=jnp.float32)
            + bg_ref[...])
        toks = (graph_rep, seq_rep, glob)
        inv_scale = 1.0 / scale_ref[0, 0]
        qf = [jnp.dot(t, wq_ref[...], preferred_element_type=jnp.float32)
              + bq_ref[...] for t in toks]
        kf = [jnp.dot(t, wk_ref[...], preferred_element_type=jnp.float32)
              + bk_ref[...] for t in toks]
        vf = [jnp.dot(t, wv_ref[...], preferred_element_type=jnp.float32)
              + bv_ref[...] for t in toks]
        osum_heads = []
        for hh in range(HEADS):
            sl = slice(hh * D, (hh + 1) * D)
            q = [t[:, sl] for t in qf]
            k = [t[:, sl] for t in kf]
            v = [t[:, sl] for t in vf]
            o_h = jnp.zeros((G, D), jnp.float32)
            for i in range(3):
                sc = [jnp.sum(q[i] * k[jj], axis=1, keepdims=True) * inv_scale
                      for jj in range(3)]
                m = jnp.maximum(jnp.maximum(sc[0], sc[1]), sc[2])
                e = [jnp.exp(x - m) for x in sc]
                denom = e[0] + e[1] + e[2]
                att = [x / denom for x in e]
                o_h = o_h + att[0] * v[0] + att[1] * v[1] + att[2] * v[2]
            osum_heads.append(o_h)
        osum = jnp.concatenate(osum_heads, axis=1)
        a1 = (jnp.dot(osum, wp_ref[...], preferred_element_type=jnp.float32)
              + 3.0 * bp_ref[...])
        h1 = _leaky(
            jnp.dot(a1, w1_ref[...], preferred_element_type=jnp.float32)
            + b1_ref[...])
        o_ref[...] = (
            jnp.dot(h1, w2_ref[...], preferred_element_type=jnp.float32)
            + b2_ref[...])


def _epilogue(h, batch3, seq, global_f, p):
    def fixed(a):
        return a, pl.BlockSpec(a.shape, lambda i: tuple(0 for _ in a.shape))

    ops = [
        (h, pl.BlockSpec((BLK, D), lambda i: (i, 0))),
        (batch3, pl.BlockSpec((1, 1, BLK), lambda i: (i, 0, 0))),
        fixed(seq),
        fixed(global_f),
        fixed(p['Ws']), fixed(p['bs'].reshape(1, D)),
        fixed(p['Wg']), fixed(p['bg'].reshape(1, D)),
        fixed(p['Wq']), fixed(p['bq'].reshape(1, HEADS * D)),
        fixed(p['Wk']), fixed(p['bk'].reshape(1, HEADS * D)),
        fixed(p['Wv']), fixed(p['bv'].reshape(1, HEADS * D)),
        fixed(p['Wp']), fixed(p['bp'].reshape(1, D)),
        fixed(p['scale'].reshape(1, 1)),
        fixed(p['W1']), fixed(p['b1'].reshape(1, D)),
        fixed(p['W2']), fixed(p['b2'].reshape(1, 1)),
    ]
    args = [a for a, _ in ops]
    specs = [s for _, s in ops]
    return pl.pallas_call(
        _tc_epilogue,
        grid=(NB,),
        in_specs=specs,
        out_specs=pl.BlockSpec((G, 1), lambda i: (0, 0)),
        out_shape=jax.ShapeDtypeStruct((G, 1), jnp.float32),
        scratch_shapes=[pltpu.VMEM((G, D), jnp.float32)],
    )(*args)


def kernel(x, edge_index, batch, seq, global_f, params):
    npadding = E_PAD - N_EDGES
    src = jnp.concatenate(
        [edge_index[0], jnp.arange(npadding, dtype=jnp.int32) % N_NODES])
    dst = jnp.concatenate(
        [edge_index[1],
         N_NODES + jnp.arange(npadding, dtype=jnp.int32) % (PADBASE - N_NODES)])
    srcs_r = src.reshape(NW, NCHUNK, CHUNK)
    dsts_r = _occ_pack(dst).reshape(NW, NCHUNK, CHUNK)
    batch3 = batch.reshape(NB, 1, BLK)
    zeros = jnp.zeros((ROWS_T, D), jnp.float32)

    h = x
    for l in range(NLAYER):
        part = _get_sc_edge_agg_call()(h, srcs_r, dsts_r, zeros)
        p0 = part[0, :N_NODES]
        p1 = part[1, :N_NODES]
        h = _layer_update(p0, p1, h, params['Wrel%d' % l],
                          params['Wroot%d' % l], params['brel%d' % l])
    return _epilogue(h, batch3, seq, global_f, params)

# --- scband reference (transcript-rebuilt; emitter-appended) ---
"""Pipeline reference for scband-mmgraph-18176301596808 (READ-ONLY COPY).

The authoritative reference and input builder live on the scoring server;
editing this copy changes nothing except your own understanding.
"""

import jax, jax.numpy as jnp
import numpy as np

N_NODES = 10000
N_EDGES = 320000
D_IN = 128
EMB = 128
OUT = 1
NGRAPH = 64
MAXLEN = 50
HEADS = 4
NLAYER = 3


def leaky(x):
    return jnp.where(x > 0, x, 0.1 * x)


def setup_inputs(seed: int = 0) -> dict:
    key = jax.random.key(seed)
    ks = jax.random.split(key, 40)
    s = 0.05
    x = jax.random.normal(ks[0], (N_NODES, D_IN), dtype=jnp.float32)
    edge_index = jax.random.randint(ks[1], (2, N_EDGES), 0, N_NODES, dtype=jnp.int32)
    batch = jnp.sort(jax.random.randint(ks[2], (N_NODES,), 0, NGRAPH, dtype=jnp.int32))
    seq = jax.random.normal(ks[3], (NGRAPH, MAXLEN), dtype=jnp.float32)
    global_f = jax.random.normal(ks[4], (NGRAPH, 10), dtype=jnp.float32)
    params = {}
    for l in range(NLAYER):
        in_dim = D_IN if l == 0 else EMB
        params['Wrel%d' % l] = jax.random.normal(ks[5 + l], (in_dim, EMB), dtype=jnp.float32) * s
        params['brel%d' % l] = jnp.zeros((EMB,), dtype=jnp.float32)
        params['Wroot%d' % l] = jax.random.normal(ks[8 + l], (in_dim, EMB), dtype=jnp.float32) * s
    params['Ws'] = jax.random.normal(ks[11], (MAXLEN, EMB), dtype=jnp.float32) * s
    params['bs'] = jnp.zeros((EMB,), dtype=jnp.float32)
    params['Wg'] = jax.random.normal(ks[12], (10, EMB), dtype=jnp.float32) * s
    params['bg'] = jnp.zeros((EMB,), dtype=jnp.float32)
    params['Wq'] = jax.random.normal(ks[13], (EMB, EMB * HEADS), dtype=jnp.float32) * s
    params['bq'] = jnp.zeros((EMB * HEADS,), dtype=jnp.float32)
    params['Wk'] = jax.random.normal(ks[14], (EMB, EMB * HEADS), dtype=jnp.float32) * s
    params['bk'] = jnp.zeros((EMB * HEADS,), dtype=jnp.float32)
    params['Wv'] = jax.random.normal(ks[15], (EMB, EMB * HEADS), dtype=jnp.float32) * s
    params['bv'] = jnp.zeros((EMB * HEADS,), dtype=jnp.float32)
    params['Wp'] = jax.random.normal(ks[16], (EMB * HEADS, EMB), dtype=jnp.float32) * s
    params['bp'] = jnp.zeros((EMB,), dtype=jnp.float32)
    params['scale'] = jnp.array([np.sqrt(EMB // HEADS)], dtype=jnp.float32)
    params['W1'] = jax.random.normal(ks[17], (EMB, EMB), dtype=jnp.float32) * s
    params['b1'] = jnp.zeros((EMB,), dtype=jnp.float32)
    params['W2'] = jax.random.normal(ks[18], (EMB, OUT), dtype=jnp.float32) * s
    params['b2'] = jnp.zeros((OUT,), dtype=jnp.float32)
    return {'x': x, 'edge_index': edge_index, 'batch': batch, 'seq': seq, 'global_f': global_f, 'params': params}


def _forward(x, seq, global_f, params, edge_index, batch):
    # GNN stack: 3x PyG GraphConv (aggr='add'): out = lin_rel(sum_j x_j) + lin_root(x)
    src = edge_index[0]
    dst = edge_index[1]
    h = x
    for l in range(NLAYER):
        msg = h[src]  # gather (SparseCore)
        agg = jax.ops.segment_sum(msg, dst, num_segments=N_NODES)  # scatter-add
        h = agg @ params['Wrel%d' % l] + params['brel%d' % l] + h @ params['Wroot%d' % l]
    # global_add_pool per graph
    graph_rep = jax.ops.segment_sum(h, batch, num_segments=NGRAPH)
    # seq / global encoders (Dropout is identity in eval mode)
    seq_rep = leaky(seq @ params['Ws'] + params['bs'])
    glob = leaky(global_f @ params['Wg'] + params['bg'])
    # SimpleSelfAttention over the 3 modality tokens, 4 heads
    xs = jnp.stack([graph_rep, seq_rep, glob], axis=1)  # [B,3,EMB]
    Q = (xs @ params['Wq'] + params['bq']).reshape(NGRAPH, 3, HEADS, EMB).transpose(0, 2, 1, 3)
    K = (xs @ params['Wk'] + params['bk']).reshape(NGRAPH, 3, HEADS, EMB).transpose(0, 2, 1, 3)
    V = (xs @ params['Wv'] + params['bv']).reshape(NGRAPH, 3, HEADS, EMB).transpose(0, 2, 1, 3)
    scores = jnp.einsum('bhqd,bhkd->bhqk', Q, K) / params['scale'][0]
    attn = jax.nn.softmax(scores, axis=-1)
    o = jnp.einsum('bhqk,bhkd->bhqd', attn, V)
    o = o.transpose(0, 2, 1, 3).reshape(NGRAPH, 3, HEADS * EMB)
    o = o @ params['Wp'] + params['bp']
    a1 = o.sum(axis=1)  # [B,EMB]
    # fc head (Dropout identity)
    h1 = leaky(a1 @ params['W1'] + params['b1'])
    out = h1 @ params['W2'] + params['b2']
    return out


def reference(x, edge_index, batch, seq, global_f, params):
    return _forward(x, seq, global_f, params, edge_index, batch)

if __name__ == "__main__":
    import jax
    _d = setup_inputs()
    print(jax.jit(kernel)(*tuple(_d.values())))

</pallas_src>

<mosaic_0001>
#map = affine_map<(d0, d1) -> (0, 0)>
#map1 = affine_map<(d0, d1) -> (0, 0, 0)>
module attributes {stable_mosaic.version = 14 : i64} {
  func.func @_sc_edge_agg(%arg0: i32, %arg1: i32, %arg2: memref<10000x128xf32, #tpu.memory_space<hbm>>, %arg3: memref<32x80x128xi32, #tpu.memory_space<hbm>>, %arg4: memref<32x80x128xi32, #tpu.memory_space<hbm>>, %arg5: memref<640x128xf32, #tpu.memory_space<hbm>>, %arg6: memref<2x10240x128xf32, #tpu.memory_space<hbm>>, %arg7: memref<80x128xi32, #tpu.memory_space<vmem>>, %arg8: memref<80x128xi32, #tpu.memory_space<vmem>>, %arg9: memref<128x128xf32, #tpu.memory_space<vmem>>, %arg10: memref<10240x128xf32, #tpu.memory_space<vmem_shared>>, %arg11: memref<!tpu.dma_semaphore, #tpu.memory_space<semaphore_mem>>, %arg12: memref<!tpu.dma_semaphore, #tpu.memory_space<semaphore_mem>>) attributes {dimension_semantics = [#tpu.dimension_semantics<core_parallel>, #tpu.dimension_semantics<subcore_parallel>], iteration_bounds = array<i64: 2, 16>, scalar_prefetch = 0 : i64, scratch_operands = 6 : i64, tpu.core_type = #tpu.core_type<sc_vector_subcore>, window_params = [{transform_indices = #map}, {transform_indices = #map1}, {transform_indices = #map1}, {transform_indices = #map}, {transform_indices = #map1}]} {
    %mul3A = arith.constant 16 : i32
    %mul3A_0 = arith.muli %arg0, %mul3A : i32
    %add3A = arith.addi %mul3A_0, %arg1 : i32
    %dma_start3A = arith.constant 0 : i32
    %dma_start3A_1 = arith.constant 0 : i32
    %dma_start3A_2 = tpu.memref_slice %arg3[%add3A, %dma_start3A, %dma_start3A_1] : memref<32x80x128xi32, #tpu.memory_space<hbm>> -> memref<1x80x128xi32, #tpu.memory_space<hbm>>
    %dma_start3A_3 = tpu.memref_squeeze %dma_start3A_2 : memref<1x80x128xi32, #tpu.memory_space<hbm>> -> memref<80x128xi32, #tpu.memory_space<hbm>>
    %dma_start3A_4 = arith.constant 0 : i32
    %dma_start3A_5 = arith.constant 0 : i32
    %dma_start3A_6 = tpu.memref_slice %arg3[%add3A, %dma_start3A_4, %dma_start3A_5] : memref<32x80x128xi32, #tpu.memory_space<hbm>> -> memref<1x80x128xi32, #tpu.memory_space<hbm>>
    %dma_start3A_7 = tpu.memref_squeeze %dma_start3A_6 : memref<1x80x128xi32, #tpu.memory_space<hbm>> -> memref<80x128xi32, #tpu.memory_space<hbm>>
    tpu.enqueue_dma source(%dma_start3A_7 : memref<80x128xi32, #tpu.memory_space<hbm>>) target(%arg7 : memref<80x128xi32, #tpu.memory_space<vmem>>) target_semaphore(%arg11 : memref<!tpu.dma_semaphore, #tpu.memory_space<semaphore_mem>>)
    %dma_wait3A = arith.constant 0 : i32
    %dma_wait3A_8 = arith.constant 0 : i32
    %dma_wait3A_9 = tpu.memref_slice %arg3[%add3A, %dma_wait3A, %dma_wait3A_8] : memref<32x80x128xi32, #tpu.memory_space<hbm>> -> memref<1x80x128xi32, #tpu.memory_space<hbm>>
    %dma_wait3A_10 = tpu.memref_squeeze %dma_wait3A_9 : memref<1x80x128xi32, #tpu.memory_space<hbm>> -> memref<80x128xi32, #tpu.memory_space<hbm>>
    %dma_wait3A_11 = arith.constant 0 : i32
    %dma_wait3A_12 = arith.constant 0 : i32
    %dma_wait3A_13 = tpu.memref_slice %arg3[%add3A, %dma_wait3A_11, %dma_wait3A_12] : memref<32x80x128xi32, #tpu.memory_space<hbm>> -> memref<1x80x128xi32, #tpu.memory_space<hbm>>
    %dma_wait3A_14 = tpu.memref_squeeze %dma_wait3A_13 : memref<1x80x128xi32, #tpu.memory_space<hbm>> -> memref<80x128xi32, #tpu.memory_space<hbm>>
    tpu.wait_dma2 semaphore(%arg11 : memref<!tpu.dma_semaphore, #tpu.memory_space<semaphore_mem>>) src(%dma_wait3A_14 : memref<80x128xi32, #tpu.memory_space<hbm>>) dst(%arg7 : memref<80x128xi32, #tpu.memory_space<vmem>>)
    %dma_start3A_15 = arith.constant 0 : i32
    %dma_start3A_16 = arith.constant 0 : i32
    %dma_start3A_17 = tpu.memref_slice %arg4[%add3A, %dma_start3A_15, %dma_start3A_16] : memref<32x80x128xi32, #tpu.memory_space<hbm>> -> memref<1x80x128xi32, #tpu.memory_space<hbm>>
    %dma_start3A_18 = tpu.memref_squeeze %dma_start3A_17 : memref<1x80x128xi32, #tpu.memory_space<hbm>> -> memref<80x128xi32, #tpu.memory_space<hbm>>
    %dma_start3A_19 = arith.constant 0 : i32
    %dma_start3A_20 = arith.constant 0 : i32
    %dma_start3A_21 = tpu.memref_slice %arg4[%add3A, %dma_start3A_19, %dma_start3A_20] : memref<32x80x128xi32, #tpu.memory_space<hbm>> -> memref<1x80x128xi32, #tpu.memory_space<hbm>>
    %dma_start3A_22 = tpu.memref_squeeze %dma_start3A_21 : memref<1x80x128xi32, #tpu.memory_space<hbm>> -> memref<80x128xi32, #tpu.memory_space<hbm>>
    tpu.enqueue_dma source(%dma_start3A_22 : memref<80x128xi32, #tpu.memory_space<hbm>>) target(%arg8 : memref<80x128xi32, #tpu.memory_space<vmem>>) target_semaphore(%arg11 : memref<!tpu.dma_semaphore, #tpu.memory_space<semaphore_mem>>)
    %dma_wait3A_23 = arith.constant 0 : i32
    %dma_wait3A_24 = arith.constant 0 : i32
    %dma_wait3A_25 = tpu.memref_slice %arg4[%add3A, %dma_wait3A_23, %dma_wait3A_24] : memref<32x80x128xi32, #tpu.memory_space<hbm>> -> memref<1x80x128xi32, #tpu.memory_space<hbm>>
    %dma_wait3A_26 = tpu.memref_squeeze %dma_wait3A_25 : memref<1x80x128xi32, #tpu.memory_space<hbm>> -> memref<80x128xi32, #tpu.memory_space<hbm>>
    %dma_wait3A_27 = arith.constant 0 : i32
    %dma_wait3A_28 = arith.constant 0 : i32
    %dma_wait3A_29 = tpu.memref_slice %arg4[%add3A, %dma_wait3A_27, %dma_wait3A_28] : memref<32x80x128xi32, #tpu.memory_space<hbm>> -> memref<1x80x128xi32, #tpu.memory_space<hbm>>
    %dma_wait3A_30 = tpu.memref_squeeze %dma_wait3A_29 : memref<1x80x128xi32, #tpu.memory_space<hbm>> -> memref<80x128xi32, #tpu.memory_space<hbm>>
    tpu.wait_dma2 semaphore(%arg11 : memref<!tpu.dma_semaphore, #tpu.memory_space<semaphore_mem>>) src(%dma_wait3A_30 : memref<80x128xi32, #tpu.memory_space<hbm>>) dst(%arg8 : memref<80x128xi32, #tpu.memory_space<vmem>>)
    %mul3A_31 = arith.constant 640 : i32
    %mul3A_32 = arith.muli %arg1, %mul3A_31 : i32
    %dma_start3A_33 = arith.constant 0 : i32
    %dma_start3A_34 = tpu.memref_slice %arg10[%mul3A_32, %dma_start3A_33] : memref<10240x128xf32, #tpu.memory_space<vmem_shared>> -> memref<640x128xf32, #tpu.memory_space<vmem_shared>>
    tpu.enqueue_dma source(%arg5 : memref<640x128xf32, #tpu.memory_space<hbm>>) target(%dma_start3A_34 : memref<640x128xf32, #tpu.memory_space<vmem_shared>>) target_semaphore(%arg11 : memref<!tpu.dma_semaphore, #tpu.memory_space<semaphore_mem>>)
    %dma_wait3A_35 = arith.constant 0 : i32
    %dma_wait3A_36 = tpu.memref_slice %arg10[%mul3A_32, %dma_wait3A_35] : memref<10240x128xf32, #tpu.memory_space<vmem_shared>> -> memref<640x128xf32, #tpu.memory_space<vmem_shared>>
    tpu.wait_dma2 semaphore(%arg11 : memref<!tpu.dma_semaphore, #tpu.memory_space<semaphore_mem>>) src(%arg5 : memref<640x128xf32, #tpu.memory_space<hbm>>) dst(%dma_wait3A_36 : memref<640x128xf32, #tpu.memory_space<vmem_shared>>)
    %barrier3A = arith.constant 0 : index
    tpu.barrier barrier_id(%barrier3A)
    %iota3A = tpu.iota {dimensions = array<i32: 0>} : vector<16xi32>
    %add3A_37 = arith.constant 10112 : i32
    %add3A_38 = vector.broadcast %add3A_37 : i32 to vector<16xi32>
    %add3A_39 = arith.addi %add3A_38, %iota3A : vector<16xi32>
    %add3A_40 = arith.constant 10128 : i32
    %add3A_41 = vector.broadcast %add3A_40 : i32 to vector<16xi32>
    %add3A_42 = arith.addi %add3A_41, %iota3A : vector<16xi32>
    %add3A_43 = arith.constant 10144 : i32
    %add3A_44 = vector.broadcast %add3A_43 : i32 to vector<16xi32>
    %add3A_45 = arith.addi %add3A_44, %iota3A : vector<16xi32>
    %add3A_46 = arith.constant 10160 : i32
    %add3A_47 = vector.broadcast %add3A_46 : i32 to vector<16xi32>
    %add3A_48 = arith.addi %add3A_47, %iota3A : vector<16xi32>
    %add3A_49 = arith.constant 10176 : i32
    %add3A_50 = vector.broadcast %add3A_49 : i32 to vector<16xi32>
    %add3A_51 = arith.addi %add3A_50, %iota3A : vector<16xi32>
    %add3A_52 = arith.constant 10192 : i32
    %add3A_53 = vector.broadcast %add3A_52 : i32 to vector<16xi32>
    %add3A_54 = arith.addi %add3A_53, %iota3A : vector<16xi32>
    %add3A_55 = arith.constant 10208 : i32
    %add3A_56 = vector.broadcast %add3A_55 : i32 to vector<16xi32>
    %add3A_57 = arith.addi %add3A_56, %iota3A : vector<16xi32>
    %add3A_58 = arith.constant 10224 : i32
    %add3A_59 = vector.broadcast %add3A_58 : i32 to vector<16xi32>
    %add3A_60 = arith.addi %add3A_59, %iota3A : vector<16xi32>
    %scan3A = arith.constant 0 : i32
    %scan3A_61 = arith.constant 0 : i32
    %scan3A_62 = arith.constant 80 : i32
    %scan3A_63 = arith.addi %scan3A_61, %scan3A_62 : i32
    %scan3A_64 = arith.constant 1 : i32
    scf.for %scan3A_81 = %scan3A_61 to %scan3A_63 step %scan3A_64  : i32 {
      %dma_start3A_82 = arith.constant 0 : i32
      %dma_start3A_83 = tpu.memref_slice %arg7[%scan3A_81, %dma_start3A_82] : memref<80x128xi32, #tpu.memory_space<vmem>> -> memref<1x128xi32, #tpu.memory_space<vmem>>
      %dma_start3A_84 = tpu.memref_squeeze %dma_start3A_83 : memref<1x128xi32, #tpu.memory_space<vmem>> -> memref<128xi32, #tpu.memory_space<vmem>>
      %dma_start3A_85 = arith.constant 0 : i32
      %dma_start3A_86 = arith.constant 0 : i32
      %dma_start3A_87 = tpu.memref_slice %arg2[%dma_start3A_85, %dma_start3A_86] : memref<10000x128xf32, #tpu.memory_space<hbm>> -> memref<10000x128xf32, #tpu.memory_space<hbm>>
      tpu.enqueue_indirect_dma source(%dma_start3A_87 : memref<10000x128xf32, #tpu.memory_space<hbm>>) target(%arg9 : memref<128x128xf32, #tpu.memory_space<vmem>>) offsets(%dma_start3A_84 : memref<128xi32, #tpu.memory_space<vmem>>) semaphore(%arg11 : memref<!tpu.dma_semaphore, #tpu.memory_space<semaphore_mem>>)
      %dma_wait3A_88 = arith.constant 0 : i32
      %dma_wait3A_89 = tpu.memref_slice %arg7[%scan3A_81, %dma_wait3A_88] : memref<80x128xi32, #tpu.memory_space<vmem>> -> memref<1x128xi32, #tpu.memory_space<vmem>>
      %dma_wait3A_90 = tpu.memref_squeeze %dma_wait3A_89 : memref<1x128xi32, #tpu.memory_space<vmem>> -> memref<128xi32, #tpu.memory_space<vmem>>
      %dma_wait3A_91 = arith.constant 0 : i32
      %dma_wait3A_92 = arith.constant 0 : i32
      %dma_wait3A_93 = tpu.memref_slice %arg2[%dma_wait3A_91, %dma_wait3A_92] : memref<10000x128xf32, #tpu.memory_space<hbm>> -> memref<10000x128xf32, #tpu.memory_space<hbm>>
      tpu.wait_indirect_dma semaphore(%arg11 : memref<!tpu.dma_semaphore, #tpu.memory_space<semaphore_mem>>) src(%dma_wait3A_93 : memref<10000x128xf32, #tpu.memory_space<hbm>>) dst(%arg9 : memref<128x128xf32, #tpu.memory_space<vmem>>)
      %get3A = arith.index_cast %scan3A_81 : i32 to index
      %get3A_94 = arith.constant 0 : index
      %get3A_95 = tpu.vector_load %arg8[%get3A, %get3A_94] {strides = array<i32>} : memref<80x128xi32, #tpu.memory_space<vmem>>, vector<1x16xi32>,
      %get3A_96 = vector.shape_cast %get3A_95 : vector<1x16xi32> to vector<16xi32>
      %and3A = arith.constant 16383 : i32
      %and3A_97 = vector.broadcast %and3A : i32 to vector<16xi32>
      %and3A_98 = arith.andi %get3A_96, %and3A_97 : vector<16xi32>
      %shift_right_arithmetic3A = arith.constant 14 : i32
      %shift_right_arithmetic3A_99 = vector.broadcast %shift_right_arithmetic3A : i32 to vector<16xi32>
      %shift_right_arithmetic3A_100 = arith.shrsi %get3A_96, %shift_right_arithmetic3A_99 : vector<16xi32>
      %and3A_101 = arith.constant 15 : i32
      %and3A_102 = vector.broadcast %and3A_101 : i32 to vector<16xi32>
      %and3A_103 = arith.andi %shift_right_arithmetic3A_100, %and3A_102 : vector<16xi32>
      %eq3A = arith.constant 0 : i32
      %eq3A_104 = vector.broadcast %eq3A : i32 to vector<16xi32>
      %eq3A_105 = arith.cmpi eq, %and3A_103, %eq3A_104 : vector<16xi32>
      %select_n3A = arith.select %eq3A_105, %and3A_98, %add3A_39 : vector<16xi1>, vector<16xi32>
      %dma_start3A_106 = arith.constant 0 : i32
      %dma_start3A_107 = arith.constant 0 : i32
      %dma_start3A_108 = tpu.memref_slice %arg9[%dma_start3A_106, %dma_start3A_107] : memref<128x128xf32, #tpu.memory_space<vmem>> -> memref<16x128xf32, #tpu.memory_space<vmem>>
      %dma_start3A_109 = arith.constant 0 : i32
      %dma_start3A_110 = arith.constant 0 : i32
      %dma_start3A_111 = tpu.memref_slice %arg10[%dma_start3A_109, %dma_start3A_110] : memref<10240x128xf32, #tpu.memory_space<vmem_shared>> -> memref<10240x128xf32, #tpu.memory_space<vmem_shared>>
      tpu.enqueue_indirect_dma source(%dma_start3A_108 : memref<16x128xf32, #tpu.memory_space<vmem>>) target(%dma_start3A_111 : memref<10240x128xf32, #tpu.memory_space<vmem_shared>>) offsets(%select_n3A : vector<16xi32>) semaphore(%arg12 : memref<!tpu.dma_semaphore, #tpu.memory_space<semaphore_mem>>) {add = true}
      %get3A_112 = arith.index_cast %scan3A_81 : i32 to index
      %get3A_113 = arith.constant 16 : index
      %get3A_114 = tpu.vector_load %arg8[%get3A_112, %get3A_113] {strides = array<i32>} : memref<80x128xi32, #tpu.memory_space<vmem>>, vector<1x16xi32>,
      %get3A_115 = vector.shape_cast %get3A_114 : vector<1x16xi32> to vector<16xi32>
      %and3A_116 = arith.constant 16383 : i32
      %and3A_117 = vector.broadcast %and3A_116 : i32 to vector<16xi32>
      %and3A_118 = arith.andi %get3A_115, %and3A_117 : vector<16xi32>
      %shift_right_arithmetic3A_119 = arith.constant 14 : i32
      %shift_right_arithmetic3A_120 = vector.broadcast %shift_right_arithmetic3A_119 : i32 to vector<16xi32>
      %shift_right_arithmetic3A_121 = arith.shrsi %get3A_115, %shift_right_arithmetic3A_120 : vector<16xi32>
      %and3A_122 = arith.constant 15 : i32
      %and3A_123 = vector.broadcast %and3A_122 : i32 to vector<16xi32>
      %and3A_124 = arith.andi %shift_right_arithmetic3A_121, %and3A_123 : vector<16xi32>
      %eq3A_125 = arith.constant 0 : i32
      %eq3A_126 = vector.broadcast %eq3A_125 : i32 to vector<16xi32>
      %eq3A_127 = arith.cmpi eq, %and3A_124, %eq3A_126 : vector<16xi32>
      %select_n3A_128 = arith.select %eq3A_127, %and3A_118, %add3A_42 : vector<16xi1>, vector<16xi32>
      %dma_start3A_129 = arith.constant 16 : i32
      %dma_start3A_130 = arith.constant 0 : i32
      %dma_start3A_131 = tpu.memref_slice %arg9[%dma_start3A_129, %dma_start3A_130] : memref<128x128xf32, #tpu.memory_space<vmem>> -> memref<16x128xf32, #tpu.memory_space<vmem>>
      %dma_start3A_132 = arith.constant 0 : i32
      %dma_start3A_133 = arith.constant 0 : i32
      %dma_start3A_134 = tpu.memref_slice %arg10[%dma_start3A_132, %dma_start3A_133] : memref<10240x128xf32, #tpu.memory_space<vmem_shared>> -> memref<10240x128xf32, #tpu.memory_space<vmem_shared>>
      tpu.enqueue_indirect_dma source(%dma_start3A_131 : memref<16x128xf32, #tpu.memory_space<vmem>>) target(%dma_start3A_134 : memref<10240x128xf32, #tpu.memory_space<vmem_shared>>) offsets(%select_n3A_128 : vector<16xi32>) semaphore(%arg12 : memref<!tpu.dma_semaphore, #tpu.memory_space<semaphore_mem>>) {add = true}
      %get3A_135 = arith.index_cast %scan3A_81 : i32 to index
      %get3A_136 = arith.constant 32 : index
      %get3A_137 = tpu.vector_load %arg8[%get3A_135, %get3A_136] {strides = array<i32>} : memref<80x128xi32, #tpu.memory_space<vmem>>, vector<1x16xi32>,
      %get3A_138 = vector.shape_cast %get3A_137 : vector<1x16xi32> to vector<16xi32>
      %and3A_139 = arith.constant 16383 : i32
      %and3A_140 = vector.broadcast %and3A_139 : i32 to vector<16xi32>
      %and3A_141 = arith.andi %get3A_138, %and3A_140 : vector<16xi32>
      %shift_right_arithmetic3A_142 = arith.constant 14 : i32
      %shift_right_arithmetic3A_143 = vector.broadcast %shift_right_arithmetic3A_142 : i32 to vector<16xi32>
      %shift_right_arithmetic3A_144 = arith.shrsi %get3A_138, %shift_right_arithmetic3A_143 : vector<16xi32>
      %and3A_145 = arith.constant 15 : i32
      %and3A_146 = vector.broadcast %and3A_145 : i32 to vector<16xi32>
      %and3A_147 = arith.andi %shift_right_arithmetic3A_144, %and3A_146 : vector<16xi32>
      %eq3A_148 = arith.constant 0 : i32
      %eq3A_149 = vector.broadcast %eq3A_148 : i32 to vector<16xi32>
      %eq3A_150 = arith.cmpi eq, %and3A_147, %eq3A_149 : vector<16xi32>
      %select_n3A_151 = arith.select %eq3A_150, %and3A_141, %add3A_45 : vector<16xi1>, vector<16xi32>
      %dma_start3A_152 = arith.constant 32 : i32
      %dma_start3A_153 = arith.constant 0 : i32
      %dma_start3A_154 = tpu.memref_slice %arg9[%dma_start3A_152, %dma_start3A_153] : memref<128x128xf32, #tpu.memory_space<vmem>> -> memref<16x128xf32, #tpu.memory_space<vmem>>
      %dma_start3A_155 = arith.constant 0 : i32
      %dma_start3A_156 = arith.constant 0 : i32
      %dma_start3A_157 = tpu.memref_slice %arg10[%dma_start3A_155, %dma_start3A_156] : memref<10240x128xf32, #tpu.memory_space<vmem_shared>> -> memref<10240x128xf32, #tpu.memory_space<vmem_shared>>
      tpu.enqueue_indirect_dma source(%dma_start3A_154 : memref<16x128xf32, #tpu.memory_space<vmem>>) target(%dma_start3A_157 : memref<10240x128xf32, #tpu.memory_space<vmem_shared>>) offsets(%select_n3A_151 : vector<16xi32>) semaphore(%arg12 : memref<!tpu.dma_semaphore, #tpu.memory_space<semaphore_mem>>) {add = true}
      %get3A_158 = arith.index_cast %scan3A_81 : i32 to index
      %get3A_159 = arith.constant 48 : index
      %get3A_160 = tpu.vector_load %arg8[%get3A_158, %get3A_159] {strides = array<i32>} : memref<80x128xi32, #tpu.memory_space<vmem>>, vector<1x16xi32>,
      %get3A_161 = vector.shape_cast %get3A_160 : vector<1x16xi32> to vector<16xi32>
      %and3A_162 = arith.constant 16383 : i32
      %and3A_163 = vector.broadcast %and3A_162 : i32 to vector<16xi32>
      %and3A_164 = arith.andi %get3A_161, %and3A_163 : vector<16xi32>
      %shift_right_arithmetic3A_165 = arith.constant 14 : i32
      %shift_right_arithmetic3A_166 = vector.broadcast %shift_right_arithmetic3A_165 : i32 to vector<16xi32>
      %shift_right_arithmetic3A_167 = arith.shrsi %get3A_161, %shift_right_arithmetic3A_166 : vector<16xi32>
      %and3A_168 = arith.constant 15 : i32
      %and3A_169 = vector.broadcast %and3A_168 : i32 to vector<16xi32>
      %and3A_170 = arith.andi %shift_right_arithmetic3A_167, %and3A_169 : vector<16xi32>
      %eq3A_171 = arith.constant 0 : i32
      %eq3A_172 = vector.broadcast %eq3A_171 : i32 to vector<16xi32>
      %eq3A_173 = arith.cmpi eq, %and3A_170, %eq3A_172 : vector<16xi32>
      %select_n3A_174 = arith.select %eq3A_173, %and3A_164, %add3A_48 : vector<16xi1>, vector<16xi32>
      %dma_start3A_175 = arith.constant 48 : i32
      %dma_start3A_176 = arith.constant 0 : i32
      %dma_start3A_177 = tpu.memref_slice %arg9[%dma_start3A_175, %dma_start3A_176] : memref<128x128xf32, #tpu.memory_space<vmem>> -> memref<16x128xf32, #tpu.memory_space<vmem>>
      %dma_start3A_178 = arith.constant 0 : i32
      %dma_start3A_179 = arith.constant 0 : i32
      %dma_start3A_180 = tpu.memref_slice %arg10[%dma_start3A_178, %dma_start3A_179] : memref<10240x128xf32, #tpu.memory_space<vmem_shared>> -> memref<10240x128xf32, #tpu.memory_space<vmem_shared>>
      tpu.enqueue_indirect_dma source(%dma_start3A_177 : memref<16x128xf32, #tpu.memory_space<vmem>>) target(%dma_start3A_180 : memref<10240x128xf32, #tpu.memory_space<vmem_shared>>) offsets(%select_n3A_174 : vector<16xi32>) semaphore(%arg12 : memref<!tpu.dma_semaphore, #tpu.memory_space<semaphore_mem>>) {add = true}
      %get3A_181 = arith.index_cast %scan3A_81 : i32 to index
      %get3A_182 = arith.constant 64 : index
      %get3A_183 = tpu.vector_load %arg8[%get3A_181, %get3A_182] {strides = array<i32>} : memref<80x128xi32, #tpu.memory_space<vmem>>, vector<1x16xi32>,
      %get3A_184 = vector.shape_cast %get3A_183 : vector<1x16xi32> to vector<16xi32>
      %and3A_185 = arith.constant 16383 : i32
      %and3A_186 = vector.broadcast %and3A_185 : i32 to vector<16xi32>
      %and3A_187 = arith.andi %get3A_184, %and3A_186 : vector<16xi32>
      %shift_right_arithmetic3A_188 = arith.constant 14 : i32
      %shift_right_arithmetic3A_189 = vector.broadcast %shift_right_arithmetic3A_188 : i32 to vector<16xi32>
      %shift_right_arithmetic3A_190 = arith.shrsi %get3A_184, %shift_right_arithmetic3A_189 : vector<16xi32>
      %and3A_191 = arith.constant 15 : i32
      %and3A_192 = vector.broadcast %and3A_191 : i32 to vector<16xi32>
      %and3A_193 = arith.andi %shift_right_arithmetic3A_190, %and3A_192 : vector<16xi32>
      %eq3A_194 = arith.constant 0 : i32
      %eq3A_195 = vector.broadcast %eq3A_194 : i32 to vector<16xi32>
      %eq3A_196 = arith.cmpi eq, %and3A_193, %eq3A_195 : vector<16xi32>
      %select_n3A_197 = arith.select %eq3A_196, %and3A_187, %add3A_51 : vector<16xi1>, vector<16xi32>
      %dma_start3A_198 = arith.constant 64 : i32
      %dma_start3A_199 = arith.constant 0 : i32
      %dma_start3A_200 = tpu.memref_slice %arg9[%dma_start3A_198, %dma_start3A_199] : memref<128x128xf32, #tpu.memory_space<vmem>> -> memref<16x128xf32, #tpu.memory_space<vmem>>
      %dma_start3A_201 = arith.constant 0 : i32
      %dma_start3A_202 = arith.constant 0 : i32
      %dma_start3A_203 = tpu.memref_slice %arg10[%dma_start3A_201, %dma_start3A_202] : memref<10240x128xf32, #tpu.memory_space<vmem_shared>> -> memref<10240x128xf32, #tpu.memory_space<vmem_shared>>
      tpu.enqueue_indirect_dma source(%dma_start3A_200 : memref<16x128xf32, #tpu.memory_space<vmem>>) target(%dma_start3A_203 : memref<10240x128xf32, #tpu.memory_space<vmem_shared>>) offsets(%select_n3A_197 : vector<16xi32>) semaphore(%arg12 : memref<!tpu.dma_semaphore, #tpu.memory_space<semaphore_mem>>) {add = true}
      %get3A_204 = arith.index_cast %scan3A_81 : i32 to index
      %get3A_205 = arith.constant 80 : index
      %get3A_206 = tpu.vector_load %arg8[%get3A_204, %get3A_205] {strides = array<i32>} : memref<80x128xi32, #tpu.memory_space<vmem>>, vector<1x16xi32>,
      %get3A_207 = vector.shape_cast %get3A_206 : vector<1x16xi32> to vector<16xi32>
      %and3A_208 = arith.constant 16383 : i32
      %and3A_209 = vector.broadcast %and3A_208 : i32 to vector<16xi32>
      %and3A_210 = arith.andi %get3A_207, %and3A_209 : vector<16xi32>
      %shift_right_arithmetic3A_211 = arith.constant 14 : i32
      %shift_right_arithmetic3A_212 = vector.broadcast %shift_right_arithmetic3A_211 : i32 to vector<16xi32>
      %shift_right_arithmetic3A_213 = arith.shrsi %get3A_207, %shift_right_arithmetic3A_212 : vector<16xi32>
      %and3A_214 = arith.constant 15 : i32
      %and3A_215 = vector.broadcast %and3A_214 : i32 to vector<16xi32>
      %and3A_216 = arith.andi %shift_right_arithmetic3A_213, %and3A_215 : vector<16xi32>
      %eq3A_217 = arith.constant 0 : i32
      %eq3A_218 = vector.broadcast %eq3A_217 : i32 to vector<16xi32>
      %eq3A_219 = arith.cmpi eq, %and3A_216, %eq3A_218 : vector<16xi32>
      %select_n3A_220 = arith.select %eq3A_219, %and3A_210, %add3A_54 : vector<16xi1>, vector<16xi32>
      %dma_start3A_221 = arith.constant 80 : i32
      %dma_start3A_222 = arith.constant 0 : i32
      %dma_start3A_223 = tpu.memref_slice %arg9[%dma_start3A_221, %dma_start3A_222] : memref<128x128xf32, #tpu.memory_space<vmem>> -> memref<16x128xf32, #tpu.memory_space<vmem>>
      %dma_start3A_224 = arith.constant 0 : i32
      %dma_start3A_225 = arith.constant 0 : i32
      %dma_start3A_226 = tpu.memref_slice %arg10[%dma_start3A_224, %dma_start3A_225] : memref<10240x128xf32, #tpu.memory_space<vmem_shared>> -> memref<10240x128xf32, #tpu.memory_space<vmem_shared>>
      tpu.enqueue_indirect_dma source(%dma_start3A_223 : memref<16x128xf32, #tpu.memory_space<vmem>>) target(%dma_start3A_226 : memref<10240x128xf32, #tpu.memory_space<vmem_shared>>) offsets(%select_n3A_220 : vector<16xi32>) semaphore(%arg12 : memref<!tpu.dma_semaphore, #tpu.memory_space<semaphore_mem>>) {add = true}
      %get3A_227 = arith.index_cast %scan3A_81 : i32 to index
      %get3A_228 = arith.constant 96 : index
      %get3A_229 = tpu.vector_load %arg8[%get3A_227, %get3A_228] {strides = array<i32>} : memref<80x128xi32, #tpu.memory_space<vmem>>, vector<1x16xi32>,
      %get3A_230 = vector.shape_cast %get3A_229 : vector<1x16xi32> to vector<16xi32>
      %and3A_231 = arith.constant 16383 : i32
      %and3A_232 = vector.broadcast %and3A_231 : i32 to vector<16xi32>
      %and3A_233 = arith.andi %get3A_230, %and3A_232 : vector<16xi32>
      %shift_right_arithmetic3A_234 = arith.constant 14 : i32
      %shift_right_arithmetic3A_235 = vector.broadcast %shift_right_arithmetic3A_234 : i32 to vector<16xi32>
      %shift_right_arithmetic3A_236 = arith.shrsi %get3A_230, %shift_right_arithmetic3A_235 : vector<16xi32>
      %and3A_237 = arith.constant 15 : i32
      %and3A_238 = vector.broadcast %and3A_237 : i32 to vector<16xi32>
      %and3A_239 = arith.andi %shift_right_arithmetic3A_236, %and3A_238 : vector<16xi32>
      %eq3A_240 = arith.constant 0 : i32
      %eq3A_241 = vector.broadcast %eq3A_240 : i32 to vector<16xi32>
      %eq3A_242 = arith.cmpi eq, %and3A_239, %eq3A_241 : vector<16xi32>
      %select_n3A_243 = arith.select %eq3A_242, %and3A_233, %add3A_57 : vector<16xi1>, vector<16xi32>
      %dma_start3A_244 = arith.constant 96 : i32
      %dma_start3A_245 = arith.constant 0 : i32
      %dma_start3A_246 = tpu.memref_slice %arg9[%dma_start3A_244, %dma_start3A_245] : memref<128x128xf32, #tpu.memory_space<vmem>> -> memref<16x128xf32, #tpu.memory_space<vmem>>
      %dma_start3A_247 = arith.constant 0 : i32
      %dma_start3A_248 = arith.constant 0 : i32
      %dma_start3A_249 = tpu.memref_slice %arg10[%dma_start3A_247, %dma_start3A_248] : memref<10240x128xf32, #tpu.memory_space<vmem_shared>> -> memref<10240x128xf32, #tpu.memory_space<vmem_shared>>
      tpu.enqueue_indirect_dma source(%dma_start3A_246 : memref<16x128xf32, #tpu.memory_space<vmem>>) target(%dma_start3A_249 : memref<10240x128xf32, #tpu.memory_space<vmem_shared>>) offsets(%select_n3A_243 : vector<16xi32>) semaphore(%arg12 : memref<!tpu.dma_semaphore, #tpu.memory_space<semaphore_mem>>) {add = true}
      %get3A_250 = arith.index_cast %scan3A_81 : i32 to index
      %get3A_251 = arith.constant 112 : index
      %get3A_252 = tpu.vector_load %arg8[%get3A_250, %get3A_251] {strides = array<i32>} : memref<80x128xi32, #tpu.memory_space<vmem>>, vector<1x16xi32>,
      %get3A_253 = vector.shape_cast %get3A_252 : vector<1x16xi32> to vector<16xi32>
      %and3A_254 = arith.constant 16383 : i32
      %and3A_255 = vector.broadcast %and3A_254 : i32 to vector<16xi32>
      %and3A_256 = arith.andi %get3A_253, %and3A_255 : vector<16xi32>
      %shift_right_arithmetic3A_257 = arith.constant 14 : i32
      %shift_right_arithmetic3A_258 = vector.broadcast %shift_right_arithmetic3A_257 : i32 to vector<16xi32>
      %shift_right_arithmetic3A_259 = arith.shrsi %get3A_253, %shift_right_arithmetic3A_258 : vector<16xi32>
      %and3A_260 = arith.constant 15 : i32
      %and3A_261 = vector.broadcast %and3A_260 : i32 to vector<16xi32>
      %and3A_262 = arith.andi %shift_right_arithmetic3A_259, %and3A_261 : vector<16xi32>
      %eq3A_263 = arith.constant 0 : i32
      %eq3A_264 = vector.broadcast %eq3A_263 : i32 to vector<16xi32>
      %eq3A_265 = arith.cmpi eq, %and3A_262, %eq3A_264 : vector<16xi32>
      %select_n3A_266 = arith.select %eq3A_265, %and3A_256, %add3A_60 : vector<16xi1>, vector<16xi32>
      %dma_start3A_267 = arith.constant 112 : i32
      %dma_start3A_268 = arith.constant 0 : i32
      %dma_start3A_269 = tpu.memref_slice %arg9[%dma_start3A_267, %dma_start3A_268] : memref<128x128xf32, #tpu.memory_space<vmem>> -> memref<16x128xf32, #tpu.memory_space<vmem>>
      %dma_start3A_270 = arith.constant 0 : i32
      %dma_start3A_271 = arith.constant 0 : i32
      %dma_start3A_272 = tpu.memref_slice %arg10[%dma_start3A_270, %dma_start3A_271] : memref<10240x128xf32, #tpu.memory_space<vmem_shared>> -> memref<10240x128xf32, #tpu.memory_space<vmem_shared>>
      tpu.enqueue_indirect_dma source(%dma_start3A_269 : memref<16x128xf32, #tpu.memory_space<vmem>>) target(%dma_start3A_272 : memref<10240x128xf32, #tpu.memory_space<vmem_shared>>) offsets(%select_n3A_266 : vector<16xi32>) semaphore(%arg12 : memref<!tpu.dma_semaphore, #tpu.memory_space<semaphore_mem>>) {add = true}
      %dma_wait3A_273 = arith.constant 0 : i32
      %dma_wait3A_274 = arith.constant 0 : i32
      %dma_wait3A_275 = tpu.memref_slice %arg9[%dma_wait3A_273, %dma_wait3A_274] : memref<128x128xf32, #tpu.memory_space<vmem>> -> memref<16x128xf32, #tpu.memory_space<vmem>>
      %dma_wait3A_276 = arith.constant 0 : i32
      %dma_wait3A_277 = arith.constant 0 : i32
      %dma_wait3A_278 = tpu.memref_slice %arg10[%dma_wait3A_276, %dma_wait3A_277] : memref<10240x128xf32, #tpu.memory_space<vmem_shared>> -> memref<10240x128xf32, #tpu.memory_space<vmem_shared>>
      tpu.wait_indirect_dma semaphore(%arg12 : memref<!tpu.dma_semaphore, #tpu.memory_space<semaphore_mem>>) src(%dma_wait3A_275 : memref<16x128xf32, #tpu.memory_space<vmem>>) dst(%dma_wait3A_278 : memref<10240x128xf32, #tpu.memory_space<vmem_shared>>)
      %dma_wait3A_279 = arith.constant 16 : i32
      %dma_wait3A_280 = arith.constant 0 : i32
      %dma_wait3A_281 = tpu.memref_slice %arg9[%dma_wait3A_279, %dma_wait3A_280] : memref<128x128xf32, #tpu.memory_space<vmem>> -> memref<16x128xf32, #tpu.memory_space<vmem>>
      %dma_wait3A_282 = arith.constant 0 : i32
      %dma_wait3A_283 = arith.constant 0 : i32
      %dma_wait3A_284 = tpu.memref_slice %arg10[%dma_wait3A_282, %dma_wait3A_283] : memref<10240x128xf32, #tpu.memory_space<vmem_shared>> -> memref<10240x128xf32, #tpu.memory_space<vmem_shared>>
      tpu.wait_indirect_dma semaphore(%arg12 : memref<!tpu.dma_semaphore, #tpu.memory_space<semaphore_mem>>) src(%dma_wait3A_281 : memref<16x128xf32, #tpu.memory_space<vmem>>) dst(%dma_wait3A_284 : memref<10240x128xf32, #tpu.memory_space<vmem_shared>>)
      %dma_wait3A_285 = arith.constant 32 : i32
      %dma_wait3A_286 = arith.constant 0 : i32
      %dma_wait3A_287 = tpu.memref_slice %arg9[%dma_wait3A_285, %dma_wait3A_286] : memref<128x128xf32, #tpu.memory_space<vmem>> -> memref<16x128xf32, #tpu.memory_space<vmem>>
      %dma_wait3A_288 = arith.constant 0 : i32
      %dma_wait3A_289 = arith.constant 0 : i32
      %dma_wait3A_290 = tpu.memref_slice %arg10[%dma_wait3A_288, %dma_wait3A_289] : memref<10240x128xf32, #tpu.memory_space<vmem_shared>> -> memref<10240x128xf32, #tpu.memory_space<vmem_shared>>
      tpu.wait_indirect_dma semaphore(%arg12 : memref<!tpu.dma_semaphore, #tpu.memory_space<semaphore_mem>>) src(%dma_wait3A_287 : memref<16x128xf32, #tpu.memory_space<vmem>>) dst(%dma_wait3A_290 : memref<10240x128xf32, #tpu.memory_space<vmem_shared>>)
      %dma_wait3A_291 = arith.constant 48 : i32
      %dma_wait3A_292 = arith.constant 0 : i32
      %dma_wait3A_293 = tpu.memref_slice %arg9[%dma_wait3A_291, %dma_wait3A_292] : memref<128x128xf32, #tpu.memory_space<vmem>> -> memref<16x128xf32, #tpu.memory_space<vmem>>
      %dma_wait3A_294 = arith.constant 0 : i32
      %dma_wait3A_295 = arith.constant 0 : i32
      %dma_wait3A_296 = tpu.memref_slice %arg10[%dma_wait3A_294, %dma_wait3A_295] : memref<10240x128xf32, #tpu.memory_space<vmem_shared>> -> memref<10240x128xf32, #tpu.memory_space<vmem_shared>>
      tpu.wait_indirect_dma semaphore(%arg12 : memref<!tpu.dma_semaphore, #tpu.memory_space<semaphore_mem>>) src(%dma_wait3A_293 : memref<16x128xf32, #tpu.memory_space<vmem>>) dst(%dma_wait3A_296 : memref<10240x128xf32, #tpu.memory_space<vmem_shared>>)
      %dma_wait3A_297 = arith.constant 64 : i32
      %dma_wait3A_298 = arith.constant 0 : i32
      %dma_wait3A_299 = tpu.memref_slice %arg9[%dma_wait3A_297, %dma_wait3A_298] : memref<128x128xf32, #tpu.memory_space<vmem>> -> memref<16x128xf32, #tpu.memory_space<vmem>>
      %dma_wait3A_300 = arith.constant 0 : i32
      %dma_wait3A_301 = arith.constant 0 : i32
      %dma_wait3A_302 = tpu.memref_slice %arg10[%dma_wait3A_300, %dma_wait3A_301] : memref<10240x128xf32, #tpu.memory_space<vmem_shared>> -> memref<10240x128xf32, #tpu.memory_space<vmem_shared>>
      tpu.wait_indirect_dma semaphore(%arg12 : memref<!tpu.dma_semaphore, #tpu.memory_space<semaphore_mem>>) src(%dma_wait3A_299 : memref<16x128xf32, #tpu.memory_space<vmem>>) dst(%dma_wait3A_302 : memref<10240x128xf32, #tpu.memory_space<vmem_shared>>)
      %dma_wait3A_303 = arith.constant 80 : i32
      %dma_wait3A_304 = arith.constant 0 : i32
      %dma_wait3A_305 = tpu.memref_slice %arg9[%dma_wait3A_303, %dma_wait3A_304] : memref<128x128xf32, #tpu.memory_space<vmem>> -> memref<16x128xf32, #tpu.memory_space<vmem>>
      %dma_wait3A_306 = arith.constant 0 : i32
      %dma_wait3A_307 = arith.constant 0 : i32
      %dma_wait3A_308 = tpu.memref_slice %arg10[%dma_wait3A_306, %dma_wait3A_307] : memref<10240x128xf32, #tpu.memory_space<vmem_shared>> -> memref<10240x128xf32, #tpu.memory_space<vmem_shared>>
      tpu.wait_indirect_dma semaphore(%arg12 : memref<!tpu.dma_semaphore, #tpu.memory_space<semaphore_mem>>) src(%dma_wait3A_305 : memref<16x128xf32, #tpu.memory_space<vmem>>) dst(%dma_wait3A_308 : memref<10240x128xf32, #tpu.memory_space<vmem_shared>>)
      %dma_wait3A_309 = arith.constant 96 : i32
      %dma_wait3A_310 = arith.constant 0 : i32
      %dma_wait3A_311 = tpu.memref_slice %arg9[%dma_wait3A_309, %dma_wait3A_310] : memref<128x128xf32, #tpu.memory_space<vmem>> -> memref<16x128xf32, #tpu.memory_space<vmem>>
      %dma_wait3A_312 = arith.constant 0 : i32
      %dma_wait3A_313 = arith.constant 0 : i32
      %dma_wait3A_314 = tpu.memref_slice %arg10[%dma_wait3A_312, %dma_wait3A_313] : memref<10240x128xf32, #tpu.memory_space<vmem_shared>> -> memref<10240x128xf32, #tpu.memory_space<vmem_shared>>
      tpu.wait_indirect_dma semaphore(%arg12 : memref<!tpu.dma_semaphore, #tpu.memory_space<semaphore_mem>>) src(%dma_wait3A_311 : memref<16x128xf32, #tpu.memory_space<vmem>>) dst(%dma_wait3A_314 : memref<10240x128xf32, #tpu.memory_space<vmem_shared>>)
      %dma_wait3A_315 = arith.constant 112 : i32
      %dma_wait3A_316 = arith.constant 0 : i32
      %dma_wait3A_317 = tpu.memref_slice %arg9[%dma_wait3A_315, %dma_wait3A_316] : memref<128x128xf32, #tpu.memory_space<vmem>> -> memref<16x128xf32, #tpu.memory_space<vmem>>
      %dma_wait3A_318 = arith.constant 0 : i32
      %dma_wait3A_319 = arith.constant 0 : i32
      %dma_wait3A_320 = tpu.memref_slice %arg10[%dma_wait3A_318, %dma_wait3A_319] : memref<10240x128xf32, #tpu.memory_space<vmem_shared>> -> memref<10240x128xf32, #tpu.memory_space<vmem_shared>>
      tpu.wait_indirect_dma semaphore(%arg12 : memref<!tpu.dma_semaphore, #tpu.memory_space<semaphore_mem>>) src(%dma_wait3A_317 : memref<16x128xf32, #tpu.memory_space<vmem>>) dst(%dma_wait3A_320 : memref<10240x128xf32, #tpu.memory_space<vmem_shared>>)
      %get3A_321 = arith.index_cast %scan3A_81 : i32 to index
      %get3A_322 = arith.constant 0 : index
      %get3A_323 = tpu.vector_load %arg8[%get3A_321, %get3A_322] {strides = array<i32>} : memref<80x128xi32, #tpu.memory_space<vmem>>, vector<1x16xi32>,
      %get3A_324 = vector.shape_cast %get3A_323 : vector<1x16xi32> to vector<16xi32>
      %and3A_325 = arith.constant 16383 : i32
      %and3A_326 = vector.broadcast %and3A_325 : i32 to vector<16xi32>
      %and3A_327 = arith.andi %get3A_324, %and3A_326 : vector<16xi32>
      %shift_right_arithmetic3A_328 = arith.constant 14 : i32
      %shift_right_arithmetic3A_329 = vector.broadcast %shift_right_arithmetic3A_328 : i32 to vector<16xi32>
      %shift_right_arithmetic3A_330 = arith.shrsi %get3A_324, %shift_right_arithmetic3A_329 : vector<16xi32>
      %and3A_331 = arith.constant 15 : i32
      %and3A_332 = vector.broadcast %and3A_331 : i32 to vector<16xi32>
      %and3A_333 = arith.andi %shift_right_arithmetic3A_330, %and3A_332 : vector<16xi32>
      %shift_right_arithmetic3A_334 = arith.constant 18 : i32
      %shift_right_arithmetic3A_335 = vector.broadcast %shift_right_arithmetic3A_334 : i32 to vector<16xi32>
      %shift_right_arithmetic3A_336 = arith.shrsi %get3A_324, %shift_right_arithmetic3A_335 : vector<16xi32>
      %and3A_337 = arith.constant 15 : i32
      %and3A_338 = vector.broadcast %and3A_337 : i32 to vector<16xi32>
      %and3A_339 = arith.andi %shift_right_arithmetic3A_336, %and3A_338 : vector<16xi32>
      %slice3A = vector.extract_strided_slice %and3A_339 {offsets = [0], sizes = [1], strides = [1]} : vector<16xi32> to vector<1xi32>
      %squeeze3A = vector.extract %slice3A[0] : i32 from vector<1xi32>
      %gt3A = arith.constant 0 : i32
      %gt3A_340 = arith.cmpi sgt, %squeeze3A, %gt3A : i32
      %convert_element_type3A = arith.extui %gt3A_340 : i1 to i32
      %cond3A = arith.constant 0 : i32
      %cond3A_341 = arith.cmpi ne, %convert_element_type3A, %cond3A : i32
      scf.if %cond3A_341 {
        %add3A_524 = arith.constant 1 : i32
        %add3A_525 = arith.addi %squeeze3A, %add3A_524 : i32
        %while3A = arith.constant 0 : i32
        %while3A_526 = arith.constant 1 : i32
        %while3A_527 = arith.subi %add3A_525, %while3A_526 : i32
        %while3A_528 = arith.addi %while3A_526, %while3A_527 : i32
        %while3A_529 = arith.constant 1 : i32
        %while3A_530 = arith.divsi %while3A_527, %while3A_529 : i32
        %while3A_531 = arith.muli %while3A_530, %while3A_529 : i32
        %while3A_532 = arith.addi %while3A_526, %while3A_531 : i32
        %while3A_533 = arith.constant 1 : i32
        scf.for %while3A_535 = %while3A_526 to %while3A_532 step %while3A_533  : i32 {
          %eq3A_536 = vector.broadcast %while3A_535 : i32 to vector<16xi32>
          %eq3A_537 = arith.cmpi eq, %and3A_333, %eq3A_536 : vector<16xi32>
          %select_n3A_538 = arith.select %eq3A_537, %and3A_327, %add3A_39 : vector<16xi1>, vector<16xi32>
          %dma_start3A_539 = arith.constant 0 : i32
          %dma_start3A_540 = arith.constant 0 : i32
          %dma_start3A_541 = tpu.memref_slice %arg9[%dma_start3A_539, %dma_start3A_540] : memref<128x128xf32, #tpu.memory_space<vmem>> -> memref<16x128xf32, #tpu.memory_space<vmem>>
          %dma_start3A_542 = arith.constant 0 : i32
          %dma_start3A_543 = arith.constant 0 : i32
          %dma_start3A_544 = tpu.memref_slice %arg10[%dma_start3A_542, %dma_start3A_543] : memref<10240x128xf32, #tpu.memory_space<vmem_shared>> -> memref<10240x128xf32, #tpu.memory_space<vmem_shared>>
          tpu.enqueue_indirect_dma source(%dma_start3A_541 : memref<16x128xf32, #tpu.memory_space<vmem>>) target(%dma_start3A_544 : memref<10240x128xf32, #tpu.memory_space<vmem_shared>>) offsets(%select_n3A_538 : vector<16xi32>) semaphore(%arg12 : memref<!tpu.dma_semaphore, #tpu.memory_space<semaphore_mem>>) {add = true}
          %dma_wait3A_545 = arith.constant 0 : i32
          %dma_wait3A_546 = arith.constant 0 : i32
          %dma_wait3A_547 = tpu.memref_slice %arg9[%dma_wait3A_545, %dma_wait3A_546] : memref<128x128xf32, #tpu.memory_space<vmem>> -> memref<16x128xf32, #tpu.memory_space<vmem>>
          %dma_wait3A_548 = arith.constant 0 : i32
          %dma_wait3A_549 = arith.constant 0 : i32
          %dma_wait3A_550 = tpu.memref_slice %arg10[%dma_wait3A_548, %dma_wait3A_549] : memref<10240x128xf32, #tpu.memory_space<vmem_shared>> -> memref<10240x128xf32, #tpu.memory_space<vmem_shared>>
          tpu.wait_indirect_dma semaphore(%arg12 : memref<!tpu.dma_semaphore, #tpu.memory_space<semaphore_mem>>) src(%dma_wait3A_547 : memref<16x128xf32, #tpu.memory_space<vmem>>) dst(%dma_wait3A_550 : memref<10240x128xf32, #tpu.memory_space<vmem_shared>>)
        }
        %while3A_534 = arith.constant 1 : i32
        scf.for %while3A_535 = %while3A_532 to %while3A_528 step %while3A_534  : i32 {
          %eq3A_536 = vector.broadcast %while3A_535 : i32 to vector<16xi32>
          %eq3A_537 = arith.cmpi eq, %and3A_333, %eq3A_536 : vector<16xi32>
          %select_n3A_538 = arith.select %eq3A_537, %and3A_327, %add3A_39 : vector<16xi1>, vector<16xi32>
          %dma_start3A_539 = arith.constant 0 : i32
          %dma_start3A_540 = arith.constant 0 : i32
          %dma_start3A_541 = tpu.memref_slice %arg9[%dma_start3A_539, %dma_start3A_540] : memref<128x128xf32, #tpu.memory_space<vmem>> -> memref<16x128xf32, #tpu.memory_space<vmem>>
          %dma_start3A_542 = arith.constant 0 : i32
          %dma_start3A_543 = arith.constant 0 : i32
          %dma_start3A_544 = tpu.memref_slice %arg10[%dma_start3A_542, %dma_start3A_543] : memref<10240x128xf32, #tpu.memory_space<vmem_shared>> -> memref<10240x128xf32, #tpu.memory_space<vmem_shared>>
          tpu.enqueue_indirect_dma source(%dma_start3A_541 : memref<16x128xf32, #tpu.memory_space<vmem>>) target(%dma_start3A_544 : memref<10240x128xf32, #tpu.memory_space<vmem_shared>>) offsets(%select_n3A_538 : vector<16xi32>) semaphore(%arg12 : memref<!tpu.dma_semaphore, #tpu.memory_space<semaphore_mem>>) {add = true}
          %dma_wait3A_545 = arith.constant 0 : i32
          %dma_wait3A_546 = arith.constant 0 : i32
          %dma_wait3A_547 = tpu.memref_slice %arg9[%dma_wait3A_545, %dma_wait3A_546] : memref<128x128xf32, #tpu.memory_space<vmem>> -> memref<16x128xf32, #tpu.memory_space<vmem>>
          %dma_wait3A_548 = arith.constant 0 : i32
          %dma_wait3A_549 = arith.constant 0 : i32
          %dma_wait3A_550 = tpu.memref_slice %arg10[%dma_wait3A_548, %dma_wait3A_549] : memref<10240x128xf32, #tpu.memory_space<vmem_shared>> -> memref<10240x128xf32, #tpu.memory_space<vmem_shared>>
          tpu.wait_indirect_dma semaphore(%arg12 : memref<!tpu.dma_semaphore, #tpu.memory_space<semaphore_mem>>) src(%dma_wait3A_547 : memref<16x128xf32, #tpu.memory_space<vmem>>) dst(%dma_wait3A_550 : memref<10240x128xf32, #tpu.memory_space<vmem_shared>>)
        }
      } else {
      }
      %get3A_342 = arith.index_cast %scan3A_81 : i32 to index
      %get3A_343 = arith.constant 16 : index
      %get3A_344 = tpu.vector_load %arg8[%get3A_342, %get3A_343] {strides = array<i32>} : memref<80x128xi32, #tpu.memory_space<vmem>>, vector<1x16xi32>,
      %get3A_345 = vector.shape_cast %get3A_344 : vector<1x16xi32> to vector<16xi32>
      %and3A_346 = arith.constant 16383 : i32
      %and3A_347 = vector.broadcast %and3A_346 : i32 to vector<16xi32>
      %and3A_348 = arith.andi %get3A_345, %and3A_347 : vector<16xi32>
      %shift_right_arithmetic3A_349 = arith.constant 14 : i32
      %shift_right_arithmetic3A_350 = vector.broadcast %shift_right_arithmetic3A_349 : i32 to vector<16xi32>
      %shift_right_arithmetic3A_351 = arith.shrsi %get3A_345, %shift_right_arithmetic3A_350 : vector<16xi32>
      %and3A_352 = arith.constant 15 : i32
      %and3A_353 = vector.broadcast %and3A_352 : i32 to vector<16xi32>
      %and3A_354 = arith.andi %shift_right_arithmetic3A_351, %and3A_353 : vector<16xi32>
      %shift_right_arithmetic3A_355 = arith.constant 18 : i32
      %shift_right_arithmetic3A_356 = vector.broadcast %shift_right_arithmetic3A_355 : i32 to vector<16xi32>
      %shift_right_arithmetic3A_357 = arith.shrsi %get3A_345, %shift_right_arithmetic3A_356 : vector<16xi32>
      %and3A_358 = arith.constant 15 : i32
      %and3A_359 = vector.broadcast %and3A_358 : i32 to vector<16xi32>
      %and3A_360 = arith.andi %shift_right_arithmetic3A_357, %and3A_359 : vector<16xi32>
      %slice3A_361 = vector.extract_strided_slice %and3A_360 {offsets = [0], sizes = [1], strides = [1]} : vector<16xi32> to vector<1xi32>
      %squeeze3A_362 = vector.extract %slice3A_361[0] : i32 from vector<1xi32>
      %gt3A_363 = arith.constant 0 : i32
      %gt3A_364 = arith.cmpi sgt, %squeeze3A_362, %gt3A_363 : i32
      %convert_element_type3A_365 = arith.extui %gt3A_364 : i1 to i32
      %cond3A_366 = arith.constant 0 : i32
      %cond3A_367 = arith.cmpi ne, %convert_element_type3A_365, %cond3A_366 : i32
      scf.if %cond3A_367 {
        %add3A_524 = arith.constant 1 : i32
        %add3A_525 = arith.addi %squeeze3A_362, %add3A_524 : i32
        %while3A = arith.constant 0 : i32
        %while3A_526 = arith.constant 1 : i32
        %while3A_527 = arith.subi %add3A_525, %while3A_526 : i32
        %while3A_528 = arith.addi %while3A_526, %while3A_527 : i32
        %while3A_529 = arith.constant 1 : i32
        %while3A_530 = arith.divsi %while3A_527, %while3A_529 : i32
        %while3A_531 = arith.muli %while3A_530, %while3A_529 : i32
        %while3A_532 = arith.addi %while3A_526, %while3A_531 : i32
        %while3A_533 = arith.constant 1 : i32
        scf.for %while3A_535 = %while3A_526 to %while3A_532 step %while3A_533  : i32 {
          %eq3A_536 = vector.broadcast %while3A_535 : i32 to vector<16xi32>
          %eq3A_537 = arith.cmpi eq, %and3A_354, %eq3A_536 : vector<16xi32>
          %select_n3A_538 = arith.select %eq3A_537, %and3A_348, %add3A_42 : vector<16xi1>, vector<16xi32>
          %dma_start3A_539 = arith.constant 16 : i32
          %dma_start3A_540 = arith.constant 0 : i32
          %dma_start3A_541 = tpu.memref_slice %arg9[%dma_start3A_539, %dma_start3A_540] : memref<128x128xf32, #tpu.memory_space<vmem>> -> memref<16x128xf32, #tpu.memory_space<vmem>>
          %dma_start3A_542 = arith.constant 0 : i32
          %dma_start3A_543 = arith.constant 0 : i32
          %dma_start3A_544 = tpu.memref_slice %arg10[%dma_start3A_542, %dma_start3A_543] : memref<10240x128xf32, #tpu.memory_space<vmem_shared>> -> memref<10240x128xf32, #tpu.memory_space<vmem_shared>>
          tpu.enqueue_indirect_dma source(%dma_start3A_541 : memref<16x128xf32, #tpu.memory_space<vmem>>) target(%dma_start3A_544 : memref<10240x128xf32, #tpu.memory_space<vmem_shared>>) offsets(%select_n3A_538 : vector<16xi32>) semaphore(%arg12 : memref<!tpu.dma_semaphore, #tpu.memory_space<semaphore_mem>>) {add = true}
          %dma_wait3A_545 = arith.constant 16 : i32
          %dma_wait3A_546 = arith.constant 0 : i32
          %dma_wait3A_547 = tpu.memref_slice %arg9[%dma_wait3A_545, %dma_wait3A_546] : memref<128x128xf32, #tpu.memory_space<vmem>> -> memref<16x128xf32, #tpu.memory_space<vmem>>
          %dma_wait3A_548 = arith.constant 0 : i32
          %dma_wait3A_549 = arith.constant 0 : i32
          %dma_wait3A_550 = tpu.memref_slice %arg10[%dma_wait3A_548, %dma_wait3A_549] : memref<10240x128xf32, #tpu.memory_space<vmem_shared>> -> memref<10240x128xf32, #tpu.memory_space<vmem_shared>>
          tpu.wait_indirect_dma semaphore(%arg12 : memref<!tpu.dma_semaphore, #tpu.memory_space<semaphore_mem>>) src(%dma_wait3A_547 : memref<16x128xf32, #tpu.memory_space<vmem>>) dst(%dma_wait3A_550 : memref<10240x128xf32, #tpu.memory_space<vmem_shared>>)
        }
        %while3A_534 = arith.constant 1 : i32
        scf.for %while3A_535 = %while3A_532 to %while3A_528 step %while3A_534  : i32 {
          %eq3A_536 = vector.broadcast %while3A_535 : i32 to vector<16xi32>
          %eq3A_537 = arith.cmpi eq, %and3A_354, %eq3A_536 : vector<16xi32>
          %select_n3A_538 = arith.select %eq3A_537, %and3A_348, %add3A_42 : vector<16xi1>, vector<16xi32>
          %dma_start3A_539 = arith.constant 16 : i32
          %dma_start3A_540 = arith.constant 0 : i32
          %dma_start3A_541 = tpu.memref_slice %arg9[%dma_start3A_539, %dma_start3A_540] : memref<128x128xf32, #tpu.memory_space<vmem>> -> memref<16x128xf32, #tpu.memory_space<vmem>>
          %dma_start3A_542 = arith.constant 0 : i32
          %dma_start3A_543 = arith.constant 0 : i32
          %dma_start3A_544 = tpu.memref_slice %arg10[%dma_start3A_542, %dma_start3A_543] : memref<10240x128xf32, #tpu.memory_space<vmem_shared>> -> memref<10240x128xf32, #tpu.memory_space<vmem_shared>>
          tpu.enqueue_indirect_dma source(%dma_start3A_541 : memref<16x128xf32, #tpu.memory_space<vmem>>) target(%dma_start3A_544 : memref<10240x128xf32, #tpu.memory_space<vmem_shared>>) offsets(%select_n3A_538 : vector<16xi32>) semaphore(%arg12 : memref<!tpu.dma_semaphore, #tpu.memory_space<semaphore_mem>>) {add = true}
          %dma_wait3A_545 = arith.constant 16 : i32
          %dma_wait3A_546 = arith.constant 0 : i32
          %dma_wait3A_547 = tpu.memref_slice %arg9[%dma_wait3A_545, %dma_wait3A_546] : memref<128x128xf32, #tpu.memory_space<vmem>> -> memref<16x128xf32, #tpu.memory_space<vmem>>
          %dma_wait3A_548 = arith.constant 0 : i32
          %dma_wait3A_549 = arith.constant 0 : i32
          %dma_wait3A_550 = tpu.memref_slice %arg10[%dma_wait3A_548, %dma_wait3A_549] : memref<10240x128xf32, #tpu.memory_space<vmem_shared>> -> memref<10240x128xf32, #tpu.memory_space<vmem_shared>>
          tpu.wait_indirect_dma semaphore(%arg12 : memref<!tpu.dma_semaphore, #tpu.memory_space<semaphore_mem>>) src(%dma_wait3A_547 : memref<16x128xf32, #tpu.memory_space<vmem>>) dst(%dma_wait3A_550 : memref<10240x128xf32, #tpu.memory_space<vmem_shared>>)
        }
      } else {
      }
      %get3A_368 = arith.index_cast %scan3A_81 : i32 to index
      %get3A_369 = arith.constant 32 : index
      %get3A_370 = tpu.vector_load %arg8[%get3A_368, %get3A_369] {strides = array<i32>} : memref<80x128xi32, #tpu.memory_space<vmem>>, vector<1x16xi32>,
      %get3A_371 = vector.shape_cast %get3A_370 : vector<1x16xi32> to vector<16xi32>
      %and3A_372 = arith.constant 16383 : i32
      %and3A_373 = vector.broadcast %and3A_372 : i32 to vector<16xi32>
      %and3A_374 = arith.andi %get3A_371, %and3A_373 : vector<16xi32>
      %shift_right_arithmetic3A_375 = arith.constant 14 : i32
      %shift_right_arithmetic3A_376 = vector.broadcast %shift_right_arithmetic3A_375 : i32 to vector<16xi32>
      %shift_right_arithmetic3A_377 = arith.shrsi %get3A_371, %shift_right_arithmetic3A_376 : vector<16xi32>
      %and3A_378 = arith.constant 15 : i32
      %and3A_379 = vector.broadcast %and3A_378 : i32 to vector<16xi32>
      %and3A_380 = arith.andi %shift_right_arithmetic3A_377, %and3A_379 : vector<16xi32>
      %shift_right_arithmetic3A_381 = arith.constant 18 : i32
      %shift_right_arithmetic3A_382 = vector.broadcast %shift_right_arithmetic3A_381 : i32 to vector<16xi32>
      %shift_right_arithmetic3A_383 = arith.shrsi %get3A_371, %shift_right_arithmetic3A_382 : vector<16xi32>
      %and3A_384 = arith.constant 15 : i32
      %and3A_385 = vector.broadcast %and3A_384 : i32 to vector<16xi32>
      %and3A_386 = arith.andi %shift_right_arithmetic3A_383, %and3A_385 : vector<16xi32>
      %slice3A_387 = vector.extract_strided_slice %and3A_386 {offsets = [0], sizes = [1], strides = [1]} : vector<16xi32> to vector<1xi32>
      %squeeze3A_388 = vector.extract %slice3A_387[0] : i32 from vector<1xi32>
      %gt3A_389 = arith.constant 0 : i32
      %gt3A_390 = arith.cmpi sgt, %squeeze3A_388, %gt3A_389 : i32
      %convert_element_type3A_391 = arith.extui %gt3A_390 : i1 to i32
      %cond3A_392 = arith.constant 0 : i32
      %cond3A_393 = arith.cmpi ne, %convert_element_type3A_391, %cond3A_392 : i32
      scf.if %cond3A_393 {
        %add3A_524 = arith.constant 1 : i32
        %add3A_525 = arith.addi %squeeze3A_388, %add3A_524 : i32
        %while3A = arith.constant 0 : i32
        %while3A_526 = arith.constant 1 : i32
        %while3A_527 = arith.subi %add3A_525, %while3A_526 : i32
        %while3A_528 = arith.addi %while3A_526, %while3A_527 : i32
        %while3A_529 = arith.constant 1 : i32
        %while3A_530 = arith.divsi %while3A_527, %while3A_529 : i32
        %while3A_531 = arith.muli %while3A_530, %while3A_529 : i32
        %while3A_532 = arith.addi %while3A_526, %while3A_531 : i32
        %while3A_533 = arith.constant 1 : i32
        scf.for %while3A_535 = %while3A_526 to %while3A_532 step %while3A_533  : i32 {
          %eq3A_536 = vector.broadcast %while3A_535 : i32 to vector<16xi32>
          %eq3A_537 = arith.cmpi eq, %and3A_380, %eq3A_536 : vector<16xi32>
          %select_n3A_538 = arith.select %eq3A_537, %and3A_374, %add3A_45 : vector<16xi1>, vector<16xi32>
          %dma_start3A_539 = arith.constant 32 : i32
          %dma_start3A_540 = arith.constant 0 : i32
          %dma_start3A_541 = tpu.memref_slice %arg9[%dma_start3A_539, %dma_start3A_540] : memref<128x128xf32, #tpu.memory_space<vmem>> -> memref<16x128xf32, #tpu.memory_space<vmem>>
          %dma_start3A_542 = arith.constant 0 : i32
          %dma_start3A_543 = arith.constant 0 : i32
          %dma_start3A_544 = tpu.memref_slice %arg10[%dma_start3A_542, %dma_start3A_543] : memref<10240x128xf32, #tpu.memory_space<vmem_shared>> -> memref<10240x128xf32, #tpu.memory_space<vmem_shared>>
          tpu.enqueue_indirect_dma source(%dma_start3A_541 : memref<16x128xf32, #tpu.memory_space<vmem>>) target(%dma_start3A_544 : memref<10240x128xf32, #tpu.memory_space<vmem_shared>>) offsets(%select_n3A_538 : vector<16xi32>) semaphore(%arg12 : memref<!tpu.dma_semaphore, #tpu.memory_space<semaphore_mem>>) {add = true}
          %dma_wait3A_545 = arith.constant 32 : i32
          %dma_wait3A_546 = arith.constant 0 : i32
          %dma_wait3A_547 = tpu.memref_slice %arg9[%dma_wait3A_545, %dma_wait3A_546] : memref<128x128xf32, #tpu.memory_space<vmem>> -> memref<16x128xf32, #tpu.memory_space<vmem>>
          %dma_wait3A_548 = arith.constant 0 : i32
          %dma_wait3A_549 = arith.constant 0 : i32
          %dma_wait3A_550 = tpu.memref_slice %arg10[%dma_wait3A_548, %dma_wait3A_549] : memref<10240x128xf32, #tpu.memory_space<vmem_shared>> -> memref<10240x128xf32, #tpu.memory_space<vmem_shared>>
          tpu.wait_indirect_dma semaphore(%arg12 : memref<!tpu.dma_semaphore, #tpu.memory_space<semaphore_mem>>) src(%dma_wait3A_547 : memref<16x128xf32, #tpu.memory_space<vmem>>) dst(%dma_wait3A_550 : memref<10240x128xf32, #tpu.memory_space<vmem_shared>>)
        }
        %while3A_534 = arith.constant 1 : i32
        scf.for %while3A_535 = %while3A_532 to %while3A_528 step %while3A_534  : i32 {
          %eq3A_536 = vector.broadcast %while3A_535 : i32 to vector<16xi32>
          %eq3A_537 = arith.cmpi eq, %and3A_380, %eq3A_536 : vector<16xi32>
          %select_n3A_538 = arith.select %eq3A_537, %and3A_374, %add3A_45 : vector<16xi1>, vector<16xi32>
          %dma_start3A_539 = arith.constant 32 : i32
          %dma_start3A_540 = arith.constant 0 : i32
          %dma_start3A_541 = tpu.memref_slice %arg9[%dma_start3A_539, %dma_start3A_540] : memref<128x128xf32, #tpu.memory_space<vmem>> -> memref<16x128xf32, #tpu.memory_space<vmem>>
          %dma_start3A_542 = arith.constant 0 : i32
          %dma_start3A_543 = arith.constant 0 : i32
          %dma_start3A_544 = tpu.memref_slice %arg10[%dma_start3A_542, %dma_start3A_543] : memref<10240x128xf32, #tpu.memory_space<vmem_shared>> -> memref<10240x128xf32, #tpu.memory_space<vmem_shared>>
          tpu.enqueue_indirect_dma source(%dma_start3A_541 : memref<16x128xf32, #tpu.memory_space<vmem>>) target(%dma_start3A_544 : memref<10240x128xf32, #tpu.memory_space<vmem_shared>>) offsets(%select_n3A_538 : vector<16xi32>) semaphore(%arg12 : memref<!tpu.dma_semaphore, #tpu.memory_space<semaphore_mem>>) {add = true}
          %dma_wait3A_545 = arith.constant 32 : i32
          %dma_wait3A_546 = arith.constant 0 : i32
          %dma_wait3A_547 = tpu.memref_slice %arg9[%dma_wait3A_545, %dma_wait3A_546] : memref<128x128xf32, #tpu.memory_space<vmem>> -> memref<16x128xf32, #tpu.memory_space<vmem>>
          %dma_wait3A_548 = arith.constant 0 : i32
          %dma_wait3A_549 = arith.constant 0 : i32
          %dma_wait3A_550 = tpu.memref_slice %arg10[%dma_wait3A_548, %dma_wait3A_549] : memref<10240x128xf32, #tpu.memory_space<vmem_shared>> -> memref<10240x128xf32, #tpu.memory_space<vmem_shared>>
          tpu.wait_indirect_dma semaphore(%arg12 : memref<!tpu.dma_semaphore, #tpu.memory_space<semaphore_mem>>) src(%dma_wait3A_547 : memref<16x128xf32, #tpu.memory_space<vmem>>) dst(%dma_wait3A_550 : memref<10240x128xf32, #tpu.memory_space<vmem_shared>>)
        }
      } else {
      }
      %get3A_394 = arith.index_cast %scan3A_81 : i32 to index
      %get3A_395 = arith.constant 48 : index
      %get3A_396 = tpu.vector_load %arg8[%get3A_394, %get3A_395] {strides = array<i32>} : memref<80x128xi32, #tpu.memory_space<vmem>>, vector<1x16xi32>,
      %get3A_397 = vector.shape_cast %get3A_396 : vector<1x16xi32> to vector<16xi32>
      %and3A_398 = arith.constant 16383 : i32
      %and3A_399 = vector.broadcast %and3A_398 : i32 to vector<16xi32>
      %and3A_400 = arith.andi %get3A_397, %and3A_399 : vector<16xi32>
      %shift_right_arithmetic3A_401 = arith.constant 14 : i32
      %shift_right_arithmetic3A_402 = vector.broadcast %shift_right_arithmetic3A_401 : i32 to vector<16xi32>
      %shift_right_arithmetic3A_403 = arith.shrsi %get3A_397, %shift_right_arithmetic3A_402 : vector<16xi32>
      %and3A_404 = arith.constant 15 : i32
      %and3A_405 = vector.broadcast %and3A_404 : i32 to vector<16xi32>
      %and3A_406 = arith.andi %shift_right_arithmetic3A_403, %and3A_405 : vector<16xi32>
      %shift_right_arithmetic3A_407 = arith.constant 18 : i32
      %shift_right_arithmetic3A_408 = vector.broadcast %shift_right_arithmetic3A_407 : i32 to vector<16xi32>
      %shift_right_arithmetic3A_409 = arith.shrsi %get3A_397, %shift_right_arithmetic3A_408 : vector<16xi32>
      %and3A_410 = arith.constant 15 : i32
      %and3A_411 = vector.broadcast %and3A_410 : i32 to vector<16xi32>
      %and3A_412 = arith.andi %shift_right_arithmetic3A_409, %and3A_411 : vector<16xi32>
      %slice3A_413 = vector.extract_strided_slice %and3A_412 {offsets = [0], sizes = [1], strides = [1]} : vector<16xi32> to vector<1xi32>
      %squeeze3A_414 = vector.extract %slice3A_413[0] : i32 from vector<1xi32>
      %gt3A_415 = arith.constant 0 : i32
      %gt3A_416 = arith.cmpi sgt, %squeeze3A_414, %gt3A_415 : i32
      %convert_element_type3A_417 = arith.extui %gt3A_416 : i1 to i32
      %cond3A_418 = arith.constant 0 : i32
      %cond3A_419 = arith.cmpi ne, %convert_element_type3A_417, %cond3A_418 : i32
      scf.if %cond3A_419 {
        %add3A_524 = arith.constant 1 : i32
        %add3A_525 = arith.addi %squeeze3A_414, %add3A_524 : i32
        %while3A = arith.constant 0 : i32
        %while3A_526 = arith.constant 1 : i32
        %while3A_527 = arith.subi %add3A_525, %while3A_526 : i32
        %while3A_528 = arith.addi %while3A_526, %while3A_527 : i32
        %while3A_529 = arith.constant 1 : i32
        %while3A_530 = arith.divsi %while3A_527, %while3A_529 : i32
        %while3A_531 = arith.muli %while3A_530, %while3A_529 : i32
        %while3A_532 = arith.addi %while3A_526, %while3A_531 : i32
        %while3A_533 = arith.constant 1 : i32
        scf.for %while3A_535 = %while3A_526 to %while3A_532 step %while3A_533  : i32 {
          %eq3A_536 = vector.broadcast %while3A_535 : i32 to vector<16xi32>
          %eq3A_537 = arith.cmpi eq, %and3A_406, %eq3A_536 : vector<16xi32>
          %select_n3A_538 = arith.select %eq3A_537, %and3A_400, %add3A_48 : vector<16xi1>, vector<16xi32>
          %dma_start3A_539 = arith.constant 48 : i32
          %dma_start3A_540 = arith.constant 0 : i32
          %dma_start3A_541 = tpu.memref_slice %arg9[%dma_start3A_539, %dma_start3A_540] : memref<128x128xf32, #tpu.memory_space<vmem>> -> memref<16x128xf32, #tpu.memory_space<vmem>>
          %dma_start3A_542 = arith.constant 0 : i32
          %dma_start3A_543 = arith.constant 0 : i32
          %dma_start3A_544 = tpu.memref_slice %arg10[%dma_start3A_542, %dma_start3A_543] : memref<10240x128xf32, #tpu.memory_space<vmem_shared>> -> memref<10240x128xf32, #tpu.memory_space<vmem_shared>>
          tpu.enqueue_indirect_dma source(%dma_start3A_541 : memref<16x128xf32, #tpu.memory_space<vmem>>) target(%dma_start3A_544 : memref<10240x128xf32, #tpu.memory_space<vmem_shared>>) offsets(%select_n3A_538 : vector<16xi32>) semaphore(%arg12 : memref<!tpu.dma_semaphore, #tpu.memory_space<semaphore_mem>>) {add = true}
          %dma_wait3A_545 = arith.constant 48 : i32
          %dma_wait3A_546 = arith.constant 0 : i32
          %dma_wait3A_547 = tpu.memref_slice %arg9[%dma_wait3A_545, %dma_wait3A_546] : memref<128x128xf32, #tpu.memory_space<vmem>> -> memref<16x128xf32, #tpu.memory_space<vmem>>
          %dma_wait3A_548 = arith.constant 0 : i32
          %dma_wait3A_549 = arith.constant 0 : i32
          %dma_wait3A_550 = tpu.memref_slice %arg10[%dma_wait3A_548, %dma_wait3A_549] : memref<10240x128xf32, #tpu.memory_space<vmem_shared>> -> memref<10240x128xf32, #tpu.memory_space<vmem_shared>>
          tpu.wait_indirect_dma semaphore(%arg12 : memref<!tpu.dma_semaphore, #tpu.memory_space<semaphore_mem>>) src(%dma_wait3A_547 : memref<16x128xf32, #tpu.memory_space<vmem>>) dst(%dma_wait3A_550 : memref<10240x128xf32, #tpu.memory_space<vmem_shared>>)
        }
        %while3A_534 = arith.constant 1 : i32
        scf.for %while3A_535 = %while3A_532 to %while3A_528 step %while3A_534  : i32 {
          %eq3A_536 = vector.broadcast %while3A_535 : i32 to vector<16xi32>
          %eq3A_537 = arith.cmpi eq, %and3A_406, %eq3A_536 : vector<16xi32>
          %select_n3A_538 = arith.select %eq3A_537, %and3A_400, %add3A_48 : vector<16xi1>, vector<16xi32>
          %dma_start3A_539 = arith.constant 48 : i32
          %dma_start3A_540 = arith.constant 0 : i32
          %dma_start3A_541 = tpu.memref_slice %arg9[%dma_start3A_539, %dma_start3A_540] : memref<128x128xf32, #tpu.memory_space<vmem>> -> memref<16x128xf32, #tpu.memory_space<vmem>>
          %dma_start3A_542 = arith.constant 0 : i32
          %dma_start3A_543 = arith.constant 0 : i32
          %dma_start3A_544 = tpu.memref_slice %arg10[%dma_start3A_542, %dma_start3A_543] : memref<10240x128xf32, #tpu.memory_space<vmem_shared>> -> memref<10240x128xf32, #tpu.memory_space<vmem_shared>>
          tpu.enqueue_indirect_dma source(%dma_start3A_541 : memref<16x128xf32, #tpu.memory_space<vmem>>) target(%dma_start3A_544 : memref<10240x128xf32, #tpu.memory_space<vmem_shared>>) offsets(%select_n3A_538 : vector<16xi32>) semaphore(%arg12 : memref<!tpu.dma_semaphore, #tpu.memory_space<semaphore_mem>>) {add = true}
          %dma_wait3A_545 = arith.constant 48 : i32
          %dma_wait3A_546 = arith.constant 0 : i32
          %dma_wait3A_547 = tpu.memref_slice %arg9[%dma_wait3A_545, %dma_wait3A_546] : memref<128x128xf32, #tpu.memory_space<vmem>> -> memref<16x128xf32, #tpu.memory_space<vmem>>
          %dma_wait3A_548 = arith.constant 0 : i32
          %dma_wait3A_549 = arith.constant 0 : i32
          %dma_wait3A_550 = tpu.memref_slice %arg10[%dma_wait3A_548, %dma_wait3A_549] : memref<10240x128xf32, #tpu.memory_space<vmem_shared>> -> memref<10240x128xf32, #tpu.memory_space<vmem_shared>>
          tpu.wait_indirect_dma semaphore(%arg12 : memref<!tpu.dma_semaphore, #tpu.memory_space<semaphore_mem>>) src(%dma_wait3A_547 : memref<16x128xf32, #tpu.memory_space<vmem>>) dst(%dma_wait3A_550 : memref<10240x128xf32, #tpu.memory_space<vmem_shared>>)
        }
      } else {
      }
      %get3A_420 = arith.index_cast %scan3A_81 : i32 to index
      %get3A_421 = arith.constant 64 : index
      %get3A_422 = tpu.vector_load %arg8[%get3A_420, %get3A_421] {strides = array<i32>} : memref<80x128xi32, #tpu.memory_space<vmem>>, vector<1x16xi32>,
      %get3A_423 = vector.shape_cast %get3A_422 : vector<1x16xi32> to vector<16xi32>
      %and3A_424 = arith.constant 16383 : i32
      %and3A_425 = vector.broadcast %and3A_424 : i32 to vector<16xi32>
      %and3A_426 = arith.andi %get3A_423, %and3A_425 : vector<16xi32>
      %shift_right_arithmetic3A_427 = arith.constant 14 : i32
      %shift_right_arithmetic3A_428 = vector.broadcast %shift_right_arithmetic3A_427 : i32 to vector<16xi32>
      %shift_right_arithmetic3A_429 = arith.shrsi %get3A_423, %shift_right_arithmetic3A_428 : vector<16xi32>
      %and3A_430 = arith.constant 15 : i32
      %and3A_431 = vector.broadcast %and3A_430 : i32 to vector<16xi32>
      %and3A_432 = arith.andi %shift_right_arithmetic3A_429, %and3A_431 : vector<16xi32>
      %shift_right_arithmetic3A_433 = arith.constant 18 : i32
      %shift_right_arithmetic3A_434 = vector.broadcast %shift_right_arithmetic3A_433 : i32 to vector<16xi32>
      %shift_right_arithmetic3A_435 = arith.shrsi %get3A_423, %shift_right_arithmetic3A_434 : vector<16xi32>
      %and3A_436 = arith.constant 15 : i32
      %and3A_437 = vector.broadcast %and3A_436 : i32 to vector<16xi32>
      %and3A_438 = arith.andi %shift_right_arithmetic3A_435, %and3A_437 : vector<16xi32>
      %slice3A_439 = vector.extract_strided_slice %and3A_438 {offsets = [0], sizes = [1], strides = [1]} : vector<16xi32> to vector<1xi32>
      %squeeze3A_440 = vector.extract %slice3A_439[0] : i32 from vector<1xi32>
      %gt3A_441 = arith.constant 0 : i32
      %gt3A_442 = arith.cmpi sgt, %squeeze3A_440, %gt3A_441 : i32
      %convert_element_type3A_443 = arith.extui %gt3A_442 : i1 to i32
      %cond3A_444 = arith.constant 0 : i32
      %cond3A_445 = arith.cmpi ne, %convert_element_type3A_443, %cond3A_444 : i32
      scf.if %cond3A_445 {
        %add3A_524 = arith.constant 1 : i32
        %add3A_525 = arith.addi %squeeze3A_440, %add3A_524 : i32
        %while3A = arith.constant 0 : i32
        %while3A_526 = arith.constant 1 : i32
        %while3A_527 = arith.subi %add3A_525, %while3A_526 : i32
        %while3A_528 = arith.addi %while3A_526, %while3A_527 : i32
        %while3A_529 = arith.constant 1 : i32
        %while3A_530 = arith.divsi %while3A_527, %while3A_529 : i32
        %while3A_531 = arith.muli %while3A_530, %while3A_529 : i32
        %while3A_532 = arith.addi %while3A_526, %while3A_531 : i32
        %while3A_533 = arith.constant 1 : i32
        scf.for %while3A_535 = %while3A_526 to %while3A_532 step %while3A_533  : i32 {
          %eq3A_536 = vector.broadcast %while3A_535 : i32 to vector<16xi32>
          %eq3A_537 = arith.cmpi eq, %and3A_432, %eq3A_536 : vector<16xi32>
          %select_n3A_538 = arith.select %eq3A_537, %and3A_426, %add3A_51 : vector<16xi1>, vector<16xi32>
          %dma_start3A_539 = arith.constant 64 : i32
          %dma_start3A_540 = arith.constant 0 : i32
          %dma_start3A_541 = tpu.memref_slice %arg9[%dma_start3A_539, %dma_start3A_540] : memref<128x128xf32, #tpu.memory_space<vmem>> -> memref<16x128xf32, #tpu.memory_space<vmem>>
          %dma_start3A_542 = arith.constant 0 : i32
          %dma_start3A_543 = arith.constant 0 : i32
          %dma_start3A_544 = tpu.memref_slice %arg10[%dma_start3A_542, %dma_start3A_543] : memref<10240x128xf32, #tpu.memory_space<vmem_shared>> -> memref<10240x128xf32, #tpu.memory_space<vmem_shared>>
          tpu.enqueue_indirect_dma source(%dma_start3A_541 : memref<16x128xf32, #tpu.memory_space<vmem>>) target(%dma_start3A_544 : memref<10240x128xf32, #tpu.memory_space<vmem_shared>>) offsets(%select_n3A_538 : vector<16xi32>) semaphore(%arg12 : memref<!tpu.dma_semaphore, #tpu.memory_space<semaphore_mem>>) {add = true}
          %dma_wait3A_545 = arith.constant 64 : i32
          %dma_wait3A_546 = arith.constant 0 : i32
          %dma_wait3A_547 = tpu.memref_slice %arg9[%dma_wait3A_545, %dma_wait3A_546] : memref<128x128xf32, #tpu.memory_space<vmem>> -> memref<16x128xf32, #tpu.memory_space<vmem>>
          %dma_wait3A_548 = arith.constant 0 : i32
          %dma_wait3A_549 = arith.constant 0 : i32
          %dma_wait3A_550 = tpu.memref_slice %arg10[%dma_wait3A_548, %dma_wait3A_549] : memref<10240x128xf32, #tpu.memory_space<vmem_shared>> -> memref<10240x128xf32, #tpu.memory_space<vmem_shared>>
          tpu.wait_indirect_dma semaphore(%arg12 : memref<!tpu.dma_semaphore, #tpu.memory_space<semaphore_mem>>) src(%dma_wait3A_547 : memref<16x128xf32, #tpu.memory_space<vmem>>) dst(%dma_wait3A_550 : memref<10240x128xf32, #tpu.memory_space<vmem_shared>>)
        }
        %while3A_534 = arith.constant 1 : i32
        scf.for %while3A_535 = %while3A_532 to %while3A_528 step %while3A_534  : i32 {
          %eq3A_536 = vector.broadcast %while3A_535 : i32 to vector<16xi32>
          %eq3A_537 = arith.cmpi eq, %and3A_432, %eq3A_536 : vector<16xi32>
          %select_n3A_538 = arith.select %eq3A_537, %and3A_426, %add3A_51 : vector<16xi1>, vector<16xi32>
          %dma_start3A_539 = arith.constant 64 : i32
          %dma_start3A_540 = arith.constant 0 : i32
          %dma_start3A_541 = tpu.memref_slice %arg9[%dma_start3A_539, %dma_start3A_540] : memref<128x128xf32, #tpu.memory_space<vmem>> -> memref<16x128xf32, #tpu.memory_space<vmem>>
          %dma_start3A_542 = arith.constant 0 : i32
          %dma_start3A_543 = arith.constant 0 : i32
          %dma_start3A_544 = tpu.memref_slice %arg10[%dma_start3A_542, %dma_start3A_543] : memref<10240x128xf32, #tpu.memory_space<vmem_shared>> -> memref<10240x128xf32, #tpu.memory_space<vmem_shared>>
          tpu.enqueue_indirect_dma source(%dma_start3A_541 : memref<16x128xf32, #tpu.memory_space<vmem>>) target(%dma_start3A_544 : memref<10240x128xf32, #tpu.memory_space<vmem_shared>>) offsets(%select_n3A_538 : vector<16xi32>) semaphore(%arg12 : memref<!tpu.dma_semaphore, #tpu.memory_space<semaphore_mem>>) {add = true}
          %dma_wait3A_545 = arith.constant 64 : i32
          %dma_wait3A_546 = arith.constant 0 : i32
          %dma_wait3A_547 = tpu.memref_slice %arg9[%dma_wait3A_545, %dma_wait3A_546] : memref<128x128xf32, #tpu.memory_space<vmem>> -> memref<16x128xf32, #tpu.memory_space<vmem>>
          %dma_wait3A_548 = arith.constant 0 : i32
          %dma_wait3A_549 = arith.constant 0 : i32
          %dma_wait3A_550 = tpu.memref_slice %arg10[%dma_wait3A_548, %dma_wait3A_549] : memref<10240x128xf32, #tpu.memory_space<vmem_shared>> -> memref<10240x128xf32, #tpu.memory_space<vmem_shared>>
          tpu.wait_indirect_dma semaphore(%arg12 : memref<!tpu.dma_semaphore, #tpu.memory_space<semaphore_mem>>) src(%dma_wait3A_547 : memref<16x128xf32, #tpu.memory_space<vmem>>) dst(%dma_wait3A_550 : memref<10240x128xf32, #tpu.memory_space<vmem_shared>>)
        }
      } else {
      }
      %get3A_446 = arith.index_cast %scan3A_81 : i32 to index
      %get3A_447 = arith.constant 80 : index
      %get3A_448 = tpu.vector_load %arg8[%get3A_446, %get3A_447] {strides = array<i32>} : memref<80x128xi32, #tpu.memory_space<vmem>>, vector<1x16xi32>,
      %get3A_449 = vector.shape_cast %get3A_448 : vector<1x16xi32> to vector<16xi32>
      %and3A_450 = arith.constant 16383 : i32
      %and3A_451 = vector.broadcast %and3A_450 : i32 to vector<16xi32>
      %and3A_452 = arith.andi %get3A_449, %and3A_451 : vector<16xi32>
      %shift_right_arithmetic3A_453 = arith.constant 14 : i32
      %shift_right_arithmetic3A_454 = vector.broadcast %shift_right_arithmetic3A_453 : i32 to vector<16xi32>
      %shift_right_arithmetic3A_455 = arith.shrsi %get3A_449, %shift_right_arithmetic3A_454 : vector<16xi32>
      %and3A_456 = arith.constant 15 : i32
      %and3A_457 = vector.broadcast %and3A_456 : i32 to vector<16xi32>
      %and3A_458 = arith.andi %shift_right_arithmetic3A_455, %and3A_457 : vector<16xi32>
      %shift_right_arithmetic3A_459 = arith.constant 18 : i32
      %shift_right_arithmetic3A_460 = vector.broadcast %shift_right_arithmetic3A_459 : i32 to vector<16xi32>
      %shift_right_arithmetic3A_461 = arith.shrsi %get3A_449, %shift_right_arithmetic3A_460 : vector<16xi32>
      %and3A_462 = arith.constant 15 : i32
      %and3A_463 = vector.broadcast %and3A_462 : i32 to vector<16xi32>
      %and3A_464 = arith.andi %shift_right_arithmetic3A_461, %and3A_463 : vector<16xi32>
      %slice3A_465 = vector.extract_strided_slice %and3A_464 {offsets = [0], sizes = [1], strides = [1]} : vector<16xi32> to vector<1xi32>
      %squeeze3A_466 = vector.extract %slice3A_465[0] : i32 from vector<1xi32>
      %gt3A_467 = arith.constant 0 : i32
      %gt3A_468 = arith.cmpi sgt, %squeeze3A_466, %gt3A_467 : i32
      %convert_element_type3A_469 = arith.extui %gt3A_468 : i1 to i32
      %cond3A_470 = arith.constant 0 : i32
      %cond3A_471 = arith.cmpi ne, %convert_element_type3A_469, %cond3A_470 : i32
      scf.if %cond3A_471 {
        %add3A_524 = arith.constant 1 : i32
        %add3A_525 = arith.addi %squeeze3A_466, %add3A_524 : i32
        %while3A = arith.constant 0 : i32
        %while3A_526 = arith.constant 1 : i32
        %while3A_527 = arith.subi %add3A_525, %while3A_526 : i32
        %while3A_528 = arith.addi %while3A_526, %while3A_527 : i32
        %while3A_529 = arith.constant 1 : i32
        %while3A_530 = arith.divsi %while3A_527, %while3A_529 : i32
        %while3A_531 = arith.muli %while3A_530, %while3A_529 : i32
        %while3A_532 = arith.addi %while3A_526, %while3A_531 : i32
        %while3A_533 = arith.constant 1 : i32
        scf.for %while3A_535 = %while3A_526 to %while3A_532 step %while3A_533  : i32 {
          %eq3A_536 = vector.broadcast %while3A_535 : i32 to vector<16xi32>
          %eq3A_537 = arith.cmpi eq, %and3A_458, %eq3A_536 : vector<16xi32>
          %select_n3A_538 = arith.select %eq3A_537, %and3A_452, %add3A_54 : vector<16xi1>, vector<16xi32>
          %dma_start3A_539 = arith.constant 80 : i32
          %dma_start3A_540 = arith.constant 0 : i32
          %dma_start3A_541 = tpu.memref_slice %arg9[%dma_start3A_539, %dma_start3A_540] : memref<128x128xf32, #tpu.memory_space<vmem>> -> memref<16x128xf32, #tpu.memory_space<vmem>>
          %dma_start3A_542 = arith.constant 0 : i32
          %dma_start3A_543 = arith.constant 0 : i32
          %dma_start3A_544 = tpu.memref_slice %arg10[%dma_start3A_542, %dma_start3A_543] : memref<10240x128xf32, #tpu.memory_space<vmem_shared>> -> memref<10240x128xf32, #tpu.memory_space<vmem_shared>>
          tpu.enqueue_indirect_dma source(%dma_start3A_541 : memref<16x128xf32, #tpu.memory_space<vmem>>) target(%dma_start3A_544 : memref<10240x128xf32, #tpu.memory_space<vmem_shared>>) offsets(%select_n3A_538 : vector<16xi32>) semaphore(%arg12 : memref<!tpu.dma_semaphore, #tpu.memory_space<semaphore_mem>>) {add = true}
          %dma_wait3A_545 = arith.constant 80 : i32
          %dma_wait3A_546 = arith.constant 0 : i32
          %dma_wait3A_547 = tpu.memref_slice %arg9[%dma_wait3A_545, %dma_wait3A_546] : memref<128x128xf32, #tpu.memory_space<vmem>> -> memref<16x128xf32, #tpu.memory_space<vmem>>
          %dma_wait3A_548 = arith.constant 0 : i32
          %dma_wait3A_549 = arith.constant 0 : i32
          %dma_wait3A_550 = tpu.memref_slice %arg10[%dma_wait3A_548, %dma_wait3A_549] : memref<10240x128xf32, #tpu.memory_space<vmem_shared>> -> memref<10240x128xf32, #tpu.memory_space<vmem_shared>>
          tpu.wait_indirect_dma semaphore(%arg12 : memref<!tpu.dma_semaphore, #tpu.memory_space<semaphore_mem>>) src(%dma_wait3A_547 : memref<16x128xf32, #tpu.memory_space<vmem>>) dst(%dma_wait3A_550 : memref<10240x128xf32, #tpu.memory_space<vmem_shared>>)
        }
        %while3A_534 = arith.constant 1 : i32
        scf.for %while3A_535 = %while3A_532 to %while3A_528 step %while3A_534  : i32 {
          %eq3A_536 = vector.broadcast %while3A_535 : i32 to vector<16xi32>
          %eq3A_537 = arith.cmpi eq, %and3A_458, %eq3A_536 : vector<16xi32>
          %select_n3A_538 = arith.select %eq3A_537, %and3A_452, %add3A_54 : vector<16xi1>, vector<16xi32>
          %dma_start3A_539 = arith.constant 80 : i32
          %dma_start3A_540 = arith.constant 0 : i32
          %dma_start3A_541 = tpu.memref_slice %arg9[%dma_start3A_539, %dma_start3A_540] : memref<128x128xf32, #tpu.memory_space<vmem>> -> memref<16x128xf32, #tpu.memory_space<vmem>>
          %dma_start3A_542 = arith.constant 0 : i32
          %dma_start3A_543 = arith.constant 0 : i32
          %dma_start3A_544 = tpu.memref_slice %arg10[%dma_start3A_542, %dma_start3A_543] : memref<10240x128xf32, #tpu.memory_space<vmem_shared>> -> memref<10240x128xf32, #tpu.memory_space<vmem_shared>>
          tpu.enqueue_indirect_dma source(%dma_start3A_541 : memref<16x128xf32, #tpu.memory_space<vmem>>) target(%dma_start3A_544 : memref<10240x128xf32, #tpu.memory_space<vmem_shared>>) offsets(%select_n3A_538 : vector<16xi32>) semaphore(%arg12 : memref<!tpu.dma_semaphore, #tpu.memory_space<semaphore_mem>>) {add = true}
          %dma_wait3A_545 = arith.constant 80 : i32
          %dma_wait3A_546 = arith.constant 0 : i32
          %dma_wait3A_547 = tpu.memref_slice %arg9[%dma_wait3A_545, %dma_wait3A_546] : memref<128x128xf32, #tpu.memory_space<vmem>> -> memref<16x128xf32, #tpu.memory_space<vmem>>
          %dma_wait3A_548 = arith.constant 0 : i32
          %dma_wait3A_549 = arith.constant 0 : i32
          %dma_wait3A_550 = tpu.memref_slice %arg10[%dma_wait3A_548, %dma_wait3A_549] : memref<10240x128xf32, #tpu.memory_space<vmem_shared>> -> memref<10240x128xf32, #tpu.memory_space<vmem_shared>>
          tpu.wait_indirect_dma semaphore(%arg12 : memref<!tpu.dma_semaphore, #tpu.memory_space<semaphore_mem>>) src(%dma_wait3A_547 : memref<16x128xf32, #tpu.memory_space<vmem>>) dst(%dma_wait3A_550 : memref<10240x128xf32, #tpu.memory_space<vmem_shared>>)
        }
      } else {
      }
      %get3A_472 = arith.index_cast %scan3A_81 : i32 to index
      %get3A_473 = arith.constant 96 : index
      %get3A_474 = tpu.vector_load %arg8[%get3A_472, %get3A_473] {strides = array<i32>} : memref<80x128xi32, #tpu.memory_space<vmem>>, vector<1x16xi32>,
      %get3A_475 = vector.shape_cast %get3A_474 : vector<1x16xi32> to vector<16xi32>
      %and3A_476 = arith.constant 16383 : i32
      %and3A_477 = vector.broadcast %and3A_476 : i32 to vector<16xi32>
      %and3A_478 = arith.andi %get3A_475, %and3A_477 : vector<16xi32>
      %shift_right_arithmetic3A_479 = arith.constant 14 : i32
      %shift_right_arithmetic3A_480 = vector.broadcast %shift_right_arithmetic3A_479 : i32 to vector<16xi32>
      %shift_right_arithmetic3A_481 = arith.shrsi %get3A_475, %shift_right_arithmetic3A_480 : vector<16xi32>
      %and3A_482 = arith.constant 15 : i32
      %and3A_483 = vector.broadcast %and3A_482 : i32 to vector<16xi32>
      %and3A_484 = arith.andi %shift_right_arithmetic3A_481, %and3A_483 : vector<16xi32>
      %shift_right_arithmetic3A_485 = arith.constant 18 : i32
      %shift_right_arithmetic3A_486 = vector.broadcast %shift_right_arithmetic3A_485 : i32 to vector<16xi32>
      %shift_right_arithmetic3A_487 = arith.shrsi %get3A_475, %shift_right_arithmetic3A_486 : vector<16xi32>
      %and3A_488 = arith.constant 15 : i32
      %and3A_489 = vector.broadcast %and3A_488 : i32 to vector<16xi32>
      %and3A_490 = arith.andi %shift_right_arithmetic3A_487, %and3A_489 : vector<16xi32>
      %slice3A_491 = vector.extract_strided_slice %and3A_490 {offsets = [0], sizes = [1], strides = [1]} : vector<16xi32> to vector<1xi32>
      %squeeze3A_492 = vector.extract %slice3A_491[0] : i32 from vector<1xi32>
      %gt3A_493 = arith.constant 0 : i32
      %gt3A_494 = arith.cmpi sgt, %squeeze3A_492, %gt3A_493 : i32
      %convert_element_type3A_495 = arith.extui %gt3A_494 : i1 to i32
      %cond3A_496 = arith.constant 0 : i32
      %cond3A_497 = arith.cmpi ne, %convert_element_type3A_495, %cond3A_496 : i32
      scf.if %cond3A_497 {
        %add3A_524 = arith.constant 1 : i32
        %add3A_525 = arith.addi %squeeze3A_492, %add3A_524 : i32
        %while3A = arith.constant 0 : i32
        %while3A_526 = arith.constant 1 : i32
        %while3A_527 = arith.subi %add3A_525, %while3A_526 : i32
        %while3A_528 = arith.addi %while3A_526, %while3A_527 : i32
        %while3A_529 = arith.constant 1 : i32
        %while3A_530 = arith.divsi %while3A_527, %while3A_529 : i32
        %while3A_531 = arith.muli %while3A_530, %while3A_529 : i32
        %while3A_532 = arith.addi %while3A_526, %while3A_531 : i32
        %while3A_533 = arith.constant 1 : i32
        scf.for %while3A_535 = %while3A_526 to %while3A_532 step %while3A_533  : i32 {
          %eq3A_536 = vector.broadcast %while3A_535 : i32 to vector<16xi32>
          %eq3A_537 = arith.cmpi eq, %and3A_484, %eq3A_536 : vector<16xi32>
          %select_n3A_538 = arith.select %eq3A_537, %and3A_478, %add3A_57 : vector<16xi1>, vector<16xi32>
          %dma_start3A_539 = arith.constant 96 : i32
          %dma_start3A_540 = arith.constant 0 : i32
          %dma_start3A_541 = tpu.memref_slice %arg9[%dma_start3A_539, %dma_start3A_540] : memref<128x128xf32, #tpu.memory_space<vmem>> -> memref<16x128xf32, #tpu.memory_space<vmem>>
          %dma_start3A_542 = arith.constant 0 : i32
          %dma_start3A_543 = arith.constant 0 : i32
          %dma_start3A_544 = tpu.memref_slice %arg10[%dma_start3A_542, %dma_start3A_543] : memref<10240x128xf32, #tpu.memory_space<vmem_shared>> -> memref<10240x128xf32, #tpu.memory_space<vmem_shared>>
          tpu.enqueue_indirect_dma source(%dma_start3A_541 : memref<16x128xf32, #tpu.memory_space<vmem>>) target(%dma_start3A_544 : memref<10240x128xf32, #tpu.memory_space<vmem_shared>>) offsets(%select_n3A_538 : vector<16xi32>) semaphore(%arg12 : memref<!tpu.dma_semaphore, #tpu.memory_space<semaphore_mem>>) {add = true}
          %dma_wait3A_545 = arith.constant 96 : i32
          %dma_wait3A_546 = arith.constant 0 : i32
          %dma_wait3A_547 = tpu.memref_slice %arg9[%dma_wait3A_545, %dma_wait3A_546] : memref<128x128xf32, #tpu.memory_space<vmem>> -> memref<16x128xf32, #tpu.memory_space<vmem>>
          %dma_wait3A_548 = arith.constant 0 : i32
          %dma_wait3A_549 = arith.constant 0 : i32
          %dma_wait3A_550 = tpu.memref_slice %arg10[%dma_wait3A_548, %dma_wait3A_549] : memref<10240x128xf32, #tpu.memory_space<vmem_shared>> -> memref<10240x128xf32, #tpu.memory_space<vmem_shared>>
          tpu.wait_indirect_dma semaphore(%arg12 : memref<!tpu.dma_semaphore, #tpu.memory_space<semaphore_mem>>) src(%dma_wait3A_547 : memref<16x128xf32, #tpu.memory_space<vmem>>) dst(%dma_wait3A_550 : memref<10240x128xf32, #tpu.memory_space<vmem_shared>>)
        }
        %while3A_534 = arith.constant 1 : i32
        scf.for %while3A_535 = %while3A_532 to %while3A_528 step %while3A_534  : i32 {
          %eq3A_536 = vector.broadcast %while3A_535 : i32 to vector<16xi32>
          %eq3A_537 = arith.cmpi eq, %and3A_484, %eq3A_536 : vector<16xi32>
          %select_n3A_538 = arith.select %eq3A_537, %and3A_478, %add3A_57 : vector<16xi1>, vector<16xi32>
          %dma_start3A_539 = arith.constant 96 : i32
          %dma_start3A_540 = arith.constant 0 : i32
          %dma_start3A_541 = tpu.memref_slice %arg9[%dma_start3A_539, %dma_start3A_540] : memref<128x128xf32, #tpu.memory_space<vmem>> -> memref<16x128xf32, #tpu.memory_space<vmem>>
          %dma_start3A_542 = arith.constant 0 : i32
          %dma_start3A_543 = arith.constant 0 : i32
          %dma_start3A_544 = tpu.memref_slice %arg10[%dma_start3A_542, %dma_start3A_543] : memref<10240x128xf32, #tpu.memory_space<vmem_shared>> -> memref<10240x128xf32, #tpu.memory_space<vmem_shared>>
          tpu.enqueue_indirect_dma source(%dma_start3A_541 : memref<16x128xf32, #tpu.memory_space<vmem>>) target(%dma_start3A_544 : memref<10240x128xf32, #tpu.memory_space<vmem_shared>>) offsets(%select_n3A_538 : vector<16xi32>) semaphore(%arg12 : memref<!tpu.dma_semaphore, #tpu.memory_space<semaphore_mem>>) {add = true}
          %dma_wait3A_545 = arith.constant 96 : i32
          %dma_wait3A_546 = arith.constant 0 : i32
          %dma_wait3A_547 = tpu.memref_slice %arg9[%dma_wait3A_545, %dma_wait3A_546] : memref<128x128xf32, #tpu.memory_space<vmem>> -> memref<16x128xf32, #tpu.memory_space<vmem>>
          %dma_wait3A_548 = arith.constant 0 : i32
          %dma_wait3A_549 = arith.constant 0 : i32
          %dma_wait3A_550 = tpu.memref_slice %arg10[%dma_wait3A_548, %dma_wait3A_549] : memref<10240x128xf32, #tpu.memory_space<vmem_shared>> -> memref<10240x128xf32, #tpu.memory_space<vmem_shared>>
          tpu.wait_indirect_dma semaphore(%arg12 : memref<!tpu.dma_semaphore, #tpu.memory_space<semaphore_mem>>) src(%dma_wait3A_547 : memref<16x128xf32, #tpu.memory_space<vmem>>) dst(%dma_wait3A_550 : memref<10240x128xf32, #tpu.memory_space<vmem_shared>>)
        }
      } else {
      }
      %get3A_498 = arith.index_cast %scan3A_81 : i32 to index
      %get3A_499 = arith.constant 112 : index
      %get3A_500 = tpu.vector_load %arg8[%get3A_498, %get3A_499] {strides = array<i32>} : memref<80x128xi32, #tpu.memory_space<vmem>>, vector<1x16xi32>,
      %get3A_501 = vector.shape_cast %get3A_500 : vector<1x16xi32> to vector<16xi32>
      %and3A_502 = arith.constant 16383 : i32
      %and3A_503 = vector.broadcast %and3A_502 : i32 to vector<16xi32>
      %and3A_504 = arith.andi %get3A_501, %and3A_503 : vector<16xi32>
      %shift_right_arithmetic3A_505 = arith.constant 14 : i32
      %shift_right_arithmetic3A_506 = vector.broadcast %shift_right_arithmetic3A_505 : i32 to vector<16xi32>
      %shift_right_arithmetic3A_507 = arith.shrsi %get3A_501, %shift_right_arithmetic3A_506 : vector<16xi32>
      %and3A_508 = arith.constant 15 : i32
      %and3A_509 = vector.broadcast %and3A_508 : i32 to vector<16xi32>
      %and3A_510 = arith.andi %shift_right_arithmetic3A_507, %and3A_509 : vector<16xi32>
      %shift_right_arithmetic3A_511 = arith.constant 18 : i32
      %shift_right_arithmetic3A_512 = vector.broadcast %shift_right_arithmetic3A_511 : i32 to vector<16xi32>
      %shift_right_arithmetic3A_513 = arith.shrsi %get3A_501, %shift_right_arithmetic3A_512 : vector<16xi32>
      %and3A_514 = arith.constant 15 : i32
      %and3A_515 = vector.broadcast %and3A_514 : i32 to vector<16xi32>
      %and3A_516 = arith.andi %shift_right_arithmetic3A_513, %and3A_515 : vector<16xi32>
      %slice3A_517 = vector.extract_strided_slice %and3A_516 {offsets = [0], sizes = [1], strides = [1]} : vector<16xi32> to vector<1xi32>
      %squeeze3A_518 = vector.extract %slice3A_517[0] : i32 from vector<1xi32>
      %gt3A_519 = arith.constant 0 : i32
      %gt3A_520 = arith.cmpi sgt, %squeeze3A_518, %gt3A_519 : i32
      %convert_element_type3A_521 = arith.extui %gt3A_520 : i1 to i32
      %cond3A_522 = arith.constant 0 : i32
      %cond3A_523 = arith.cmpi ne, %convert_element_type3A_521, %cond3A_522 : i32
      scf.if %cond3A_523 {
        %add3A_524 = arith.constant 1 : i32
        %add3A_525 = arith.addi %squeeze3A_518, %add3A_524 : i32
        %while3A = arith.constant 0 : i32
        %while3A_526 = arith.constant 1 : i32
        %while3A_527 = arith.subi %add3A_525, %while3A_526 : i32
        %while3A_528 = arith.addi %while3A_526, %while3A_527 : i32
        %while3A_529 = arith.constant 1 : i32
        %while3A_530 = arith.divsi %while3A_527, %while3A_529 : i32
        %while3A_531 = arith.muli %while3A_530, %while3A_529 : i32
        %while3A_532 = arith.addi %while3A_526, %while3A_531 : i32
        %while3A_533 = arith.constant 1 : i32
        scf.for %while3A_535 = %while3A_526 to %while3A_532 step %while3A_533  : i32 {
          %eq3A_536 = vector.broadcast %while3A_535 : i32 to vector<16xi32>
          %eq3A_537 = arith.cmpi eq, %and3A_510, %eq3A_536 : vector<16xi32>
          %select_n3A_538 = arith.select %eq3A_537, %and3A_504, %add3A_60 : vector<16xi1>, vector<16xi32>
          %dma_start3A_539 = arith.constant 112 : i32
          %dma_start3A_540 = arith.constant 0 : i32
          %dma_start3A_541 = tpu.memref_slice %arg9[%dma_start3A_539, %dma_start3A_540] : memref<128x128xf32, #tpu.memory_space<vmem>> -> memref<16x128xf32, #tpu.memory_space<vmem>>
          %dma_start3A_542 = arith.constant 0 : i32
          %dma_start3A_543 = arith.constant 0 : i32
          %dma_start3A_544 = tpu.memref_slice %arg10[%dma_start3A_542, %dma_start3A_543] : memref<10240x128xf32, #tpu.memory_space<vmem_shared>> -> memref<10240x128xf32, #tpu.memory_space<vmem_shared>>
          tpu.enqueue_indirect_dma source(%dma_start3A_541 : memref<16x128xf32, #tpu.memory_space<vmem>>) target(%dma_start3A_544 : memref<10240x128xf32, #tpu.memory_space<vmem_shared>>) offsets(%select_n3A_538 : vector<16xi32>) semaphore(%arg12 : memref<!tpu.dma_semaphore, #tpu.memory_space<semaphore_mem>>) {add = true}
          %dma_wait3A_545 = arith.constant 112 : i32
          %dma_wait3A_546 = arith.constant 0 : i32
          %dma_wait3A_547 = tpu.memref_slice %arg9[%dma_wait3A_545, %dma_wait3A_546] : memref<128x128xf32, #tpu.memory_space<vmem>> -> memref<16x128xf32, #tpu.memory_space<vmem>>
          %dma_wait3A_548 = arith.constant 0 : i32
          %dma_wait3A_549 = arith.constant 0 : i32
          %dma_wait3A_550 = tpu.memref_slice %arg10[%dma_wait3A_548, %dma_wait3A_549] : memref<10240x128xf32, #tpu.memory_space<vmem_shared>> -> memref<10240x128xf32, #tpu.memory_space<vmem_shared>>
          tpu.wait_indirect_dma semaphore(%arg12 : memref<!tpu.dma_semaphore, #tpu.memory_space<semaphore_mem>>) src(%dma_wait3A_547 : memref<16x128xf32, #tpu.memory_space<vmem>>) dst(%dma_wait3A_550 : memref<10240x128xf32, #tpu.memory_space<vmem_shared>>)
        }
        %while3A_534 = arith.constant 1 : i32
        scf.for %while3A_535 = %while3A_532 to %while3A_528 step %while3A_534  : i32 {
          %eq3A_536 = vector.broadcast %while3A_535 : i32 to vector<16xi32>
          %eq3A_537 = arith.cmpi eq, %and3A_510, %eq3A_536 : vector<16xi32>
          %select_n3A_538 = arith.select %eq3A_537, %and3A_504, %add3A_60 : vector<16xi1>, vector<16xi32>
          %dma_start3A_539 = arith.constant 112 : i32
          %dma_start3A_540 = arith.constant 0 : i32
          %dma_start3A_541 = tpu.memref_slice %arg9[%dma_start3A_539, %dma_start3A_540] : memref<128x128xf32, #tpu.memory_space<vmem>> -> memref<16x128xf32, #tpu.memory_space<vmem>>
          %dma_start3A_542 = arith.constant 0 : i32
          %dma_start3A_543 = arith.constant 0 : i32
          %dma_start3A_544 = tpu.memref_slice %arg10[%dma_start3A_542, %dma_start3A_543] : memref<10240x128xf32, #tpu.memory_space<vmem_shared>> -> memref<10240x128xf32, #tpu.memory_space<vmem_shared>>
          tpu.enqueue_indirect_dma source(%dma_start3A_541 : memref<16x128xf32, #tpu.memory_space<vmem>>) target(%dma_start3A_544 : memref<10240x128xf32, #tpu.memory_space<vmem_shared>>) offsets(%select_n3A_538 : vector<16xi32>) semaphore(%arg12 : memref<!tpu.dma_semaphore, #tpu.memory_space<semaphore_mem>>) {add = true}
          %dma_wait3A_545 = arith.constant 112 : i32
          %dma_wait3A_546 = arith.constant 0 : i32
          %dma_wait3A_547 = tpu.memref_slice %arg9[%dma_wait3A_545, %dma_wait3A_546] : memref<128x128xf32, #tpu.memory_space<vmem>> -> memref<16x128xf32, #tpu.memory_space<vmem>>
          %dma_wait3A_548 = arith.constant 0 : i32
          %dma_wait3A_549 = arith.constant 0 : i32
          %dma_wait3A_550 = tpu.memref_slice %arg10[%dma_wait3A_548, %dma_wait3A_549] : memref<10240x128xf32, #tpu.memory_space<vmem_shared>> -> memref<10240x128xf32, #tpu.memory_space<vmem_shared>>
          tpu.wait_indirect_dma semaphore(%arg12 : memref<!tpu.dma_semaphore, #tpu.memory_space<semaphore_mem>>) src(%dma_wait3A_547 : memref<16x128xf32, #tpu.memory_space<vmem>>) dst(%dma_wait3A_550 : memref<10240x128xf32, #tpu.memory_space<vmem_shared>>)
        }
      } else {
      }
    }
    %scan3A_65 = arith.constant 80 : i32
    %barrier3A_66 = arith.constant 0 : index
    tpu.barrier barrier_id(%barrier3A_66)
    %mul3A_67 = arith.constant 640 : i32
    %mul3A_68 = arith.muli %arg1, %mul3A_67 : i32
    %mul3A_69 = arith.constant 640 : i32
    %mul3A_70 = arith.muli %arg1, %mul3A_69 : i32
    %dma_start3A_71 = arith.constant 0 : i32
    %dma_start3A_72 = tpu.memref_slice %arg6[%arg0, %mul3A_70, %dma_start3A_71] : memref<2x10240x128xf32, #tpu.memory_space<hbm>> -> memref<1x640x128xf32, #tpu.memory_space<hbm>>
    %dma_start3A_73 = tpu.memref_squeeze %dma_start3A_72 : memref<1x640x128xf32, #tpu.memory_space<hbm>> -> memref<640x128xf32, #tpu.memory_space<hbm>>
    %dma_start3A_74 = arith.constant 0 : i32
    %dma_start3A_75 = tpu.memref_slice %arg10[%mul3A_68, %dma_start3A_74] : memref<10240x128xf32, #tpu.memory_space<vmem_shared>> -> memref<640x128xf32, #tpu.memory_space<vmem_shared>>
    tpu.enqueue_dma source(%dma_start3A_75 : memref<640x128xf32, #tpu.memory_space<vmem_shared>>) target(%dma_start3A_73 : memref<640x128xf32, #tpu.memory_space<hbm>>) target_semaphore(%arg11 : memref<!tpu.dma_semaphore, #tpu.memory_space<semaphore_mem>>)
    %dma_wait3A_76 = arith.constant 0 : i32
    %dma_wait3A_77 = tpu.memref_slice %arg6[%arg0, %mul3A_70, %dma_wait3A_76] : memref<2x10240x128xf32, #tpu.memory_space<hbm>> -> memref<1x640x128xf32, #tpu.memory_space<hbm>>
    %dma_wait3A_78 = tpu.memref_squeeze %dma_wait3A_77 : memref<1x640x128xf32, #tpu.memory_space<hbm>> -> memref<640x128xf32, #tpu.memory_space<hbm>>
    %dma_wait3A_79 = arith.constant 0 : i32
    %dma_wait3A_80 = tpu.memref_slice %arg10[%mul3A_68, %dma_wait3A_79] : memref<10240x128xf32, #tpu.memory_space<vmem_shared>> -> memref<640x128xf32, #tpu.memory_space<vmem_shared>>
    tpu.wait_dma2 semaphore(%arg11 : memref<!tpu.dma_semaphore, #tpu.memory_space<semaphore_mem>>) src(%dma_wait3A_80 : memref<640x128xf32, #tpu.memory_space<vmem_shared>>) dst(%dma_wait3A_78 : memref<640x128xf32, #tpu.memory_space<hbm>>)
    return
  }
}

#map = affine_map<(d0, d1) -> (0, 0)>
#map1 = affine_map<(d0, d1) -> (0, 0, 0)>
module attributes {stable_mosaic.version = 14 : i64} {
  func.func @_sc_edge_agg(%arg0: i32, %arg1: i32, %arg2: memref<10000x128xf32, #tpu.memory_space<hbm>>, %arg3: memref<32x80x128xi32, #tpu.memory_space<hbm>>, %arg4: memref<32x80x128xi32, #tpu.memory_space<hbm>>, %arg5: memref<640x128xf32, #tpu.memory_space<hbm>>, %arg6: memref<2x10240x128xf32, #tpu.memory_space<hbm>>, %arg7: memref<80x128xi32, #tpu.memory_space<vmem>>, %arg8: memref<80x128xi32, #tpu.memory_space<vmem>>, %arg9: memref<128x128xf32, #tpu.memory_space<vmem>>, %arg10: memref<10240x128xf32, #tpu.memory_space<vmem_shared>>, %arg11: memref<!tpu.dma_semaphore, #tpu.memory_space<semaphore_mem>>, %arg12: memref<!tpu.dma_semaphore, #tpu.memory_space<semaphore_mem>>) attributes {dimension_semantics = [#tpu.dimension_semantics<core_parallel>, #tpu.dimension_semantics<subcore_parallel>], iteration_bounds = array<i64: 2, 16>, scalar_prefetch = 0 : i64, scratch_operands = 6 : i64, tpu.core_type = #tpu.core_type<sc_vector_subcore>, window_params = [{transform_indices = #map}, {transform_indices = #map1}, {transform_indices = #map1}, {transform_indices = #map}, {transform_indices = #map1}]} {
    %mul3A = arith.constant 16 : i32
    %mul3A_0 = arith.muli %arg0, %mul3A : i32
    %add3A = arith.addi %mul3A_0, %arg1 : i32
    %dma_start3A = arith.constant 0 : i32
    %dma_start3A_1 = arith.constant 0 : i32
    %dma_start3A_2 = tpu.memref_slice %arg3[%add3A, %dma_start3A, %dma_start3A_1] : memref<32x80x128xi32, #tpu.memory_space<hbm>> -> memref<1x80x128xi32, #tpu.memory_space<hbm>>
    %dma_start3A_3 = tpu.memref_squeeze %dma_start3A_2 : memref<1x80x128xi32, #tpu.memory_space<hbm>> -> memref<80x128xi32, #tpu.memory_space<hbm>>
    %dma_start3A_4 = arith.constant 0 : i32
    %dma_start3A_5 = arith.constant 0 : i32
    %dma_start3A_6 = tpu.memref_slice %arg3[%add3A, %dma_start3A_4, %dma_start3A_5] : memref<32x80x128xi32, #tpu.memory_space<hbm>> -> memref<1x80x128xi32, #tpu.memory_space<hbm>>
    %dma_start3A_7 = tpu.memref_squeeze %dma_start3A_6 : memref<1x80x128xi32, #tpu.memory_space<hbm>> -> memref<80x128xi32, #tpu.memory_space<hbm>>
    tpu.enqueue_dma source(%dma_start3A_7 : memref<80x128xi32, #tpu.memory_space<hbm>>) target(%arg7 : memref<80x128xi32, #tpu.memory_space<vmem>>) target_semaphore(%arg11 : memref<!tpu.dma_semaphore, #tpu.memory_space<semaphore_mem>>)
    %dma_wait3A = arith.constant 0 : i32
    %dma_wait3A_8 = arith.constant 0 : i32
    %dma_wait3A_9 = tpu.memref_slice %arg3[%add3A, %dma_wait3A, %dma_wait3A_8] : memref<32x80x128xi32, #tpu.memory_space<hbm>> -> memref<1x80x128xi32, #tpu.memory_space<hbm>>
    %dma_wait3A_10 = tpu.memref_squeeze %dma_wait3A_9 : memref<1x80x128xi32, #tpu.memory_space<hbm>> -> memref<80x128xi32, #tpu.memory_space<hbm>>
    %dma_wait3A_11 = arith.constant 0 : i32
    %dma_wait3A_12 = arith.constant 0 : i32
    %dma_wait3A_13 = tpu.memref_slice %arg3[%add3A, %dma_wait3A_11, %dma_wait3A_12] : memref<32x80x128xi32, #tpu.memory_space<hbm>> -> memref<1x80x128xi32, #tpu.memory_space<hbm>>
    %dma_wait3A_14 = tpu.memref_squeeze %dma_wait3A_13 : memref<1x80x128xi32, #tpu.memory_space<hbm>> -> memref<80x128xi32, #tpu.memory_space<hbm>>
    tpu.wait_dma2 semaphore(%arg11 : memref<!tpu.dma_semaphore, #tpu.memory_space<semaphore_mem>>) src(%dma_wait3A_14 : memref<80x128xi32, #tpu.memory_space<hbm>>) dst(%arg7 : memref<80x128xi32, #tpu.memory_space<vmem>>)
    %dma_start3A_15 = arith.constant 0 : i32
    %dma_start3A_16 = arith.constant 0 : i32
    %dma_start3A_17 = tpu.memref_slice %arg4[%add3A, %dma_start3A_15, %dma_start3A_16] : memref<32x80x128xi32, #tpu.memory_space<hbm>> -> memref<1x80x128xi32, #tpu.memory_space<hbm>>
    %dma_start3A_18 = tpu.memref_squeeze %dma_start3A_17 : memref<1x80x128xi32, #tpu.memory_space<hbm>> -> memref<80x128xi32, #tpu.memory_space<hbm>>
    %dma_start3A_19 = arith.constant 0 : i32
    %dma_start3A_20 = arith.constant 0 : i32
    %dma_start3A_21 = tpu.memref_slice %arg4[%add3A, %dma_start3A_19, %dma_start3A_20] : memref<32x80x128xi32, #tpu.memory_space<hbm>> -> memref<1x80x128xi32, #tpu.memory_space<hbm>>
    %dma_start3A_22 = tpu.memref_squeeze %dma_start3A_21 : memref<1x80x128xi32, #tpu.memory_space<hbm>> -> memref<80x128xi32, #tpu.memory_space<hbm>>
    tpu.enqueue_dma source(%dma_start3A_22 : memref<80x128xi32, #tpu.memory_space<hbm>>) target(%arg8 : memref<80x128xi32, #tpu.memory_space<vmem>>) target_semaphore(%arg11 : memref<!tpu.dma_semaphore, #tpu.memory_space<semaphore_mem>>)
    %dma_wait3A_23 = arith.constant 0 : i32
    %dma_wait3A_24 = arith.constant 0 : i32
    %dma_wait3A_25 = tpu.memref_slice %arg4[%add3A, %dma_wait3A_23, %dma_wait3A_24] : memref<32x80x128xi32, #tpu.memory_space<hbm>> -> memref<1x80x128xi32, #tpu.memory_space<hbm>>
    %dma_wait3A_26 = tpu.memref_squeeze %dma_wait3A_25 : memref<1x80x128xi32, #tpu.memory_space<hbm>> -> memref<80x128xi32, #tpu.memory_space<hbm>>
    %dma_wait3A_27 = arith.constant 0 : i32
    %dma_wait3A_28 = arith.constant 0 : i32
    %dma_wait3A_29 = tpu.memref_slice %arg4[%add3A, %dma_wait3A_27, %dma_wait3A_28] : memref<32x80x128xi32, #tpu.memory_space<hbm>> -> memref<1x80x128xi32, #tpu.memory_space<hbm>>
    %dma_wait3A_30 = tpu.memref_squeeze %dma_wait3A_29 : memref<1x80x128xi32, #tpu.memory_space<hbm>> -> memref<80x128xi32, #tpu.memory_space<hbm>>
    tpu.wait_dma2 semaphore(%arg11 : memref<!tpu.dma_semaphore, #tpu.memory_space<semaphore_mem>>) src(%dma_wait3A_30 : memref<80x128xi32, #tpu.memory_space<hbm>>) dst(%arg8 : memref<80x128xi32, #tpu.memory_space<vmem>>)
    %mul3A_31 = arith.constant 640 : i32
    %mul3A_32 = arith.muli %arg1, %mul3A_31 : i32
    %dma_start3A_33 = arith.constant 0 : i32
    %dma_start3A_34 = tpu.memref_slice %arg10[%mul3A_32, %dma_start3A_33] : memref<10240x128xf32, #tpu.memory_space<vmem_shared>> -> memref<640x128xf32, #tpu.memory_space<vmem_shared>>
    tpu.enqueue_dma source(%arg5 : memref<640x128xf32, #tpu.memory_space<hbm>>) target(%dma_start3A_34 : memref<640x128xf32, #tpu.memory_space<vmem_shared>>) target_semaphore(%arg11 : memref<!tpu.dma_semaphore, #tpu.memory_space<semaphore_mem>>)
    %dma_wait3A_35 = arith.constant 0 : i32
    %dma_wait3A_36 = tpu.memref_slice %arg10[%mul3A_32, %dma_wait3A_35] : memref<10240x128xf32, #tpu.memory_space<vmem_shared>> -> memref<640x128xf32, #tpu.memory_space<vmem_shared>>
    tpu.wait_dma2 semaphore(%arg11 : memref<!tpu.dma_semaphore, #tpu.memory_space<semaphore_mem>>) src(%arg5 : memref<640x128xf32, #tpu.memory_space<hbm>>) dst(%dma_wait3A_36 : memref<640x128xf32, #tpu.memory_space<vmem_shared>>)
    %barrier3A = arith.constant 0 : index
    tpu.barrier barrier_id(%barrier3A)
    %iota3A = tpu.iota {dimensions = array<i32: 0>} : vector<16xi32>
    %add3A_37 = arith.constant 10112 : i32
    %add3A_38 = vector.broadcast %add3A_37 : i32 to vector<16xi32>
    %add3A_39 = arith.addi %add3A_38, %iota3A : vector<16xi32>
    %add3A_40 = arith.constant 10128 : i32
    %add3A_41 = vector.broadcast %add3A_40 : i32 to vector<16xi32>
    %add3A_42 = arith.addi %add3A_41, %iota3A : vector<16xi32>
    %add3A_43 = arith.constant 10144 : i32
    %add3A_44 = vector.broadcast %add3A_43 : i32 to vector<16xi32>
    %add3A_45 = arith.addi %add3A_44, %iota3A : vector<16xi32>
    %add3A_46 = arith.constant 10160 : i32
    %add3A_47 = vector.broadcast %add3A_46 : i32 to vector<16xi32>
    %add3A_48 = arith.addi %add3A_47, %iota3A : vector<16xi32>
    %add3A_49 = arith.constant 10176 : i32
    %add3A_50 = vector.broadcast %add3A_49 : i32 to vector<16xi32>
    %add3A_51 = arith.addi %add3A_50, %iota3A : vector<16xi32>
    %add3A_52 = arith.constant 10192 : i32
    %add3A_53 = vector.broadcast %add3A_52 : i32 to vector<16xi32>
    %add3A_54 = arith.addi %add3A_53, %iota3A : vector<16xi32>
    %add3A_55 = arith.constant 10208 : i32
    %add3A_56 = vector.broadcast %add3A_55 : i32 to vector<16xi32>
    %add3A_57 = arith.addi %add3A_56, %iota3A : vector<16xi32>
    %add3A_58 = arith.constant 10224 : i32
    %add3A_59 = vector.broadcast %add3A_58 : i32 to vector<16xi32>
    %add3A_60 = arith.addi %add3A_59, %iota3A : vector<16xi32>
    %scan3A = arith.constant 0 : i32
    %scan3A_61 = arith.constant 0 : i32
    %scan3A_62 = arith.constant 80 : i32
    %scan3A_63 = arith.addi %scan3A_61, %scan3A_62 : i32
    %scan3A_64 = arith.constant 1 : i32
    scf.for %scan3A_81 = %scan3A_61 to %scan3A_63 step %scan3A_64  : i32 {
      %dma_start3A_82 = arith.constant 0 : i32
      %dma_start3A_83 = tpu.memref_slice %arg7[%scan3A_81, %dma_start3A_82] : memref<80x128xi32, #tpu.memory_space<vmem>> -> memref<1x128xi32, #tpu.memory_space<vmem>>
      %dma_start3A_84 = tpu.memref_squeeze %dma_start3A_83 : memref<1x128xi32, #tpu.memory_space<vmem>> -> memref<128xi32, #tpu.memory_space<vmem>>
      %dma_start3A_85 = arith.constant 0 : i32
      %dma_start3A_86 = arith.constant 0 : i32
      %dma_start3A_87 = tpu.memref_slice %arg2[%dma_start3A_85, %dma_start3A_86] : memref<10000x128xf32, #tpu.memory_space<hbm>> -> memref<10000x128xf32, #tpu.memory_space<hbm>>
      tpu.enqueue_indirect_dma source(%dma_start3A_87 : memref<10000x128xf32, #tpu.memory_space<hbm>>) target(%arg9 : memref<128x128xf32, #tpu.memory_space<vmem>>) offsets(%dma_start3A_84 : memref<128xi32, #tpu.memory_space<vmem>>) semaphore(%arg11 : memref<!tpu.dma_semaphore, #tpu.memory_space<semaphore_mem>>)
      %dma_wait3A_88 = arith.constant 0 : i32
      %dma_wait3A_89 = tpu.memref_slice %arg7[%scan3A_81, %dma_wait3A_88] : memref<80x128xi32, #tpu.memory_space<vmem>> -> memref<1x128xi32, #tpu.memory_space<vmem>>
      %dma_wait3A_90 = tpu.memref_squeeze %dma_wait3A_89 : memref<1x128xi32, #tpu.memory_space<vmem>> -> memref<128xi32, #tpu.memory_space<vmem>>
      %dma_wait3A_91 = arith.constant 0 : i32
      %dma_wait3A_92 = arith.constant 0 : i32
      %dma_wait3A_93 = tpu.memref_slice %arg2[%dma_wait3A_91, %dma_wait3A_92] : memref<10000x128xf32, #tpu.memory_space<hbm>> -> memref<10000x128xf32, #tpu.memory_space<hbm>>
      tpu.wait_indirect_dma semaphore(%arg11 : memref<!tpu.dma_semaphore, #tpu.memory_space<semaphore_mem>>) src(%dma_wait3A_93 : memref<10000x128xf32, #tpu.memory_space<hbm>>) dst(%arg9 : memref<128x128xf32, #tpu.memory_space<vmem>>)
      %get3A = arith.index_cast %scan3A_81 : i32 to index
      %get3A_94 = arith.constant 0 : index
      %get3A_95 = tpu.vector_load %arg8[%get3A, %get3A_94] {strides = array<i32>} : memref<80x128xi32, #tpu.memory_space<vmem>>, vector<1x16xi32>,
      %get3A_96 = vector.shape_cast %get3A_95 : vector<1x16xi32> to vector<16xi32>
      %and3A = arith.constant 16383 : i32
      %and3A_97 = vector.broadcast %and3A : i32 to vector<16xi32>
      %and3A_98 = arith.andi %get3A_96, %and3A_97 : vector<16xi32>
      %shift_right_arithmetic3A = arith.constant 14 : i32
      %shift_right_arithmetic3A_99 = vector.broadcast %shift_right_arithmetic3A : i32 to vector<16xi32>
      %shift_right_arithmetic3A_100 = arith.shrsi %get3A_96, %shift_right_arithmetic3A_99 : vector<16xi32>
      %and3A_101 = arith.constant 15 : i32
      %and3A_102 = vector.broadcast %and3A_101 : i32 to vector<16xi32>
      %and3A_103 = arith.andi %shift_right_arithmetic3A_100, %and3A_102 : vector<16xi32>
      %eq3A = arith.constant 0 : i32
      %eq3A_104 = vector.broadcast %eq3A : i32 to vector<16xi32>
      %eq3A_105 = arith.cmpi eq, %and3A_103, %eq3A_104 : vector<16xi32>
      %select_n3A = arith.select %eq3A_105, %and3A_98, %add3A_39 : vector<16xi1>, vector<16xi32>
      %dma_start3A_106 = arith.constant 0 : i32
      %dma_start3A_107 = arith.constant 0 : i32
      %dma_start3A_108 = tpu.memref_slice %arg9[%dma_start3A_106, %dma_start3A_107] : memref<128x128xf32, #tpu.memory_space<vmem>> -> memref<16x128xf32, #tpu.memory_space<vmem>>
      %dma_start3A_109 = arith.constant 0 : i32
      %dma_start3A_110 = arith.constant 0 : i32
      %dma_start3A_111 = tpu.memref_slice %arg10[%dma_start3A_109, %dma_start3A_110] : memref<10240x128xf32, #tpu.memory_space<vmem_shared>> -> memref<10240x128xf32, #tpu.memory_space<vmem_shared>>
      tpu.enqueue_indirect_dma source(%dma_start3A_108 : memref<16x128xf32, #tpu.memory_space<vmem>>) target(%dma_start3A_111 : memref<10240x128xf32, #tpu.memory_space<vmem_shared>>) offsets(%select_n3A : vector<16xi32>) semaphore(%arg12 : memref<!tpu.dma_semaphore, #tpu.memory_space<semaphore_mem>>) {add = true}
      %get3A_112 = arith.index_cast %scan3A_81 : i32 to index
      %get3A_113 = arith.constant 16 : index
      %get3A_114 = tpu.vector_load %arg8[%get3A_112, %get3A_113] {strides = array<i32>} : memref<80x128xi32, #tpu.memory_space<vmem>>, vector<1x16xi32>,
      %get3A_115 = vector.shape_cast %get3A_114 : vector<1x16xi32> to vector<16xi32>
      %and3A_116 = arith.constant 16383 : i32
      %and3A_117 = vector.broadcast %and3A_116 : i32 to vector<16xi32>
      %and3A_118 = arith.andi %get3A_115, %and3A_117 : vector<16xi32>
      %shift_right_arithmetic3A_119 = arith.constant 14 : i32
      %shift_right_arithmetic3A_120 = vector.broadcast %shift_right_arithmetic3A_119 : i32 to vector<16xi32>
      %shift_right_arithmetic3A_121 = arith.shrsi %get3A_115, %shift_right_arithmetic3A_120 : vector<16xi32>
      %and3A_122 = arith.constant 15 : i32
      %and3A_123 = vector.broadcast %and3A_122 : i32 to vector<16xi32>
      %and3A_124 = arith.andi %shift_right_arithmetic3A_121, %and3A_123 : vector<16xi32>
      %eq3A_125 = arith.constant 0 : i32
      %eq3A_126 = vector.broadcast %eq3A_125 : i32 to vector<16xi32>
      %eq3A_127 = arith.cmpi eq, %and3A_124, %eq3A_126 : vector<16xi32>
      %select_n3A_128 = arith.select %eq3A_127, %and3A_118, %add3A_42 : vector<16xi1>, vector<16xi32>
      %dma_start3A_129 = arith.constant 16 : i32
      %dma_start3A_130 = arith.constant 0 : i32
      %dma_start3A_131 = tpu.memref_slice %arg9[%dma_start3A_129, %dma_start3A_130] : memref<128x128xf32, #tpu.memory_space<vmem>> -> memref<16x128xf32, #tpu.memory_space<vmem>>
      %dma_start3A_132 = arith.constant 0 : i32
      %dma_start3A_133 = arith.constant 0 : i32
      %dma_start3A_134 = tpu.memref_slice %arg10[%dma_start3A_132, %dma_start3A_133] : memref<10240x128xf32, #tpu.memory_space<vmem_shared>> -> memref<10240x128xf32, #tpu.memory_space<vmem_shared>>
      tpu.enqueue_indirect_dma source(%dma_start3A_131 : memref<16x128xf32, #tpu.memory_space<vmem>>) target(%dma_start3A_134 : memref<10240x128xf32, #tpu.memory_space<vmem_shared>>) offsets(%select_n3A_128 : vector<16xi32>) semaphore(%arg12 : memref<!tpu.dma_semaphore, #tpu.memory_space<semaphore_mem>>) {add = true}
      %get3A_135 = arith.index_cast %scan3A_81 : i32 to index
      %get3A_136 = arith.constant 32 : index
      %get3A_137 = tpu.vector_load %arg8[%get3A_135, %get3A_136] {strides = array<i32>} : memref<80x128xi32, #tpu.memory_space<vmem>>, vector<1x16xi32>,
      %get3A_138 = vector.shape_cast %get3A_137 : vector<1x16xi32> to vector<16xi32>
      %and3A_139 = arith.constant 16383 : i32
      %and3A_140 = vector.broadcast %and3A_139 : i32 to vector<16xi32>
      %and3A_141 = arith.andi %get3A_138, %and3A_140 : vector<16xi32>
      %shift_right_arithmetic3A_142 = arith.constant 14 : i32
      %shift_right_arithmetic3A_143 = vector.broadcast %shift_right_arithmetic3A_142 : i32 to vector<16xi32>
      %shift_right_arithmetic3A_144 = arith.shrsi %get3A_138, %shift_right_arithmetic3A_143 : vector<16xi32>
      %and3A_145 = arith.constant 15 : i32
      %and3A_146 = vector.broadcast %and3A_145 : i32 to vector<16xi32>
      %and3A_147 = arith.andi %shift_right_arithmetic3A_144, %and3A_146 : vector<16xi32>
      %eq3A_148 = arith.constant 0 : i32
      %eq3A_149 = vector.broadcast %eq3A_148 : i32 to vector<16xi32>
      %eq3A_150 = arith.cmpi eq, %and3A_147, %eq3A_149 : vector<16xi32>
      %select_n3A_151 = arith.select %eq3A_150, %and3A_141, %add3A_45 : vector<16xi1>, vector<16xi32>
      %dma_start3A_152 = arith.constant 32 : i32
      %dma_start3A_153 = arith.constant 0 : i32
      %dma_start3A_154 = tpu.memref_slice %arg9[%dma_start3A_152, %dma_start3A_153] : memref<128x128xf32, #tpu.memory_space<vmem>> -> memref<16x128xf32, #tpu.memory_space<vmem>>
      %dma_start3A_155 = arith.constant 0 : i32
      %dma_start3A_156 = arith.constant 0 : i32
      %dma_start3A_157 = tpu.memref_slice %arg10[%dma_start3A_155, %dma_start3A_156] : memref<10240x128xf32, #tpu.memory_space<vmem_shared>> -> memref<10240x128xf32, #tpu.memory_space<vmem_shared>>
      tpu.enqueue_indirect_dma source(%dma_start3A_154 : memref<16x128xf32, #tpu.memory_space<vmem>>) target(%dma_start3A_157 : memref<10240x128xf32, #tpu.memory_space<vmem_shared>>) offsets(%select_n3A_151 : vector<16xi32>) semaphore(%arg12 : memref<!tpu.dma_semaphore, #tpu.memory_space<semaphore_mem>>) {add = true}
      %get3A_158 = arith.index_cast %scan3A_81 : i32 to index
      %get3A_159 = arith.constant 48 : index
      %get3A_160 = tpu.vector_load %arg8[%get3A_158, %get3A_159] {strides = array<i32>} : memref<80x128xi32, #tpu.memory_space<vmem>>, vector<1x16xi32>,
      %get3A_161 = vector.shape_cast %get3A_160 : vector<1x16xi32> to vector<16xi32>
      %and3A_162 = arith.constant 16383 : i32
      %and3A_163 = vector.broadcast %and3A_162 : i32 to vector<16xi32>
      %and3A_164 = arith.andi %get3A_161, %and3A_163 : vector<16xi32>
      %shift_right_arithmetic3A_165 = arith.constant 14 : i32
      %shift_right_arithmetic3A_166 = vector.broadcast %shift_right_arithmetic3A_165 : i32 to vector<16xi32>
      %shift_right_arithmetic3A_167 = arith.shrsi %get3A_161, %shift_right_arithmetic3A_166 : vector<16xi32>
      %and3A_168 = arith.constant 15 : i32
      %and3A_169 = vector.broadcast %and3A_168 : i32 to vector<16xi32>
      %and3A_170 = arith.andi %shift_right_arithmetic3A_167, %and3A_169 : vector<16xi32>
      %eq3A_171 = arith.constant 0 : i32
      %eq3A_172 = vector.broadcast %eq3A_171 : i32 to vector<16xi32>
      %eq3A_173 = arith.cmpi eq, %and3A_170, %eq3A_172 : vector<16xi32>
      %select_n3A_174 = arith.select %eq3A_173, %and3A_164, %add3A_48 : vector<16xi1>, vector<16xi32>
      %dma_start3A_175 = arith.constant 48 : i32
      %dma_start3A_176 = arith.constant 0 : i32
      %dma_start3A_177 = tpu.memref_slice %arg9[%dma_start3A_175, %dma_start3A_176] : memref<128x128xf32, #tpu.memory_space<vmem>> -> memref<16x128xf32, #tpu.memory_space<vmem>>
      %dma_start3A_178 = arith.constant 0 : i32
      %dma_start3A_179 = arith.constant 0 : i32
      %dma_start3A_180 = tpu.memref_slice %arg10[%dma_start3A_178, %dma_start3A_179] : memref<10240x128xf32, #tpu.memory_space<vmem_shared>> -> memref<10240x128xf32, #tpu.memory_space<vmem_shared>>
      tpu.enqueue_indirect_dma source(%dma_start3A_177 : memref<16x128xf32, #tpu.memory_space<vmem>>) target(%dma_start3A_180 : memref<10240x128xf32, #tpu.memory_space<vmem_shared>>) offsets(%select_n3A_174 : vector<16xi32>) semaphore(%arg12 : memref<!tpu.dma_semaphore, #tpu.memory_space<semaphore_mem>>) {add = true}
      %get3A_181 = arith.index_cast %scan3A_81 : i32 to index
      %get3A_182 = arith.constant 64 : index
      %get3A_183 = tpu.vector_load %arg8[%get3A_181, %get3A_182] {strides = array<i32>} : memref<80x128xi32, #tpu.memory_space<vmem>>, vector<1x16xi32>,
      %get3A_184 = vector.shape_cast %get3A_183 : vector<1x16xi32> to vector<16xi32>
      %and3A_185 = arith.constant 16383 : i32
      %and3A_186 = vector.broadcast %and3A_185 : i32 to vector<16xi32>
      %and3A_187 = arith.andi %get3A_184, %and3A_186 : vector<16xi32>
      %shift_right_arithmetic3A_188 = arith.constant 14 : i32
      %shift_right_arithmetic3A_189 = vector.broadcast %shift_right_arithmetic3A_188 : i32 to vector<16xi32>
      %shift_right_arithmetic3A_190 = arith.shrsi %get3A_184, %shift_right_arithmetic3A_189 : vector<16xi32>
      %and3A_191 = arith.constant 15 : i32
      %and3A_192 = vector.broadcast %and3A_191 : i32 to vector<16xi32>
      %and3A_193 = arith.andi %shift_right_arithmetic3A_190, %and3A_192 : vector<16xi32>
      %eq3A_194 = arith.constant 0 : i32
      %eq3A_195 = vector.broadcast %eq3A_194 : i32 to vector<16xi32>
      %eq3A_196 = arith.cmpi eq, %and3A_193, %eq3A_195 : vector<16xi32>
      %select_n3A_197 = arith.select %eq3A_196, %and3A_187, %add3A_51 : vector<16xi1>, vector<16xi32>
      %dma_start3A_198 = arith.constant 64 : i32
      %dma_start3A_199 = arith.constant 0 : i32
      %dma_start3A_200 = tpu.memref_slice %arg9[%dma_start3A_198, %dma_start3A_199] : memref<128x128xf32, #tpu.memory_space<vmem>> -> memref<16x128xf32, #tpu.memory_space<vmem>>
      %dma_start3A_201 = arith.constant 0 : i32
      %dma_start3A_202 = arith.constant 0 : i32
      %dma_start3A_203 = tpu.memref_slice %arg10[%dma_start3A_201, %dma_start3A_202] : memref<10240x128xf32, #tpu.memory_space<vmem_shared>> -> memref<10240x128xf32, #tpu.memory_space<vmem_shared>>
      tpu.enqueue_indirect_dma source(%dma_start3A_200 : memref<16x128xf32, #tpu.memory_space<vmem>>) target(%dma_start3A_203 : memref<10240x128xf32, #tpu.memory_space<vmem_shared>>) offsets(%select_n3A_197 : vector<16xi32>) semaphore(%arg12 : memref<!tpu.dma_semaphore, #tpu.memory_space<semaphore_mem>>) {add = true}
      %get3A_204 = arith.index_cast %scan3A_81 : i32 to index
      %get3A_205 = arith.constant 80 : index
      %get3A_206 = tpu.vector_load %arg8[%get3A_204, %get3A_205] {strides = array<i32>} : memref<80x128xi32, #tpu.memory_space<vmem>>, vector<1x16xi32>,
      %get3A_207 = vector.shape_cast %get3A_206 : vector<1x16xi32> to vector<16xi32>
      %and3A_208 = arith.constant 16383 : i32
      %and3A_209 = vector.broadcast %and3A_208 : i32 to vector<16xi32>
      %and3A_210 = arith.andi %get3A_207, %and3A_209 : vector<16xi32>
      %shift_right_arithmetic3A_211 = arith.constant 14 : i32
      %shift_right_arithmetic3A_212 = vector.broadcast %shift_right_arithmetic3A_211 : i32 to vector<16xi32>
      %shift_right_arithmetic3A_213 = arith.shrsi %get3A_207, %shift_right_arithmetic3A_212 : vector<16xi32>
      %and3A_214 = arith.constant 15 : i32
      %and3A_215 = vector.broadcast %and3A_214 : i32 to vector<16xi32>
      %and3A_216 = arith.andi %shift_right_arithmetic3A_213, %and3A_215 : vector<16xi32>
      %eq3A_217 = arith.constant 0 : i32
      %eq3A_218 = vector.broadcast %eq3A_217 : i32 to vector<16xi32>
      %eq3A_219 = arith.cmpi eq, %and3A_216, %eq3A_218 : vector<16xi32>
      %select_n3A_220 = arith.select %eq3A_219, %and3A_210, %add3A_54 : vector<16xi1>, vector<16xi32>
      %dma_start3A_221 = arith.constant 80 : i32
      %dma_start3A_222 = arith.constant 0 : i32
      %dma_start3A_223 = tpu.memref_slice %arg9[%dma_start3A_221, %dma_start3A_222] : memref<128x128xf32, #tpu.memory_space<vmem>> -> memref<16x128xf32, #tpu.memory_space<vmem>>
      %dma_start3A_224 = arith.constant 0 : i32
      %dma_start3A_225 = arith.constant 0 : i32
      %dma_start3A_226 = tpu.memref_slice %arg10[%dma_start3A_224, %dma_start3A_225] : memref<10240x128xf32, #tpu.memory_space<vmem_shared>> -> memref<10240x128xf32, #tpu.memory_space<vmem_shared>>
      tpu.enqueue_indirect_dma source(%dma_start3A_223 : memref<16x128xf32, #tpu.memory_space<vmem>>) target(%dma_start3A_226 : memref<10240x128xf32, #tpu.memory_space<vmem_shared>>) offsets(%select_n3A_220 : vector<16xi32>) semaphore(%arg12 : memref<!tpu.dma_semaphore, #tpu.memory_space<semaphore_mem>>) {add = true}
      %get3A_227 = arith.index_cast %scan3A_81 : i32 to index
      %get3A_228 = arith.constant 96 : index
      %get3A_229 = tpu.vector_load %arg8[%get3A_227, %get3A_228] {strides = array<i32>} : memref<80x128xi32, #tpu.memory_space<vmem>>, vector<1x16xi32>,
      %get3A_230 = vector.shape_cast %get3A_229 : vector<1x16xi32> to vector<16xi32>
      %and3A_231 = arith.constant 16383 : i32
      %and3A_232 = vector.broadcast %and3A_231 : i32 to vector<16xi32>
      %and3A_233 = arith.andi %get3A_230, %and3A_232 : vector<16xi32>
      %shift_right_arithmetic3A_234 = arith.constant 14 : i32
      %shift_right_arithmetic3A_235 = vector.broadcast %shift_right_arithmetic3A_234 : i32 to vector<16xi32>
      %shift_right_arithmetic3A_236 = arith.shrsi %get3A_230, %shift_right_arithmetic3A_235 : vector<16xi32>
      %and3A_237 = arith.constant 15 : i32
      %and3A_238 = vector.broadcast %and3A_237 : i32 to vector<16xi32>
      %and3A_239 = arith.andi %shift_right_arithmetic3A_236, %and3A_238 : vector<16xi32>
      %eq3A_240 = arith.constant 0 : i32
      %eq3A_241 = vector.broadcast %eq3A_240 : i32 to vector<16xi32>
      %eq3A_242 = arith.cmpi eq, %and3A_239, %eq3A_241 : vector<16xi32>
      %select_n3A_243 = arith.select %eq3A_242, %and3A_233, %add3A_57 : vector<16xi1>, vector<16xi32>
      %dma_start3A_244 = arith.constant 96 : i32
      %dma_start3A_245 = arith.constant 0 : i32
      %dma_start3A_246 = tpu.memref_slice %arg9[%dma_start3A_244, %dma_start3A_245] : memref<128x128xf32, #tpu.memory_space<vmem>> -> memref<16x128xf32, #tpu.memory_space<vmem>>
      %dma_start3A_247 = arith.constant 0 : i32
      %dma_start3A_248 = arith.constant 0 : i32
      %dma_start3A_249 = tpu.memref_slice %arg10[%dma_start3A_247, %dma_start3A_248] : memref<10240x128xf32, #tpu.memory_space<vmem_shared>> -> memref<10240x128xf32, #tpu.memory_space<vmem_shared>>
      tpu.enqueue_indirect_dma source(%dma_start3A_246 : memref<16x128xf32, #tpu.memory_space<vmem>>) target(%dma_start3A_249 : memref<10240x128xf32, #tpu.memory_space<vmem_shared>>) offsets(%select_n3A_243 : vector<16xi32>) semaphore(%arg12 : memref<!tpu.dma_semaphore, #tpu.memory_space<semaphore_mem>>) {add = true}
      %get3A_250 = arith.index_cast %scan3A_81 : i32 to index
      %get3A_251 = arith.constant 112 : index
      %get3A_252 = tpu.vector_load %arg8[%get3A_250, %get3A_251] {strides = array<i32>} : memref<80x128xi32, #tpu.memory_space<vmem>>, vector<1x16xi32>,
      %get3A_253 = vector.shape_cast %get3A_252 : vector<1x16xi32> to vector<16xi32>
      %and3A_254 = arith.constant 16383 : i32
      %and3A_255 = vector.broadcast %and3A_254 : i32 to vector<16xi32>
      %and3A_256 = arith.andi %get3A_253, %and3A_255 : vector<16xi32>
      %shift_right_arithmetic3A_257 = arith.constant 14 : i32
      %shift_right_arithmetic3A_258 = vector.broadcast %shift_right_arithmetic3A_257 : i32 to vector<16xi32>
      %shift_right_arithmetic3A_259 = arith.shrsi %get3A_253, %shift_right_arithmetic3A_258 : vector<16xi32>
      %and3A_260 = arith.constant 15 : i32
      %and3A_261 = vector.broadcast %and3A_260 : i32 to vector<16xi32>
      %and3A_262 = arith.andi %shift_right_arithmetic3A_259, %and3A_261 : vector<16xi32>
      %eq3A_263 = arith.constant 0 : i32
      %eq3A_264 = vector.broadcast %eq3A_263 : i32 to vector<16xi32>
      %eq3A_265 = arith.cmpi eq, %and3A_262, %eq3A_264 : vector<16xi32>
      %select_n3A_266 = arith.select %eq3A_265, %and3A_256, %add3A_60 : vector<16xi1>, vector<16xi32>
      %dma_start3A_267 = arith.constant 112 : i32
      %dma_start3A_268 = arith.constant 0 : i32
      %dma_start3A_269 = tpu.memref_slice %arg9[%dma_start3A_267, %dma_start3A_268] : memref<128x128xf32, #tpu.memory_space<vmem>> -> memref<16x128xf32, #tpu.memory_space<vmem>>
      %dma_start3A_270 = arith.constant 0 : i32
      %dma_start3A_271 = arith.constant 0 : i32
      %dma_start3A_272 = tpu.memref_slice %arg10[%dma_start3A_270, %dma_start3A_271] : memref<10240x128xf32, #tpu.memory_space<vmem_shared>> -> memref<10240x128xf32, #tpu.memory_space<vmem_shared>>
      tpu.enqueue_indirect_dma source(%dma_start3A_269 : memref<16x128xf32, #tpu.memory_space<vmem>>) target(%dma_start3A_272 : memref<10240x128xf32, #tpu.memory_space<vmem_shared>>) offsets(%select_n3A_266 : vector<16xi32>) semaphore(%arg12 : memref<!tpu.dma_semaphore, #tpu.memory_space<semaphore_mem>>) {add = true}
      %dma_wait3A_273 = arith.constant 0 : i32
      %dma_wait3A_274 = arith.constant 0 : i32
      %dma_wait3A_275 = tpu.memref_slice %arg9[%dma_wait3A_273, %dma_wait3A_274] : memref<128x128xf32, #tpu.memory_space<vmem>> -> memref<16x128xf32, #tpu.memory_space<vmem>>
      %dma_wait3A_276 = arith.constant 0 : i32
      %dma_wait3A_277 = arith.constant 0 : i32
      %dma_wait3A_278 = tpu.memref_slice %arg10[%dma_wait3A_276, %dma_wait3A_277] : memref<10240x128xf32, #tpu.memory_space<vmem_shared>> -> memref<10240x128xf32, #tpu.memory_space<vmem_shared>>
      tpu.wait_indirect_dma semaphore(%arg12 : memref<!tpu.dma_semaphore, #tpu.memory_space<semaphore_mem>>) src(%dma_wait3A_275 : memref<16x128xf32, #tpu.memory_space<vmem>>) dst(%dma_wait3A_278 : memref<10240x128xf32, #tpu.memory_space<vmem_shared>>)
      %dma_wait3A_279 = arith.constant 16 : i32
      %dma_wait3A_280 = arith.constant 0 : i32
      %dma_wait3A_281 = tpu.memref_slice %arg9[%dma_wait3A_279, %dma_wait3A_280] : memref<128x128xf32, #tpu.memory_space<vmem>> -> memref<16x128xf32, #tpu.memory_space<vmem>>
      %dma_wait3A_282 = arith.constant 0 : i32
      %dma_wait3A_283 = arith.constant 0 : i32
      %dma_wait3A_284 = tpu.memref_slice %arg10[%dma_wait3A_282, %dma_wait3A_283] : memref<10240x128xf32, #tpu.memory_space<vmem_shared>> -> memref<10240x128xf32, #tpu.memory_space<vmem_shared>>
      tpu.wait_indirect_dma semaphore(%arg12 : memref<!tpu.dma_semaphore, #tpu.memory_space<semaphore_mem>>) src(%dma_wait3A_281 : memref<16x128xf32, #tpu.memory_space<vmem>>) dst(%dma_wait3A_284 : memref<10240x128xf32, #tpu.memory_space<vmem_shared>>)
      %dma_wait3A_285 = arith.constant 32 : i32
      %dma_wait3A_286 = arith.constant 0 : i32
      %dma_wait3A_287 = tpu.memref_slice %arg9[%dma_wait3A_285, %dma_wait3A_286] : memref<128x128xf32, #tpu.memory_space<vmem>> -> memref<16x128xf32, #tpu.memory_space<vmem>>
      %dma_wait3A_288 = arith.constant 0 : i32
      %dma_wait3A_289 = arith.constant 0 : i32
      %dma_wait3A_290 = tpu.memref_slice %arg10[%dma_wait3A_288, %dma_wait3A_289] : memref<10240x128xf32, #tpu.memory_space<vmem_shared>> -> memref<10240x128xf32, #tpu.memory_space<vmem_shared>>
      tpu.wait_indirect_dma semaphore(%arg12 : memref<!tpu.dma_semaphore, #tpu.memory_space<semaphore_mem>>) src(%dma_wait3A_287 : memref<16x128xf32, #tpu.memory_space<vmem>>) dst(%dma_wait3A_290 : memref<10240x128xf32, #tpu.memory_space<vmem_shared>>)
      %dma_wait3A_291 = arith.constant 48 : i32
      %dma_wait3A_292 = arith.constant 0 : i32
      %dma_wait3A_293 = tpu.memref_slice %arg9[%dma_wait3A_291, %dma_wait3A_292] : memref<128x128xf32, #tpu.memory_space<vmem>> -> memref<16x128xf32, #tpu.memory_space<vmem>>
      %dma_wait3A_294 = arith.constant 0 : i32
      %dma_wait3A_295 = arith.constant 0 : i32
      %dma_wait3A_296 = tpu.memref_slice %arg10[%dma_wait3A_294, %dma_wait3A_295] : memref<10240x128xf32, #tpu.memory_space<vmem_shared>> -> memref<10240x128xf32, #tpu.memory_space<vmem_shared>>
      tpu.wait_indirect_dma semaphore(%arg12 : memref<!tpu.dma_semaphore, #tpu.memory_space<semaphore_mem>>) src(%dma_wait3A_293 : memref<16x128xf32, #tpu.memory_space<vmem>>) dst(%dma_wait3A_296 : memref<10240x128xf32, #tpu.memory_space<vmem_shared>>)
      %dma_wait3A_297 = arith.constant 64 : i32
      %dma_wait3A_298 = arith.constant 0 : i32
      %dma_wait3A_299 = tpu.memref_slice %arg9[%dma_wait3A_297, %dma_wait3A_298] : memref<128x128xf32, #tpu.memory_space<vmem>> -> memref<16x128xf32, #tpu.memory_space<vmem>>
      %dma_wait3A_300 = arith.constant 0 : i32
      %dma_wait3A_301 = arith.constant 0 : i32
      %dma_wait3A_302 = tpu.memref_slice %arg10[%dma_wait3A_300, %dma_wait3A_301] : memref<10240x128xf32, #tpu.memory_space<vmem_shared>> -> memref<10240x128xf32, #tpu.memory_space<vmem_shared>>
      tpu.wait_indirect_dma semaphore(%arg12 : memref<!tpu.dma_semaphore, #tpu.memory_space<semaphore_mem>>) src(%dma_wait3A_299 : memref<16x128xf32, #tpu.memory_space<vmem>>) dst(%dma_wait3A_302 : memref<10240x128xf32, #tpu.memory_space<vmem_shared>>)
      %dma_wait3A_303 = arith.constant 80 : i32
      %dma_wait3A_304 = arith.constant 0 : i32
      %dma_wait3A_305 = tpu.memref_slice %arg9[%dma_wait3A_303, %dma_wait3A_304] : memref<128x128xf32, #tpu.memory_space<vmem>> -> memref<16x128xf32, #tpu.memory_space<vmem>>
      %dma_wait3A_306 = arith.constant 0 : i32
      %dma_wait3A_307 = arith.constant 0 : i32
      %dma_wait3A_308 = tpu.memref_slice %arg10[%dma_wait3A_306, %dma_wait3A_307] : memref<10240x128xf32, #tpu.memory_space<vmem_shared>> -> memref<10240x128xf32, #tpu.memory_space<vmem_shared>>
      tpu.wait_indirect_dma semaphore(%arg12 : memref<!tpu.dma_semaphore, #tpu.memory_space<semaphore_mem>>) src(%dma_wait3A_305 : memref<16x128xf32, #tpu.memory_space<vmem>>) dst(%dma_wait3A_308 : memref<10240x128xf32, #tpu.memory_space<vmem_shared>>)
      %dma_wait3A_309 = arith.constant 96 : i32
      %dma_wait3A_310 = arith.constant 0 : i32
      %dma_wait3A_311 = tpu.memref_slice %arg9[%dma_wait3A_309, %dma_wait3A_310] : memref<128x128xf32, #tpu.memory_space<vmem>> -> memref<16x128xf32, #tpu.memory_space<vmem>>
      %dma_wait3A_312 = arith.constant 0 : i32
      %dma_wait3A_313 = arith.constant 0 : i32
      %dma_wait3A_314 = tpu.memref_slice %arg10[%dma_wait3A_312, %dma_wait3A_313] : memref<10240x128xf32, #tpu.memory_space<vmem_shared>> -> memref<10240x128xf32, #tpu.memory_space<vmem_shared>>
      tpu.wait_indirect_dma semaphore(%arg12 : memref<!tpu.dma_semaphore, #tpu.memory_space<semaphore_mem>>) src(%dma_wait3A_311 : memref<16x128xf32, #tpu.memory_space<vmem>>) dst(%dma_wait3A_314 : memref<10240x128xf32, #tpu.memory_space<vmem_shared>>)
      %dma_wait3A_315 = arith.constant 112 : i32
      %dma_wait3A_316 = arith.constant 0 : i32
      %dma_wait3A_317 = tpu.memref_slice %arg9[%dma_wait3A_315, %dma_wait3A_316] : memref<128x128xf32, #tpu.memory_space<vmem>> -> memref<16x128xf32, #tpu.memory_space<vmem>>
      %dma_wait3A_318 = arith.constant 0 : i32
      %dma_wait3A_319 = arith.constant 0 : i32
      %dma_wait3A_320 = tpu.memref_slice %arg10[%dma_wait3A_318, %dma_wait3A_319] : memref<10240x128xf32, #tpu.memory_space<vmem_shared>> -> memref<10240x128xf32, #tpu.memory_space<vmem_shared>>
      tpu.wait_indirect_dma semaphore(%arg12 : memref<!tpu.dma_semaphore, #tpu.memory_space<semaphore_mem>>) src(%dma_wait3A_317 : memref<16x128xf32, #tpu.memory_space<vmem>>) dst(%dma_wait3A_320 : memref<10240x128xf32, #tpu.memory_space<vmem_shared>>)
      %get3A_321 = arith.index_cast %scan3A_81 : i32 to index
      %get3A_322 = arith.constant 0 : index
      %get3A_323 = tpu.vector_load %arg8[%get3A_321, %get3A_322] {strides = array<i32>} : memref<80x128xi32, #tpu.memory_space<vmem>>, vector<1x16xi32>,
      %get3A_324 = vector.shape_cast %get3A_323 : vector<1x16xi32> to vector<16xi32>
      %and3A_325 = arith.constant 16383 : i32
      %and3A_326 = vector.broadcast %and3A_325 : i32 to vector<16xi32>
      %and3A_327 = arith.andi %get3A_324, %and3A_326 : vector<16xi32>
      %shift_right_arithmetic3A_328 = arith.constant 14 : i32
      %shift_right_arithmetic3A_329 = vector.broadcast %shift_right_arithmetic3A_328 : i32 to vector<16xi32>
      %shift_right_arithmetic3A_330 = arith.shrsi %get3A_324, %shift_right_arithmetic3A_329 : vector<16xi32>
      %and3A_331 = arith.constant 15 : i32
      %and3A_332 = vector.broadcast %and3A_331 : i32 to vector<16xi32>
      %and3A_333 = arith.andi %shift_right_arithmetic3A_330, %and3A_332 : vector<16xi32>
      %shift_right_arithmetic3A_334 = arith.constant 18 : i32
      %shift_right_arithmetic3A_335 = vector.broadcast %shift_right_arithmetic3A_334 : i32 to vector<16xi32>
      %shift_right_arithmetic3A_336 = arith.shrsi %get3A_324, %shift_right_arithmetic3A_335 : vector<16xi32>
      %and3A_337 = arith.constant 15 : i32
      %and3A_338 = vector.broadcast %and3A_337 : i32 to vector<16xi32>
      %and3A_339 = arith.andi %shift_right_arithmetic3A_336, %and3A_338 : vector<16xi32>
      %slice3A = vector.extract_strided_slice %and3A_339 {offsets = [0], sizes = [1], strides = [1]} : vector<16xi32> to vector<1xi32>
      %squeeze3A = vector.extract %slice3A[0] : i32 from vector<1xi32>
      %gt3A = arith.constant 0 : i32
      %gt3A_340 = arith.cmpi sgt, %squeeze3A, %gt3A : i32
      %convert_element_type3A = arith.extui %gt3A_340 : i1 to i32
      %cond3A = arith.constant 0 : i32
      %cond3A_341 = arith.cmpi ne, %convert_element_type3A, %cond3A : i32
      scf.if %cond3A_341 {
        %add3A_524 = arith.constant 1 : i32
        %add3A_525 = arith.addi %squeeze3A, %add3A_524 : i32
        %while3A = arith.constant 0 : i32
        %while3A_526 = arith.constant 1 : i32
        %while3A_527 = arith.subi %add3A_525, %while3A_526 : i32
        %while3A_528 = arith.addi %while3A_526, %while3A_527 : i32
        %while3A_529 = arith.constant 1 : i32
        %while3A_530 = arith.divsi %while3A_527, %while3A_529 : i32
        %while3A_531 = arith.muli %while3A_530, %while3A_529 : i32
        %while3A_532 = arith.addi %while3A_526, %while3A_531 : i32
        %while3A_533 = arith.constant 1 : i32
        scf.for %while3A_535 = %while3A_526 to %while3A_532 step %while3A_533  : i32 {
          %eq3A_536 = vector.broadcast %while3A_535 : i32 to vector<16xi32>
          %eq3A_537 = arith.cmpi eq, %and3A_333, %eq3A_536 : vector<16xi32>
          %select_n3A_538 = arith.select %eq3A_537, %and3A_327, %add3A_39 : vector<16xi1>, vector<16xi32>
          %dma_start3A_539 = arith.constant 0 : i32
          %dma_start3A_540 = arith.constant 0 : i32
          %dma_start3A_541 = tpu.memref_slice %arg9[%dma_start3A_539, %dma_start3A_540] : memref<128x128xf32, #tpu.memory_space<vmem>> -> memref<16x128xf32, #tpu.memory_space<vmem>>
          %dma_start3A_542 = arith.constant 0 : i32
          %dma_start3A_543 = arith.constant 0 : i32
          %dma_start3A_544 = tpu.memref_slice %arg10[%dma_start3A_542, %dma_start3A_543] : memref<10240x128xf32, #tpu.memory_space<vmem_shared>> -> memref<10240x128xf32, #tpu.memory_space<vmem_shared>>
          tpu.enqueue_indirect_dma source(%dma_start3A_541 : memref<16x128xf32, #tpu.memory_space<vmem>>) target(%dma_start3A_544 : memref<10240x128xf32, #tpu.memory_space<vmem_shared>>) offsets(%select_n3A_538 : vector<16xi32>) semaphore(%arg12 : memref<!tpu.dma_semaphore, #tpu.memory_space<semaphore_mem>>) {add = true}
          %dma_wait3A_545 = arith.constant 0 : i32
          %dma_wait3A_546 = arith.constant 0 : i32
          %dma_wait3A_547 = tpu.memref_slice %arg9[%dma_wait3A_545, %dma_wait3A_546] : memref<128x128xf32, #tpu.memory_space<vmem>> -> memref<16x128xf32, #tpu.memory_space<vmem>>
          %dma_wait3A_548 = arith.constant 0 : i32
          %dma_wait3A_549 = arith.constant 0 : i32
          %dma_wait3A_550 = tpu.memref_slice %arg10[%dma_wait3A_548, %dma_wait3A_549] : memref<10240x128xf32, #tpu.memory_space<vmem_shared>> -> memref<10240x128xf32, #tpu.memory_space<vmem_shared>>
          tpu.wait_indirect_dma semaphore(%arg12 : memref<!tpu.dma_semaphore, #tpu.memory_space<semaphore_mem>>) src(%dma_wait3A_547 : memref<16x128xf32, #tpu.memory_space<vmem>>) dst(%dma_wait3A_550 : memref<10240x128xf32, #tpu.memory_space<vmem_shared>>)
        }
        %while3A_534 = arith.constant 1 : i32
        scf.for %while3A_535 = %while3A_532 to %while3A_528 step %while3A_534  : i32 {
          %eq3A_536 = vector.broadcast %while3A_535 : i32 to vector<16xi32>
          %eq3A_537 = arith.cmpi eq, %and3A_333, %eq3A_536 : vector<16xi32>
          %select_n3A_538 = arith.select %eq3A_537, %and3A_327, %add3A_39 : vector<16xi1>, vector<16xi32>
          %dma_start3A_539 = arith.constant 0 : i32
          %dma_start3A_540 = arith.constant 0 : i32
          %dma_start3A_541 = tpu.memref_slice %arg9[%dma_start3A_539, %dma_start3A_540] : memref<128x128xf32, #tpu.memory_space<vmem>> -> memref<16x128xf32, #tpu.memory_space<vmem>>
          %dma_start3A_542 = arith.constant 0 : i32
          %dma_start3A_543 = arith.constant 0 : i32
          %dma_start3A_544 = tpu.memref_slice %arg10[%dma_start3A_542, %dma_start3A_543] : memref<10240x128xf32, #tpu.memory_space<vmem_shared>> -> memref<10240x128xf32, #tpu.memory_space<vmem_shared>>
          tpu.enqueue_indirect_dma source(%dma_start3A_541 : memref<16x128xf32, #tpu.memory_space<vmem>>) target(%dma_start3A_544 : memref<10240x128xf32, #tpu.memory_space<vmem_shared>>) offsets(%select_n3A_538 : vector<16xi32>) semaphore(%arg12 : memref<!tpu.dma_semaphore, #tpu.memory_space<semaphore_mem>>) {add = true}
          %dma_wait3A_545 = arith.constant 0 : i32
          %dma_wait3A_546 = arith.constant 0 : i32
          %dma_wait3A_547 = tpu.memref_slice %arg9[%dma_wait3A_545, %dma_wait3A_546] : memref<128x128xf32, #tpu.memory_space<vmem>> -> memref<16x128xf32, #tpu.memory_space<vmem>>
          %dma_wait3A_548 = arith.constant 0 : i32
          %dma_wait3A_549 = arith.constant 0 : i32
          %dma_wait3A_550 = tpu.memref_slice %arg10[%dma_wait3A_548, %dma_wait3A_549] : memref<10240x128xf32, #tpu.memory_space<vmem_shared>> -> memref<10240x128xf32, #tpu.memory_space<vmem_shared>>
          tpu.wait_indirect_dma semaphore(%arg12 : memref<!tpu.dma_semaphore, #tpu.memory_space<semaphore_mem>>) src(%dma_wait3A_547 : memref<16x128xf32, #tpu.memory_space<vmem>>) dst(%dma_wait3A_550 : memref<10240x128xf32, #tpu.memory_space<vmem_shared>>)
        }
      } else {
      }
      %get3A_342 = arith.index_cast %scan3A_81 : i32 to index
      %get3A_343 = arith.constant 16 : index
      %get3A_344 = tpu.vector_load %arg8[%get3A_342, %get3A_343] {strides = array<i32>} : memref<80x128xi32, #tpu.memory_space<vmem>>, vector<1x16xi32>,
      %get3A_345 = vector.shape_cast %get3A_344 : vector<1x16xi32> to vector<16xi32>
      %and3A_346 = arith.constant 16383 : i32
      %and3A_347 = vector.broadcast %and3A_346 : i32 to vector<16xi32>
      %and3A_348 = arith.andi %get3A_345, %and3A_347 : vector<16xi32>
      %shift_right_arithmetic3A_349 = arith.constant 14 : i32
      %shift_right_arithmetic3A_350 = vector.broadcast %shift_right_arithmetic3A_349 : i32 to vector<16xi32>
      %shift_right_arithmetic3A_351 = arith.shrsi %get3A_345, %shift_right_arithmetic3A_350 : vector<16xi32>
      %and3A_352 = arith.constant 15 : i32
      %and3A_353 = vector.broadcast %and3A_352 : i32 to vector<16xi32>
      %and3A_354 = arith.andi %shift_right_arithmetic3A_351, %and3A_353 : vector<16xi32>
      %shift_right_arithmetic3A_355 = arith.constant 18 : i32
      %shift_right_arithmetic3A_356 = vector.broadcast %shift_right_arithmetic3A_355 : i32 to vector<16xi32>
      %shift_right_arithmetic3A_357 = arith.shrsi %get3A_345, %shift_right_arithmetic3A_356 : vector<16xi32>
      %and3A_358 = arith.constant 15 : i32
      %and3A_359 = vector.broadcast %and3A_358 : i32 to vector<16xi32>
      %and3A_360 = arith.andi %shift_right_arithmetic3A_357, %and3A_359 : vector<16xi32>
      %slice3A_361 = vector.extract_strided_slice %and3A_360 {offsets = [0], sizes = [1], strides = [1]} : vector<16xi32> to vector<1xi32>
      %squeeze3A_362 = vector.extract %slice3A_361[0] : i32 from vector<1xi32>
      %gt3A_363 = arith.constant 0 : i32
      %gt3A_364 = arith.cmpi sgt, %squeeze3A_362, %gt3A_363 : i32
      %convert_element_type3A_365 = arith.extui %gt3A_364 : i1 to i32
      %cond3A_366 = arith.constant 0 : i32
      %cond3A_367 = arith.cmpi ne, %convert_element_type3A_365, %cond3A_366 : i32
      scf.if %cond3A_367 {
        %add3A_524 = arith.constant 1 : i32
        %add3A_525 = arith.addi %squeeze3A_362, %add3A_524 : i32
        %while3A = arith.constant 0 : i32
        %while3A_526 = arith.constant 1 : i32
        %while3A_527 = arith.subi %add3A_525, %while3A_526 : i32
        %while3A_528 = arith.addi %while3A_526, %while3A_527 : i32
        %while3A_529 = arith.constant 1 : i32
        %while3A_530 = arith.divsi %while3A_527, %while3A_529 : i32
        %while3A_531 = arith.muli %while3A_530, %while3A_529 : i32
        %while3A_532 = arith.addi %while3A_526, %while3A_531 : i32
        %while3A_533 = arith.constant 1 : i32
        scf.for %while3A_535 = %while3A_526 to %while3A_532 step %while3A_533  : i32 {
          %eq3A_536 = vector.broadcast %while3A_535 : i32 to vector<16xi32>
          %eq3A_537 = arith.cmpi eq, %and3A_354, %eq3A_536 : vector<16xi32>
          %select_n3A_538 = arith.select %eq3A_537, %and3A_348, %add3A_42 : vector<16xi1>, vector<16xi32>
          %dma_start3A_539 = arith.constant 16 : i32
          %dma_start3A_540 = arith.constant 0 : i32
          %dma_start3A_541 = tpu.memref_slice %arg9[%dma_start3A_539, %dma_start3A_540] : memref<128x128xf32, #tpu.memory_space<vmem>> -> memref<16x128xf32, #tpu.memory_space<vmem>>
          %dma_start3A_542 = arith.constant 0 : i32
          %dma_start3A_543 = arith.constant 0 : i32
          %dma_start3A_544 = tpu.memref_slice %arg10[%dma_start3A_542, %dma_start3A_543] : memref<10240x128xf32, #tpu.memory_space<vmem_shared>> -> memref<10240x128xf32, #tpu.memory_space<vmem_shared>>
          tpu.enqueue_indirect_dma source(%dma_start3A_541 : memref<16x128xf32, #tpu.memory_space<vmem>>) target(%dma_start3A_544 : memref<10240x128xf32, #tpu.memory_space<vmem_shared>>) offsets(%select_n3A_538 : vector<16xi32>) semaphore(%arg12 : memref<!tpu.dma_semaphore, #tpu.memory_space<semaphore_mem>>) {add = true}
          %dma_wait3A_545 = arith.constant 16 : i32
          %dma_wait3A_546 = arith.constant 0 : i32
          %dma_wait3A_547 = tpu.memref_slice %arg9[%dma_wait3A_545, %dma_wait3A_546] : memref<128x128xf32, #tpu.memory_space<vmem>> -> memref<16x128xf32, #tpu.memory_space<vmem>>
          %dma_wait3A_548 = arith.constant 0 : i32
          %dma_wait3A_549 = arith.constant 0 : i32
          %dma_wait3A_550 = tpu.memref_slice %arg10[%dma_wait3A_548, %dma_wait3A_549] : memref<10240x128xf32, #tpu.memory_space<vmem_shared>> -> memref<10240x128xf32, #tpu.memory_space<vmem_shared>>
          tpu.wait_indirect_dma semaphore(%arg12 : memref<!tpu.dma_semaphore, #tpu.memory_space<semaphore_mem>>) src(%dma_wait3A_547 : memref<16x128xf32, #tpu.memory_space<vmem>>) dst(%dma_wait3A_550 : memref<10240x128xf32, #tpu.memory_space<vmem_shared>>)
        }
        %while3A_534 = arith.constant 1 : i32
        scf.for %while3A_535 = %while3A_532 to %while3A_528 step %while3A_534  : i32 {
          %eq3A_536 = vector.broadcast %while3A_535 : i32 to vector<16xi32>
          %eq3A_537 = arith.cmpi eq, %and3A_354, %eq3A_536 : vector<16xi32>
          %select_n3A_538 = arith.select %eq3A_537, %and3A_348, %add3A_42 : vector<16xi1>, vector<16xi32>
          %dma_start3A_539 = arith.constant 16 : i32
          %dma_start3A_540 = arith.constant 0 : i32
          %dma_start3A_541 = tpu.memref_slice %arg9[%dma_start3A_539, %dma_start3A_540] : memref<128x128xf32, #tpu.memory_space<vmem>> -> memref<16x128xf32, #tpu.memory_space<vmem>>
          %dma_start3A_542 = arith.constant 0 : i32
          %dma_start3A_543 = arith.constant 0 : i32
          %dma_start3A_544 = tpu.memref_slice %arg10[%dma_start3A_542, %dma_start3A_543] : memref<10240x128xf32, #tpu.memory_space<vmem_shared>> -> memref<10240x128xf32, #tpu.memory_space<vmem_shared>>
          tpu.enqueue_indirect_dma source(%dma_start3A_541 : memref<16x128xf32, #tpu.memory_space<vmem>>) target(%dma_start3A_544 : memref<10240x128xf32, #tpu.memory_space<vmem_shared>>) offsets(%select_n3A_538 : vector<16xi32>) semaphore(%arg12 : memref<!tpu.dma_semaphore, #tpu.memory_space<semaphore_mem>>) {add = true}
          %dma_wait3A_545 = arith.constant 16 : i32
          %dma_wait3A_546 = arith.constant 0 : i32
          %dma_wait3A_547 = tpu.memref_slice %arg9[%dma_wait3A_545, %dma_wait3A_546] : memref<128x128xf32, #tpu.memory_space<vmem>> -> memref<16x128xf32, #tpu.memory_space<vmem>>
          %dma_wait3A_548 = arith.constant 0 : i32
          %dma_wait3A_549 = arith.constant 0 : i32
          %dma_wait3A_550 = tpu.memref_slice %arg10[%dma_wait3A_548, %dma_wait3A_549] : memref<10240x128xf32, #tpu.memory_space<vmem_shared>> -> memref<10240x128xf32, #tpu.memory_space<vmem_shared>>
          tpu.wait_indirect_dma semaphore(%arg12 : memref<!tpu.dma_semaphore, #tpu.memory_space<semaphore_mem>>) src(%dma_wait3A_547 : memref<16x128xf32, #tpu.memory_space<vmem>>) dst(%dma_wait3A_550 : memref<10240x128xf32, #tpu.memory_space<vmem_shared>>)
        }
      } else {
      }
      %get3A_368 = arith.index_cast %scan3A_81 : i32 to index
      %get3A_369 = arith.constant 32 : index
      %get3A_370 = tpu.vector_load %arg8[%get3A_368, %get3A_369] {strides = array<i32>} : memref<80x128xi32, #tpu.memory_space<vmem>>, vector<1x16xi32>,
      %get3A_371 = vector.shape_cast %get3A_370 : vector<1x16xi32> to vector<16xi32>
      %and3A_372 = arith.constant 16383 : i32
      %and3A_373 = vector.broadcast %and3A_372 : i32 to vector<16xi32>
      %and3A_374 = arith.andi %get3A_371, %and3A_373 : vector<16xi32>
      %shift_right_arithmetic3A_375 = arith.constant 14 : i32
      %shift_right_arithmetic3A_376 = vector.broadcast %shift_right_arithmetic3A_375 : i32 to vector<16xi32>
      %shift_right_arithmetic3A_377 = arith.shrsi %get3A_371, %shift_right_arithmetic3A_376 : vector<16xi32>
      %and3A_378 = arith.constant 15 : i32
      %and3A_379 = vector.broadcast %and3A_378 : i32 to vector<16xi32>
      %and3A_380 = arith.andi %shift_right_arithmetic3A_377, %and3A_379 : vector<16xi32>
      %shift_right_arithmetic3A_381 = arith.constant 18 : i32
      %shift_right_arithmetic3A_382 = vector.broadcast %shift_right_arithmetic3A_381 : i32 to vector<16xi32>
      %shift_right_arithmetic3A_383 = arith.shrsi %get3A_371, %shift_right_arithmetic3A_382 : vector<16xi32>
      %and3A_384 = arith.constant 15 : i32
      %and3A_385 = vector.broadcast %and3A_384 : i32 to vector<16xi32>
      %and3A_386 = arith.andi %shift_right_arithmetic3A_383, %and3A_385 : vector<16xi32>
      %slice3A_387 = vector.extract_strided_slice %and3A_386 {offsets = [0], sizes = [1], strides = [1]} : vector<16xi32> to vector<1xi32>
      %squeeze3A_388 = vector.extract %slice3A_387[0] : i32 from vector<1xi32>
      %gt3A_389 = arith.constant 0 : i32
      %gt3A_390 = arith.cmpi sgt, %squeeze3A_388, %gt3A_389 : i32
      %convert_element_type3A_391 = arith.extui %gt3A_390 : i1 to i32
      %cond3A_392 = arith.constant 0 : i32
      %cond3A_393 = arith.cmpi ne, %convert_element_type3A_391, %cond3A_392 : i32
      scf.if %cond3A_393 {
        %add3A_524 = arith.constant 1 : i32
        %add3A_525 = arith.addi %squeeze3A_388, %add3A_524 : i32
        %while3A = arith.constant 0 : i32
        %while3A_526 = arith.constant 1 : i32
        %while3A_527 = arith.subi %add3A_525, %while3A_526 : i32
        %while3A_528 = arith.addi %while3A_526, %while3A_527 : i32
        %while3A_529 = arith.constant 1 : i32
        %while3A_530 = arith.divsi %while3A_527, %while3A_529 : i32
        %while3A_531 = arith.muli %while3A_530, %while3A_529 : i32
        %while3A_532 = arith.addi %while3A_526, %while3A_531 : i32
        %while3A_533 = arith.constant 1 : i32
        scf.for %while3A_535 = %while3A_526 to %while3A_532 step %while3A_533  : i32 {
          %eq3A_536 = vector.broadcast %while3A_535 : i32 to vector<16xi32>
          %eq3A_537 = arith.cmpi eq, %and3A_380, %eq3A_536 : vector<16xi32>
          %select_n3A_538 = arith.select %eq3A_537, %and3A_374, %add3A_45 : vector<16xi1>, vector<16xi32>
          %dma_start3A_539 = arith.constant 32 : i32
          %dma_start3A_540 = arith.constant 0 : i32
          %dma_start3A_541 = tpu.memref_slice %arg9[%dma_start3A_539, %dma_start3A_540] : memref<128x128xf32, #tpu.memory_space<vmem>> -> memref<16x128xf32, #tpu.memory_space<vmem>>
          %dma_start3A_542 = arith.constant 0 : i32
          %dma_start3A_543 = arith.constant 0 : i32
          %dma_start3A_544 = tpu.memref_slice %arg10[%dma_start3A_542, %dma_start3A_543] : memref<10240x128xf32, #tpu.memory_space<vmem_shared>> -> memref<10240x128xf32, #tpu.memory_space<vmem_shared>>
          tpu.enqueue_indirect_dma source(%dma_start3A_541 : memref<16x128xf32, #tpu.memory_space<vmem>>) target(%dma_start3A_544 : memref<10240x128xf32, #tpu.memory_space<vmem_shared>>) offsets(%select_n3A_538 : vector<16xi32>) semaphore(%arg12 : memref<!tpu.dma_semaphore, #tpu.memory_space<semaphore_mem>>) {add = true}
          %dma_wait3A_545 = arith.constant 32 : i32
          %dma_wait3A_546 = arith.constant 0 : i32
          %dma_wait3A_547 = tpu.memref_slice %arg9[%dma_wait3A_545, %dma_wait3A_546] : memref<128x128xf32, #tpu.memory_space<vmem>> -> memref<16x128xf32, #tpu.memory_space<vmem>>
          %dma_wait3A_548 = arith.constant 0 : i32
          %dma_wait3A_549 = arith.constant 0 : i32
          %dma_wait3A_550 = tpu.memref_slice %arg10[%dma_wait3A_548, %dma_wait3A_549] : memref<10240x128xf32, #tpu.memory_space<vmem_shared>> -> memref<10240x128xf32, #tpu.memory_space<vmem_shared>>
          tpu.wait_indirect_dma semaphore(%arg12 : memref<!tpu.dma_semaphore, #tpu.memory_space<semaphore_mem>>) src(%dma_wait3A_547 : memref<16x128xf32, #tpu.memory_space<vmem>>) dst(%dma_wait3A_550 : memref<10240x128xf32, #tpu.memory_space<vmem_shared>>)
        }
        %while3A_534 = arith.constant 1 : i32
        scf.for %while3A_535 = %while3A_532 to %while3A_528 step %while3A_534  : i32 {
          %eq3A_536 = vector.broadcast %while3A_535 : i32 to vector<16xi32>
          %eq3A_537 = arith.cmpi eq, %and3A_380, %eq3A_536 : vector<16xi32>
          %select_n3A_538 = arith.select %eq3A_537, %and3A_374, %add3A_45 : vector<16xi1>, vector<16xi32>
          %dma_start3A_539 = arith.constant 32 : i32
          %dma_start3A_540 = arith.constant 0 : i32
          %dma_start3A_541 = tpu.memref_slice %arg9[%dma_start3A_539, %dma_start3A_540] : memref<128x128xf32, #tpu.memory_space<vmem>> -> memref<16x128xf32, #tpu.memory_space<vmem>>
          %dma_start3A_542 = arith.constant 0 : i32
          %dma_start3A_543 = arith.constant 0 : i32
          %dma_start3A_544 = tpu.memref_slice %arg10[%dma_start3A_542, %dma_start3A_543] : memref<10240x128xf32, #tpu.memory_space<vmem_shared>> -> memref<10240x128xf32, #tpu.memory_space<vmem_shared>>
          tpu.enqueue_indirect_dma source(%dma_start3A_541 : memref<16x128xf32, #tpu.memory_space<vmem>>) target(%dma_start3A_544 : memref<10240x128xf32, #tpu.memory_space<vmem_shared>>) offsets(%select_n3A_538 : vector<16xi32>) semaphore(%arg12 : memref<!tpu.dma_semaphore, #tpu.memory_space<semaphore_mem>>) {add = true}
          %dma_wait3A_545 = arith.constant 32 : i32
          %dma_wait3A_546 = arith.constant 0 : i32
          %dma_wait3A_547 = tpu.memref_slice %arg9[%dma_wait3A_545, %dma_wait3A_546] : memref<128x128xf32, #tpu.memory_space<vmem>> -> memref<16x128xf32, #tpu.memory_space<vmem>>
          %dma_wait3A_548 = arith.constant 0 : i32
          %dma_wait3A_549 = arith.constant 0 : i32
          %dma_wait3A_550 = tpu.memref_slice %arg10[%dma_wait3A_548, %dma_wait3A_549] : memref<10240x128xf32, #tpu.memory_space<vmem_shared>> -> memref<10240x128xf32, #tpu.memory_space<vmem_shared>>
          tpu.wait_indirect_dma semaphore(%arg12 : memref<!tpu.dma_semaphore, #tpu.memory_space<semaphore_mem>>) src(%dma_wait3A_547 : memref<16x128xf32, #tpu.memory_space<vmem>>) dst(%dma_wait3A_550 : memref<10240x128xf32, #tpu.memory_space<vmem_shared>>)
        }
      } else {
      }
      %get3A_394 = arith.index_cast %scan3A_81 : i32 to index
      %get3A_395 = arith.constant 48 : index
      %get3A_396 = tpu.vector_load %arg8[%get3A_394, %get3A_395] {strides = array<i32>} : memref<80x128xi32, #tpu.memory_space<vmem>>, vector<1x16xi32>,
      %get3A_397 = vector.shape_cast %get3A_396 : vector<1x16xi32> to vector<16xi32>
      %and3A_398 = arith.constant 16383 : i32
      %and3A_399 = vector.broadcast %and3A_398 : i32 to vector<16xi32>
      %and3A_400 = arith.andi %get3A_397, %and3A_399 : vector<16xi32>
      %shift_right_arithmetic3A_401 = arith.constant 14 : i32
      %shift_right_arithmetic3A_402 = vector.broadcast %shift_right_arithmetic3A_401 : i32 to vector<16xi32>
      %shift_right_arithmetic3A_403 = arith.shrsi %get3A_397, %shift_right_arithmetic3A_402 : vector<16xi32>
      %and3A_404 = arith.constant 15 : i32
      %and3A_405 = vector.broadcast %and3A_404 : i32 to vector<16xi32>
      %and3A_406 = arith.andi %shift_right_arithmetic3A_403, %and3A_405 : vector<16xi32>
      %shift_right_arithmetic3A_407 = arith.constant 18 : i32
      %shift_right_arithmetic3A_408 = vector.broadcast %shift_right_arithmetic3A_407 : i32 to vector<16xi32>
      %shift_right_arithmetic3A_409 = arith.shrsi %get3A_397, %shift_right_arithmetic3A_408 : vector<16xi32>
      %and3A_410 = arith.constant 15 : i32
      %and3A_411 = vector.broadcast %and3A_410 : i32 to vector<16xi32>
      %and3A_412 = arith.andi %shift_right_arithmetic3A_409, %and3A_411 : vector<16xi32>
      %slice3A_413 = vector.extract_strided_slice %and3A_412 {offsets = [0], sizes = [1], strides = [1]} : vector<16xi32> to vector<1xi32>
      %squeeze3A_414 = vector.extract %slice3A_413[0] : i32 from vector<1xi32>
      %gt3A_415 = arith.constant 0 : i32
      %gt3A_416 = arith.cmpi sgt, %squeeze3A_414, %gt3A_415 : i32
      %convert_element_type3A_417 = arith.extui %gt3A_416 : i1 to i32
      %cond3A_418 = arith.constant 0 : i32
      %cond3A_419 = arith.cmpi ne, %convert_element_type3A_417, %cond3A_418 : i32
      scf.if %cond3A_419 {
        %add3A_524 = arith.constant 1 : i32
        %add3A_525 = arith.addi %squeeze3A_414, %add3A_524 : i32
        %while3A = arith.constant 0 : i32
        %while3A_526 = arith.constant 1 : i32
        %while3A_527 = arith.subi %add3A_525, %while3A_526 : i32
        %while3A_528 = arith.addi %while3A_526, %while3A_527 : i32
        %while3A_529 = arith.constant 1 : i32
        %while3A_530 = arith.divsi %while3A_527, %while3A_529 : i32
        %while3A_531 = arith.muli %while3A_530, %while3A_529 : i32
        %while3A_532 = arith.addi %while3A_526, %while3A_531 : i32
        %while3A_533 = arith.constant 1 : i32
        scf.for %while3A_535 = %while3A_526 to %while3A_532 step %while3A_533  : i32 {
          %eq3A_536 = vector.broadcast %while3A_535 : i32 to vector<16xi32>
          %eq3A_537 = arith.cmpi eq, %and3A_406, %eq3A_536 : vector<16xi32>
          %select_n3A_538 = arith.select %eq3A_537, %and3A_400, %add3A_48 : vector<16xi1>, vector<16xi32>
          %dma_start3A_539 = arith.constant 48 : i32
          %dma_start3A_540 = arith.constant 0 : i32
          %dma_start3A_541 = tpu.memref_slice %arg9[%dma_start3A_539, %dma_start3A_540] : memref<128x128xf32, #tpu.memory_space<vmem>> -> memref<16x128xf32, #tpu.memory_space<vmem>>
          %dma_start3A_542 = arith.constant 0 : i32
          %dma_start3A_543 = arith.constant 0 : i32
          %dma_start3A_544 = tpu.memref_slice %arg10[%dma_start3A_542, %dma_start3A_543] : memref<10240x128xf32, #tpu.memory_space<vmem_shared>> -> memref<10240x128xf32, #tpu.memory_space<vmem_shared>>
          tpu.enqueue_indirect_dma source(%dma_start3A_541 : memref<16x128xf32, #tpu.memory_space<vmem>>) target(%dma_start3A_544 : memref<10240x128xf32, #tpu.memory_space<vmem_shared>>) offsets(%select_n3A_538 : vector<16xi32>) semaphore(%arg12 : memref<!tpu.dma_semaphore, #tpu.memory_space<semaphore_mem>>) {add = true}
          %dma_wait3A_545 = arith.constant 48 : i32
          %dma_wait3A_546 = arith.constant 0 : i32
          %dma_wait3A_547 = tpu.memref_slice %arg9[%dma_wait3A_545, %dma_wait3A_546] : memref<128x128xf32, #tpu.memory_space<vmem>> -> memref<16x128xf32, #tpu.memory_space<vmem>>
          %dma_wait3A_548 = arith.constant 0 : i32
          %dma_wait3A_549 = arith.constant 0 : i32
          %dma_wait3A_550 = tpu.memref_slice %arg10[%dma_wait3A_548, %dma_wait3A_549] : memref<10240x128xf32, #tpu.memory_space<vmem_shared>> -> memref<10240x128xf32, #tpu.memory_space<vmem_shared>>
          tpu.wait_indirect_dma semaphore(%arg12 : memref<!tpu.dma_semaphore, #tpu.memory_space<semaphore_mem>>) src(%dma_wait3A_547 : memref<16x128xf32, #tpu.memory_space<vmem>>) dst(%dma_wait3A_550 : memref<10240x128xf32, #tpu.memory_space<vmem_shared>>)
        }
        %while3A_534 = arith.constant 1 : i32
        scf.for %while3A_535 = %while3A_532 to %while3A_528 step %while3A_534  : i32 {
          %eq3A_536 = vector.broadcast %while3A_535 : i32 to vector<16xi32>
          %eq3A_537 = arith.cmpi eq, %and3A_406, %eq3A_536 : vector<16xi32>
          %select_n3A_538 = arith.select %eq3A_537, %and3A_400, %add3A_48 : vector<16xi1>, vector<16xi32>
          %dma_start3A_539 = arith.constant 48 : i32
          %dma_start3A_540 = arith.constant 0 : i32
          %dma_start3A_541 = tpu.memref_slice %arg9[%dma_start3A_539, %dma_start3A_540] : memref<128x128xf32, #tpu.memory_space<vmem>> -> memref<16x128xf32, #tpu.memory_space<vmem>>
          %dma_start3A_542 = arith.constant 0 : i32
          %dma_start3A_543 = arith.constant 0 : i32
          %dma_start3A_544 = tpu.memref_slice %arg10[%dma_start3A_542, %dma_start3A_543] : memref<10240x128xf32, #tpu.memory_space<vmem_shared>> -> memref<10240x128xf32, #tpu.memory_space<vmem_shared>>
          tpu.enqueue_indirect_dma source(%dma_start3A_541 : memref<16x128xf32, #tpu.memory_space<vmem>>) target(%dma_start3A_544 : memref<10240x128xf32, #tpu.memory_space<vmem_shared>>) offsets(%select_n3A_538 : vector<16xi32>) semaphore(%arg12 : memref<!tpu.dma_semaphore, #tpu.memory_space<semaphore_mem>>) {add = true}
          %dma_wait3A_545 = arith.constant 48 : i32
          %dma_wait3A_546 = arith.constant 0 : i32
          %dma_wait3A_547 = tpu.memref_slice %arg9[%dma_wait3A_545, %dma_wait3A_546] : memref<128x128xf32, #tpu.memory_space<vmem>> -> memref<16x128xf32, #tpu.memory_space<vmem>>
          %dma_wait3A_548 = arith.constant 0 : i32
          %dma_wait3A_549 = arith.constant 0 : i32
          %dma_wait3A_550 = tpu.memref_slice %arg10[%dma_wait3A_548, %dma_wait3A_549] : memref<10240x128xf32, #tpu.memory_space<vmem_shared>> -> memref<10240x128xf32, #tpu.memory_space<vmem_shared>>
          tpu.wait_indirect_dma semaphore(%arg12 : memref<!tpu.dma_semaphore, #tpu.memory_space<semaphore_mem>>) src(%dma_wait3A_547 : memref<16x128xf32, #tpu.memory_space<vmem>>) dst(%dma_wait3A_550 : memref<10240x128xf32, #tpu.memory_space<vmem_shared>>)
        }
      } else {
      }
      %get3A_420 = arith.index_cast %scan3A_81 : i32 to index
      %get3A_421 = arith.constant 64 : index
      %get3A_422 = tpu.vector_load %arg8[%get3A_420, %get3A_421] {strides = array<i32>} : memref<80x128xi32, #tpu.memory_space<vmem>>, vector<1x16xi32>,
      %get3A_423 = vector.shape_cast %get3A_422 : vector<1x16xi32> to vector<16xi32>
      %and3A_424 = arith.constant 16383 : i32
      %and3A_425 = vector.broadcast %and3A_424 : i32 to vector<16xi32>
      %and3A_426 = arith.andi %get3A_423, %and3A_425 : vector<16xi32>
      %shift_right_arithmetic3A_427 = arith.constant 14 : i32
      %shift_right_arithmetic3A_428 = vector.broadcast %shift_right_arithmetic3A_427 : i32 to vector<16xi32>
      %shift_right_arithmetic3A_429 = arith.shrsi %get3A_423, %shift_right_arithmetic3A_428 : vector<16xi32>
      %and3A_430 = arith.constant 15 : i32
      %and3A_431 = vector.broadcast %and3A_430 : i32 to vector<16xi32>
      %and3A_432 = arith.andi %shift_right_arithmetic3A_429, %and3A_431 : vector<16xi32>
      %shift_right_arithmetic3A_433 = arith.constant 18 : i32
      %shift_right_arithmetic3A_434 = vector.broadcast %shift_right_arithmetic3A_433 : i32 to vector<16xi32>
      %shift_right_arithmetic3A_435 = arith.shrsi %get3A_423, %shift_right_arithmetic3A_434 : vector<16xi32>
      %and3A_436 = arith.constant 15 : i32
      %and3A_437 = vector.broadcast %and3A_436 : i32 to vector<16xi32>
      %and3A_438 = arith.andi %shift_right_arithmetic3A_435, %and3A_437 : vector<16xi32>
      %slice3A_439 = vector.extract_strided_slice %and3A_438 {offsets = [0], sizes = [1], strides = [1]} : vector<16xi32> to vector<1xi32>
      %squeeze3A_440 = vector.extract %slice3A_439[0] : i32 from vector<1xi32>
      %gt3A_441 = arith.constant 0 : i32
      %gt3A_442 = arith.cmpi sgt, %squeeze3A_440, %gt3A_441 : i32
      %convert_element_type3A_443 = arith.extui %gt3A_442 : i1 to i32
      %cond3A_444 = arith.constant 0 : i32
      %cond3A_445 = arith.cmpi ne, %convert_element_type3A_443, %cond3A_444 : i32
      scf.if %cond3A_445 {
        %add3A_524 = arith.constant 1 : i32
        %add3A_525 = arith.addi %squeeze3A_440, %add3A_524 : i32
        %while3A = arith.constant 0 : i32
        %while3A_526 = arith.constant 1 : i32
        %while3A_527 = arith.subi %add3A_525, %while3A_526 : i32
        %while3A_528 = arith.addi %while3A_526, %while3A_527 : i32
        %while3A_529 = arith.constant 1 : i32
        %while3A_530 = arith.divsi %while3A_527, %while3A_529 : i32
        %while3A_531 = arith.muli %while3A_530, %while3A_529 : i32
        %while3A_532 = arith.addi %while3A_526, %while3A_531 : i32
        %while3A_533 = arith.constant 1 : i32
        scf.for %while3A_535 = %while3A_526 to %while3A_532 step %while3A_533  : i32 {
          %eq3A_536 = vector.broadcast %while3A_535 : i32 to vector<16xi32>
          %eq3A_537 = arith.cmpi eq, %and3A_432, %eq3A_536 : vector<16xi32>
          %select_n3A_538 = arith.select %eq3A_537, %and3A_426, %add3A_51 : vector<16xi1>, vector<16xi32>
          %dma_start3A_539 = arith.constant 64 : i32
          %dma_start3A_540 = arith.constant 0 : i32
          %dma_start3A_541 = tpu.memref_slice %arg9[%dma_start3A_539, %dma_start3A_540] : memref<128x128xf32, #tpu.memory_space<vmem>> -> memref<16x128xf32, #tpu.memory_space<vmem>>
          %dma_start3A_542 = arith.constant 0 : i32
          %dma_start3A_543 = arith.constant 0 : i32
          %dma_start3A_544 = tpu.memref_slice %arg10[%dma_start3A_542, %dma_start3A_543] : memref<10240x128xf32, #tpu.memory_space<vmem_shared>> -> memref<10240x128xf32, #tpu.memory_space<vmem_shared>>
          tpu.enqueue_indirect_dma source(%dma_start3A_541 : memref<16x128xf32, #tpu.memory_space<vmem>>) target(%dma_start3A_544 : memref<10240x128xf32, #tpu.memory_space<vmem_shared>>) offsets(%select_n3A_538 : vector<16xi32>) semaphore(%arg12 : memref<!tpu.dma_semaphore, #tpu.memory_space<semaphore_mem>>) {add = true}
          %dma_wait3A_545 = arith.constant 64 : i32
          %dma_wait3A_546 = arith.constant 0 : i32
          %dma_wait3A_547 = tpu.memref_slice %arg9[%dma_wait3A_545, %dma_wait3A_546] : memref<128x128xf32, #tpu.memory_space<vmem>> -> memref<16x128xf32, #tpu.memory_space<vmem>>
          %dma_wait3A_548 = arith.constant 0 : i32
          %dma_wait3A_549 = arith.constant 0 : i32
          %dma_wait3A_550 = tpu.memref_slice %arg10[%dma_wait3A_548, %dma_wait3A_549] : memref<10240x128xf32, #tpu.memory_space<vmem_shared>> -> memref<10240x128xf32, #tpu.memory_space<vmem_shared>>
          tpu.wait_indirect_dma semaphore(%arg12 : memref<!tpu.dma_semaphore, #tpu.memory_space<semaphore_mem>>) src(%dma_wait3A_547 : memref<16x128xf32, #tpu.memory_space<vmem>>) dst(%dma_wait3A_550 : memref<10240x128xf32, #tpu.memory_space<vmem_shared>>)
        }
        %while3A_534 = arith.constant 1 : i32
        scf.for %while3A_535 = %while3A_532 to %while3A_528 step %while3A_534  : i32 {
          %eq3A_536 = vector.broadcast %while3A_535 : i32 to vector<16xi32>
          %eq3A_537 = arith.cmpi eq, %and3A_432, %eq3A_536 : vector<16xi32>
          %select_n3A_538 = arith.select %eq3A_537, %and3A_426, %add3A_51 : vector<16xi1>, vector<16xi32>
          %dma_start3A_539 = arith.constant 64 : i32
          %dma_start3A_540 = arith.constant 0 : i32
          %dma_start3A_541 = tpu.memref_slice %arg9[%dma_start3A_539, %dma_start3A_540] : memref<128x128xf32, #tpu.memory_space<vmem>> -> memref<16x128xf32, #tpu.memory_space<vmem>>
          %dma_start3A_542 = arith.constant 0 : i32
          %dma_start3A_543 = arith.constant 0 : i32
          %dma_start3A_544 = tpu.memref_slice %arg10[%dma_start3A_542, %dma_start3A_543] : memref<10240x128xf32, #tpu.memory_space<vmem_shared>> -> memref<10240x128xf32, #tpu.memory_space<vmem_shared>>
          tpu.enqueue_indirect_dma source(%dma_start3A_541 : memref<16x128xf32, #tpu.memory_space<vmem>>) target(%dma_start3A_544 : memref<10240x128xf32, #tpu.memory_space<vmem_shared>>) offsets(%select_n3A_538 : vector<16xi32>) semaphore(%arg12 : memref<!tpu.dma_semaphore, #tpu.memory_space<semaphore_mem>>) {add = true}
          %dma_wait3A_545 = arith.constant 64 : i32
          %dma_wait3A_546 = arith.constant 0 : i32
          %dma_wait3A_547 = tpu.memref_slice %arg9[%dma_wait3A_545, %dma_wait3A_546] : memref<128x128xf32, #tpu.memory_space<vmem>> -> memref<16x128xf32, #tpu.memory_space<vmem>>
          %dma_wait3A_548 = arith.constant 0 : i32
          %dma_wait3A_549 = arith.constant 0 : i32
          %dma_wait3A_550 = tpu.memref_slice %arg10[%dma_wait3A_548, %dma_wait3A_549] : memref<10240x128xf32, #tpu.memory_space<vmem_shared>> -> memref<10240x128xf32, #tpu.memory_space<vmem_shared>>
          tpu.wait_indirect_dma semaphore(%arg12 : memref<!tpu.dma_semaphore, #tpu.memory_space<semaphore_mem>>) src(%dma_wait3A_547 : memref<16x128xf32, #tpu.memory_space<vmem>>) dst(%dma_wait3A_550 : memref<10240x128xf32, #tpu.memory_space<vmem_shared>>)
        }
      } else {
      }
      %get3A_446 = arith.index_cast %scan3A_81 : i32 to index
      %get3A_447 = arith.constant 80 : index
      %get3A_448 = tpu.vector_load %arg8[%get3A_446, %get3A_447] {strides = array<i32>} : memref<80x128xi32, #tpu.memory_space<vmem>>, vector<1x16xi32>,
      %get3A_449 = vector.shape_cast %get3A_448 : vector<1x16xi32> to vector<16xi32>
      %and3A_450 = arith.constant 16383 : i32
      %and3A_451 = vector.broadcast %and3A_450 : i32 to vector<16xi32>
      %and3A_452 = arith.andi %get3A_449, %and3A_451 : vector<16xi32>
      %shift_right_arithmetic3A_453 = arith.constant 14 : i32
      %shift_right_arithmetic3A_454 = vector.broadcast %shift_right_arithmetic3A_453 : i32 to vector<16xi32>
      %shift_right_arithmetic3A_455 = arith.shrsi %get3A_449, %shift_right_arithmetic3A_454 : vector<16xi32>
      %and3A_456 = arith.constant 15 : i32
      %and3A_457 = vector.broadcast %and3A_456 : i32 to vector<16xi32>
      %and3A_458 = arith.andi %shift_right_arithmetic3A_455, %and3A_457 : vector<16xi32>
      %shift_right_arithmetic3A_459 = arith.constant 18 : i32
      %shift_right_arithmetic3A_460 = vector.broadcast %shift_right_arithmetic3A_459 : i32 to vector<16xi32>
      %shift_right_arithmetic3A_461 = arith.shrsi %get3A_449, %shift_right_arithmetic3A_460 : vector<16xi32>
      %and3A_462 = arith.constant 15 : i32
      %and3A_463 = vector.broadcast %and3A_462 : i32 to vector<16xi32>
      %and3A_464 = arith.andi %shift_right_arithmetic3A_461, %and3A_463 : vector<16xi32>
      %slice3A_465 = vector.extract_strided_slice %and3A_464 {offsets = [0], sizes = [1], strides = [1]} : vector<16xi32> to vector<1xi32>
      %squeeze3A_466 = vector.extract %slice3A_465[0] : i32 from vector<1xi32>
      %gt3A_467 = arith.constant 0 : i32
      %gt3A_468 = arith.cmpi sgt, %squeeze3A_466, %gt3A_467 : i32
      %convert_element_type3A_469 = arith.extui %gt3A_468 : i1 to i32
      %cond3A_470 = arith.constant 0 : i32
      %cond3A_471 = arith.cmpi ne, %convert_element_type3A_469, %cond3A_470 : i32
      scf.if %cond3A_471 {
        %add3A_524 = arith.constant 1 : i32
        %add3A_525 = arith.addi %squeeze3A_466, %add3A_524 : i32
        %while3A = arith.constant 0 : i32
        %while3A_526 = arith.constant 1 : i32
        %while3A_527 = arith.subi %add3A_525, %while3A_526 : i32
        %while3A_528 = arith.addi %while3A_526, %while3A_527 : i32
        %while3A_529 = arith.constant 1 : i32
        %while3A_530 = arith.divsi %while3A_527, %while3A_529 : i32
        %while3A_531 = arith.muli %while3A_530, %while3A_529 : i32
        %while3A_532 = arith.addi %while3A_526, %while3A_531 : i32
        %while3A_533 = arith.constant 1 : i32
        scf.for %while3A_535 = %while3A_526 to %while3A_532 step %while3A_533  : i32 {
          %eq3A_536 = vector.broadcast %while3A_535 : i32 to vector<16xi32>
          %eq3A_537 = arith.cmpi eq, %and3A_458, %eq3A_536 : vector<16xi32>
          %select_n3A_538 = arith.select %eq3A_537, %and3A_452, %add3A_54 : vector<16xi1>, vector<16xi32>
          %dma_start3A_539 = arith.constant 80 : i32
          %dma_start3A_540 = arith.constant 0 : i32
          %dma_start3A_541 = tpu.memref_slice %arg9[%dma_start3A_539, %dma_start3A_540] : memref<128x128xf32, #tpu.memory_space<vmem>> -> memref<16x128xf32, #tpu.memory_space<vmem>>
          %dma_start3A_542 = arith.constant 0 : i32
          %dma_start3A_543 = arith.constant 0 : i32
          %dma_start3A_544 = tpu.memref_slice %arg10[%dma_start3A_542, %dma_start3A_543] : memref<10240x128xf32, #tpu.memory_space<vmem_shared>> -> memref<10240x128xf32, #tpu.memory_space<vmem_shared>>
          tpu.enqueue_indirect_dma source(%dma_start3A_541 : memref<16x128xf32, #tpu.memory_space<vmem>>) target(%dma_start3A_544 : memref<10240x128xf32, #tpu.memory_space<vmem_shared>>) offsets(%select_n3A_538 : vector<16xi32>) semaphore(%arg12 : memref<!tpu.dma_semaphore, #tpu.memory_space<semaphore_mem>>) {add = true}
          %dma_wait3A_545 = arith.constant 80 : i32
          %dma_wait3A_546 = arith.constant 0 : i32
          %dma_wait3A_547 = tpu.memref_slice %arg9[%dma_wait3A_545, %dma_wait3A_546] : memref<128x128xf32, #tpu.memory_space<vmem>> -> memref<16x128xf32, #tpu.memory_space<vmem>>
          %dma_wait3A_548 = arith.constant 0 : i32
          %dma_wait3A_549 = arith.constant 0 : i32
          %dma_wait3A_550 = tpu.memref_slice %arg10[%dma_wait3A_548, %dma_wait3A_549] : memref<10240x128xf32, #tpu.memory_space<vmem_shared>> -> memref<10240x128xf32, #tpu.memory_space<vmem_shared>>
          tpu.wait_indirect_dma semaphore(%arg12 : memref<!tpu.dma_semaphore, #tpu.memory_space<semaphore_mem>>) src(%dma_wait3A_547 : memref<16x128xf32, #tpu.memory_space<vmem>>) dst(%dma_wait3A_550 : memref<10240x128xf32, #tpu.memory_space<vmem_shared>>)
        }
        %while3A_534 = arith.constant 1 : i32
        scf.for %while3A_535 = %while3A_532 to %while3A_528 step %while3A_534  : i32 {
          %eq3A_536 = vector.broadcast %while3A_535 : i32 to vector<16xi32>
          %eq3A_537 = arith.cmpi eq, %and3A_458, %eq3A_536 : vector<16xi32>
          %select_n3A_538 = arith.select %eq3A_537, %and3A_452, %add3A_54 : vector<16xi1>, vector<16xi32>
          %dma_start3A_539 = arith.constant 80 : i32
          %dma_start3A_540 = arith.constant 0 : i32
          %dma_start3A_541 = tpu.memref_slice %arg9[%dma_start3A_539, %dma_start3A_540] : memref<128x128xf32, #tpu.memory_space<vmem>> -> memref<16x128xf32, #tpu.memory_space<vmem>>
          %dma_start3A_542 = arith.constant 0 : i32
          %dma_start3A_543 = arith.constant 0 : i32
          %dma_start3A_544 = tpu.memref_slice %arg10[%dma_start3A_542, %dma_start3A_543] : memref<10240x128xf32, #tpu.memory_space<vmem_shared>> -> memref<10240x128xf32, #tpu.memory_space<vmem_shared>>
          tpu.enqueue_indirect_dma source(%dma_start3A_541 : memref<16x128xf32, #tpu.memory_space<vmem>>) target(%dma_start3A_544 : memref<10240x128xf32, #tpu.memory_space<vmem_shared>>) offsets(%select_n3A_538 : vector<16xi32>) semaphore(%arg12 : memref<!tpu.dma_semaphore, #tpu.memory_space<semaphore_mem>>) {add = true}
          %dma_wait3A_545 = arith.constant 80 : i32
          %dma_wait3A_546 = arith.constant 0 : i32
          %dma_wait3A_547 = tpu.memref_slice %arg9[%dma_wait3A_545, %dma_wait3A_546] : memref<128x128xf32, #tpu.memory_space<vmem>> -> memref<16x128xf32, #tpu.memory_space<vmem>>
          %dma_wait3A_548 = arith.constant 0 : i32
          %dma_wait3A_549 = arith.constant 0 : i32
          %dma_wait3A_550 = tpu.memref_slice %arg10[%dma_wait3A_548, %dma_wait3A_549] : memref<10240x128xf32, #tpu.memory_space<vmem_shared>> -> memref<10240x128xf32, #tpu.memory_space<vmem_shared>>
          tpu.wait_indirect_dma semaphore(%arg12 : memref<!tpu.dma_semaphore, #tpu.memory_space<semaphore_mem>>) src(%dma_wait3A_547 : memref<16x128xf32, #tpu.memory_space<vmem>>) dst(%dma_wait3A_550 : memref<10240x128xf32, #tpu.memory_space<vmem_shared>>)
        }
      } else {
      }
      %get3A_472 = arith.index_cast %scan3A_81 : i32 to index
      %get3A_473 = arith.constant 96 : index
      %get3A_474 = tpu.vector_load %arg8[%get3A_472, %get3A_473] {strides = array<i32>} : memref<80x128xi32, #tpu.memory_space<vmem>>, vector<1x16xi32>,
      %get3A_475 = vector.shape_cast %get3A_474 : vector<1x16xi32> to vector<16xi32>
      %and3A_476 = arith.constant 16383 : i32
      %and3A_477 = vector.broadcast %and3A_476 : i32 to vector<16xi32>
      %and3A_478 = arith.andi %get3A_475, %and3A_477 : vector<16xi32>
      %shift_right_arithmetic3A_479 = arith.constant 14 : i32
      %shift_right_arithmetic3A_480 = vector.broadcast %shift_right_arithmetic3A_479 : i32 to vector<16xi32>
      %shift_right_arithmetic3A_481 = arith.shrsi %get3A_475, %shift_right_arithmetic3A_480 : vector<16xi32>
      %and3A_482 = arith.constant 15 : i32
      %and3A_483 = vector.broadcast %and3A_482 : i32 to vector<16xi32>
      %and3A_484 = arith.andi %shift_right_arithmetic3A_481, %and3A_483 : vector<16xi32>
      %shift_right_arithmetic3A_485 = arith.constant 18 : i32
      %shift_right_arithmetic3A_486 = vector.broadcast %shift_right_arithmetic3A_485 : i32 to vector<16xi32>
      %shift_right_arithmetic3A_487 = arith.shrsi %get3A_475, %shift_right_arithmetic3A_486 : vector<16xi32>
      %and3A_488 = arith.constant 15 : i32
      %and3A_489 = vector.broadcast %and3A_488 : i32 to vector<16xi32>
      %and3A_490 = arith.andi %shift_right_arithmetic3A_487, %and3A_489 : vector<16xi32>
      %slice3A_491 = vector.extract_strided_slice %and3A_490 {offsets = [0], sizes = [1], strides = [1]} : vector<16xi32> to vector<1xi32>
      %squeeze3A_492 = vector.extract %slice3A_491[0] : i32 from vector<1xi32>
      %gt3A_493 = arith.constant 0 : i32
      %gt3A_494 = arith.cmpi sgt, %squeeze3A_492, %gt3A_493 : i32
      %convert_element_type3A_495 = arith.extui %gt3A_494 : i1 to i32
      %cond3A_496 = arith.constant 0 : i32
      %cond3A_497 = arith.cmpi ne, %convert_element_type3A_495, %cond3A_496 : i32
      scf.if %cond3A_497 {
        %add3A_524 = arith.constant 1 : i32
        %add3A_525 = arith.addi %squeeze3A_492, %add3A_524 : i32
        %while3A = arith.constant 0 : i32
        %while3A_526 = arith.constant 1 : i32
        %while3A_527 = arith.subi %add3A_525, %while3A_526 : i32
        %while3A_528 = arith.addi %while3A_526, %while3A_527 : i32
        %while3A_529 = arith.constant 1 : i32
        %while3A_530 = arith.divsi %while3A_527, %while3A_529 : i32
        %while3A_531 = arith.muli %while3A_530, %while3A_529 : i32
        %while3A_532 = arith.addi %while3A_526, %while3A_531 : i32
        %while3A_533 = arith.constant 1 : i32
        scf.for %while3A_535 = %while3A_526 to %while3A_532 step %while3A_533  : i32 {
          %eq3A_536 = vector.broadcast %while3A_535 : i32 to vector<16xi32>
          %eq3A_537 = arith.cmpi eq, %and3A_484, %eq3A_536 : vector<16xi32>
          %select_n3A_538 = arith.select %eq3A_537, %and3A_478, %add3A_57 : vector<16xi1>, vector<16xi32>
          %dma_start3A_539 = arith.constant 96 : i32
          %dma_start3A_540 = arith.constant 0 : i32
          %dma_start3A_541 = tpu.memref_slice %arg9[%dma_start3A_539, %dma_start3A_540] : memref<128x128xf32, #tpu.memory_space<vmem>> -> memref<16x128xf32, #tpu.memory_space<vmem>>
          %dma_start3A_542 = arith.constant 0 : i32
          %dma_start3A_543 = arith.constant 0 : i32
          %dma_start3A_544 = tpu.memref_slice %arg10[%dma_start3A_542, %dma_start3A_543] : memref<10240x128xf32, #tpu.memory_space<vmem_shared>> -> memref<10240x128xf32, #tpu.memory_space<vmem_shared>>
          tpu.enqueue_indirect_dma source(%dma_start3A_541 : memref<16x128xf32, #tpu.memory_space<vmem>>) target(%dma_start3A_544 : memref<10240x128xf32, #tpu.memory_space<vmem_shared>>) offsets(%select_n3A_538 : vector<16xi32>) semaphore(%arg12 : memref<!tpu.dma_semaphore, #tpu.memory_space<semaphore_mem>>) {add = true}
          %dma_wait3A_545 = arith.constant 96 : i32
          %dma_wait3A_546 = arith.constant 0 : i32
          %dma_wait3A_547 = tpu.memref_slice %arg9[%dma_wait3A_545, %dma_wait3A_546] : memref<128x128xf32, #tpu.memory_space<vmem>> -> memref<16x128xf32, #tpu.memory_space<vmem>>
          %dma_wait3A_548 = arith.constant 0 : i32
          %dma_wait3A_549 = arith.constant 0 : i32
          %dma_wait3A_550 = tpu.memref_slice %arg10[%dma_wait3A_548, %dma_wait3A_549] : memref<10240x128xf32, #tpu.memory_space<vmem_shared>> -> memref<10240x128xf32, #tpu.memory_space<vmem_shared>>
          tpu.wait_indirect_dma semaphore(%arg12 : memref<!tpu.dma_semaphore, #tpu.memory_space<semaphore_mem>>) src(%dma_wait3A_547 : memref<16x128xf32, #tpu.memory_space<vmem>>) dst(%dma_wait3A_550 : memref<10240x128xf32, #tpu.memory_space<vmem_shared>>)
        }
        %while3A_534 = arith.constant 1 : i32
        scf.for %while3A_535 = %while3A_532 to %while3A_528 step %while3A_534  : i32 {
          %eq3A_536 = vector.broadcast %while3A_535 : i32 to vector<16xi32>
          %eq3A_537 = arith.cmpi eq, %and3A_484, %eq3A_536 : vector<16xi32>
          %select_n3A_538 = arith.select %eq3A_537, %and3A_478, %add3A_57 : vector<16xi1>, vector<16xi32>
          %dma_start3A_539 = arith.constant 96 : i32
          %dma_start3A_540 = arith.constant 0 : i32
          %dma_start3A_541 = tpu.memref_slice %arg9[%dma_start3A_539, %dma_start3A_540] : memref<128x128xf32, #tpu.memory_space<vmem>> -> memref<16x128xf32, #tpu.memory_space<vmem>>
          %dma_start3A_542 = arith.constant 0 : i32
          %dma_start3A_543 = arith.constant 0 : i32
          %dma_start3A_544 = tpu.memref_slice %arg10[%dma_start3A_542, %dma_start3A_543] : memref<10240x128xf32, #tpu.memory_space<vmem_shared>> -> memref<10240x128xf32, #tpu.memory_space<vmem_shared>>
          tpu.enqueue_indirect_dma source(%dma_start3A_541 : memref<16x128xf32, #tpu.memory_space<vmem>>) target(%dma_start3A_544 : memref<10240x128xf32, #tpu.memory_space<vmem_shared>>) offsets(%select_n3A_538 : vector<16xi32>) semaphore(%arg12 : memref<!tpu.dma_semaphore, #tpu.memory_space<semaphore_mem>>) {add = true}
          %dma_wait3A_545 = arith.constant 96 : i32
          %dma_wait3A_546 = arith.constant 0 : i32
          %dma_wait3A_547 = tpu.memref_slice %arg9[%dma_wait3A_545, %dma_wait3A_546] : memref<128x128xf32, #tpu.memory_space<vmem>> -> memref<16x128xf32, #tpu.memory_space<vmem>>
          %dma_wait3A_548 = arith.constant 0 : i32
          %dma_wait3A_549 = arith.constant 0 : i32
          %dma_wait3A_550 = tpu.memref_slice %arg10[%dma_wait3A_548, %dma_wait3A_549] : memref<10240x128xf32, #tpu.memory_space<vmem_shared>> -> memref<10240x128xf32, #tpu.memory_space<vmem_shared>>
          tpu.wait_indirect_dma semaphore(%arg12 : memref<!tpu.dma_semaphore, #tpu.memory_space<semaphore_mem>>) src(%dma_wait3A_547 : memref<16x128xf32, #tpu.memory_space<vmem>>) dst(%dma_wait3A_550 : memref<10240x128xf32, #tpu.memory_space<vmem_shared>>)
        }
      } else {
      }
      %get3A_498 = arith.index_cast %scan3A_81 : i32 to index
      %get3A_499 = arith.constant 112 : index
      %get3A_500 = tpu.vector_load %arg8[%get3A_498, %get3A_499] {strides = array<i32>} : memref<80x128xi32, #tpu.memory_space<vmem>>, vector<1x16xi32>,
      %get3A_501 = vector.shape_cast %get3A_500 : vector<1x16xi32> to vector<16xi32>
      %and3A_502 = arith.constant 16383 : i32
      %and3A_503 = vector.broadcast %and3A_502 : i32 to vector<16xi32>
      %and3A_504 = arith.andi %get3A_501, %and3A_503 : vector<16xi32>
      %shift_right_arithmetic3A_505 = arith.constant 14 : i32
      %shift_right_arithmetic3A_506 = vector.broadcast %shift_right_arithmetic3A_505 : i32 to vector<16xi32>
      %shift_right_arithmetic3A_507 = arith.shrsi %get3A_501, %shift_right_arithmetic3A_506 : vector<16xi32>
      %and3A_508 = arith.constant 15 : i32
      %and3A_509 = vector.broadcast %and3A_508 : i32 to vector<16xi32>
      %and3A_510 = arith.andi %shift_right_arithmetic3A_507, %and3A_509 : vector<16xi32>
      %shift_right_arithmetic3A_511 = arith.constant 18 : i32
      %shift_right_arithmetic3A_512 = vector.broadcast %shift_right_arithmetic3A_511 : i32 to vector<16xi32>
      %shift_right_arithmetic3A_513 = arith.shrsi %get3A_501, %shift_right_arithmetic3A_512 : vector<16xi32>
      %and3A_514 = arith.constant 15 : i32
      %and3A_515 = vector.broadcast %and3A_514 : i32 to vector<16xi32>
      %and3A_516 = arith.andi %shift_right_arithmetic3A_513, %and3A_515 : vector<16xi32>
      %slice3A_517 = vector.extract_strided_slice %and3A_516 {offsets = [0], sizes = [1], strides = [1]} : vector<16xi32> to vector<1xi32>
      %squeeze3A_518 = vector.extract %slice3A_517[0] : i32 from vector<1xi32>
      %gt3A_519 = arith.constant 0 : i32
      %gt3A_520 = arith.cmpi sgt, %squeeze3A_518, %gt3A_519 : i32
      %convert_element_type3A_521 = arith.extui %gt3A_520 : i1 to i32
      %cond3A_522 = arith.constant 0 : i32
      %cond3A_523 = arith.cmpi ne, %convert_element_type3A_521, %cond3A_522 : i32
      scf.if %cond3A_523 {
        %add3A_524 = arith.constant 1 : i32
        %add3A_525 = arith.addi %squeeze3A_518, %add3A_524 : i32
        %while3A = arith.constant 0 : i32
        %while3A_526 = arith.constant 1 : i32
        %while3A_527 = arith.subi %add3A_525, %while3A_526 : i32
        %while3A_528 = arith.addi %while3A_526, %while3A_527 : i32
        %while3A_529 = arith.constant 1 : i32
        %while3A_530 = arith.divsi %while3A_527, %while3A_529 : i32
        %while3A_531 = arith.muli %while3A_530, %while3A_529 : i32
        %while3A_532 = arith.addi %while3A_526, %while3A_531 : i32
        %while3A_533 = arith.constant 1 : i32
        scf.for %while3A_535 = %while3A_526 to %while3A_532 step %while3A_533  : i32 {
          %eq3A_536 = vector.broadcast %while3A_535 : i32 to vector<16xi32>
          %eq3A_537 = arith.cmpi eq, %and3A_510, %eq3A_536 : vector<16xi32>
          %select_n3A_538 = arith.select %eq3A_537, %and3A_504, %add3A_60 : vector<16xi1>, vector<16xi32>
          %dma_start3A_539 = arith.constant 112 : i32
          %dma_start3A_540 = arith.constant 0 : i32
          %dma_start3A_541 = tpu.memref_slice %arg9[%dma_start3A_539, %dma_start3A_540] : memref<128x128xf32, #tpu.memory_space<vmem>> -> memref<16x128xf32, #tpu.memory_space<vmem>>
          %dma_start3A_542 = arith.constant 0 : i32
          %dma_start3A_543 = arith.constant 0 : i32
          %dma_start3A_544 = tpu.memref_slice %arg10[%dma_start3A_542, %dma_start3A_543] : memref<10240x128xf32, #tpu.memory_space<vmem_shared>> -> memref<10240x128xf32, #tpu.memory_space<vmem_shared>>
          tpu.enqueue_indirect_dma source(%dma_start3A_541 : memref<16x128xf32, #tpu.memory_space<vmem>>) target(%dma_start3A_544 : memref<10240x128xf32, #tpu.memory_space<vmem_shared>>) offsets(%select_n3A_538 : vector<16xi32>) semaphore(%arg12 : memref<!tpu.dma_semaphore, #tpu.memory_space<semaphore_mem>>) {add = true}
          %dma_wait3A_545 = arith.constant 112 : i32
          %dma_wait3A_546 = arith.constant 0 : i32
          %dma_wait3A_547 = tpu.memref_slice %arg9[%dma_wait3A_545, %dma_wait3A_546] : memref<128x128xf32, #tpu.memory_space<vmem>> -> memref<16x128xf32, #tpu.memory_space<vmem>>
          %dma_wait3A_548 = arith.constant 0 : i32
          %dma_wait3A_549 = arith.constant 0 : i32
          %dma_wait3A_550 = tpu.memref_slice %arg10[%dma_wait3A_548, %dma_wait3A_549] : memref<10240x128xf32, #tpu.memory_space<vmem_shared>> -> memref<10240x128xf32, #tpu.memory_space<vmem_shared>>
          tpu.wait_indirect_dma semaphore(%arg12 : memref<!tpu.dma_semaphore, #tpu.memory_space<semaphore_mem>>) src(%dma_wait3A_547 : memref<16x128xf32, #tpu.memory_space<vmem>>) dst(%dma_wait3A_550 : memref<10240x128xf32, #tpu.memory_space<vmem_shared>>)
        }
        %while3A_534 = arith.constant 1 : i32
        scf.for %while3A_535 = %while3A_532 to %while3A_528 step %while3A_534  : i32 {
          %eq3A_536 = vector.broadcast %while3A_535 : i32 to vector<16xi32>
          %eq3A_537 = arith.cmpi eq, %and3A_510, %eq3A_536 : vector<16xi32>
          %select_n3A_538 = arith.select %eq3A_537, %and3A_504, %add3A_60 : vector<16xi1>, vector<16xi32>
          %dma_start3A_539 = arith.constant 112 : i32
          %dma_start3A_540 = arith.constant 0 : i32
          %dma_start3A_541 = tpu.memref_slice %arg9[%dma_start3A_539, %dma_start3A_540] : memref<128x128xf32, #tpu.memory_space<vmem>> -> memref<16x128xf32, #tpu.memory_space<vmem>>
          %dma_start3A_542 = arith.constant 0 : i32
          %dma_start3A_543 = arith.constant 0 : i32
          %dma_start3A_544 = tpu.memref_slice %arg10[%dma_start3A_542, %dma_start3A_543] : memref<10240x128xf32, #tpu.memory_space<vmem_shared>> -> memref<10240x128xf32, #tpu.memory_space<vmem_shared>>
          tpu.enqueue_indirect_dma source(%dma_start3A_541 : memref<16x128xf32, #tpu.memory_space<vmem>>) target(%dma_start3A_544 : memref<10240x128xf32, #tpu.memory_space<vmem_shared>>) offsets(%select_n3A_538 : vector<16xi32>) semaphore(%arg12 : memref<!tpu.dma_semaphore, #tpu.memory_space<semaphore_mem>>) {add = true}
          %dma_wait3A_545 = arith.constant 112 : i32
          %dma_wait3A_546 = arith.constant 0 : i32
          %dma_wait3A_547 = tpu.memref_slice %arg9[%dma_wait3A_545, %dma_wait3A_546] : memref<128x128xf32, #tpu.memory_space<vmem>> -> memref<16x128xf32, #tpu.memory_space<vmem>>
          %dma_wait3A_548 = arith.constant 0 : i32
          %dma_wait3A_549 = arith.constant 0 : i32
          %dma_wait3A_550 = tpu.memref_slice %arg10[%dma_wait3A_548, %dma_wait3A_549] : memref<10240x128xf32, #tpu.memory_space<vmem_shared>> -> memref<10240x128xf32, #tpu.memory_space<vmem_shared>>
          tpu.wait_indirect_dma semaphore(%arg12 : memref<!tpu.dma_semaphore, #tpu.memory_space<semaphore_mem>>) src(%dma_wait3A_547 : memref<16x128xf32, #tpu.memory_space<vmem>>) dst(%dma_wait3A_550 : memref<10240x128xf32, #tpu.memory_space<vmem_shared>>)
        }
      } else {
      }
    }
    %scan3A_65 = arith.constant 80 : i32
    %barrier3A_66 = arith.constant 0 : index
    tpu.barrier barrier_id(%barrier3A_66)
    %mul3A_67 = arith.constant 640 : i32
    %mul3A_68 = arith.muli %arg1, %mul3A_67 : i32
    %mul3A_69 = arith.constant 640 : i32
    %mul3A_70 = arith.muli %arg1, %mul3A_69 : i32
    %dma_start3A_71 = arith.constant 0 : i32
    %dma_start3A_72 = tpu.memref_slice %arg6[%arg0, %mul3A_70, %dma_start3A_71] : memref<2x10240x128xf32, #tpu.memory_space<hbm>> -> memref<1x640x128xf32, #tpu.memory_space<hbm>>
    %dma_start3A_73 = tpu.memref_squeeze %dma_start3A_72 : memref<1x640x128xf32, #tpu.memory_space<hbm>> -> memref<640x128xf32, #tpu.memory_space<hbm>>
    %dma_start3A_74 = arith.constant 0 : i32
    %dma_start3A_75 = tpu.memref_slice %arg10[%mul3A_68, %dma_start3A_74] : memref<10240x128xf32, #tpu.memory_space<vmem_shared>> -> memref<640x128xf32, #tpu.memory_space<vmem_shared>>
    tpu.enqueue_dma source(%dma_start3A_75 : memref<640x128xf32, #tpu.memory_space<vmem_shared>>) target(%dma_start3A_73 : memref<640x128xf32, #tpu.memory_space<hbm>>) target_semaphore(%arg11 : memref<!tpu.dma_semaphore, #tpu.memory_space<semaphore_mem>>)
    %dma_wait3A_76 = arith.constant 0 : i32
    %dma_wait3A_77 = tpu.memref_slice %arg6[%arg0, %mul3A_70, %dma_wait3A_76] : memref<2x10240x128xf32, #tpu.memory_space<hbm>> -> memref<1x640x128xf32, #tpu.memory_space<hbm>>
    %dma_wait3A_78 = tpu.memref_squeeze %dma_wait3A_77 : memref<1x640x128xf32, #tpu.memory_space<hbm>> -> memref<640x128xf32, #tpu.memory_space<hbm>>
    %dma_wait3A_79 = arith.constant 0 : i32
    %dma_wait3A_80 = tpu.memref_slice %arg10[%mul3A_68, %dma_wait3A_79] : memref<10240x128xf32, #tpu.memory_space<vmem_shared>> -> memref<640x128xf32, #tpu.memory_space<vmem_shared>>
    tpu.wait_dma2 semaphore(%arg11 : memref<!tpu.dma_semaphore, #tpu.memory_space<semaphore_mem>>) src(%dma_wait3A_80 : memref<640x128xf32, #tpu.memory_space<vmem_shared>>) dst(%dma_wait3A_78 : memref<640x128xf32, #tpu.memory_space<hbm>>)
    return
  }
}

#map = affine_map<(d0, d1) -> (0, 0)>
#map1 = affine_map<(d0, d1) -> (0, 0, 0)>
module attributes {stable_mosaic.version = 14 : i64} {
  func.func @_sc_edge_agg(%arg0: i32, %arg1: i32, %arg2: memref<10000x128xf32, #tpu.memory_space<hbm>>, %arg3: memref<32x80x128xi32, #tpu.memory_space<hbm>>, %arg4: memref<32x80x128xi32, #tpu.memory_space<hbm>>, %arg5: memref<640x128xf32, #tpu.memory_space<hbm>>, %arg6: memref<2x10240x128xf32, #tpu.memory_space<hbm>>, %arg7: memref<80x128xi32, #tpu.memory_space<vmem>>, %arg8: memref<80x128xi32, #tpu.memory_space<vmem>>, %arg9: memref<128x128xf32, #tpu.memory_space<vmem>>, %arg10: memref<10240x128xf32, #tpu.memory_space<vmem_shared>>, %arg11: memref<!tpu.dma_semaphore, #tpu.memory_space<semaphore_mem>>, %arg12: memref<!tpu.dma_semaphore, #tpu.memory_space<semaphore_mem>>) attributes {dimension_semantics = [#tpu.dimension_semantics<core_parallel>, #tpu.dimension_semantics<subcore_parallel>], iteration_bounds = array<i64: 2, 16>, scalar_prefetch = 0 : i64, scratch_operands = 6 : i64, tpu.core_type = #tpu.core_type<sc_vector_subcore>, window_params = [{transform_indices = #map}, {transform_indices = #map1}, {transform_indices = #map1}, {transform_indices = #map}, {transform_indices = #map1}]} {
    %mul3A = arith.constant 16 : i32
    %mul3A_0 = arith.muli %arg0, %mul3A : i32
    %add3A = arith.addi %mul3A_0, %arg1 : i32
    %dma_start3A = arith.constant 0 : i32
    %dma_start3A_1 = arith.constant 0 : i32
    %dma_start3A_2 = tpu.memref_slice %arg3[%add3A, %dma_start3A, %dma_start3A_1] : memref<32x80x128xi32, #tpu.memory_space<hbm>> -> memref<1x80x128xi32, #tpu.memory_space<hbm>>
    %dma_start3A_3 = tpu.memref_squeeze %dma_start3A_2 : memref<1x80x128xi32, #tpu.memory_space<hbm>> -> memref<80x128xi32, #tpu.memory_space<hbm>>
    %dma_start3A_4 = arith.constant 0 : i32
    %dma_start3A_5 = arith.constant 0 : i32
    %dma_start3A_6 = tpu.memref_slice %arg3[%add3A, %dma_start3A_4, %dma_start3A_5] : memref<32x80x128xi32, #tpu.memory_space<hbm>> -> memref<1x80x128xi32, #tpu.memory_space<hbm>>
    %dma_start3A_7 = tpu.memref_squeeze %dma_start3A_6 : memref<1x80x128xi32, #tpu.memory_space<hbm>> -> memref<80x128xi32, #tpu.memory_space<hbm>>
    tpu.enqueue_dma source(%dma_start3A_7 : memref<80x128xi32, #tpu.memory_space<hbm>>) target(%arg7 : memref<80x128xi32, #tpu.memory_space<vmem>>) target_semaphore(%arg11 : memref<!tpu.dma_semaphore, #tpu.memory_space<semaphore_mem>>)
    %dma_wait3A = arith.constant 0 : i32
    %dma_wait3A_8 = arith.constant 0 : i32
    %dma_wait3A_9 = tpu.memref_slice %arg3[%add3A, %dma_wait3A, %dma_wait3A_8] : memref<32x80x128xi32, #tpu.memory_space<hbm>> -> memref<1x80x128xi32, #tpu.memory_space<hbm>>
    %dma_wait3A_10 = tpu.memref_squeeze %dma_wait3A_9 : memref<1x80x128xi32, #tpu.memory_space<hbm>> -> memref<80x128xi32, #tpu.memory_space<hbm>>
    %dma_wait3A_11 = arith.constant 0 : i32
    %dma_wait3A_12 = arith.constant 0 : i32
    %dma_wait3A_13 = tpu.memref_slice %arg3[%add3A, %dma_wait3A_11, %dma_wait3A_12] : memref<32x80x128xi32, #tpu.memory_space<hbm>> -> memref<1x80x128xi32, #tpu.memory_space<hbm>>
    %dma_wait3A_14 = tpu.memref_squeeze %dma_wait3A_13 : memref<1x80x128xi32, #tpu.memory_space<hbm>> -> memref<80x128xi32, #tpu.memory_space<hbm>>
    tpu.wait_dma2 semaphore(%arg11 : memref<!tpu.dma_semaphore, #tpu.memory_space<semaphore_mem>>) src(%dma_wait3A_14 : memref<80x128xi32, #tpu.memory_space<hbm>>) dst(%arg7 : memref<80x128xi32, #tpu.memory_space<vmem>>)
    %dma_start3A_15 = arith.constant 0 : i32
    %dma_start3A_16 = arith.constant 0 : i32
    %dma_start3A_17 = tpu.memref_slice %arg4[%add3A, %dma_start3A_15, %dma_start3A_16] : memref<32x80x128xi32, #tpu.memory_space<hbm>> -> memref<1x80x128xi32, #tpu.memory_space<hbm>>
    %dma_start3A_18 = tpu.memref_squeeze %dma_start3A_17 : memref<1x80x128xi32, #tpu.memory_space<hbm>> -> memref<80x128xi32, #tpu.memory_space<hbm>>
    %dma_start3A_19 = arith.constant 0 : i32
    %dma_start3A_20 = arith.constant 0 : i32
    %dma_start3A_21 = tpu.memref_slice %arg4[%add3A, %dma_start3A_19, %dma_start3A_20] : memref<32x80x128xi32, #tpu.memory_space<hbm>> -> memref<1x80x128xi32, #tpu.memory_space<hbm>>
    %dma_start3A_22 = tpu.memref_squeeze %dma_start3A_21 : memref<1x80x128xi32, #tpu.memory_space<hbm>> -> memref<80x128xi32, #tpu.memory_space<hbm>>
    tpu.enqueue_dma source(%dma_start3A_22 : memref<80x128xi32, #tpu.memory_space<hbm>>) target(%arg8 : memref<80x128xi32, #tpu.memory_space<vmem>>) target_semaphore(%arg11 : memref<!tpu.dma_semaphore, #tpu.memory_space<semaphore_mem>>)
    %dma_wait3A_23 = arith.constant 0 : i32
    %dma_wait3A_24 = arith.constant 0 : i32
    %dma_wait3A_25 = tpu.memref_slice %arg4[%add3A, %dma_wait3A_23, %dma_wait3A_24] : memref<32x80x128xi32, #tpu.memory_space<hbm>> -> memref<1x80x128xi32, #tpu.memory_space<hbm>>
    %dma_wait3A_26 = tpu.memref_squeeze %dma_wait3A_25 : memref<1x80x128xi32, #tpu.memory_space<hbm>> -> memref<80x128xi32, #tpu.memory_space<hbm>>
    %dma_wait3A_27 = arith.constant 0 : i32
    %dma_wait3A_28 = arith.constant 0 : i32
    %dma_wait3A_29 = tpu.memref_slice %arg4[%add3A, %dma_wait3A_27, %dma_wait3A_28] : memref<32x80x128xi32, #tpu.memory_space<hbm>> -> memref<1x80x128xi32, #tpu.memory_space<hbm>>
    %dma_wait3A_30 = tpu.memref_squeeze %dma_wait3A_29 : memref<1x80x128xi32, #tpu.memory_space<hbm>> -> memref<80x128xi32, #tpu.memory_space<hbm>>
    tpu.wait_dma2 semaphore(%arg11 : memref<!tpu.dma_semaphore, #tpu.memory_space<semaphore_mem>>) src(%dma_wait3A_30 : memref<80x128xi32, #tpu.memory_space<hbm>>) dst(%arg8 : memref<80x128xi32, #tpu.memory_space<vmem>>)
    %mul3A_31 = arith.constant 640 : i32
    %mul3A_32 = arith.muli %arg1, %mul3A_31 : i32
    %dma_start3A_33 = arith.constant 0 : i32
    %dma_start3A_34 = tpu.memref_slice %arg10[%mul3A_32, %dma_start3A_33] : memref<10240x128xf32, #tpu.memory_space<vmem_shared>> -> memref<640x128xf32, #tpu.memory_space<vmem_shared>>
    tpu.enqueue_dma source(%arg5 : memref<640x128xf32, #tpu.memory_space<hbm>>) target(%dma_start3A_34 : memref<640x128xf32, #tpu.memory_space<vmem_shared>>) target_semaphore(%arg11 : memref<!tpu.dma_semaphore, #tpu.memory_space<semaphore_mem>>)
    %dma_wait3A_35 = arith.constant 0 : i32
    %dma_wait3A_36 = tpu.memref_slice %arg10[%mul3A_32, %dma_wait3A_35] : memref<10240x128xf32, #tpu.memory_space<vmem_shared>> -> memref<640x128xf32, #tpu.memory_space<vmem_shared>>
    tpu.wait_dma2 semaphore(%arg11 : memref<!tpu.dma_semaphore, #tpu.memory_space<semaphore_mem>>) src(%arg5 : memref<640x128xf32, #tpu.memory_space<hbm>>) dst(%dma_wait3A_36 : memref<640x128xf32, #tpu.memory_space<vmem_shared>>)
    %barrier3A = arith.constant 0 : index
    tpu.barrier barrier_id(%barrier3A)
    %iota3A = tpu.iota {dimensions = array<i32: 0>} : vector<16xi32>
    %add3A_37 = arith.constant 10112 : i32
    %add3A_38 = vector.broadcast %add3A_37 : i32 to vector<16xi32>
    %add3A_39 = arith.addi %add3A_38, %iota3A : vector<16xi32>
    %add3A_40 = arith.constant 10128 : i32
    %add3A_41 = vector.broadcast %add3A_40 : i32 to vector<16xi32>
    %add3A_42 = arith.addi %add3A_41, %iota3A : vector<16xi32>
    %add3A_43 = arith.constant 10144 : i32
    %add3A_44 = vector.broadcast %add3A_43 : i32 to vector<16xi32>
    %add3A_45 = arith.addi %add3A_44, %iota3A : vector<16xi32>
    %add3A_46 = arith.constant 10160 : i32
    %add3A_47 = vector.broadcast %add3A_46 : i32 to vector<16xi32>
    %add3A_48 = arith.addi %add3A_47, %iota3A : vector<16xi32>
    %add3A_49 = arith.constant 10176 : i32
    %add3A_50 = vector.broadcast %add3A_49 : i32 to vector<16xi32>
    %add3A_51 = arith.addi %add3A_50, %iota3A : vector<16xi32>
    %add3A_52 = arith.constant 10192 : i32
    %add3A_53 = vector.broadcast %add3A_52 : i32 to vector<16xi32>
    %add3A_54 = arith.addi %add3A_53, %iota3A : vector<16xi32>
    %add3A_55 = arith.constant 10208 : i32
    %add3A_56 = vector.broadcast %add3A_55 : i32 to vector<16xi32>
    %add3A_57 = arith.addi %add3A_56, %iota3A : vector<16xi32>
    %add3A_58 = arith.constant 10224 : i32
    %add3A_59 = vector.broadcast %add3A_58 : i32 to vector<16xi32>
    %add3A_60 = arith.addi %add3A_59, %iota3A : vector<16xi32>
    %scan3A = arith.constant 0 : i32
    %scan3A_61 = arith.constant 0 : i32
    %scan3A_62 = arith.constant 80 : i32
    %scan3A_63 = arith.addi %scan3A_61, %scan3A_62 : i32
    %scan3A_64 = arith.constant 1 : i32
    scf.for %scan3A_81 = %scan3A_61 to %scan3A_63 step %scan3A_64  : i32 {
      %dma_start3A_82 = arith.constant 0 : i32
      %dma_start3A_83 = tpu.memref_slice %arg7[%scan3A_81, %dma_start3A_82] : memref<80x128xi32, #tpu.memory_space<vmem>> -> memref<1x128xi32, #tpu.memory_space<vmem>>
      %dma_start3A_84 = tpu.memref_squeeze %dma_start3A_83 : memref<1x128xi32, #tpu.memory_space<vmem>> -> memref<128xi32, #tpu.memory_space<vmem>>
      %dma_start3A_85 = arith.constant 0 : i32
      %dma_start3A_86 = arith.constant 0 : i32
      %dma_start3A_87 = tpu.memref_slice %arg2[%dma_start3A_85, %dma_start3A_86] : memref<10000x128xf32, #tpu.memory_space<hbm>> -> memref<10000x128xf32, #tpu.memory_space<hbm>>
      tpu.enqueue_indirect_dma source(%dma_start3A_87 : memref<10000x128xf32, #tpu.memory_space<hbm>>) target(%arg9 : memref<128x128xf32, #tpu.memory_space<vmem>>) offsets(%dma_start3A_84 : memref<128xi32, #tpu.memory_space<vmem>>) semaphore(%arg11 : memref<!tpu.dma_semaphore, #tpu.memory_space<semaphore_mem>>)
      %dma_wait3A_88 = arith.constant 0 : i32
      %dma_wait3A_89 = tpu.memref_slice %arg7[%scan3A_81, %dma_wait3A_88] : memref<80x128xi32, #tpu.memory_space<vmem>> -> memref<1x128xi32, #tpu.memory_space<vmem>>
      %dma_wait3A_90 = tpu.memref_squeeze %dma_wait3A_89 : memref<1x128xi32, #tpu.memory_space<vmem>> -> memref<128xi32, #tpu.memory_space<vmem>>
      %dma_wait3A_91 = arith.constant 0 : i32
      %dma_wait3A_92 = arith.constant 0 : i32
      %dma_wait3A_93 = tpu.memref_slice %arg2[%dma_wait3A_91, %dma_wait3A_92] : memref<10000x128xf32, #tpu.memory_space<hbm>> -> memref<10000x128xf32, #tpu.memory_space<hbm>>
      tpu.wait_indirect_dma semaphore(%arg11 : memref<!tpu.dma_semaphore, #tpu.memory_space<semaphore_mem>>) src(%dma_wait3A_93 : memref<10000x128xf32, #tpu.memory_space<hbm>>) dst(%arg9 : memref<128x128xf32, #tpu.memory_space<vmem>>)
      %get3A = arith.index_cast %scan3A_81 : i32 to index
      %get3A_94 = arith.constant 0 : index
      %get3A_95 = tpu.vector_load %arg8[%get3A, %get3A_94] {strides = array<i32>} : memref<80x128xi32, #tpu.memory_space<vmem>>, vector<1x16xi32>,
      %get3A_96 = vector.shape_cast %get3A_95 : vector<1x16xi32> to vector<16xi32>
      %and3A = arith.constant 16383 : i32
      %and3A_97 = vector.broadcast %and3A : i32 to vector<16xi32>
      %and3A_98 = arith.andi %get3A_96, %and3A_97 : vector<16xi32>
      %shift_right_arithmetic3A = arith.constant 14 : i32
      %shift_right_arithmetic3A_99 = vector.broadcast %shift_right_arithmetic3A : i32 to vector<16xi32>
      %shift_right_arithmetic3A_100 = arith.shrsi %get3A_96, %shift_right_arithmetic3A_99 : vector<16xi32>
      %and3A_101 = arith.constant 15 : i32
      %and3A_102 = vector.broadcast %and3A_101 : i32 to vector<16xi32>
      %and3A_103 = arith.andi %shift_right_arithmetic3A_100, %and3A_102 : vector<16xi32>
      %eq3A = arith.constant 0 : i32
      %eq3A_104 = vector.broadcast %eq3A : i32 to vector<16xi32>
      %eq3A_105 = arith.cmpi eq, %and3A_103, %eq3A_104 : vector<16xi32>
      %select_n3A = arith.select %eq3A_105, %and3A_98, %add3A_39 : vector<16xi1>, vector<16xi32>
      %dma_start3A_106 = arith.constant 0 : i32
      %dma_start3A_107 = arith.constant 0 : i32
      %dma_start3A_108 = tpu.memref_slice %arg9[%dma_start3A_106, %dma_start3A_107] : memref<128x128xf32, #tpu.memory_space<vmem>> -> memref<16x128xf32, #tpu.memory_space<vmem>>
      %dma_start3A_109 = arith.constant 0 : i32
      %dma_start3A_110 = arith.constant 0 : i32
      %dma_start3A_111 = tpu.memref_slice %arg10[%dma_start3A_109, %dma_start3A_110] : memref<10240x128xf32, #tpu.memory_space<vmem_shared>> -> memref<10240x128xf32, #tpu.memory_space<vmem_shared>>
      tpu.enqueue_indirect_dma source(%dma_start3A_108 : memref<16x128xf32, #tpu.memory_space<vmem>>) target(%dma_start3A_111 : memref<10240x128xf32, #tpu.memory_space<vmem_shared>>) offsets(%select_n3A : vector<16xi32>) semaphore(%arg12 : memref<!tpu.dma_semaphore, #tpu.memory_space<semaphore_mem>>) {add = true}
      %get3A_112 = arith.index_cast %scan3A_81 : i32 to index
      %get3A_113 = arith.constant 16 : index
      %get3A_114 = tpu.vector_load %arg8[%get3A_112, %get3A_113] {strides = array<i32>} : memref<80x128xi32, #tpu.memory_space<vmem>>, vector<1x16xi32>,
      %get3A_115 = vector.shape_cast %get3A_114 : vector<1x16xi32> to vector<16xi32>
      %and3A_116 = arith.constant 16383 : i32
      %and3A_117 = vector.broadcast %and3A_116 : i32 to vector<16xi32>
      %and3A_118 = arith.andi %get3A_115, %and3A_117 : vector<16xi32>
      %shift_right_arithmetic3A_119 = arith.constant 14 : i32
      %shift_right_arithmetic3A_120 = vector.broadcast %shift_right_arithmetic3A_119 : i32 to vector<16xi32>
      %shift_right_arithmetic3A_121 = arith.shrsi %get3A_115, %shift_right_arithmetic3A_120 : vector<16xi32>
      %and3A_122 = arith.constant 15 : i32
      %and3A_123 = vector.broadcast %and3A_122 : i32 to vector<16xi32>
      %and3A_124 = arith.andi %shift_right_arithmetic3A_121, %and3A_123 : vector<16xi32>
      %eq3A_125 = arith.constant 0 : i32
      %eq3A_126 = vector.broadcast %eq3A_125 : i32 to vector<16xi32>
      %eq3A_127 = arith.cmpi eq, %and3A_124, %eq3A_126 : vector<16xi32>
      %select_n3A_128 = arith.select %eq3A_127, %and3A_118, %add3A_42 : vector<16xi1>, vector<16xi32>
      %dma_start3A_129 = arith.constant 16 : i32
      %dma_start3A_130 = arith.constant 0 : i32
      %dma_start3A_131 = tpu.memref_slice %arg9[%dma_start3A_129, %dma_start3A_130] : memref<128x128xf32, #tpu.memory_space<vmem>> -> memref<16x128xf32, #tpu.memory_space<vmem>>
      %dma_start3A_132 = arith.constant 0 : i32
      %dma_start3A_133 = arith.constant 0 : i32
      %dma_start3A_134 = tpu.memref_slice %arg10[%dma_start3A_132, %dma_start3A_133] : memref<10240x128xf32, #tpu.memory_space<vmem_shared>> -> memref<10240x128xf32, #tpu.memory_space<vmem_shared>>
      tpu.enqueue_indirect_dma source(%dma_start3A_131 : memref<16x128xf32, #tpu.memory_space<vmem>>) target(%dma_start3A_134 : memref<10240x128xf32, #tpu.memory_space<vmem_shared>>) offsets(%select_n3A_128 : vector<16xi32>) semaphore(%arg12 : memref<!tpu.dma_semaphore, #tpu.memory_space<semaphore_mem>>) {add = true}
      %get3A_135 = arith.index_cast %scan3A_81 : i32 to index
      %get3A_136 = arith.constant 32 : index
      %get3A_137 = tpu.vector_load %arg8[%get3A_135, %get3A_136] {strides = array<i32>} : memref<80x128xi32, #tpu.memory_space<vmem>>, vector<1x16xi32>,
      %get3A_138 = vector.shape_cast %get3A_137 : vector<1x16xi32> to vector<16xi32>
      %and3A_139 = arith.constant 16383 : i32
      %and3A_140 = vector.broadcast %and3A_139 : i32 to vector<16xi32>
      %and3A_141 = arith.andi %get3A_138, %and3A_140 : vector<16xi32>
      %shift_right_arithmetic3A_142 = arith.constant 14 : i32
      %shift_right_arithmetic3A_143 = vector.broadcast %shift_right_arithmetic3A_142 : i32 to vector<16xi32>
      %shift_right_arithmetic3A_144 = arith.shrsi %get3A_138, %shift_right_arithmetic3A_143 : vector<16xi32>
      %and3A_145 = arith.constant 15 : i32
      %and3A_146 = vector.broadcast %and3A_145 : i32 to vector<16xi32>
      %and3A_147 = arith.andi %shift_right_arithmetic3A_144, %and3A_146 : vector<16xi32>
      %eq3A_148 = arith.constant 0 : i32
      %eq3A_149 = vector.broadcast %eq3A_148 : i32 to vector<16xi32>
      %eq3A_150 = arith.cmpi eq, %and3A_147, %eq3A_149 : vector<16xi32>
      %select_n3A_151 = arith.select %eq3A_150, %and3A_141, %add3A_45 : vector<16xi1>, vector<16xi32>
      %dma_start3A_152 = arith.constant 32 : i32
      %dma_start3A_153 = arith.constant 0 : i32
      %dma_start3A_154 = tpu.memref_slice %arg9[%dma_start3A_152, %dma_start3A_153] : memref<128x128xf32, #tpu.memory_space<vmem>> -> memref<16x128xf32, #tpu.memory_space<vmem>>
      %dma_start3A_155 = arith.constant 0 : i32
      %dma_start3A_156 = arith.constant 0 : i32
      %dma_start3A_157 = tpu.memref_slice %arg10[%dma_start3A_155, %dma_start3A_156] : memref<10240x128xf32, #tpu.memory_space<vmem_shared>> -> memref<10240x128xf32, #tpu.memory_space<vmem_shared>>
      tpu.enqueue_indirect_dma source(%dma_start3A_154 : memref<16x128xf32, #tpu.memory_space<vmem>>) target(%dma_start3A_157 : memref<10240x128xf32, #tpu.memory_space<vmem_shared>>) offsets(%select_n3A_151 : vector<16xi32>) semaphore(%arg12 : memref<!tpu.dma_semaphore, #tpu.memory_space<semaphore_mem>>) {add = true}
      %get3A_158 = arith.index_cast %scan3A_81 : i32 to index
      %get3A_159 = arith.constant 48 : index
      %get3A_160 = tpu.vector_load %arg8[%get3A_158, %get3A_159] {strides = array<i32>} : memref<80x128xi32, #tpu.memory_space<vmem>>, vector<1x16xi32>,
      %get3A_161 = vector.shape_cast %get3A_160 : vector<1x16xi32> to vector<16xi32>
      %and3A_162 = arith.constant 16383 : i32
      %and3A_163 = vector.broadcast %and3A_162 : i32 to vector<16xi32>
      %and3A_164 = arith.andi %get3A_161, %and3A_163 : vector<16xi32>
      %shift_right_arithmetic3A_165 = arith.constant 14 : i32
      %shift_right_arithmetic3A_166 = vector.broadcast %shift_right_arithmetic3A_165 : i32 to vector<16xi32>
      %shift_right_arithmetic3A_167 = arith.shrsi %get3A_161, %shift_right_arithmetic3A_166 : vector<16xi32>
      %and3A_168 = arith.constant 15 : i32
      %and3A_169 = vector.broadcast %and3A_168 : i32 to vector<16xi32>
      %and3A_170 = arith.andi %shift_right_arithmetic3A_167, %and3A_169 : vector<16xi32>
      %eq3A_171 = arith.constant 0 : i32
      %eq3A_172 = vector.broadcast %eq3A_171 : i32 to vector<16xi32>
      %eq3A_173 = arith.cmpi eq, %and3A_170, %eq3A_172 : vector<16xi32>
      %select_n3A_174 = arith.select %eq3A_173, %and3A_164, %add3A_48 : vector<16xi1>, vector<16xi32>
      %dma_start3A_175 = arith.constant 48 : i32
      %dma_start3A_176 = arith.constant 0 : i32
      %dma_start3A_177 = tpu.memref_slice %arg9[%dma_start3A_175, %dma_start3A_176] : memref<128x128xf32, #tpu.memory_space<vmem>> -> memref<16x128xf32, #tpu.memory_space<vmem>>
      %dma_start3A_178 = arith.constant 0 : i32
      %dma_start3A_179 = arith.constant 0 : i32
      %dma_start3A_180 = tpu.memref_slice %arg10[%dma_start3A_178, %dma_start3A_179] : memref<10240x128xf32, #tpu.memory_space<vmem_shared>> -> memref<10240x128xf32, #tpu.memory_space<vmem_shared>>
      tpu.enqueue_indirect_dma source(%dma_start3A_177 : memref<16x128xf32, #tpu.memory_space<vmem>>) target(%dma_start3A_180 : memref<10240x128xf32, #tpu.memory_space<vmem_shared>>) offsets(%select_n3A_174 : vector<16xi32>) semaphore(%arg12 : memref<!tpu.dma_semaphore, #tpu.memory_space<semaphore_mem>>) {add = true}
      %get3A_181 = arith.index_cast %scan3A_81 : i32 to index
      %get3A_182 = arith.constant 64 : index
      %get3A_183 = tpu.vector_load %arg8[%get3A_181, %get3A_182] {strides = array<i32>} : memref<80x128xi32, #tpu.memory_space<vmem>>, vector<1x16xi32>,
      %get3A_184 = vector.shape_cast %get3A_183 : vector<1x16xi32> to vector<16xi32>
      %and3A_185 = arith.constant 16383 : i32
      %and3A_186 = vector.broadcast %and3A_185 : i32 to vector<16xi32>
      %and3A_187 = arith.andi %get3A_184, %and3A_186 : vector<16xi32>
      %shift_right_arithmetic3A_188 = arith.constant 14 : i32
      %shift_right_arithmetic3A_189 = vector.broadcast %shift_right_arithmetic3A_188 : i32 to vector<16xi32>
      %shift_right_arithmetic3A_190 = arith.shrsi %get3A_184, %shift_right_arithmetic3A_189 : vector<16xi32>
      %and3A_191 = arith.constant 15 : i32
      %and3A_192 = vector.broadcast %and3A_191 : i32 to vector<16xi32>
      %and3A_193 = arith.andi %shift_right_arithmetic3A_190, %and3A_192 : vector<16xi32>
      %eq3A_194 = arith.constant 0 : i32
      %eq3A_195 = vector.broadcast %eq3A_194 : i32 to vector<16xi32>
      %eq3A_196 = arith.cmpi eq, %and3A_193, %eq3A_195 : vector<16xi32>
      %select_n3A_197 = arith.select %eq3A_196, %and3A_187, %add3A_51 : vector<16xi1>, vector<16xi32>
      %dma_start3A_198 = arith.constant 64 : i32
      %dma_start3A_199 = arith.constant 0 : i32
      %dma_start3A_200 = tpu.memref_slice %arg9[%dma_start3A_198, %dma_start3A_199] : memref<128x128xf32, #tpu.memory_space<vmem>> -> memref<16x128xf32, #tpu.memory_space<vmem>>
      %dma_start3A_201 = arith.constant 0 : i32
      %dma_start3A_202 = arith.constant 0 : i32
      %dma_start3A_203 = tpu.memref_slice %arg10[%dma_start3A_201, %dma_start3A_202] : memref<10240x128xf32, #tpu.memory_space<vmem_shared>> -> memref<10240x128xf32, #tpu.memory_space<vmem_shared>>
      tpu.enqueue_indirect_dma source(%dma_start3A_200 : memref<16x128xf32, #tpu.memory_space<vmem>>) target(%dma_start3A_203 : memref<10240x128xf32, #tpu.memory_space<vmem_shared>>) offsets(%select_n3A_197 : vector<16xi32>) semaphore(%arg12 : memref<!tpu.dma_semaphore, #tpu.memory_space<semaphore_mem>>) {add = true}
      %get3A_204 = arith.index_cast %scan3A_81 : i32 to index
      %get3A_205 = arith.constant 80 : index
      %get3A_206 = tpu.vector_load %arg8[%get3A_204, %get3A_205] {strides = array<i32>} : memref<80x128xi32, #tpu.memory_space<vmem>>, vector<1x16xi32>,
      %get3A_207 = vector.shape_cast %get3A_206 : vector<1x16xi32> to vector<16xi32>
      %and3A_208 = arith.constant 16383 : i32
      %and3A_209 = vector.broadcast %and3A_208 : i32 to vector<16xi32>
      %and3A_210 = arith.andi %get3A_207, %and3A_209 : vector<16xi32>
      %shift_right_arithmetic3A_211 = arith.constant 14 : i32
      %shift_right_arithmetic3A_212 = vector.broadcast %shift_right_arithmetic3A_211 : i32 to vector<16xi32>
      %shift_right_arithmetic3A_213 = arith.shrsi %get3A_207, %shift_right_arithmetic3A_212 : vector<16xi32>
      %and3A_214 = arith.constant 15 : i32
      %and3A_215 = vector.broadcast %and3A_214 : i32 to vector<16xi32>
      %and3A_216 = arith.andi %shift_right_arithmetic3A_213, %and3A_215 : vector<16xi32>
      %eq3A_217 = arith.constant 0 : i32
      %eq3A_218 = vector.broadcast %eq3A_217 : i32 to vector<16xi32>
      %eq3A_219 = arith.cmpi eq, %and3A_216, %eq3A_218 : vector<16xi32>
      %select_n3A_220 = arith.select %eq3A_219, %and3A_210, %add3A_54 : vector<16xi1>, vector<16xi32>
      %dma_start3A_221 = arith.constant 80 : i32
      %dma_start3A_222 = arith.constant 0 : i32
      %dma_start3A_223 = tpu.memref_slice %arg9[%dma_start3A_221, %dma_start3A_222] : memref<128x128xf32, #tpu.memory_space<vmem>> -> memref<16x128xf32, #tpu.memory_space<vmem>>
      %dma_start3A_224 = arith.constant 0 : i32
      %dma_start3A_225 = arith.constant 0 : i32
      %dma_start3A_226 = tpu.memref_slice %arg10[%dma_start3A_224, %dma_start3A_225] : memref<10240x128xf32, #tpu.memory_space<vmem_shared>> -> memref<10240x128xf32, #tpu.memory_space<vmem_shared>>
      tpu.enqueue_indirect_dma source(%dma_start3A_223 : memref<16x128xf32, #tpu.memory_space<vmem>>) target(%dma_start3A_226 : memref<10240x128xf32, #tpu.memory_space<vmem_shared>>) offsets(%select_n3A_220 : vector<16xi32>) semaphore(%arg12 : memref<!tpu.dma_semaphore, #tpu.memory_space<semaphore_mem>>) {add = true}
      %get3A_227 = arith.index_cast %scan3A_81 : i32 to index
      %get3A_228 = arith.constant 96 : index
      %get3A_229 = tpu.vector_load %arg8[%get3A_227, %get3A_228] {strides = array<i32>} : memref<80x128xi32, #tpu.memory_space<vmem>>, vector<1x16xi32>,
      %get3A_230 = vector.shape_cast %get3A_229 : vector<1x16xi32> to vector<16xi32>
      %and3A_231 = arith.constant 16383 : i32
      %and3A_232 = vector.broadcast %and3A_231 : i32 to vector<16xi32>
      %and3A_233 = arith.andi %get3A_230, %and3A_232 : vector<16xi32>
      %shift_right_arithmetic3A_234 = arith.constant 14 : i32
      %shift_right_arithmetic3A_235 = vector.broadcast %shift_right_arithmetic3A_234 : i32 to vector<16xi32>
      %shift_right_arithmetic3A_236 = arith.shrsi %get3A_230, %shift_right_arithmetic3A_235 : vector<16xi32>
      %and3A_237 = arith.constant 15 : i32
      %and3A_238 = vector.broadcast %and3A_237 : i32 to vector<16xi32>
      %and3A_239 = arith.andi %shift_right_arithmetic3A_236, %and3A_238 : vector<16xi32>
      %eq3A_240 = arith.constant 0 : i32
      %eq3A_241 = vector.broadcast %eq3A_240 : i32 to vector<16xi32>
      %eq3A_242 = arith.cmpi eq, %and3A_239, %eq3A_241 : vector<16xi32>
      %select_n3A_243 = arith.select %eq3A_242, %and3A_233, %add3A_57 : vector<16xi1>, vector<16xi32>
      %dma_start3A_244 = arith.constant 96 : i32
      %dma_start3A_245 = arith.constant 0 : i32
      %dma_start3A_246 = tpu.memref_slice %arg9[%dma_start3A_244, %dma_start3A_245] : memref<128x128xf32, #tpu.memory_space<vmem>> -> memref<16x128xf32, #tpu.memory_space<vmem>>
      %dma_start3A_247 = arith.constant 0 : i32
      %dma_start3A_248 = arith.constant 0 : i32
      %dma_start3A_249 = tpu.memref_slice %arg10[%dma_start3A_247, %dma_start3A_248] : memref<10240x128xf32, #tpu.memory_space<vmem_shared>> -> memref<10240x128xf32, #tpu.memory_space<vmem_shared>>
      tpu.enqueue_indirect_dma source(%dma_start3A_246 : memref<16x128xf32, #tpu.memory_space<vmem>>) target(%dma_start3A_249 : memref<10240x128xf32, #tpu.memory_space<vmem_shared>>) offsets(%select_n3A_243 : vector<16xi32>) semaphore(%arg12 : memref<!tpu.dma_semaphore, #tpu.memory_space<semaphore_mem>>) {add = true}
      %get3A_250 = arith.index_cast %scan3A_81 : i32 to index
      %get3A_251 = arith.constant 112 : index
      %get3A_252 = tpu.vector_load %arg8[%get3A_250, %get3A_251] {strides = array<i32>} : memref<80x128xi32, #tpu.memory_space<vmem>>, vector<1x16xi32>,
      %get3A_253 = vector.shape_cast %get3A_252 : vector<1x16xi32> to vector<16xi32>
      %and3A_254 = arith.constant 16383 : i32
      %and3A_255 = vector.broadcast %and3A_254 : i32 to vector<16xi32>
      %and3A_256 = arith.andi %get3A_253, %and3A_255 : vector<16xi32>
      %shift_right_arithmetic3A_257 = arith.constant 14 : i32
      %shift_right_arithmetic3A_258 = vector.broadcast %shift_right_arithmetic3A_257 : i32 to vector<16xi32>
      %shift_right_arithmetic3A_259 = arith.shrsi %get3A_253, %shift_right_arithmetic3A_258 : vector<16xi32>
      %and3A_260 = arith.constant 15 : i32
      %and3A_261 = vector.broadcast %and3A_260 : i32 to vector<16xi32>
      %and3A_262 = arith.andi %shift_right_arithmetic3A_259, %and3A_261 : vector<16xi32>
      %eq3A_263 = arith.constant 0 : i32
      %eq3A_264 = vector.broadcast %eq3A_263 : i32 to vector<16xi32>
      %eq3A_265 = arith.cmpi eq, %and3A_262, %eq3A_264 : vector<16xi32>
      %select_n3A_266 = arith.select %eq3A_265, %and3A_256, %add3A_60 : vector<16xi1>, vector<16xi32>
      %dma_start3A_267 = arith.constant 112 : i32
      %dma_start3A_268 = arith.constant 0 : i32
      %dma_start3A_269 = tpu.memref_slice %arg9[%dma_start3A_267, %dma_start3A_268] : memref<128x128xf32, #tpu.memory_space<vmem>> -> memref<16x128xf32, #tpu.memory_space<vmem>>
      %dma_start3A_270 = arith.constant 0 : i32
      %dma_start3A_271 = arith.constant 0 : i32
      %dma_start3A_272 = tpu.memref_slice %arg10[%dma_start3A_270, %dma_start3A_271] : memref<10240x128xf32, #tpu.memory_space<vmem_shared>> -> memref<10240x128xf32, #tpu.memory_space<vmem_shared>>
      tpu.enqueue_indirect_dma source(%dma_start3A_269 : memref<16x128xf32, #tpu.memory_space<vmem>>) target(%dma_start3A_272 : memref<10240x128xf32, #tpu.memory_space<vmem_shared>>) offsets(%select_n3A_266 : vector<16xi32>) semaphore(%arg12 : memref<!tpu.dma_semaphore, #tpu.memory_space<semaphore_mem>>) {add = true}
      %dma_wait3A_273 = arith.constant 0 : i32
      %dma_wait3A_274 = arith.constant 0 : i32
      %dma_wait3A_275 = tpu.memref_slice %arg9[%dma_wait3A_273, %dma_wait3A_274] : memref<128x128xf32, #tpu.memory_space<vmem>> -> memref<16x128xf32, #tpu.memory_space<vmem>>
      %dma_wait3A_276 = arith.constant 0 : i32
      %dma_wait3A_277 = arith.constant 0 : i32
      %dma_wait3A_278 = tpu.memref_slice %arg10[%dma_wait3A_276, %dma_wait3A_277] : memref<10240x128xf32, #tpu.memory_space<vmem_shared>> -> memref<10240x128xf32, #tpu.memory_space<vmem_shared>>
      tpu.wait_indirect_dma semaphore(%arg12 : memref<!tpu.dma_semaphore, #tpu.memory_space<semaphore_mem>>) src(%dma_wait3A_275 : memref<16x128xf32, #tpu.memory_space<vmem>>) dst(%dma_wait3A_278 : memref<10240x128xf32, #tpu.memory_space<vmem_shared>>)
      %dma_wait3A_279 = arith.constant 16 : i32
      %dma_wait3A_280 = arith.constant 0 : i32
      %dma_wait3A_281 = tpu.memref_slice %arg9[%dma_wait3A_279, %dma_wait3A_280] : memref<128x128xf32, #tpu.memory_space<vmem>> -> memref<16x128xf32, #tpu.memory_space<vmem>>
      %dma_wait3A_282 = arith.constant 0 : i32
      %dma_wait3A_283 = arith.constant 0 : i32
      %dma_wait3A_284 = tpu.memref_slice %arg10[%dma_wait3A_282, %dma_wait3A_283] : memref<10240x128xf32, #tpu.memory_space<vmem_shared>> -> memref<10240x128xf32, #tpu.memory_space<vmem_shared>>
      tpu.wait_indirect_dma semaphore(%arg12 : memref<!tpu.dma_semaphore, #tpu.memory_space<semaphore_mem>>) src(%dma_wait3A_281 : memref<16x128xf32, #tpu.memory_space<vmem>>) dst(%dma_wait3A_284 : memref<10240x128xf32, #tpu.memory_space<vmem_shared>>)
      %dma_wait3A_285 = arith.constant 32 : i32
      %dma_wait3A_286 = arith.constant 0 : i32
      %dma_wait3A_287 = tpu.memref_slice %arg9[%dma_wait3A_285, %dma_wait3A_286] : memref<128x128xf32, #tpu.memory_space<vmem>> -> memref<16x128xf32, #tpu.memory_space<vmem>>
      %dma_wait3A_288 = arith.constant 0 : i32
      %dma_wait3A_289 = arith.constant 0 : i32
      %dma_wait3A_290 = tpu.memref_slice %arg10[%dma_wait3A_288, %dma_wait3A_289] : memref<10240x128xf32, #tpu.memory_space<vmem_shared>> -> memref<10240x128xf32, #tpu.memory_space<vmem_shared>>
      tpu.wait_indirect_dma semaphore(%arg12 : memref<!tpu.dma_semaphore, #tpu.memory_space<semaphore_mem>>) src(%dma_wait3A_287 : memref<16x128xf32, #tpu.memory_space<vmem>>) dst(%dma_wait3A_290 : memref<10240x128xf32, #tpu.memory_space<vmem_shared>>)
      %dma_wait3A_291 = arith.constant 48 : i32
      %dma_wait3A_292 = arith.constant 0 : i32
      %dma_wait3A_293 = tpu.memref_slice %arg9[%dma_wait3A_291, %dma_wait3A_292] : memref<128x128xf32, #tpu.memory_space<vmem>> -> memref<16x128xf32, #tpu.memory_space<vmem>>
      %dma_wait3A_294 = arith.constant 0 : i32
      %dma_wait3A_295 = arith.constant 0 : i32
      %dma_wait3A_296 = tpu.memref_slice %arg10[%dma_wait3A_294, %dma_wait3A_295] : memref<10240x128xf32, #tpu.memory_space<vmem_shared>> -> memref<10240x128xf32, #tpu.memory_space<vmem_shared>>
      tpu.wait_indirect_dma semaphore(%arg12 : memref<!tpu.dma_semaphore, #tpu.memory_space<semaphore_mem>>) src(%dma_wait3A_293 : memref<16x128xf32, #tpu.memory_space<vmem>>) dst(%dma_wait3A_296 : memref<10240x128xf32, #tpu.memory_space<vmem_shared>>)
      %dma_wait3A_297 = arith.constant 64 : i32
      %dma_wait3A_298 = arith.constant 0 : i32
      %dma_wait3A_299 = tpu.memref_slice %arg9[%dma_wait3A_297, %dma_wait3A_298] : memref<128x128xf32, #tpu.memory_space<vmem>> -> memref<16x128xf32, #tpu.memory_space<vmem>>
      %dma_wait3A_300 = arith.constant 0 : i32
      %dma_wait3A_301 = arith.constant 0 : i32
      %dma_wait3A_302 = tpu.memref_slice %arg10[%dma_wait3A_300, %dma_wait3A_301] : memref<10240x128xf32, #tpu.memory_space<vmem_shared>> -> memref<10240x128xf32, #tpu.memory_space<vmem_shared>>
      tpu.wait_indirect_dma semaphore(%arg12 : memref<!tpu.dma_semaphore, #tpu.memory_space<semaphore_mem>>) src(%dma_wait3A_299 : memref<16x128xf32, #tpu.memory_space<vmem>>) dst(%dma_wait3A_302 : memref<10240x128xf32, #tpu.memory_space<vmem_shared>>)
      %dma_wait3A_303 = arith.constant 80 : i32
      %dma_wait3A_304 = arith.constant 0 : i32
      %dma_wait3A_305 = tpu.memref_slice %arg9[%dma_wait3A_303, %dma_wait3A_304] : memref<128x128xf32, #tpu.memory_space<vmem>> -> memref<16x128xf32, #tpu.memory_space<vmem>>
      %dma_wait3A_306 = arith.constant 0 : i32
      %dma_wait3A_307 = arith.constant 0 : i32
      %dma_wait3A_308 = tpu.memref_slice %arg10[%dma_wait3A_306, %dma_wait3A_307] : memref<10240x128xf32, #tpu.memory_space<vmem_shared>> -> memref<10240x128xf32, #tpu.memory_space<vmem_shared>>
      tpu.wait_indirect_dma semaphore(%arg12 : memref<!tpu.dma_semaphore, #tpu.memory_space<semaphore_mem>>) src(%dma_wait3A_305 : memref<16x128xf32, #tpu.memory_space<vmem>>) dst(%dma_wait3A_308 : memref<10240x128xf32, #tpu.memory_space<vmem_shared>>)
      %dma_wait3A_309 = arith.constant 96 : i32
      %dma_wait3A_310 = arith.constant 0 : i32
      %dma_wait3A_311 = tpu.memref_slice %arg9[%dma_wait3A_309, %dma_wait3A_310] : memref<128x128xf32, #tpu.memory_space<vmem>> -> memref<16x128xf32, #tpu.memory_space<vmem>>
      %dma_wait3A_312 = arith.constant 0 : i32
      %dma_wait3A_313 = arith.constant 0 : i32
      %dma_wait3A_314 = tpu.memref_slice %arg10[%dma_wait3A_312, %dma_wait3A_313] : memref<10240x128xf32, #tpu.memory_space<vmem_shared>> -> memref<10240x128xf32, #tpu.memory_space<vmem_shared>>
      tpu.wait_indirect_dma semaphore(%arg12 : memref<!tpu.dma_semaphore, #tpu.memory_space<semaphore_mem>>) src(%dma_wait3A_311 : memref<16x128xf32, #tpu.memory_space<vmem>>) dst(%dma_wait3A_314 : memref<10240x128xf32, #tpu.memory_space<vmem_shared>>)
      %dma_wait3A_315 = arith.constant 112 : i32
      %dma_wait3A_316 = arith.constant 0 : i32
      %dma_wait3A_317 = tpu.memref_slice %arg9[%dma_wait3A_315, %dma_wait3A_316] : memref<128x128xf32, #tpu.memory_space<vmem>> -> memref<16x128xf32, #tpu.memory_space<vmem>>
      %dma_wait3A_318 = arith.constant 0 : i32
      %dma_wait3A_319 = arith.constant 0 : i32
      %dma_wait3A_320 = tpu.memref_slice %arg10[%dma_wait3A_318, %dma_wait3A_319] : memref<10240x128xf32, #tpu.memory_space<vmem_shared>> -> memref<10240x128xf32, #tpu.memory_space<vmem_shared>>
      tpu.wait_indirect_dma semaphore(%arg12 : memref<!tpu.dma_semaphore, #tpu.memory_space<semaphore_mem>>) src(%dma_wait3A_317 : memref<16x128xf32, #tpu.memory_space<vmem>>) dst(%dma_wait3A_320 : memref<10240x128xf32, #tpu.memory_space<vmem_shared>>)
      %get3A_321 = arith.index_cast %scan3A_81 : i32 to index
      %get3A_322 = arith.constant 0 : index
      %get3A_323 = tpu.vector_load %arg8[%get3A_321, %get3A_322] {strides = array<i32>} : memref<80x128xi32, #tpu.memory_space<vmem>>, vector<1x16xi32>,
      %get3A_324 = vector.shape_cast %get3A_323 : vector<1x16xi32> to vector<16xi32>
      %and3A_325 = arith.constant 16383 : i32
      %and3A_326 = vector.broadcast %and3A_325 : i32 to vector<16xi32>
      %and3A_327 = arith.andi %get3A_324, %and3A_326 : vector<16xi32>
      %shift_right_arithmetic3A_328 = arith.constant 14 : i32
      %shift_right_arithmetic3A_329 = vector.broadcast %shift_right_arithmetic3A_328 : i32 to vector<16xi32>
      %shift_right_arithmetic3A_330 = arith.shrsi %get3A_324, %shift_right_arithmetic3A_329 : vector<16xi32>
      %and3A_331 = arith.constant 15 : i32
      %and3A_332 = vector.broadcast %and3A_331 : i32 to vector<16xi32>
      %and3A_333 = arith.andi %shift_right_arithmetic3A_330, %and3A_332 : vector<16xi32>
      %shift_right_arithmetic3A_334 = arith.constant 18 : i32
      %shift_right_arithmetic3A_335 = vector.broadcast %shift_right_arithmetic3A_334 : i32 to vector<16xi32>
      %shift_right_arithmetic3A_336 = arith.shrsi %get3A_324, %shift_right_arithmetic3A_335 : vector<16xi32>
      %and3A_337 = arith.constant 15 : i32
      %and3A_338 = vector.broadcast %and3A_337 : i32 to vector<16xi32>
      %and3A_339 = arith.andi %shift_right_arithmetic3A_336, %and3A_338 : vector<16xi32>
      %slice3A = vector.extract_strided_slice %and3A_339 {offsets = [0], sizes = [1], strides = [1]} : vector<16xi32> to vector<1xi32>
      %squeeze3A = vector.extract %slice3A[0] : i32 from vector<1xi32>
      %gt3A = arith.constant 0 : i32
      %gt3A_340 = arith.cmpi sgt, %squeeze3A, %gt3A : i32
      %convert_element_type3A = arith.extui %gt3A_340 : i1 to i32
      %cond3A = arith.constant 0 : i32
      %cond3A_341 = arith.cmpi ne, %convert_element_type3A, %cond3A : i32
      scf.if %cond3A_341 {
        %add3A_524 = arith.constant 1 : i32
        %add3A_525 = arith.addi %squeeze3A, %add3A_524 : i32
        %while3A = arith.constant 0 : i32
        %while3A_526 = arith.constant 1 : i32
        %while3A_527 = arith.subi %add3A_525, %while3A_526 : i32
        %while3A_528 = arith.addi %while3A_526, %while3A_527 : i32
        %while3A_529 = arith.constant 1 : i32
        %while3A_530 = arith.divsi %while3A_527, %while3A_529 : i32
        %while3A_531 = arith.muli %while3A_530, %while3A_529 : i32
        %while3A_532 = arith.addi %while3A_526, %while3A_531 : i32
        %while3A_533 = arith.constant 1 : i32
        scf.for %while3A_535 = %while3A_526 to %while3A_532 step %while3A_533  : i32 {
          %eq3A_536 = vector.broadcast %while3A_535 : i32 to vector<16xi32>
          %eq3A_537 = arith.cmpi eq, %and3A_333, %eq3A_536 : vector<16xi32>
          %select_n3A_538 = arith.select %eq3A_537, %and3A_327, %add3A_39 : vector<16xi1>, vector<16xi32>
          %dma_start3A_539 = arith.constant 0 : i32
          %dma_start3A_540 = arith.constant 0 : i32
          %dma_start3A_541 = tpu.memref_slice %arg9[%dma_start3A_539, %dma_start3A_540] : memref<128x128xf32, #tpu.memory_space<vmem>> -> memref<16x128xf32, #tpu.memory_space<vmem>>
          %dma_start3A_542 = arith.constant 0 : i32
          %dma_start3A_543 = arith.constant 0 : i32
          %dma_start3A_544 = tpu.memref_slice %arg10[%dma_start3A_542, %dma_start3A_543] : memref<10240x128xf32, #tpu.memory_space<vmem_shared>> -> memref<10240x128xf32, #tpu.memory_space<vmem_shared>>
          tpu.enqueue_indirect_dma source(%dma_start3A_541 : memref<16x128xf32, #tpu.memory_space<vmem>>) target(%dma_start3A_544 : memref<10240x128xf32, #tpu.memory_space<vmem_shared>>) offsets(%select_n3A_538 : vector<16xi32>) semaphore(%arg12 : memref<!tpu.dma_semaphore, #tpu.memory_space<semaphore_mem>>) {add = true}
          %dma_wait3A_545 = arith.constant 0 : i32
          %dma_wait3A_546 = arith.constant 0 : i32
          %dma_wait3A_547 = tpu.memref_slice %arg9[%dma_wait3A_545, %dma_wait3A_546] : memref<128x128xf32, #tpu.memory_space<vmem>> -> memref<16x128xf32, #tpu.memory_space<vmem>>
          %dma_wait3A_548 = arith.constant 0 : i32
          %dma_wait3A_549 = arith.constant 0 : i32
          %dma_wait3A_550 = tpu.memref_slice %arg10[%dma_wait3A_548, %dma_wait3A_549] : memref<10240x128xf32, #tpu.memory_space<vmem_shared>> -> memref<10240x128xf32, #tpu.memory_space<vmem_shared>>
          tpu.wait_indirect_dma semaphore(%arg12 : memref<!tpu.dma_semaphore, #tpu.memory_space<semaphore_mem>>) src(%dma_wait3A_547 : memref<16x128xf32, #tpu.memory_space<vmem>>) dst(%dma_wait3A_550 : memref<10240x128xf32, #tpu.memory_space<vmem_shared>>)
        }
        %while3A_534 = arith.constant 1 : i32
        scf.for %while3A_535 = %while3A_532 to %while3A_528 step %while3A_534  : i32 {
          %eq3A_536 = vector.broadcast %while3A_535 : i32 to vector<16xi32>
          %eq3A_537 = arith.cmpi eq, %and3A_333, %eq3A_536 : vector<16xi32>
          %select_n3A_538 = arith.select %eq3A_537, %and3A_327, %add3A_39 : vector<16xi1>, vector<16xi32>
          %dma_start3A_539 = arith.constant 0 : i32
          %dma_start3A_540 = arith.constant 0 : i32
          %dma_start3A_541 = tpu.memref_slice %arg9[%dma_start3A_539, %dma_start3A_540] : memref<128x128xf32, #tpu.memory_space<vmem>> -> memref<16x128xf32, #tpu.memory_space<vmem>>
          %dma_start3A_542 = arith.constant 0 : i32
          %dma_start3A_543 = arith.constant 0 : i32
          %dma_start3A_544 = tpu.memref_slice %arg10[%dma_start3A_542, %dma_start3A_543] : memref<10240x128xf32, #tpu.memory_space<vmem_shared>> -> memref<10240x128xf32, #tpu.memory_space<vmem_shared>>
          tpu.enqueue_indirect_dma source(%dma_start3A_541 : memref<16x128xf32, #tpu.memory_space<vmem>>) target(%dma_start3A_544 : memref<10240x128xf32, #tpu.memory_space<vmem_shared>>) offsets(%select_n3A_538 : vector<16xi32>) semaphore(%arg12 : memref<!tpu.dma_semaphore, #tpu.memory_space<semaphore_mem>>) {add = true}
          %dma_wait3A_545 = arith.constant 0 : i32
          %dma_wait3A_546 = arith.constant 0 : i32
          %dma_wait3A_547 = tpu.memref_slice %arg9[%dma_wait3A_545, %dma_wait3A_546] : memref<128x128xf32, #tpu.memory_space<vmem>> -> memref<16x128xf32, #tpu.memory_space<vmem>>
          %dma_wait3A_548 = arith.constant 0 : i32
          %dma_wait3A_549 = arith.constant 0 : i32
          %dma_wait3A_550 = tpu.memref_slice %arg10[%dma_wait3A_548, %dma_wait3A_549] : memref<10240x128xf32, #tpu.memory_space<vmem_shared>> -> memref<10240x128xf32, #tpu.memory_space<vmem_shared>>
          tpu.wait_indirect_dma semaphore(%arg12 : memref<!tpu.dma_semaphore, #tpu.memory_space<semaphore_mem>>) src(%dma_wait3A_547 : memref<16x128xf32, #tpu.memory_space<vmem>>) dst(%dma_wait3A_550 : memref<10240x128xf32, #tpu.memory_space<vmem_shared>>)
        }
      } else {
      }
      %get3A_342 = arith.index_cast %scan3A_81 : i32 to index
      %get3A_343 = arith.constant 16 : index
      %get3A_344 = tpu.vector_load %arg8[%get3A_342, %get3A_343] {strides = array<i32>} : memref<80x128xi32, #tpu.memory_space<vmem>>, vector<1x16xi32>,
      %get3A_345 = vector.shape_cast %get3A_344 : vector<1x16xi32> to vector<16xi32>
      %and3A_346 = arith.constant 16383 : i32
      %and3A_347 = vector.broadcast %and3A_346 : i32 to vector<16xi32>
      %and3A_348 = arith.andi %get3A_345, %and3A_347 : vector<16xi32>
      %shift_right_arithmetic3A_349 = arith.constant 14 : i32
      %shift_right_arithmetic3A_350 = vector.broadcast %shift_right_arithmetic3A_349 : i32 to vector<16xi32>
      %shift_right_arithmetic3A_351 = arith.shrsi %get3A_345, %shift_right_arithmetic3A_350 : vector<16xi32>
      %and3A_352 = arith.constant 15 : i32
      %and3A_353 = vector.broadcast %and3A_352 : i32 to vector<16xi32>
      %and3A_354 = arith.andi %shift_right_arithmetic3A_351, %and3A_353 : vector<16xi32>
      %shift_right_arithmetic3A_355 = arith.constant 18 : i32
      %shift_right_arithmetic3A_356 = vector.broadcast %shift_right_arithmetic3A_355 : i32 to vector<16xi32>
      %shift_right_arithmetic3A_357 = arith.shrsi %get3A_345, %shift_right_arithmetic3A_356 : vector<16xi32>
      %and3A_358 = arith.constant 15 : i32
      %and3A_359 = vector.broadcast %and3A_358 : i32 to vector<16xi32>
      %and3A_360 = arith.andi %shift_right_arithmetic3A_357, %and3A_359 : vector<16xi32>
      %slice3A_361 = vector.extract_strided_slice %and3A_360 {offsets = [0], sizes = [1], strides = [1]} : vector<16xi32> to vector<1xi32>
      %squeeze3A_362 = vector.extract %slice3A_361[0] : i32 from vector<1xi32>
      %gt3A_363 = arith.constant 0 : i32
      %gt3A_364 = arith.cmpi sgt, %squeeze3A_362, %gt3A_363 : i32
      %convert_element_type3A_365 = arith.extui %gt3A_364 : i1 to i32
      %cond3A_366 = arith.constant 0 : i32
      %cond3A_367 = arith.cmpi ne, %convert_element_type3A_365, %cond3A_366 : i32
      scf.if %cond3A_367 {
        %add3A_524 = arith.constant 1 : i32
        %add3A_525 = arith.addi %squeeze3A_362, %add3A_524 : i32
        %while3A = arith.constant 0 : i32
        %while3A_526 = arith.constant 1 : i32
        %while3A_527 = arith.subi %add3A_525, %while3A_526 : i32
        %while3A_528 = arith.addi %while3A_526, %while3A_527 : i32
        %while3A_529 = arith.constant 1 : i32
        %while3A_530 = arith.divsi %while3A_527, %while3A_529 : i32
        %while3A_531 = arith.muli %while3A_530, %while3A_529 : i32
        %while3A_532 = arith.addi %while3A_526, %while3A_531 : i32
        %while3A_533 = arith.constant 1 : i32
        scf.for %while3A_535 = %while3A_526 to %while3A_532 step %while3A_533  : i32 {
          %eq3A_536 = vector.broadcast %while3A_535 : i32 to vector<16xi32>
          %eq3A_537 = arith.cmpi eq, %and3A_354, %eq3A_536 : vector<16xi32>
          %select_n3A_538 = arith.select %eq3A_537, %and3A_348, %add3A_42 : vector<16xi1>, vector<16xi32>
          %dma_start3A_539 = arith.constant 16 : i32
          %dma_start3A_540 = arith.constant 0 : i32
          %dma_start3A_541 = tpu.memref_slice %arg9[%dma_start3A_539, %dma_start3A_540] : memref<128x128xf32, #tpu.memory_space<vmem>> -> memref<16x128xf32, #tpu.memory_space<vmem>>
          %dma_start3A_542 = arith.constant 0 : i32
          %dma_start3A_543 = arith.constant 0 : i32
          %dma_start3A_544 = tpu.memref_slice %arg10[%dma_start3A_542, %dma_start3A_543] : memref<10240x128xf32, #tpu.memory_space<vmem_shared>> -> memref<10240x128xf32, #tpu.memory_space<vmem_shared>>
          tpu.enqueue_indirect_dma source(%dma_start3A_541 : memref<16x128xf32, #tpu.memory_space<vmem>>) target(%dma_start3A_544 : memref<10240x128xf32, #tpu.memory_space<vmem_shared>>) offsets(%select_n3A_538 : vector<16xi32>) semaphore(%arg12 : memref<!tpu.dma_semaphore, #tpu.memory_space<semaphore_mem>>) {add = true}
          %dma_wait3A_545 = arith.constant 16 : i32
          %dma_wait3A_546 = arith.constant 0 : i32
          %dma_wait3A_547 = tpu.memref_slice %arg9[%dma_wait3A_545, %dma_wait3A_546] : memref<128x128xf32, #tpu.memory_space<vmem>> -> memref<16x128xf32, #tpu.memory_space<vmem>>
          %dma_wait3A_548 = arith.constant 0 : i32
          %dma_wait3A_549 = arith.constant 0 : i32
          %dma_wait3A_550 = tpu.memref_slice %arg10[%dma_wait3A_548, %dma_wait3A_549] : memref<10240x128xf32, #tpu.memory_space<vmem_shared>> -> memref<10240x128xf32, #tpu.memory_space<vmem_shared>>
          tpu.wait_indirect_dma semaphore(%arg12 : memref<!tpu.dma_semaphore, #tpu.memory_space<semaphore_mem>>) src(%dma_wait3A_547 : memref<16x128xf32, #tpu.memory_space<vmem>>) dst(%dma_wait3A_550 : memref<10240x128xf32, #tpu.memory_space<vmem_shared>>)
        }
        %while3A_534 = arith.constant 1 : i32
        scf.for %while3A_535 = %while3A_532 to %while3A_528 step %while3A_534  : i32 {
          %eq3A_536 = vector.broadcast %while3A_535 : i32 to vector<16xi32>
          %eq3A_537 = arith.cmpi eq, %and3A_354, %eq3A_536 : vector<16xi32>
          %select_n3A_538 = arith.select %eq3A_537, %and3A_348, %add3A_42 : vector<16xi1>, vector<16xi32>
          %dma_start3A_539 = arith.constant 16 : i32
          %dma_start3A_540 = arith.constant 0 : i32
          %dma_start3A_541 = tpu.memref_slice %arg9[%dma_start3A_539, %dma_start3A_540] : memref<128x128xf32, #tpu.memory_space<vmem>> -> memref<16x128xf32, #tpu.memory_space<vmem>>
          %dma_start3A_542 = arith.constant 0 : i32
          %dma_start3A_543 = arith.constant 0 : i32
          %dma_start3A_544 = tpu.memref_slice %arg10[%dma_start3A_542, %dma_start3A_543] : memref<10240x128xf32, #tpu.memory_space<vmem_shared>> -> memref<10240x128xf32, #tpu.memory_space<vmem_shared>>
          tpu.enqueue_indirect_dma source(%dma_start3A_541 : memref<16x128xf32, #tpu.memory_space<vmem>>) target(%dma_start3A_544 : memref<10240x128xf32, #tpu.memory_space<vmem_shared>>) offsets(%select_n3A_538 : vector<16xi32>) semaphore(%arg12 : memref<!tpu.dma_semaphore, #tpu.memory_space<semaphore_mem>>) {add = true}
          %dma_wait3A_545 = arith.constant 16 : i32
          %dma_wait3A_546 = arith.constant 0 : i32
          %dma_wait3A_547 = tpu.memref_slice %arg9[%dma_wait3A_545, %dma_wait3A_546] : memref<128x128xf32, #tpu.memory_space<vmem>> -> memref<16x128xf32, #tpu.memory_space<vmem>>
          %dma_wait3A_548 = arith.constant 0 : i32
          %dma_wait3A_549 = arith.constant 0 : i32
          %dma_wait3A_550 = tpu.memref_slice %arg10[%dma_wait3A_548, %dma_wait3A_549] : memref<10240x128xf32, #tpu.memory_space<vmem_shared>> -> memref<10240x128xf32, #tpu.memory_space<vmem_shared>>
          tpu.wait_indirect_dma semaphore(%arg12 : memref<!tpu.dma_semaphore, #tpu.memory_space<semaphore_mem>>) src(%dma_wait3A_547 : memref<16x128xf32, #tpu.memory_space<vmem>>) dst(%dma_wait3A_550 : memref<10240x128xf32, #tpu.memory_space<vmem_shared>>)
        }
      } else {
      }
      %get3A_368 = arith.index_cast %scan3A_81 : i32 to index
      %get3A_369 = arith.constant 32 : index
      %get3A_370 = tpu.vector_load %arg8[%get3A_368, %get3A_369] {strides = array<i32>} : memref<80x128xi32, #tpu.memory_space<vmem>>, vector<1x16xi32>,
      %get3A_371 = vector.shape_cast %get3A_370 : vector<1x16xi32> to vector<16xi32>
      %and3A_372 = arith.constant 16383 : i32
      %and3A_373 = vector.broadcast %and3A_372 : i32 to vector<16xi32>
      %and3A_374 = arith.andi %get3A_371, %and3A_373 : vector<16xi32>
      %shift_right_arithmetic3A_375 = arith.constant 14 : i32
      %shift_right_arithmetic3A_376 = vector.broadcast %shift_right_arithmetic3A_375 : i32 to vector<16xi32>
      %shift_right_arithmetic3A_377 = arith.shrsi %get3A_371, %shift_right_arithmetic3A_376 : vector<16xi32>
      %and3A_378 = arith.constant 15 : i32
      %and3A_379 = vector.broadcast %and3A_378 : i32 to vector<16xi32>
      %and3A_380 = arith.andi %shift_right_arithmetic3A_377, %and3A_379 : vector<16xi32>
      %shift_right_arithmetic3A_381 = arith.constant 18 : i32
      %shift_right_arithmetic3A_382 = vector.broadcast %shift_right_arithmetic3A_381 : i32 to vector<16xi32>
      %shift_right_arithmetic3A_383 = arith.shrsi %get3A_371, %shift_right_arithmetic3A_382 : vector<16xi32>
      %and3A_384 = arith.constant 15 : i32
      %and3A_385 = vector.broadcast %and3A_384 : i32 to vector<16xi32>
      %and3A_386 = arith.andi %shift_right_arithmetic3A_383, %and3A_385 : vector<16xi32>
      %slice3A_387 = vector.extract_strided_slice %and3A_386 {offsets = [0], sizes = [1], strides = [1]} : vector<16xi32> to vector<1xi32>
      %squeeze3A_388 = vector.extract %slice3A_387[0] : i32 from vector<1xi32>
      %gt3A_389 = arith.constant 0 : i32
      %gt3A_390 = arith.cmpi sgt, %squeeze3A_388, %gt3A_389 : i32
      %convert_element_type3A_391 = arith.extui %gt3A_390 : i1 to i32
      %cond3A_392 = arith.constant 0 : i32
      %cond3A_393 = arith.cmpi ne, %convert_element_type3A_391, %cond3A_392 : i32
      scf.if %cond3A_393 {
        %add3A_524 = arith.constant 1 : i32
        %add3A_525 = arith.addi %squeeze3A_388, %add3A_524 : i32
        %while3A = arith.constant 0 : i32
        %while3A_526 = arith.constant 1 : i32
        %while3A_527 = arith.subi %add3A_525, %while3A_526 : i32
        %while3A_528 = arith.addi %while3A_526, %while3A_527 : i32
        %while3A_529 = arith.constant 1 : i32
        %while3A_530 = arith.divsi %while3A_527, %while3A_529 : i32
        %while3A_531 = arith.muli %while3A_530, %while3A_529 : i32
        %while3A_532 = arith.addi %while3A_526, %while3A_531 : i32
        %while3A_533 = arith.constant 1 : i32
        scf.for %while3A_535 = %while3A_526 to %while3A_532 step %while3A_533  : i32 {
          %eq3A_536 = vector.broadcast %while3A_535 : i32 to vector<16xi32>
          %eq3A_537 = arith.cmpi eq, %and3A_380, %eq3A_536 : vector<16xi32>
          %select_n3A_538 = arith.select %eq3A_537, %and3A_374, %add3A_45 : vector<16xi1>, vector<16xi32>
          %dma_start3A_539 = arith.constant 32 : i32
          %dma_start3A_540 = arith.constant 0 : i32
          %dma_start3A_541 = tpu.memref_slice %arg9[%dma_start3A_539, %dma_start3A_540] : memref<128x128xf32, #tpu.memory_space<vmem>> -> memref<16x128xf32, #tpu.memory_space<vmem>>
          %dma_start3A_542 = arith.constant 0 : i32
          %dma_start3A_543 = arith.constant 0 : i32
          %dma_start3A_544 = tpu.memref_slice %arg10[%dma_start3A_542, %dma_start3A_543] : memref<10240x128xf32, #tpu.memory_space<vmem_shared>> -> memref<10240x128xf32, #tpu.memory_space<vmem_shared>>
          tpu.enqueue_indirect_dma source(%dma_start3A_541 : memref<16x128xf32, #tpu.memory_space<vmem>>) target(%dma_start3A_544 : memref<10240x128xf32, #tpu.memory_space<vmem_shared>>) offsets(%select_n3A_538 : vector<16xi32>) semaphore(%arg12 : memref<!tpu.dma_semaphore, #tpu.memory_space<semaphore_mem>>) {add = true}
          %dma_wait3A_545 = arith.constant 32 : i32
          %dma_wait3A_546 = arith.constant 0 : i32
          %dma_wait3A_547 = tpu.memref_slice %arg9[%dma_wait3A_545, %dma_wait3A_546] : memref<128x128xf32, #tpu.memory_space<vmem>> -> memref<16x128xf32, #tpu.memory_space<vmem>>
          %dma_wait3A_548 = arith.constant 0 : i32
          %dma_wait3A_549 = arith.constant 0 : i32
          %dma_wait3A_550 = tpu.memref_slice %arg10[%dma_wait3A_548, %dma_wait3A_549] : memref<10240x128xf32, #tpu.memory_space<vmem_shared>> -> memref<10240x128xf32, #tpu.memory_space<vmem_shared>>
          tpu.wait_indirect_dma semaphore(%arg12 : memref<!tpu.dma_semaphore, #tpu.memory_space<semaphore_mem>>) src(%dma_wait3A_547 : memref<16x128xf32, #tpu.memory_space<vmem>>) dst(%dma_wait3A_550 : memref<10240x128xf32, #tpu.memory_space<vmem_shared>>)
        }
        %while3A_534 = arith.constant 1 : i32
        scf.for %while3A_535 = %while3A_532 to %while3A_528 step %while3A_534  : i32 {
          %eq3A_536 = vector.broadcast %while3A_535 : i32 to vector<16xi32>
          %eq3A_537 = arith.cmpi eq, %and3A_380, %eq3A_536 : vector<16xi32>
          %select_n3A_538 = arith.select %eq3A_537, %and3A_374, %add3A_45 : vector<16xi1>, vector<16xi32>
          %dma_start3A_539 = arith.constant 32 : i32
          %dma_start3A_540 = arith.constant 0 : i32
          %dma_start3A_541 = tpu.memref_slice %arg9[%dma_start3A_539, %dma_start3A_540] : memref<128x128xf32, #tpu.memory_space<vmem>> -> memref<16x128xf32, #tpu.memory_space<vmem>>
          %dma_start3A_542 = arith.constant 0 : i32
          %dma_start3A_543 = arith.constant 0 : i32
          %dma_start3A_544 = tpu.memref_slice %arg10[%dma_start3A_542, %dma_start3A_543] : memref<10240x128xf32, #tpu.memory_space<vmem_shared>> -> memref<10240x128xf32, #tpu.memory_space<vmem_shared>>
          tpu.enqueue_indirect_dma source(%dma_start3A_541 : memref<16x128xf32, #tpu.memory_space<vmem>>) target(%dma_start3A_544 : memref<10240x128xf32, #tpu.memory_space<vmem_shared>>) offsets(%select_n3A_538 : vector<16xi32>) semaphore(%arg12 : memref<!tpu.dma_semaphore, #tpu.memory_space<semaphore_mem>>) {add = true}
          %dma_wait3A_545 = arith.constant 32 : i32
          %dma_wait3A_546 = arith.constant 0 : i32
          %dma_wait3A_547 = tpu.memref_slice %arg9[%dma_wait3A_545, %dma_wait3A_546] : memref<128x128xf32, #tpu.memory_space<vmem>> -> memref<16x128xf32, #tpu.memory_space<vmem>>
          %dma_wait3A_548 = arith.constant 0 : i32
          %dma_wait3A_549 = arith.constant 0 : i32
          %dma_wait3A_550 = tpu.memref_slice %arg10[%dma_wait3A_548, %dma_wait3A_549] : memref<10240x128xf32, #tpu.memory_space<vmem_shared>> -> memref<10240x128xf32, #tpu.memory_space<vmem_shared>>
          tpu.wait_indirect_dma semaphore(%arg12 : memref<!tpu.dma_semaphore, #tpu.memory_space<semaphore_mem>>) src(%dma_wait3A_547 : memref<16x128xf32, #tpu.memory_space<vmem>>) dst(%dma_wait3A_550 : memref<10240x128xf32, #tpu.memory_space<vmem_shared>>)
        }
      } else {
      }
      %get3A_394 = arith.index_cast %scan3A_81 : i32 to index
      %get3A_395 = arith.constant 48 : index
      %get3A_396 = tpu.vector_load %arg8[%get3A_394, %get3A_395] {strides = array<i32>} : memref<80x128xi32, #tpu.memory_space<vmem>>, vector<1x16xi32>,
      %get3A_397 = vector.shape_cast %get3A_396 : vector<1x16xi32> to vector<16xi32>
      %and3A_398 = arith.constant 16383 : i32
      %and3A_399 = vector.broadcast %and3A_398 : i32 to vector<16xi32>
      %and3A_400 = arith.andi %get3A_397, %and3A_399 : vector<16xi32>
      %shift_right_arithmetic3A_401 = arith.constant 14 : i32
      %shift_right_arithmetic3A_402 = vector.broadcast %shift_right_arithmetic3A_401 : i32 to vector<16xi32>
      %shift_right_arithmetic3A_403 = arith.shrsi %get3A_397, %shift_right_arithmetic3A_402 : vector<16xi32>
      %and3A_404 = arith.constant 15 : i32
      %and3A_405 = vector.broadcast %and3A_404 : i32 to vector<16xi32>
      %and3A_406 = arith.andi %shift_right_arithmetic3A_403, %and3A_405 : vector<16xi32>
      %shift_right_arithmetic3A_407 = arith.constant 18 : i32
      %shift_right_arithmetic3A_408 = vector.broadcast %shift_right_arithmetic3A_407 : i32 to vector<16xi32>
      %shift_right_arithmetic3A_409 = arith.shrsi %get3A_397, %shift_right_arithmetic3A_408 : vector<16xi32>
      %and3A_410 = arith.constant 15 : i32
      %and3A_411 = vector.broadcast %and3A_410 : i32 to vector<16xi32>
      %and3A_412 = arith.andi %shift_right_arithmetic3A_409, %and3A_411 : vector<16xi32>
      %slice3A_413 = vector.extract_strided_slice %and3A_412 {offsets = [0], sizes = [1], strides = [1]} : vector<16xi32> to vector<1xi32>
      %squeeze3A_414 = vector.extract %slice3A_413[0] : i32 from vector<1xi32>
      %gt3A_415 = arith.constant 0 : i32
      %gt3A_416 = arith.cmpi sgt, %squeeze3A_414, %gt3A_415 : i32
      %convert_element_type3A_417 = arith.extui %gt3A_416 : i1 to i32
      %cond3A_418 = arith.constant 0 : i32
      %cond3A_419 = arith.cmpi ne, %convert_element_type3A_417, %cond3A_418 : i32
      scf.if %cond3A_419 {
        %add3A_524 = arith.constant 1 : i32
        %add3A_525 = arith.addi %squeeze3A_414, %add3A_524 : i32
        %while3A = arith.constant 0 : i32
        %while3A_526 = arith.constant 1 : i32
        %while3A_527 = arith.subi %add3A_525, %while3A_526 : i32
        %while3A_528 = arith.addi %while3A_526, %while3A_527 : i32
        %while3A_529 = arith.constant 1 : i32
        %while3A_530 = arith.divsi %while3A_527, %while3A_529 : i32
        %while3A_531 = arith.muli %while3A_530, %while3A_529 : i32
        %while3A_532 = arith.addi %while3A_526, %while3A_531 : i32
        %while3A_533 = arith.constant 1 : i32
        scf.for %while3A_535 = %while3A_526 to %while3A_532 step %while3A_533  : i32 {
          %eq3A_536 = vector.broadcast %while3A_535 : i32 to vector<16xi32>
          %eq3A_537 = arith.cmpi eq, %and3A_406, %eq3A_536 : vector<16xi32>
          %select_n3A_538 = arith.select %eq3A_537, %and3A_400, %add3A_48 : vector<16xi1>, vector<16xi32>
          %dma_start3A_539 = arith.constant 48 : i32
          %dma_start3A_540 = arith.constant 0 : i32
          %dma_start3A_541 = tpu.memref_slice %arg9[%dma_start3A_539, %dma_start3A_540] : memref<128x128xf32, #tpu.memory_space<vmem>> -> memref<16x128xf32, #tpu.memory_space<vmem>>
          %dma_start3A_542 = arith.constant 0 : i32
          %dma_start3A_543 = arith.constant 0 : i32
          %dma_start3A_544 = tpu.memref_slice %arg10[%dma_start3A_542, %dma_start3A_543] : memref<10240x128xf32, #tpu.memory_space<vmem_shared>> -> memref<10240x128xf32, #tpu.memory_space<vmem_shared>>
          tpu.enqueue_indirect_dma source(%dma_start3A_541 : memref<16x128xf32, #tpu.memory_space<vmem>>) target(%dma_start3A_544 : memref<10240x128xf32, #tpu.memory_space<vmem_shared>>) offsets(%select_n3A_538 : vector<16xi32>) semaphore(%arg12 : memref<!tpu.dma_semaphore, #tpu.memory_space<semaphore_mem>>) {add = true}
          %dma_wait3A_545 = arith.constant 48 : i32
          %dma_wait3A_546 = arith.constant 0 : i32
          %dma_wait3A_547 = tpu.memref_slice %arg9[%dma_wait3A_545, %dma_wait3A_546] : memref<128x128xf32, #tpu.memory_space<vmem>> -> memref<16x128xf32, #tpu.memory_space<vmem>>
          %dma_wait3A_548 = arith.constant 0 : i32
          %dma_wait3A_549 = arith.constant 0 : i32
          %dma_wait3A_550 = tpu.memref_slice %arg10[%dma_wait3A_548, %dma_wait3A_549] : memref<10240x128xf32, #tpu.memory_space<vmem_shared>> -> memref<10240x128xf32, #tpu.memory_space<vmem_shared>>
          tpu.wait_indirect_dma semaphore(%arg12 : memref<!tpu.dma_semaphore, #tpu.memory_space<semaphore_mem>>) src(%dma_wait3A_547 : memref<16x128xf32, #tpu.memory_space<vmem>>) dst(%dma_wait3A_550 : memref<10240x128xf32, #tpu.memory_space<vmem_shared>>)
        }
        %while3A_534 = arith.constant 1 : i32
        scf.for %while3A_535 = %while3A_532 to %while3A_528 step %while3A_534  : i32 {
          %eq3A_536 = vector.broadcast %while3A_535 : i32 to vector<16xi32>
          %eq3A_537 = arith.cmpi eq, %and3A_406, %eq3A_536 : vector<16xi32>
          %select_n3A_538 = arith.select %eq3A_537, %and3A_400, %add3A_48 : vector<16xi1>, vector<16xi32>
          %dma_start3A_539 = arith.constant 48 : i32
          %dma_start3A_540 = arith.constant 0 : i32
          %dma_start3A_541 = tpu.memref_slice %arg9[%dma_start3A_539, %dma_start3A_540] : memref<128x128xf32, #tpu.memory_space<vmem>> -> memref<16x128xf32, #tpu.memory_space<vmem>>
          %dma_start3A_542 = arith.constant 0 : i32
          %dma_start3A_543 = arith.constant 0 : i32
          %dma_start3A_544 = tpu.memref_slice %arg10[%dma_start3A_542, %dma_start3A_543] : memref<10240x128xf32, #tpu.memory_space<vmem_shared>> -> memref<10240x128xf32, #tpu.memory_space<vmem_shared>>
          tpu.enqueue_indirect_dma source(%dma_start3A_541 : memref<16x128xf32, #tpu.memory_space<vmem>>) target(%dma_start3A_544 : memref<10240x128xf32, #tpu.memory_space<vmem_shared>>) offsets(%select_n3A_538 : vector<16xi32>) semaphore(%arg12 : memref<!tpu.dma_semaphore, #tpu.memory_space<semaphore_mem>>) {add = true}
          %dma_wait3A_545 = arith.constant 48 : i32
          %dma_wait3A_546 = arith.constant 0 : i32
          %dma_wait3A_547 = tpu.memref_slice %arg9[%dma_wait3A_545, %dma_wait3A_546] : memref<128x128xf32, #tpu.memory_space<vmem>> -> memref<16x128xf32, #tpu.memory_space<vmem>>
          %dma_wait3A_548 = arith.constant 0 : i32
          %dma_wait3A_549 = arith.constant 0 : i32
          %dma_wait3A_550 = tpu.memref_slice %arg10[%dma_wait3A_548, %dma_wait3A_549] : memref<10240x128xf32, #tpu.memory_space<vmem_shared>> -> memref<10240x128xf32, #tpu.memory_space<vmem_shared>>
          tpu.wait_indirect_dma semaphore(%arg12 : memref<!tpu.dma_semaphore, #tpu.memory_space<semaphore_mem>>) src(%dma_wait3A_547 : memref<16x128xf32, #tpu.memory_space<vmem>>) dst(%dma_wait3A_550 : memref<10240x128xf32, #tpu.memory_space<vmem_shared>>)
        }
      } else {
      }
      %get3A_420 = arith.index_cast %scan3A_81 : i32 to index
      %get3A_421 = arith.constant 64 : index
      %get3A_422 = tpu.vector_load %arg8[%get3A_420, %get3A_421] {strides = array<i32>} : memref<80x128xi32, #tpu.memory_space<vmem>>, vector<1x16xi32>,
      %get3A_423 = vector.shape_cast %get3A_422 : vector<1x16xi32> to vector<16xi32>
      %and3A_424 = arith.constant 16383 : i32
      %and3A_425 = vector.broadcast %and3A_424 : i32 to vector<16xi32>
      %and3A_426 = arith.andi %get3A_423, %and3A_425 : vector<16xi32>
      %shift_right_arithmetic3A_427 = arith.constant 14 : i32
      %shift_right_arithmetic3A_428 = vector.broadcast %shift_right_arithmetic3A_427 : i32 to vector<16xi32>
      %shift_right_arithmetic3A_429 = arith.shrsi %get3A_423, %shift_right_arithmetic3A_428 : vector<16xi32>
      %and3A_430 = arith.constant 15 : i32
      %and3A_431 = vector.broadcast %and3A_430 : i32 to vector<16xi32>
      %and3A_432 = arith.andi %shift_right_arithmetic3A_429, %and3A_431 : vector<16xi32>
      %shift_right_arithmetic3A_433 = arith.constant 18 : i32
      %shift_right_arithmetic3A_434 = vector.broadcast %shift_right_arithmetic3A_433 : i32 to vector<16xi32>
      %shift_right_arithmetic3A_435 = arith.shrsi %get3A_423, %shift_right_arithmetic3A_434 : vector<16xi32>
      %and3A_436 = arith.constant 15 : i32
      %and3A_437 = vector.broadcast %and3A_436 : i32 to vector<16xi32>
      %and3A_438 = arith.andi %shift_right_arithmetic3A_435, %and3A_437 : vector<16xi32>
      %slice3A_439 = vector.extract_strided_slice %and3A_438 {offsets = [0], sizes = [1], strides = [1]} : vector<16xi32> to vector<1xi32>
      %squeeze3A_440 = vector.extract %slice3A_439[0] : i32 from vector<1xi32>
      %gt3A_441 = arith.constant 0 : i32
      %gt3A_442 = arith.cmpi sgt, %squeeze3A_440, %gt3A_441 : i32
      %convert_element_type3A_443 = arith.extui %gt3A_442 : i1 to i32
      %cond3A_444 = arith.constant 0 : i32
      %cond3A_445 = arith.cmpi ne, %convert_element_type3A_443, %cond3A_444 : i32
      scf.if %cond3A_445 {
        %add3A_524 = arith.constant 1 : i32
        %add3A_525 = arith.addi %squeeze3A_440, %add3A_524 : i32
        %while3A = arith.constant 0 : i32
        %while3A_526 = arith.constant 1 : i32
        %while3A_527 = arith.subi %add3A_525, %while3A_526 : i32
        %while3A_528 = arith.addi %while3A_526, %while3A_527 : i32
        %while3A_529 = arith.constant 1 : i32
        %while3A_530 = arith.divsi %while3A_527, %while3A_529 : i32
        %while3A_531 = arith.muli %while3A_530, %while3A_529 : i32
        %while3A_532 = arith.addi %while3A_526, %while3A_531 : i32
        %while3A_533 = arith.constant 1 : i32
        scf.for %while3A_535 = %while3A_526 to %while3A_532 step %while3A_533  : i32 {
          %eq3A_536 = vector.broadcast %while3A_535 : i32 to vector<16xi32>
          %eq3A_537 = arith.cmpi eq, %and3A_432, %eq3A_536 : vector<16xi32>
          %select_n3A_538 = arith.select %eq3A_537, %and3A_426, %add3A_51 : vector<16xi1>, vector<16xi32>
          %dma_start3A_539 = arith.constant 64 : i32
          %dma_start3A_540 = arith.constant 0 : i32
          %dma_start3A_541 = tpu.memref_slice %arg9[%dma_start3A_539, %dma_start3A_540] : memref<128x128xf32, #tpu.memory_space<vmem>> -> memref<16x128xf32, #tpu.memory_space<vmem>>
          %dma_start3A_542 = arith.constant 0 : i32
          %dma_start3A_543 = arith.constant 0 : i32
          %dma_start3A_544 = tpu.memref_slice %arg10[%dma_start3A_542, %dma_start3A_543] : memref<10240x128xf32, #tpu.memory_space<vmem_shared>> -> memref<10240x128xf32, #tpu.memory_space<vmem_shared>>
          tpu.enqueue_indirect_dma source(%dma_start3A_541 : memref<16x128xf32, #tpu.memory_space<vmem>>) target(%dma_start3A_544 : memref<10240x128xf32, #tpu.memory_space<vmem_shared>>) offsets(%select_n3A_538 : vector<16xi32>) semaphore(%arg12 : memref<!tpu.dma_semaphore, #tpu.memory_space<semaphore_mem>>) {add = true}
          %dma_wait3A_545 = arith.constant 64 : i32
          %dma_wait3A_546 = arith.constant 0 : i32
          %dma_wait3A_547 = tpu.memref_slice %arg9[%dma_wait3A_545, %dma_wait3A_546] : memref<128x128xf32, #tpu.memory_space<vmem>> -> memref<16x128xf32, #tpu.memory_space<vmem>>
          %dma_wait3A_548 = arith.constant 0 : i32
          %dma_wait3A_549 = arith.constant 0 : i32
          %dma_wait3A_550 = tpu.memref_slice %arg10[%dma_wait3A_548, %dma_wait3A_549] : memref<10240x128xf32, #tpu.memory_space<vmem_shared>> -> memref<10240x128xf32, #tpu.memory_space<vmem_shared>>
          tpu.wait_indirect_dma semaphore(%arg12 : memref<!tpu.dma_semaphore, #tpu.memory_space<semaphore_mem>>) src(%dma_wait3A_547 : memref<16x128xf32, #tpu.memory_space<vmem>>) dst(%dma_wait3A_550 : memref<10240x128xf32, #tpu.memory_space<vmem_shared>>)
        }
        %while3A_534 = arith.constant 1 : i32
        scf.for %while3A_535 = %while3A_532 to %while3A_528 step %while3A_534  : i32 {
          %eq3A_536 = vector.broadcast %while3A_535 : i32 to vector<16xi32>
          %eq3A_537 = arith.cmpi eq, %and3A_432, %eq3A_536 : vector<16xi32>
          %select_n3A_538 = arith.select %eq3A_537, %and3A_426, %add3A_51 : vector<16xi1>, vector<16xi32>
          %dma_start3A_539 = arith.constant 64 : i32
          %dma_start3A_540 = arith.constant 0 : i32
          %dma_start3A_541 = tpu.memref_slice %arg9[%dma_start3A_539, %dma_start3A_540] : memref<128x128xf32, #tpu.memory_space<vmem>> -> memref<16x128xf32, #tpu.memory_space<vmem>>
          %dma_start3A_542 = arith.constant 0 : i32
          %dma_start3A_543 = arith.constant 0 : i32
          %dma_start3A_544 = tpu.memref_slice %arg10[%dma_start3A_542, %dma_start3A_543] : memref<10240x128xf32, #tpu.memory_space<vmem_shared>> -> memref<10240x128xf32, #tpu.memory_space<vmem_shared>>
          tpu.enqueue_indirect_dma source(%dma_start3A_541 : memref<16x128xf32, #tpu.memory_space<vmem>>) target(%dma_start3A_544 : memref<10240x128xf32, #tpu.memory_space<vmem_shared>>) offsets(%select_n3A_538 : vector<16xi32>) semaphore(%arg12 : memref<!tpu.dma_semaphore, #tpu.memory_space<semaphore_mem>>) {add = true}
          %dma_wait3A_545 = arith.constant 64 : i32
          %dma_wait3A_546 = arith.constant 0 : i32
          %dma_wait3A_547 = tpu.memref_slice %arg9[%dma_wait3A_545, %dma_wait3A_546] : memref<128x128xf32, #tpu.memory_space<vmem>> -> memref<16x128xf32, #tpu.memory_space<vmem>>
          %dma_wait3A_548 = arith.constant 0 : i32
          %dma_wait3A_549 = arith.constant 0 : i32
          %dma_wait3A_550 = tpu.memref_slice %arg10[%dma_wait3A_548, %dma_wait3A_549] : memref<10240x128xf32, #tpu.memory_space<vmem_shared>> -> memref<10240x128xf32, #tpu.memory_space<vmem_shared>>
          tpu.wait_indirect_dma semaphore(%arg12 : memref<!tpu.dma_semaphore, #tpu.memory_space<semaphore_mem>>) src(%dma_wait3A_547 : memref<16x128xf32, #tpu.memory_space<vmem>>) dst(%dma_wait3A_550 : memref<10240x128xf32, #tpu.memory_space<vmem_shared>>)
        }
      } else {
      }
      %get3A_446 = arith.index_cast %scan3A_81 : i32 to index
      %get3A_447 = arith.constant 80 : index
      %get3A_448 = tpu.vector_load %arg8[%get3A_446, %get3A_447] {strides = array<i32>} : memref<80x128xi32, #tpu.memory_space<vmem>>, vector<1x16xi32>,
      %get3A_449 = vector.shape_cast %get3A_448 : vector<1x16xi32> to vector<16xi32>
      %and3A_450 = arith.constant 16383 : i32
      %and3A_451 = vector.broadcast %and3A_450 : i32 to vector<16xi32>
      %and3A_452 = arith.andi %get3A_449, %and3A_451 : vector<16xi32>
      %shift_right_arithmetic3A_453 = arith.constant 14 : i32
      %shift_right_arithmetic3A_454 = vector.broadcast %shift_right_arithmetic3A_453 : i32 to vector<16xi32>
      %shift_right_arithmetic3A_455 = arith.shrsi %get3A_449, %shift_right_arithmetic3A_454 : vector<16xi32>
      %and3A_456 = arith.constant 15 : i32
      %and3A_457 = vector.broadcast %and3A_456 : i32 to vector<16xi32>
      %and3A_458 = arith.andi %shift_right_arithmetic3A_455, %and3A_457 : vector<16xi32>
      %shift_right_arithmetic3A_459 = arith.constant 18 : i32
      %shift_right_arithmetic3A_460 = vector.broadcast %shift_right_arithmetic3A_459 : i32 to vector<16xi32>
      %shift_right_arithmetic3A_461 = arith.shrsi %get3A_449, %shift_right_arithmetic3A_460 : vector<16xi32>
      %and3A_462 = arith.constant 15 : i32
      %and3A_463 = vector.broadcast %and3A_462 : i32 to vector<16xi32>
      %and3A_464 = arith.andi %shift_right_arithmetic3A_461, %and3A_463 : vector<16xi32>
      %slice3A_465 = vector.extract_strided_slice %and3A_464 {offsets = [0], sizes = [1], strides = [1]} : vector<16xi32> to vector<1xi32>
      %squeeze3A_466 = vector.extract %slice3A_465[0] : i32 from vector<1xi32>
      %gt3A_467 = arith.constant 0 : i32
      %gt3A_468 = arith.cmpi sgt, %squeeze3A_466, %gt3A_467 : i32
      %convert_element_type3A_469 = arith.extui %gt3A_468 : i1 to i32
      %cond3A_470 = arith.constant 0 : i32
      %cond3A_471 = arith.cmpi ne, %convert_element_type3A_469, %cond3A_470 : i32
      scf.if %cond3A_471 {
        %add3A_524 = arith.constant 1 : i32
        %add3A_525 = arith.addi %squeeze3A_466, %add3A_524 : i32
        %while3A = arith.constant 0 : i32
        %while3A_526 = arith.constant 1 : i32
        %while3A_527 = arith.subi %add3A_525, %while3A_526 : i32
        %while3A_528 = arith.addi %while3A_526, %while3A_527 : i32
        %while3A_529 = arith.constant 1 : i32
        %while3A_530 = arith.divsi %while3A_527, %while3A_529 : i32
        %while3A_531 = arith.muli %while3A_530, %while3A_529 : i32
        %while3A_532 = arith.addi %while3A_526, %while3A_531 : i32
        %while3A_533 = arith.constant 1 : i32
        scf.for %while3A_535 = %while3A_526 to %while3A_532 step %while3A_533  : i32 {
          %eq3A_536 = vector.broadcast %while3A_535 : i32 to vector<16xi32>
          %eq3A_537 = arith.cmpi eq, %and3A_458, %eq3A_536 : vector<16xi32>
          %select_n3A_538 = arith.select %eq3A_537, %and3A_452, %add3A_54 : vector<16xi1>, vector<16xi32>
          %dma_start3A_539 = arith.constant 80 : i32
          %dma_start3A_540 = arith.constant 0 : i32
          %dma_start3A_541 = tpu.memref_slice %arg9[%dma_start3A_539, %dma_start3A_540] : memref<128x128xf32, #tpu.memory_space<vmem>> -> memref<16x128xf32, #tpu.memory_space<vmem>>
          %dma_start3A_542 = arith.constant 0 : i32
          %dma_start3A_543 = arith.constant 0 : i32
          %dma_start3A_544 = tpu.memref_slice %arg10[%dma_start3A_542, %dma_start3A_543] : memref<10240x128xf32, #tpu.memory_space<vmem_shared>> -> memref<10240x128xf32, #tpu.memory_space<vmem_shared>>
          tpu.enqueue_indirect_dma source(%dma_start3A_541 : memref<16x128xf32, #tpu.memory_space<vmem>>) target(%dma_start3A_544 : memref<10240x128xf32, #tpu.memory_space<vmem_shared>>) offsets(%select_n3A_538 : vector<16xi32>) semaphore(%arg12 : memref<!tpu.dma_semaphore, #tpu.memory_space<semaphore_mem>>) {add = true}
          %dma_wait3A_545 = arith.constant 80 : i32
          %dma_wait3A_546 = arith.constant 0 : i32
          %dma_wait3A_547 = tpu.memref_slice %arg9[%dma_wait3A_545, %dma_wait3A_546] : memref<128x128xf32, #tpu.memory_space<vmem>> -> memref<16x128xf32, #tpu.memory_space<vmem>>
          %dma_wait3A_548 = arith.constant 0 : i32
          %dma_wait3A_549 = arith.constant 0 : i32
          %dma_wait3A_550 = tpu.memref_slice %arg10[%dma_wait3A_548, %dma_wait3A_549] : memref<10240x128xf32, #tpu.memory_space<vmem_shared>> -> memref<10240x128xf32, #tpu.memory_space<vmem_shared>>
          tpu.wait_indirect_dma semaphore(%arg12 : memref<!tpu.dma_semaphore, #tpu.memory_space<semaphore_mem>>) src(%dma_wait3A_547 : memref<16x128xf32, #tpu.memory_space<vmem>>) dst(%dma_wait3A_550 : memref<10240x128xf32, #tpu.memory_space<vmem_shared>>)
        }
        %while3A_534 = arith.constant 1 : i32
        scf.for %while3A_535 = %while3A_532 to %while3A_528 step %while3A_534  : i32 {
          %eq3A_536 = vector.broadcast %while3A_535 : i32 to vector<16xi32>
          %eq3A_537 = arith.cmpi eq, %and3A_458, %eq3A_536 : vector<16xi32>
          %select_n3A_538 = arith.select %eq3A_537, %and3A_452, %add3A_54 : vector<16xi1>, vector<16xi32>
          %dma_start3A_539 = arith.constant 80 : i32
          %dma_start3A_540 = arith.constant 0 : i32
          %dma_start3A_541 = tpu.memref_slice %arg9[%dma_start3A_539, %dma_start3A_540] : memref<128x128xf32, #tpu.memory_space<vmem>> -> memref<16x128xf32, #tpu.memory_space<vmem>>
          %dma_start3A_542 = arith.constant 0 : i32
          %dma_start3A_543 = arith.constant 0 : i32
          %dma_start3A_544 = tpu.memref_slice %arg10[%dma_start3A_542, %dma_start3A_543] : memref<10240x128xf32, #tpu.memory_space<vmem_shared>> -> memref<10240x128xf32, #tpu.memory_space<vmem_shared>>
          tpu.enqueue_indirect_dma source(%dma_start3A_541 : memref<16x128xf32, #tpu.memory_space<vmem>>) target(%dma_start3A_544 : memref<10240x128xf32, #tpu.memory_space<vmem_shared>>) offsets(%select_n3A_538 : vector<16xi32>) semaphore(%arg12 : memref<!tpu.dma_semaphore, #tpu.memory_space<semaphore_mem>>) {add = true}
          %dma_wait3A_545 = arith.constant 80 : i32
          %dma_wait3A_546 = arith.constant 0 : i32
          %dma_wait3A_547 = tpu.memref_slice %arg9[%dma_wait3A_545, %dma_wait3A_546] : memref<128x128xf32, #tpu.memory_space<vmem>> -> memref<16x128xf32, #tpu.memory_space<vmem>>
          %dma_wait3A_548 = arith.constant 0 : i32
          %dma_wait3A_549 = arith.constant 0 : i32
          %dma_wait3A_550 = tpu.memref_slice %arg10[%dma_wait3A_548, %dma_wait3A_549] : memref<10240x128xf32, #tpu.memory_space<vmem_shared>> -> memref<10240x128xf32, #tpu.memory_space<vmem_shared>>
          tpu.wait_indirect_dma semaphore(%arg12 : memref<!tpu.dma_semaphore, #tpu.memory_space<semaphore_mem>>) src(%dma_wait3A_547 : memref<16x128xf32, #tpu.memory_space<vmem>>) dst(%dma_wait3A_550 : memref<10240x128xf32, #tpu.memory_space<vmem_shared>>)
        }
      } else {
      }
      %get3A_472 = arith.index_cast %scan3A_81 : i32 to index
      %get3A_473 = arith.constant 96 : index
      %get3A_474 = tpu.vector_load %arg8[%get3A_472, %get3A_473] {strides = array<i32>} : memref<80x128xi32, #tpu.memory_space<vmem>>, vector<1x16xi32>,
      %get3A_475 = vector.shape_cast %get3A_474 : vector<1x16xi32> to vector<16xi32>
      %and3A_476 = arith.constant 16383 : i32
      %and3A_477 = vector.broadcast %and3A_476 : i32 to vector<16xi32>
      %and3A_478 = arith.andi %get3A_475, %and3A_477 : vector<16xi32>
      %shift_right_arithmetic3A_479 = arith.constant 14 : i32
      %shift_right_arithmetic3A_480 = vector.broadcast %shift_right_arithmetic3A_479 : i32 to vector<16xi32>
      %shift_right_arithmetic3A_481 = arith.shrsi %get3A_475, %shift_right_arithmetic3A_480 : vector<16xi32>
      %and3A_482 = arith.constant 15 : i32
      %and3A_483 = vector.broadcast %and3A_482 : i32 to vector<16xi32>
      %and3A_484 = arith.andi %shift_right_arithmetic3A_481, %and3A_483 : vector<16xi32>
      %shift_right_arithmetic3A_485 = arith.constant 18 : i32
      %shift_right_arithmetic3A_486 = vector.broadcast %shift_right_arithmetic3A_485 : i32 to vector<16xi32>
      %shift_right_arithmetic3A_487 = arith.shrsi %get3A_475, %shift_right_arithmetic3A_486 : vector<16xi32>
      %and3A_488 = arith.constant 15 : i32
      %and3A_489 = vector.broadcast %and3A_488 : i32 to vector<16xi32>
      %and3A_490 = arith.andi %shift_right_arithmetic3A_487, %and3A_489 : vector<16xi32>
      %slice3A_491 = vector.extract_strided_slice %and3A_490 {offsets = [0], sizes = [1], strides = [1]} : vector<16xi32> to vector<1xi32>
      %squeeze3A_492 = vector.extract %slice3A_491[0] : i32 from vector<1xi32>
      %gt3A_493 = arith.constant 0 : i32
      %gt3A_494 = arith.cmpi sgt, %squeeze3A_492, %gt3A_493 : i32
      %convert_element_type3A_495 = arith.extui %gt3A_494 : i1 to i32
      %cond3A_496 = arith.constant 0 : i32
      %cond3A_497 = arith.cmpi ne, %convert_element_type3A_495, %cond3A_496 : i32
      scf.if %cond3A_497 {
        %add3A_524 = arith.constant 1 : i32
        %add3A_525 = arith.addi %squeeze3A_492, %add3A_524 : i32
        %while3A = arith.constant 0 : i32
        %while3A_526 = arith.constant 1 : i32
        %while3A_527 = arith.subi %add3A_525, %while3A_526 : i32
        %while3A_528 = arith.addi %while3A_526, %while3A_527 : i32
        %while3A_529 = arith.constant 1 : i32
        %while3A_530 = arith.divsi %while3A_527, %while3A_529 : i32
        %while3A_531 = arith.muli %while3A_530, %while3A_529 : i32
        %while3A_532 = arith.addi %while3A_526, %while3A_531 : i32
        %while3A_533 = arith.constant 1 : i32
        scf.for %while3A_535 = %while3A_526 to %while3A_532 step %while3A_533  : i32 {
          %eq3A_536 = vector.broadcast %while3A_535 : i32 to vector<16xi32>
          %eq3A_537 = arith.cmpi eq, %and3A_484, %eq3A_536 : vector<16xi32>
          %select_n3A_538 = arith.select %eq3A_537, %and3A_478, %add3A_57 : vector<16xi1>, vector<16xi32>
          %dma_start3A_539 = arith.constant 96 : i32
          %dma_start3A_540 = arith.constant 0 : i32
          %dma_start3A_541 = tpu.memref_slice %arg9[%dma_start3A_539, %dma_start3A_540] : memref<128x128xf32, #tpu.memory_space<vmem>> -> memref<16x128xf32, #tpu.memory_space<vmem>>
          %dma_start3A_542 = arith.constant 0 : i32
          %dma_start3A_543 = arith.constant 0 : i32
          %dma_start3A_544 = tpu.memref_slice %arg10[%dma_start3A_542, %dma_start3A_543] : memref<10240x128xf32, #tpu.memory_space<vmem_shared>> -> memref<10240x128xf32, #tpu.memory_space<vmem_shared>>
          tpu.enqueue_indirect_dma source(%dma_start3A_541 : memref<16x128xf32, #tpu.memory_space<vmem>>) target(%dma_start3A_544 : memref<10240x128xf32, #tpu.memory_space<vmem_shared>>) offsets(%select_n3A_538 : vector<16xi32>) semaphore(%arg12 : memref<!tpu.dma_semaphore, #tpu.memory_space<semaphore_mem>>) {add = true}
          %dma_wait3A_545 = arith.constant 96 : i32
          %dma_wait3A_546 = arith.constant 0 : i32
          %dma_wait3A_547 = tpu.memref_slice %arg9[%dma_wait3A_545, %dma_wait3A_546] : memref<128x128xf32, #tpu.memory_space<vmem>> -> memref<16x128xf32, #tpu.memory_space<vmem>>
          %dma_wait3A_548 = arith.constant 0 : i32
          %dma_wait3A_549 = arith.constant 0 : i32
          %dma_wait3A_550 = tpu.memref_slice %arg10[%dma_wait3A_548, %dma_wait3A_549] : memref<10240x128xf32, #tpu.memory_space<vmem_shared>> -> memref<10240x128xf32, #tpu.memory_space<vmem_shared>>
          tpu.wait_indirect_dma semaphore(%arg12 : memref<!tpu.dma_semaphore, #tpu.memory_space<semaphore_mem>>) src(%dma_wait3A_547 : memref<16x128xf32, #tpu.memory_space<vmem>>) dst(%dma_wait3A_550 : memref<10240x128xf32, #tpu.memory_space<vmem_shared>>)
        }
        %while3A_534 = arith.constant 1 : i32
        scf.for %while3A_535 = %while3A_532 to %while3A_528 step %while3A_534  : i32 {
          %eq3A_536 = vector.broadcast %while3A_535 : i32 to vector<16xi32>
          %eq3A_537 = arith.cmpi eq, %and3A_484, %eq3A_536 : vector<16xi32>
          %select_n3A_538 = arith.select %eq3A_537, %and3A_478, %add3A_57 : vector<16xi1>, vector<16xi32>
          %dma_start3A_539 = arith.constant 96 : i32
          %dma_start3A_540 = arith.constant 0 : i32
          %dma_start3A_541 = tpu.memref_slice %arg9[%dma_start3A_539, %dma_start3A_540] : memref<128x128xf32, #tpu.memory_space<vmem>> -> memref<16x128xf32, #tpu.memory_space<vmem>>
          %dma_start3A_542 = arith.constant 0 : i32
          %dma_start3A_543 = arith.constant 0 : i32
          %dma_start3A_544 = tpu.memref_slice %arg10[%dma_start3A_542, %dma_start3A_543] : memref<10240x128xf32, #tpu.memory_space<vmem_shared>> -> memref<10240x128xf32, #tpu.memory_space<vmem_shared>>
          tpu.enqueue_indirect_dma source(%dma_start3A_541 : memref<16x128xf32, #tpu.memory_space<vmem>>) target(%dma_start3A_544 : memref<10240x128xf32, #tpu.memory_space<vmem_shared>>) offsets(%select_n3A_538 : vector<16xi32>) semaphore(%arg12 : memref<!tpu.dma_semaphore, #tpu.memory_space<semaphore_mem>>) {add = true}
          %dma_wait3A_545 = arith.constant 96 : i32
          %dma_wait3A_546 = arith.constant 0 : i32
          %dma_wait3A_547 = tpu.memref_slice %arg9[%dma_wait3A_545, %dma_wait3A_546] : memref<128x128xf32, #tpu.memory_space<vmem>> -> memref<16x128xf32, #tpu.memory_space<vmem>>
          %dma_wait3A_548 = arith.constant 0 : i32
          %dma_wait3A_549 = arith.constant 0 : i32
          %dma_wait3A_550 = tpu.memref_slice %arg10[%dma_wait3A_548, %dma_wait3A_549] : memref<10240x128xf32, #tpu.memory_space<vmem_shared>> -> memref<10240x128xf32, #tpu.memory_space<vmem_shared>>
          tpu.wait_indirect_dma semaphore(%arg12 : memref<!tpu.dma_semaphore, #tpu.memory_space<semaphore_mem>>) src(%dma_wait3A_547 : memref<16x128xf32, #tpu.memory_space<vmem>>) dst(%dma_wait3A_550 : memref<10240x128xf32, #tpu.memory_space<vmem_shared>>)
        }
      } else {
      }
      %get3A_498 = arith.index_cast %scan3A_81 : i32 to index
      %get3A_499 = arith.constant 112 : index
      %get3A_500 = tpu.vector_load %arg8[%get3A_498, %get3A_499] {strides = array<i32>} : memref<80x128xi32, #tpu.memory_space<vmem>>, vector<1x16xi32>,
      %get3A_501 = vector.shape_cast %get3A_500 : vector<1x16xi32> to vector<16xi32>
      %and3A_502 = arith.constant 16383 : i32
      %and3A_503 = vector.broadcast %and3A_502 : i32 to vector<16xi32>
      %and3A_504 = arith.andi %get3A_501, %and3A_503 : vector<16xi32>
      %shift_right_arithmetic3A_505 = arith.constant 14 : i32
      %shift_right_arithmetic3A_506 = vector.broadcast %shift_right_arithmetic3A_505 : i32 to vector<16xi32>
      %shift_right_arithmetic3A_507 = arith.shrsi %get3A_501, %shift_right_arithmetic3A_506 : vector<16xi32>
      %and3A_508 = arith.constant 15 : i32
      %and3A_509 = vector.broadcast %and3A_508 : i32 to vector<16xi32>
      %and3A_510 = arith.andi %shift_right_arithmetic3A_507, %and3A_509 : vector<16xi32>
      %shift_right_arithmetic3A_511 = arith.constant 18 : i32
      %shift_right_arithmetic3A_512 = vector.broadcast %shift_right_arithmetic3A_511 : i32 to vector<16xi32>
      %shift_right_arithmetic3A_513 = arith.shrsi %get3A_501, %shift_right_arithmetic3A_512 : vector<16xi32>
      %and3A_514 = arith.constant 15 : i32
      %and3A_515 = vector.broadcast %and3A_514 : i32 to vector<16xi32>
      %and3A_516 = arith.andi %shift_right_arithmetic3A_513, %and3A_515 : vector<16xi32>
      %slice3A_517 = vector.extract_strided_slice %and3A_516 {offsets = [0], sizes = [1], strides = [1]} : vector<16xi32> to vector<1xi32>
      %squeeze3A_518 = vector.extract %slice3A_517[0] : i32 from vector<1xi32>
      %gt3A_519 = arith.constant 0 : i32
      %gt3A_520 = arith.cmpi sgt, %squeeze3A_518, %gt3A_519 : i32
      %convert_element_type3A_521 = arith.extui %gt3A_520 : i1 to i32
      %cond3A_522 = arith.constant 0 : i32
      %cond3A_523 = arith.cmpi ne, %convert_element_type3A_521, %cond3A_522 : i32
      scf.if %cond3A_523 {
        %add3A_524 = arith.constant 1 : i32
        %add3A_525 = arith.addi %squeeze3A_518, %add3A_524 : i32
        %while3A = arith.constant 0 : i32
        %while3A_526 = arith.constant 1 : i32
        %while3A_527 = arith.subi %add3A_525, %while3A_526 : i32
        %while3A_528 = arith.addi %while3A_526, %while3A_527 : i32
        %while3A_529 = arith.constant 1 : i32
        %while3A_530 = arith.divsi %while3A_527, %while3A_529 : i32
        %while3A_531 = arith.muli %while3A_530, %while3A_529 : i32
        %while3A_532 = arith.addi %while3A_526, %while3A_531 : i32
        %while3A_533 = arith.constant 1 : i32
        scf.for %while3A_535 = %while3A_526 to %while3A_532 step %while3A_533  : i32 {
          %eq3A_536 = vector.broadcast %while3A_535 : i32 to vector<16xi32>
          %eq3A_537 = arith.cmpi eq, %and3A_510, %eq3A_536 : vector<16xi32>
          %select_n3A_538 = arith.select %eq3A_537, %and3A_504, %add3A_60 : vector<16xi1>, vector<16xi32>
          %dma_start3A_539 = arith.constant 112 : i32
          %dma_start3A_540 = arith.constant 0 : i32
          %dma_start3A_541 = tpu.memref_slice %arg9[%dma_start3A_539, %dma_start3A_540] : memref<128x128xf32, #tpu.memory_space<vmem>> -> memref<16x128xf32, #tpu.memory_space<vmem>>
          %dma_start3A_542 = arith.constant 0 : i32
          %dma_start3A_543 = arith.constant 0 : i32
          %dma_start3A_544 = tpu.memref_slice %arg10[%dma_start3A_542, %dma_start3A_543] : memref<10240x128xf32, #tpu.memory_space<vmem_shared>> -> memref<10240x128xf32, #tpu.memory_space<vmem_shared>>
          tpu.enqueue_indirect_dma source(%dma_start3A_541 : memref<16x128xf32, #tpu.memory_space<vmem>>) target(%dma_start3A_544 : memref<10240x128xf32, #tpu.memory_space<vmem_shared>>) offsets(%select_n3A_538 : vector<16xi32>) semaphore(%arg12 : memref<!tpu.dma_semaphore, #tpu.memory_space<semaphore_mem>>) {add = true}
          %dma_wait3A_545 = arith.constant 112 : i32
          %dma_wait3A_546 = arith.constant 0 : i32
          %dma_wait3A_547 = tpu.memref_slice %arg9[%dma_wait3A_545, %dma_wait3A_546] : memref<128x128xf32, #tpu.memory_space<vmem>> -> memref<16x128xf32, #tpu.memory_space<vmem>>
          %dma_wait3A_548 = arith.constant 0 : i32
          %dma_wait3A_549 = arith.constant 0 : i32
          %dma_wait3A_550 = tpu.memref_slice %arg10[%dma_wait3A_548, %dma_wait3A_549] : memref<10240x128xf32, #tpu.memory_space<vmem_shared>> -> memref<10240x128xf32, #tpu.memory_space<vmem_shared>>
          tpu.wait_indirect_dma semaphore(%arg12 : memref<!tpu.dma_semaphore, #tpu.memory_space<semaphore_mem>>) src(%dma_wait3A_547 : memref<16x128xf32, #tpu.memory_space<vmem>>) dst(%dma_wait3A_550 : memref<10240x128xf32, #tpu.memory_space<vmem_shared>>)
        }
        %while3A_534 = arith.constant 1 : i32
        scf.for %while3A_535 = %while3A_532 to %while3A_528 step %while3A_534  : i32 {
          %eq3A_536 = vector.broadcast %while3A_535 : i32 to vector<16xi32>
          %eq3A_537 = arith.cmpi eq, %and3A_510, %eq3A_536 : vector<16xi32>
          %select_n3A_538 = arith.select %eq3A_537, %and3A_504, %add3A_60 : vector<16xi1>, vector<16xi32>
          %dma_start3A_539 = arith.constant 112 : i32
          %dma_start3A_540 = arith.constant 0 : i32
          %dma_start3A_541 = tpu.memref_slice %arg9[%dma_start3A_539, %dma_start3A_540] : memref<128x128xf32, #tpu.memory_space<vmem>> -> memref<16x128xf32, #tpu.memory_space<vmem>>
          %dma_start3A_542 = arith.constant 0 : i32
          %dma_start3A_543 = arith.constant 0 : i32
          %dma_start3A_544 = tpu.memref_slice %arg10[%dma_start3A_542, %dma_start3A_543] : memref<10240x128xf32, #tpu.memory_space<vmem_shared>> -> memref<10240x128xf32, #tpu.memory_space<vmem_shared>>
          tpu.enqueue_indirect_dma source(%dma_start3A_541 : memref<16x128xf32, #tpu.memory_space<vmem>>) target(%dma_start3A_544 : memref<10240x128xf32, #tpu.memory_space<vmem_shared>>) offsets(%select_n3A_538 : vector<16xi32>) semaphore(%arg12 : memref<!tpu.dma_semaphore, #tpu.memory_space<semaphore_mem>>) {add = true}
          %dma_wait3A_545 = arith.constant 112 : i32
          %dma_wait3A_546 = arith.constant 0 : i32
          %dma_wait3A_547 = tpu.memref_slice %arg9[%dma_wait3A_545, %dma_wait3A_546] : memref<128x128xf32, #tpu.memory_space<vmem>> -> memref<16x128xf32, #tpu.memory_space<vmem>>
          %dma_wait3A_548 = arith.constant 0 : i32
          %dma_wait3A_549 = arith.constant 0 : i32
          %dma_wait3A_550 = tpu.memref_slice %arg10[%dma_wait3A_548, %dma_wait3A_549] : memref<10240x128xf32, #tpu.memory_space<vmem_shared>> -> memref<10240x128xf32, #tpu.memory_space<vmem_shared>>
          tpu.wait_indirect_dma semaphore(%arg12 : memref<!tpu.dma_semaphore, #tpu.memory_space<semaphore_mem>>) src(%dma_wait3A_547 : memref<16x128xf32, #tpu.memory_space<vmem>>) dst(%dma_wait3A_550 : memref<10240x128xf32, #tpu.memory_space<vmem_shared>>)
        }
      } else {
      }
    }
    %scan3A_65 = arith.constant 80 : i32
    %barrier3A_66 = arith.constant 0 : index
    tpu.barrier barrier_id(%barrier3A_66)
    %mul3A_67 = arith.constant 640 : i32
    %mul3A_68 = arith.muli %arg1, %mul3A_67 : i32
    %mul3A_69 = arith.constant 640 : i32
    %mul3A_70 = arith.muli %arg1, %mul3A_69 : i32
    %dma_start3A_71 = arith.constant 0 : i32
    %dma_start3A_72 = tpu.memref_slice %arg6[%arg0, %mul3A_70, %dma_start3A_71] : memref<2x10240x128xf32, #tpu.memory_space<hbm>> -> memref<1x640x128xf32, #tpu.memory_space<hbm>>
    %dma_start3A_73 = tpu.memref_squeeze %dma_start3A_72 : memref<1x640x128xf32, #tpu.memory_space<hbm>> -> memref<640x128xf32, #tpu.memory_space<hbm>>
    %dma_start3A_74 = arith.constant 0 : i32
    %dma_start3A_75 = tpu.memref_slice %arg10[%mul3A_68, %dma_start3A_74] : memref<10240x128xf32, #tpu.memory_space<vmem_shared>> -> memref<640x128xf32, #tpu.memory_space<vmem_shared>>
    tpu.enqueue_dma source(%dma_start3A_75 : memref<640x128xf32, #tpu.memory_space<vmem_shared>>) target(%dma_start3A_73 : memref<640x128xf32, #tpu.memory_space<hbm>>) target_semaphore(%arg11 : memref<!tpu.dma_semaphore, #tpu.memory_space<semaphore_mem>>)
    %dma_wait3A_76 = arith.constant 0 : i32
    %dma_wait3A_77 = tpu.memref_slice %arg6[%arg0, %mul3A_70, %dma_wait3A_76] : memref<2x10240x128xf32, #tpu.memory_space<hbm>> -> memref<1x640x128xf32, #tpu.memory_space<hbm>>
    %dma_wait3A_78 = tpu.memref_squeeze %dma_wait3A_77 : memref<1x640x128xf32, #tpu.memory_space<hbm>> -> memref<640x128xf32, #tpu.memory_space<hbm>>
    %dma_wait3A_79 = arith.constant 0 : i32
    %dma_wait3A_80 = tpu.memref_slice %arg10[%mul3A_68, %dma_wait3A_79] : memref<10240x128xf32, #tpu.memory_space<vmem_shared>> -> memref<640x128xf32, #tpu.memory_space<vmem_shared>>
    tpu.wait_dma2 semaphore(%arg11 : memref<!tpu.dma_semaphore, #tpu.memory_space<semaphore_mem>>) src(%dma_wait3A_80 : memref<640x128xf32, #tpu.memory_space<vmem_shared>>) dst(%dma_wait3A_78 : memref<640x128xf32, #tpu.memory_space<hbm>>)
    return
  }
}

module attributes {stable_mosaic.version = 14 : i64} {
  func.func @_tc_occ(%arg0: i32, %arg1: memref<2048x16xi32, #tpu.memory_space<vmem>>, %arg2: memref<2048x16xi32, #tpu.memory_space<vmem>>) attributes {dimension_semantics = [#tpu.dimension_semantics<arbitrary>], iteration_bounds = array<i64: 10>, scalar_prefetch = 0 : i64, scratch_operands = 0 : i64, tpu.core_type = #tpu.core_type<tc>, window_params = [{transform_indices = @transform_0, window_bounds = array<i64: 2048, 16>}, {transform_indices = @transform_1, window_bounds = array<i64: 2048, 16>}]} {
    %get3A = arith.constant 0 : index
    %get3A_0 = arith.constant 0 : index
    %get3A_1 = vector.load %arg1[%get3A, %get3A_0] : memref<2048x16xi32, #tpu.memory_space<vmem>>, vector<2048x16xi32>
    %broadcast_in_dim3A = arith.constant 0 : i32
    %broadcast_in_dim3A_2 = vector.broadcast %broadcast_in_dim3A : i32 to vector<2048x16xi32>
    %slice3A = vector.extract_strided_slice %get3A_1 {offsets = [0, 1], sizes = [2048, 15], strides = [1, 1]} : vector<2048x16xi32> to vector<2048x15xi32>
    %slice3A_3 = vector.extract_strided_slice %get3A_1 {offsets = [0, 0], sizes = [2048, 15], strides = [1, 1]} : vector<2048x16xi32> to vector<2048x15xi32>
    %eq3A = arith.cmpi eq, %slice3A, %slice3A_3 : vector<2048x15xi32>
    %convert_element_type3A = arith.extui %eq3A : vector<2048x15xi1> to vector<2048x15xi32>
    %broadcast_in_dim3A_4 = arith.constant 0 : i32
    %broadcast_in_dim3A_5 = vector.broadcast %broadcast_in_dim3A_4 : i32 to vector<2048x1xi32>
    %concatenate3A = tpu.concatenate %broadcast_in_dim3A_5, %convert_element_type3A in 1 : vector<2048x1xi32>, vector<2048x15xi32> -> vector<2048x16xi32>
    %add3A = arith.addi %broadcast_in_dim3A_2, %concatenate3A : vector<2048x16xi32>
    %slice3A_6 = vector.extract_strided_slice %get3A_1 {offsets = [0, 2], sizes = [2048, 14], strides = [1, 1]} : vector<2048x16xi32> to vector<2048x14xi32>
    %slice3A_7 = vector.extract_strided_slice %get3A_1 {offsets = [0, 0], sizes = [2048, 14], strides = [1, 1]} : vector<2048x16xi32> to vector<2048x14xi32>
    %eq3A_8 = arith.cmpi eq, %slice3A_6, %slice3A_7 : vector<2048x14xi32>
    %convert_element_type3A_9 = arith.extui %eq3A_8 : vector<2048x14xi1> to vector<2048x14xi32>
    %broadcast_in_dim3A_10 = arith.constant 0 : i32
    %broadcast_in_dim3A_11 = vector.broadcast %broadcast_in_dim3A_10 : i32 to vector<2048x2xi32>
    %concatenate3A_12 = tpu.concatenate %broadcast_in_dim3A_11, %convert_element_type3A_9 in 1 : vector<2048x2xi32>, vector<2048x14xi32> -> vector<2048x16xi32>
    %add3A_13 = arith.addi %add3A, %concatenate3A_12 : vector<2048x16xi32>
    %slice3A_14 = vector.extract_strided_slice %get3A_1 {offsets = [0, 3], sizes = [2048, 13], strides = [1, 1]} : vector<2048x16xi32> to vector<2048x13xi32>
    %slice3A_15 = vector.extract_strided_slice %get3A_1 {offsets = [0, 0], sizes = [2048, 13], strides = [1, 1]} : vector<2048x16xi32> to vector<2048x13xi32>
    %eq3A_16 = arith.cmpi eq, %slice3A_14, %slice3A_15 : vector<2048x13xi32>
    %convert_element_type3A_17 = arith.extui %eq3A_16 : vector<2048x13xi1> to vector<2048x13xi32>
    %broadcast_in_dim3A_18 = arith.constant 0 : i32
    %broadcast_in_dim3A_19 = vector.broadcast %broadcast_in_dim3A_18 : i32 to vector<2048x3xi32>
    %concatenate3A_20 = tpu.concatenate %broadcast_in_dim3A_19, %convert_element_type3A_17 in 1 : vector<2048x3xi32>, vector<2048x13xi32> -> vector<2048x16xi32>
    %add3A_21 = arith.addi %add3A_13, %concatenate3A_20 : vector<2048x16xi32>
    %slice3A_22 = vector.extract_strided_slice %get3A_1 {offsets = [0, 4], sizes = [2048, 12], strides = [1, 1]} : vector<2048x16xi32> to vector<2048x12xi32>
    %slice3A_23 = vector.extract_strided_slice %get3A_1 {offsets = [0, 0], sizes = [2048, 12], strides = [1, 1]} : vector<2048x16xi32> to vector<2048x12xi32>
    %eq3A_24 = arith.cmpi eq, %slice3A_22, %slice3A_23 : vector<2048x12xi32>
    %convert_element_type3A_25 = arith.extui %eq3A_24 : vector<2048x12xi1> to vector<2048x12xi32>
    %broadcast_in_dim3A_26 = arith.constant 0 : i32
    %broadcast_in_dim3A_27 = vector.broadcast %broadcast_in_dim3A_26 : i32 to vector<2048x4xi32>
    %concatenate3A_28 = tpu.concatenate %broadcast_in_dim3A_27, %convert_element_type3A_25 in 1 : vector<2048x4xi32>, vector<2048x12xi32> -> vector<2048x16xi32>
    %add3A_29 = arith.addi %add3A_21, %concatenate3A_28 : vector<2048x16xi32>
    %slice3A_30 = vector.extract_strided_slice %get3A_1 {offsets = [0, 5], sizes = [2048, 11], strides = [1, 1]} : vector<2048x16xi32> to vector<2048x11xi32>
    %slice3A_31 = vector.extract_strided_slice %get3A_1 {offsets = [0, 0], sizes = [2048, 11], strides = [1, 1]} : vector<2048x16xi32> to vector<2048x11xi32>
    %eq3A_32 = arith.cmpi eq, %slice3A_30, %slice3A_31 : vector<2048x11xi32>
    %convert_element_type3A_33 = arith.extui %eq3A_32 : vector<2048x11xi1> to vector<2048x11xi32>
    %broadcast_in_dim3A_34 = arith.constant 0 : i32
    %broadcast_in_dim3A_35 = vector.broadcast %broadcast_in_dim3A_34 : i32 to vector<2048x5xi32>
    %concatenate3A_36 = tpu.concatenate %broadcast_in_dim3A_35, %convert_element_type3A_33 in 1 : vector<2048x5xi32>, vector<2048x11xi32> -> vector<2048x16xi32>
    %add3A_37 = arith.addi %add3A_29, %concatenate3A_36 : vector<2048x16xi32>
    %slice3A_38 = vector.extract_strided_slice %get3A_1 {offsets = [0, 6], sizes = [2048, 10], strides = [1, 1]} : vector<2048x16xi32> to vector<2048x10xi32>
    %slice3A_39 = vector.extract_strided_slice %get3A_1 {offsets = [0, 0], sizes = [2048, 10], strides = [1, 1]} : vector<2048x16xi32> to vector<2048x10xi32>
    %eq3A_40 = arith.cmpi eq, %slice3A_38, %slice3A_39 : vector<2048x10xi32>
    %convert_element_type3A_41 = arith.extui %eq3A_40 : vector<2048x10xi1> to vector<2048x10xi32>
    %broadcast_in_dim3A_42 = arith.constant 0 : i32
    %broadcast_in_dim3A_43 = vector.broadcast %broadcast_in_dim3A_42 : i32 to vector<2048x6xi32>
    %concatenate3A_44 = tpu.concatenate %broadcast_in_dim3A_43, %convert_element_type3A_41 in 1 : vector<2048x6xi32>, vector<2048x10xi32> -> vector<2048x16xi32>
    %add3A_45 = arith.addi %add3A_37, %concatenate3A_44 : vector<2048x16xi32>
    %slice3A_46 = vector.extract_strided_slice %get3A_1 {offsets = [0, 7], sizes = [2048, 9], strides = [1, 1]} : vector<2048x16xi32> to vector<2048x9xi32>
    %slice3A_47 = vector.extract_strided_slice %get3A_1 {offsets = [0, 0], sizes = [2048, 9], strides = [1, 1]} : vector<2048x16xi32> to vector<2048x9xi32>
    %eq3A_48 = arith.cmpi eq, %slice3A_46, %slice3A_47 : vector<2048x9xi32>
    %convert_element_type3A_49 = arith.extui %eq3A_48 : vector<2048x9xi1> to vector<2048x9xi32>
    %broadcast_in_dim3A_50 = arith.constant 0 : i32
    %broadcast_in_dim3A_51 = vector.broadcast %broadcast_in_dim3A_50 : i32 to vector<2048x7xi32>
    %concatenate3A_52 = tpu.concatenate %broadcast_in_dim3A_51, %convert_element_type3A_49 in 1 : vector<2048x7xi32>, vector<2048x9xi32> -> vector<2048x16xi32>
    %add3A_53 = arith.addi %add3A_45, %concatenate3A_52 : vector<2048x16xi32>
    %slice3A_54 = vector.extract_strided_slice %get3A_1 {offsets = [0, 8], sizes = [2048, 8], strides = [1, 1]} : vector<2048x16xi32> to vector<2048x8xi32>
    %slice3A_55 = vector.extract_strided_slice %get3A_1 {offsets = [0, 0], sizes = [2048, 8], strides = [1, 1]} : vector<2048x16xi32> to vector<2048x8xi32>
    %eq3A_56 = arith.cmpi eq, %slice3A_54, %slice3A_55 : vector<2048x8xi32>
    %convert_element_type3A_57 = arith.extui %eq3A_56 : vector<2048x8xi1> to vector<2048x8xi32>
    %broadcast_in_dim3A_58 = arith.constant 0 : i32
    %broadcast_in_dim3A_59 = vector.broadcast %broadcast_in_dim3A_58 : i32 to vector<2048x8xi32>
    %concatenate3A_60 = tpu.concatenate %broadcast_in_dim3A_59, %convert_element_type3A_57 in 1 : vector<2048x8xi32>, vector<2048x8xi32> -> vector<2048x16xi32>
    %add3A_61 = arith.addi %add3A_53, %concatenate3A_60 : vector<2048x16xi32>
    %slice3A_62 = vector.extract_strided_slice %get3A_1 {offsets = [0, 9], sizes = [2048, 7], strides = [1, 1]} : vector<2048x16xi32> to vector<2048x7xi32>
    %slice3A_63 = vector.extract_strided_slice %get3A_1 {offsets = [0, 0], sizes = [2048, 7], strides = [1, 1]} : vector<2048x16xi32> to vector<2048x7xi32>
    %eq3A_64 = arith.cmpi eq, %slice3A_62, %slice3A_63 : vector<2048x7xi32>
    %convert_element_type3A_65 = arith.extui %eq3A_64 : vector<2048x7xi1> to vector<2048x7xi32>
    %broadcast_in_dim3A_66 = arith.constant 0 : i32
    %broadcast_in_dim3A_67 = vector.broadcast %broadcast_in_dim3A_66 : i32 to vector<2048x9xi32>
    %concatenate3A_68 = tpu.concatenate %broadcast_in_dim3A_67, %convert_element_type3A_65 in 1 : vector<2048x9xi32>, vector<2048x7xi32> -> vector<2048x16xi32>
    %add3A_69 = arith.addi %add3A_61, %concatenate3A_68 : vector<2048x16xi32>
    %slice3A_70 = vector.extract_strided_slice %get3A_1 {offsets = [0, 10], sizes = [2048, 6], strides = [1, 1]} : vector<2048x16xi32> to vector<2048x6xi32>
    %slice3A_71 = vector.extract_strided_slice %get3A_1 {offsets = [0, 0], sizes = [2048, 6], strides = [1, 1]} : vector<2048x16xi32> to vector<2048x6xi32>
    %eq3A_72 = arith.cmpi eq, %slice3A_70, %slice3A_71 : vector<2048x6xi32>
    %convert_element_type3A_73 = arith.extui %eq3A_72 : vector<2048x6xi1> to vector<2048x6xi32>
    %broadcast_in_dim3A_74 = arith.constant 0 : i32
    %broadcast_in_dim3A_75 = vector.broadcast %broadcast_in_dim3A_74 : i32 to vector<2048x10xi32>
    %concatenate3A_76 = tpu.concatenate %broadcast_in_dim3A_75, %convert_element_type3A_73 in 1 : vector<2048x10xi32>, vector<2048x6xi32> -> vector<2048x16xi32>
    %add3A_77 = arith.addi %add3A_69, %concatenate3A_76 : vector<2048x16xi32>
    %slice3A_78 = vector.extract_strided_slice %get3A_1 {offsets = [0, 11], sizes = [2048, 5], strides = [1, 1]} : vector<2048x16xi32> to vector<2048x5xi32>
    %slice3A_79 = vector.extract_strided_slice %get3A_1 {offsets = [0, 0], sizes = [2048, 5], strides = [1, 1]} : vector<2048x16xi32> to vector<2048x5xi32>
    %eq3A_80 = arith.cmpi eq, %slice3A_78, %slice3A_79 : vector<2048x5xi32>
    %convert_element_type3A_81 = arith.extui %eq3A_80 : vector<2048x5xi1> to vector<2048x5xi32>
    %broadcast_in_dim3A_82 = arith.constant 0 : i32
    %broadcast_in_dim3A_83 = vector.broadcast %broadcast_in_dim3A_82 : i32 to vector<2048x11xi32>
    %concatenate3A_84 = tpu.concatenate %broadcast_in_dim3A_83, %convert_element_type3A_81 in 1 : vector<2048x11xi32>, vector<2048x5xi32> -> vector<2048x16xi32>
    %add3A_85 = arith.addi %add3A_77, %concatenate3A_84 : vector<2048x16xi32>
    %slice3A_86 = vector.extract_strided_slice %get3A_1 {offsets = [0, 12], sizes = [2048, 4], strides = [1, 1]} : vector<2048x16xi32> to vector<2048x4xi32>
    %slice3A_87 = vector.extract_strided_slice %get3A_1 {offsets = [0, 0], sizes = [2048, 4], strides = [1, 1]} : vector<2048x16xi32> to vector<2048x4xi32>
    %eq3A_88 = arith.cmpi eq, %slice3A_86, %slice3A_87 : vector<2048x4xi32>
    %convert_element_type3A_89 = arith.extui %eq3A_88 : vector<2048x4xi1> to vector<2048x4xi32>
    %broadcast_in_dim3A_90 = arith.constant 0 : i32
    %broadcast_in_dim3A_91 = vector.broadcast %broadcast_in_dim3A_90 : i32 to vector<2048x12xi32>
    %concatenate3A_92 = tpu.concatenate %broadcast_in_dim3A_91, %convert_element_type3A_89 in 1 : vector<2048x12xi32>, vector<2048x4xi32> -> vector<2048x16xi32>
    %add3A_93 = arith.addi %add3A_85, %concatenate3A_92 : vector<2048x16xi32>
    %slice3A_94 = vector.extract_strided_slice %get3A_1 {offsets = [0, 13], sizes = [2048, 3], strides = [1, 1]} : vector<2048x16xi32> to vector<2048x3xi32>
    %slice3A_95 = vector.extract_strided_slice %get3A_1 {offsets = [0, 0], sizes = [2048, 3], strides = [1, 1]} : vector<2048x16xi32> to vector<2048x3xi32>
    %eq3A_96 = arith.cmpi eq, %slice3A_94, %slice3A_95 : vector<2048x3xi32>
    %convert_element_type3A_97 = arith.extui %eq3A_96 : vector<2048x3xi1> to vector<2048x3xi32>
    %broadcast_in_dim3A_98 = arith.constant 0 : i32
    %broadcast_in_dim3A_99 = vector.broadcast %broadcast_in_dim3A_98 : i32 to vector<2048x13xi32>
    %concatenate3A_100 = tpu.concatenate %broadcast_in_dim3A_99, %convert_element_type3A_97 in 1 : vector<2048x13xi32>, vector<2048x3xi32> -> vector<2048x16xi32>
    %add3A_101 = arith.addi %add3A_93, %concatenate3A_100 : vector<2048x16xi32>
    %slice3A_102 = vector.extract_strided_slice %get3A_1 {offsets = [0, 14], sizes = [2048, 2], strides = [1, 1]} : vector<2048x16xi32> to vector<2048x2xi32>
    %slice3A_103 = vector.extract_strided_slice %get3A_1 {offsets = [0, 0], sizes = [2048, 2], strides = [1, 1]} : vector<2048x16xi32> to vector<2048x2xi32>
    %eq3A_104 = arith.cmpi eq, %slice3A_102, %slice3A_103 : vector<2048x2xi32>
    %convert_element_type3A_105 = arith.extui %eq3A_104 : vector<2048x2xi1> to vector<2048x2xi32>
    %broadcast_in_dim3A_106 = arith.constant 0 : i32
    %broadcast_in_dim3A_107 = vector.broadcast %broadcast_in_dim3A_106 : i32 to vector<2048x14xi32>
    %concatenate3A_108 = tpu.concatenate %broadcast_in_dim3A_107, %convert_element_type3A_105 in 1 : vector<2048x14xi32>, vector<2048x2xi32> -> vector<2048x16xi32>
    %add3A_109 = arith.addi %add3A_101, %concatenate3A_108 : vector<2048x16xi32>
    %slice3A_110 = vector.extract_strided_slice %get3A_1 {offsets = [0, 15], sizes = [2048, 1], strides = [1, 1]} : vector<2048x16xi32> to vector<2048x1xi32>
    %slice3A_111 = vector.extract_strided_slice %get3A_1 {offsets = [0, 0], sizes = [2048, 1], strides = [1, 1]} : vector<2048x16xi32> to vector<2048x1xi32>
    %eq3A_112 = arith.cmpi eq, %slice3A_110, %slice3A_111 : vector<2048x1xi32>
    %convert_element_type3A_113 = arith.extui %eq3A_112 : vector<2048x1xi1> to vector<2048x1xi32>
    %broadcast_in_dim3A_114 = arith.constant 0 : i32
    %broadcast_in_dim3A_115 = vector.broadcast %broadcast_in_dim3A_114 : i32 to vector<2048x15xi32>
    %concatenate3A_116 = tpu.concatenate %broadcast_in_dim3A_115, %convert_element_type3A_113 in 1 : vector<2048x15xi32>, vector<2048x1xi32> -> vector<2048x16xi32>
    %add3A_117 = arith.addi %add3A_109, %concatenate3A_116 : vector<2048x16xi32>
    %reduce_max3A = arith.constant dense<-2147483648> : vector<2048xi32>
    %reduce_max3A_118 = vector.multi_reduction <maxsi>, %add3A_117, %reduce_max3A [1] : vector<2048x16xi32> to vector<2048xi32>
    %broadcast_in_dim3A_119 = vector.shape_cast %reduce_max3A_118 : vector<2048xi32> to vector<2048x1xi32>
    %broadcast_in_dim3A_120 = vector.shape_cast %broadcast_in_dim3A_119 : vector<2048x1xi32> to vector<2048x1xi32>
    %broadcast_in_dim3A_121 = vector.broadcast %broadcast_in_dim3A_120 : vector<2048x1xi32> to vector<2048x16xi32>
    %shift_left3A = arith.constant 14 : i32
    %shift_left3A_122 = vector.broadcast %shift_left3A : i32 to vector<2048x16xi32>
    %shift_left3A_123 = arith.shli %add3A_117, %shift_left3A_122 : vector<2048x16xi32>
    %or3A = arith.ori %get3A_1, %shift_left3A_123 : vector<2048x16xi32>
    %shift_left3A_124 = arith.constant 18 : i32
    %shift_left3A_125 = vector.broadcast %shift_left3A_124 : i32 to vector<2048x16xi32>
    %shift_left3A_126 = arith.shli %broadcast_in_dim3A_121, %shift_left3A_125 : vector<2048x16xi32>
    %or3A_127 = arith.ori %or3A, %shift_left3A_126 : vector<2048x16xi32>
    %swap3A = arith.constant 0 : index
    %swap3A_128 = arith.constant 0 : index
    %swap3A_129 = vector.load %arg2[%swap3A, %swap3A_128] : memref<2048x16xi32, #tpu.memory_space<vmem>>, vector<2048x16xi32>
    tpu.vector_store %arg2[%swap3A, %swap3A_128], %or3A_127 {strides = array<i32>} : memref<2048x16xi32, #tpu.memory_space<vmem>>, vector<2048x16xi32>,
    return
  }
  func.func @transform_0(%arg0: i32) -> (i32, i32) {
    %c0_i32 = arith.constant 0 : i32
    %c0_i32_0 = arith.constant 0 : i32
    return %arg0, %c0_i32 : i32, i32
  }
  func.func @transform_1(%arg0: i32) -> (i32, i32) {
    %c0_i32 = arith.constant 0 : i32
    %c0_i32_0 = arith.constant 0 : i32
    return %arg0, %c0_i32 : i32, i32
  }
}

module attributes {stable_mosaic.version = 14 : i64} {
  func.func @_tc_layer(%arg0: i32, %arg1: memref<1000x128xf32, #tpu.memory_space<vmem>>, %arg2: memref<1000x128xf32, #tpu.memory_space<vmem>>, %arg3: memref<1000x128xf32, #tpu.memory_space<vmem>>, %arg4: memref<128x128xf32, #tpu.memory_space<vmem>>, %arg5: memref<128x128xf32, #tpu.memory_space<vmem>>, %arg6: memref<1x128xf32, #tpu.memory_space<vmem>>, %arg7: memref<1000x128xf32, #tpu.memory_space<vmem>>) attributes {dimension_semantics = [#tpu.dimension_semantics<arbitrary>], iteration_bounds = array<i64: 10>, scalar_prefetch = 0 : i64, scratch_operands = 0 : i64, tpu.core_type = #tpu.core_type<tc>, window_params = [{transform_indices = @transform_0, window_bounds = array<i64: 1000, 128>}, {transform_indices = @transform_1, window_bounds = array<i64: 1000, 128>}, {transform_indices = @transform_2, window_bounds = array<i64: 1000, 128>}, {pipeline_mode = #tpu.pipeline_mode<synchronous>, transform_indices = @transform_3, window_bounds = array<i64: 128, 128>}, {pipeline_mode = #tpu.pipeline_mode<synchronous>, transform_indices = @transform_4, window_bounds = array<i64: 128, 128>}, {pipeline_mode = #tpu.pipeline_mode<synchronous>, transform_indices = @transform_5, window_bounds = array<i64: 1, 128>}, {transform_indices = @transform_6, window_bounds = array<i64: 1000, 128>}]} {
    %get3A = arith.constant 0 : index
    %get3A_0 = arith.constant 0 : index
    %get3A_1 = vector.load %arg1[%get3A, %get3A_0] : memref<1000x128xf32, #tpu.memory_space<vmem>>, vector<1000x128xf32>
    %get3A_2 = arith.constant 0 : index
    %get3A_3 = arith.constant 0 : index
    %get3A_4 = vector.load %arg2[%get3A_2, %get3A_3] : memref<1000x128xf32, #tpu.memory_space<vmem>>, vector<1000x128xf32>
    %add3A = arith.addf %get3A_1, %get3A_4 : vector<1000x128xf32>
    %get3A_5 = arith.constant 0 : index
    %get3A_6 = arith.constant 0 : index
    %get3A_7 = vector.load %arg4[%get3A_5, %get3A_6] : memref<128x128xf32, #tpu.memory_space<vmem>>, vector<128x128xf32>
    %dot_general3A = arith.constant dense<0.000000e+00> : vector<1000x128xf32>
    %dot_general3A_8 = tpu.matmul %add3A, %get3A_7, %dot_general3A {dimension_numbers = #tpu.dot_dimension_numbers<[1], [0], [0], [1], [0, 0, 1, 1], [], []>, transpose_lhs_hint = false} : vector<1000x128xf32>, vector<128x128xf32>, vector<1000x128xf32> -> vector<1000x128xf32>
    %get3A_9 = arith.constant 0 : index
    %get3A_10 = arith.constant 0 : index
    %get3A_11 = vector.load %arg3[%get3A_9, %get3A_10] : memref<1000x128xf32, #tpu.memory_space<vmem>>, vector<1000x128xf32>
    %get3A_12 = arith.constant 0 : index
    %get3A_13 = arith.constant 0 : index
    %get3A_14 = vector.load %arg5[%get3A_12, %get3A_13] : memref<128x128xf32, #tpu.memory_space<vmem>>, vector<128x128xf32>
    %dot_general3A_15 = arith.constant dense<0.000000e+00> : vector<1000x128xf32>
    %dot_general3A_16 = tpu.matmul %get3A_11, %get3A_14, %dot_general3A_15 {dimension_numbers = #tpu.dot_dimension_numbers<[1], [0], [0], [1], [0, 0, 1, 1], [], []>, transpose_lhs_hint = false} : vector<1000x128xf32>, vector<128x128xf32>, vector<1000x128xf32> -> vector<1000x128xf32>
    %add3A_17 = arith.addf %dot_general3A_8, %dot_general3A_16 : vector<1000x128xf32>
    %get3A_18 = arith.constant 0 : index
    %get3A_19 = arith.constant 0 : index
    %get3A_20 = vector.load %arg6[%get3A_18, %get3A_19] : memref<1x128xf32, #tpu.memory_space<vmem>>, vector<1x128xf32>
    %add3A_21 = vector.broadcast %get3A_20 : vector<1x128xf32> to vector<1000x128xf32>
    %add3A_22 = arith.addf %add3A_17, %add3A_21 : vector<1000x128xf32>
    %swap3A = arith.constant 0 : index
    %swap3A_23 = arith.constant 0 : index
    %swap3A_24 = vector.load %arg7[%swap3A, %swap3A_23] : memref<1000x128xf32, #tpu.memory_space<vmem>>, vector<1000x128xf32>
    tpu.vector_store %arg7[%swap3A, %swap3A_23], %add3A_22 {strides = array<i32>} : memref<1000x128xf32, #tpu.memory_space<vmem>>, vector<1000x128xf32>,
    return
  }
  func.func @transform_0(%arg0: i32) -> (i32, i32) {
    %c0_i32 = arith.constant 0 : i32
    %c0_i32_0 = arith.constant 0 : i32
    return %arg0, %c0_i32 : i32, i32
  }
  func.func @transform_1(%arg0: i32) -> (i32, i32) {
    %c0_i32 = arith.constant 0 : i32
    %c0_i32_0 = arith.constant 0 : i32
    return %arg0, %c0_i32 : i32, i32
  }
  func.func @transform_2(%arg0: i32) -> (i32, i32) {
    %c0_i32 = arith.constant 0 : i32
    %c0_i32_0 = arith.constant 0 : i32
    return %arg0, %c0_i32 : i32, i32
  }
  func.func @transform_3(%arg0: i32) -> (i32, i32) {
    %c0_i32 = arith.constant 0 : i32
    %c0_i32_0 = arith.constant 0 : i32
    %c0_i32_1 = arith.constant 0 : i32
    return %c0_i32, %c0_i32_0 : i32, i32
  }
  func.func @transform_4(%arg0: i32) -> (i32, i32) {
    %c0_i32 = arith.constant 0 : i32
    %c0_i32_0 = arith.constant 0 : i32
    %c0_i32_1 = arith.constant 0 : i32
    return %c0_i32, %c0_i32_0 : i32, i32
  }
  func.func @transform_5(%arg0: i32) -> (i32, i32) {
    %c0_i32 = arith.constant 0 : i32
    %c0_i32_0 = arith.constant 0 : i32
    %c0_i32_1 = arith.constant 0 : i32
    return %c0_i32, %c0_i32_0 : i32, i32
  }
  func.func @transform_6(%arg0: i32) -> (i32, i32) {
    %c0_i32 = arith.constant 0 : i32
    %c0_i32_0 = arith.constant 0 : i32
    return %arg0, %c0_i32 : i32, i32
  }
}

module attributes {stable_mosaic.version = 14 : i64} {
  func.func @_tc_epilogue(%arg0: i32, %arg1: memref<1000x128xf32, #tpu.memory_space<vmem>>, %arg2: memref<1x1x1000xi32, #tpu.memory_space<vmem>>, %arg3: memref<64x50xf32, #tpu.memory_space<vmem>>, %arg4: memref<64x10xf32, #tpu.memory_space<vmem>>, %arg5: memref<50x128xf32, #tpu.memory_space<vmem>>, %arg6: memref<1x128xf32, #tpu.memory_space<vmem>>, %arg7: memref<10x128xf32, #tpu.memory_space<vmem>>, %arg8: memref<1x128xf32, #tpu.memory_space<vmem>>, %arg9: memref<128x512xf32, #tpu.memory_space<vmem>>, %arg10: memref<1x512xf32, #tpu.memory_space<vmem>>, %arg11: memref<128x512xf32, #tpu.memory_space<vmem>>, %arg12: memref<1x512xf32, #tpu.memory_space<vmem>>, %arg13: memref<128x512xf32, #tpu.memory_space<vmem>>, %arg14: memref<1x512xf32, #tpu.memory_space<vmem>>, %arg15: memref<512x128xf32, #tpu.memory_space<vmem>>, %arg16: memref<1x128xf32, #tpu.memory_space<vmem>>, %arg17: memref<1x1xf32, #tpu.memory_space<vmem>>, %arg18: memref<128x128xf32, #tpu.memory_space<vmem>>, %arg19: memref<1x128xf32, #tpu.memory_space<vmem>>, %arg20: memref<128x1xf32, #tpu.memory_space<vmem>>, %arg21: memref<1x1xf32, #tpu.memory_space<vmem>>, %arg22: memref<64x1xf32, #tpu.memory_space<vmem>>, %arg23: memref<64x128xf32, #tpu.memory_space<vmem>>) attributes {dimension_semantics = [#tpu.dimension_semantics<arbitrary>], iteration_bounds = array<i64: 10>, scalar_prefetch = 0 : i64, scratch_operands = 1 : i64, tpu.core_type = #tpu.core_type<tc>, window_params = [{transform_indices = @transform_0, window_bounds = array<i64: 1000, 128>}, {transform_indices = @transform_1, window_bounds = array<i64: 1, 1, 1000>}, {pipeline_mode = #tpu.pipeline_mode<synchronous>, transform_indices = @transform_2, window_bounds = array<i64: 64, 50>}, {pipeline_mode = #tpu.pipeline_mode<synchronous>, transform_indices = @transform_3, window_bounds = array<i64: 64, 10>}, {pipeline_mode = #tpu.pipeline_mode<synchronous>, transform_indices = @transform_4, window_bounds = array<i64: 50, 128>}, {pipeline_mode = #tpu.pipeline_mode<synchronous>, transform_indices = @transform_5, window_bounds = array<i64: 1, 128>}, {pipeline_mode = #tpu.pipeline_mode<synchronous>, transform_indices = @transform_6, window_bounds = array<i64: 10, 128>}, {pipeline_mode = #tpu.pipeline_mode<synchronous>, transform_indices = @transform_7, window_bounds = array<i64: 1, 128>}, {pipeline_mode = #tpu.pipeline_mode<synchronous>, transform_indices = @transform_8, window_bounds = array<i64: 128, 512>}, {pipeline_mode = #tpu.pipeline_mode<synchronous>, transform_indices = @transform_9, window_bounds = array<i64: 1, 512>}, {pipeline_mode = #tpu.pipeline_mode<synchronous>, transform_indices = @transform_10, window_bounds = array<i64: 128, 512>}, {pipeline_mode = #tpu.pipeline_mode<synchronous>, transform_indices = @transform_11, window_bounds = array<i64: 1, 512>}, {pipeline_mode = #tpu.pipeline_mode<synchronous>, transform_indices = @transform_12, window_bounds = array<i64: 128, 512>}, {pipeline_mode = #tpu.pipeline_mode<synchronous>, transform_indices = @transform_13, window_bounds = array<i64: 1, 512>}, {pipeline_mode = #tpu.pipeline_mode<synchronous>, transform_indices = @transform_14, window_bounds = array<i64: 512, 128>}, {pipeline_mode = #tpu.pipeline_mode<synchronous>, transform_indices = @transform_15, window_bounds = array<i64: 1, 128>}, {pipeline_mode = #tpu.pipeline_mode<synchronous>, transform_indices = @transform_16, window_bounds = array<i64: 1, 1>}, {pipeline_mode = #tpu.pipeline_mode<synchronous>, transform_indices = @transform_17, window_bounds = array<i64: 128, 128>}, {pipeline_mode = #tpu.pipeline_mode<synchronous>, transform_indices = @transform_18, window_bounds = array<i64: 1, 128>}, {pipeline_mode = #tpu.pipeline_mode<synchronous>, transform_indices = @transform_19, window_bounds = array<i64: 128, 1>}, {pipeline_mode = #tpu.pipeline_mode<synchronous>, transform_indices = @transform_20, window_bounds = array<i64: 1, 1>}, {pipeline_mode = #tpu.pipeline_mode<synchronous>, transform_indices = @transform_21, window_bounds = array<i64: 64, 1>}]} {
    %eq3A = arith.constant 0 : i32
    %eq3A_0 = arith.cmpi eq, %arg0, %eq3A : i32
    %convert_element_type3A = arith.extui %eq3A_0 : i1 to i32
    %cond3A = arith.constant 0 : i32
    %cond3A_1 = arith.cmpi ne, %convert_element_type3A, %cond3A : i32
    scf.if %cond3A_1 {
      %broadcast_in_dim3A_24 = arith.constant 0.000000e+00 : f32
      %broadcast_in_dim3A_25 = vector.broadcast %broadcast_in_dim3A_24 : f32 to vector<64x128xf32>
      %swap3A_26 = arith.constant 0 : index
      %swap3A_27 = arith.constant 0 : index
      %swap3A_28 = vector.load %arg23[%swap3A_26, %swap3A_27] : memref<64x128xf32, #tpu.memory_space<vmem>>, vector<64x128xf32>
      tpu.vector_store %arg23[%swap3A_26, %swap3A_27], %broadcast_in_dim3A_25 {strides = array<i32>} : memref<64x128xf32, #tpu.memory_space<vmem>>, vector<64x128xf32>,
    } else {
    }
    %get3A = arith.constant 0 : index
    %get3A_2 = arith.constant 0 : index
    %get3A_3 = arith.constant 0 : index
    %get3A_4 = vector.load %arg2[%get3A, %get3A_2, %get3A_3] : memref<1x1x1000xi32, #tpu.memory_space<vmem>>, vector<1x1x1000xi32>
    %get3A_5 = vector.shape_cast %get3A_4 : vector<1x1x1000xi32> to vector<1000xi32>
    %iota3A = tpu.iota {dimensions = array<i32: 0>} : vector<64x1000xi32>
    %broadcast_in_dim3A = vector.shape_cast %get3A_5 : vector<1000xi32> to vector<1x1000xi32>
    %eq3A_6 = vector.broadcast %broadcast_in_dim3A : vector<1x1000xi32> to vector<64x1000xi32>
    %eq3A_7 = arith.cmpi eq, %eq3A_6, %iota3A : vector<64x1000xi32>
    %convert_element_type3A_8 = arith.extui %eq3A_7 : vector<64x1000xi1> to vector<64x1000xi32>
    %convert_element_type3A_9 = arith.sitofp %convert_element_type3A_8 : vector<64x1000xi32> to vector<64x1000xf32>
    %get3A_10 = arith.constant 0 : index
    %get3A_11 = arith.constant 0 : index
    %get3A_12 = vector.load %arg23[%get3A_10, %get3A_11] : memref<64x128xf32, #tpu.memory_space<vmem>>, vector<64x128xf32>
    %get3A_13 = arith.constant 0 : index
    %get3A_14 = arith.constant 0 : index
    %get3A_15 = vector.load %arg1[%get3A_13, %get3A_14] : memref<1000x128xf32, #tpu.memory_space<vmem>>, vector<1000x128xf32>
    %dot_general3A = arith.constant dense<0.000000e+00> : vector<64x128xf32>
    %dot_general3A_16 = tpu.matmul %convert_element_type3A_9, %get3A_15, %dot_general3A {dimension_numbers = #tpu.dot_dimension_numbers<[1], [0], [0], [1], [0, 0, 1, 1], [], []>, transpose_lhs_hint = false} : vector<64x1000xf32>, vector<1000x128xf32>, vector<64x128xf32> -> vector<64x128xf32>
    %add3A = arith.addf %get3A_12, %dot_general3A_16 : vector<64x128xf32>
    %swap3A = arith.constant 0 : index
    %swap3A_17 = arith.constant 0 : index
    %swap3A_18 = vector.load %arg23[%swap3A, %swap3A_17] : memref<64x128xf32, #tpu.memory_space<vmem>>, vector<64x128xf32>
    tpu.vector_store %arg23[%swap3A, %swap3A_17], %add3A {strides = array<i32>} : memref<64x128xf32, #tpu.memory_space<vmem>>, vector<64x128xf32>,
    %eq3A_19 = arith.constant 9 : i32
    %eq3A_20 = arith.cmpi eq, %arg0, %eq3A_19 : i32
    %convert_element_type3A_21 = arith.extui %eq3A_20 : i1 to i32
    %cond3A_22 = arith.constant 0 : i32
    %cond3A_23 = arith.cmpi ne, %convert_element_type3A_21, %cond3A_22 : i32
    scf.if %cond3A_23 {
      %get3A_24 = arith.constant 0 : index
      %get3A_25 = arith.constant 0 : index
      %get3A_26 = vector.load %arg23[%get3A_24, %get3A_25] : memref<64x128xf32, #tpu.memory_space<vmem>>, vector<64x128xf32>
      %get3A_27 = arith.constant 0 : index
      %get3A_28 = arith.constant 0 : index
      %get3A_29 = vector.load %arg3[%get3A_27, %get3A_28] : memref<64x50xf32, #tpu.memory_space<vmem>>, vector<64x50xf32>
      %get3A_30 = arith.constant 0 : index
      %get3A_31 = arith.constant 0 : index
      %get3A_32 = vector.load %arg5[%get3A_30, %get3A_31] : memref<50x128xf32, #tpu.memory_space<vmem>>, vector<50x128xf32>
      %dot_general3A_33 = arith.constant dense<0.000000e+00> : vector<64x128xf32>
      %dot_general3A_34 = tpu.matmul %get3A_29, %get3A_32, %dot_general3A_33 {dimension_numbers = #tpu.dot_dimension_numbers<[1], [0], [0], [1], [0, 0, 1, 1], [], []>, transpose_lhs_hint = false} : vector<64x50xf32>, vector<50x128xf32>, vector<64x128xf32> -> vector<64x128xf32>
      %get3A_35 = arith.constant 0 : index
      %get3A_36 = arith.constant 0 : index
      %get3A_37 = vector.load %arg6[%get3A_35, %get3A_36] : memref<1x128xf32, #tpu.memory_space<vmem>>, vector<1x128xf32>
      %add3A_38 = vector.broadcast %get3A_37 : vector<1x128xf32> to vector<64x128xf32>
      %add3A_39 = arith.addf %dot_general3A_34, %add3A_38 : vector<64x128xf32>
      %gt3A = arith.constant 0.000000e+00 : f32
      %gt3A_40 = vector.broadcast %gt3A : f32 to vector<64x128xf32>
      %gt3A_41 = arith.cmpf ogt, %add3A_39, %gt3A_40 : vector<64x128xf32>
      %mul3A = arith.constant 1.000000e-01 : f32
      %mul3A_42 = vector.broadcast %mul3A : f32 to vector<64x128xf32>
      %mul3A_43 = arith.mulf %mul3A_42, %add3A_39 : vector<64x128xf32>
      %select_n3A = arith.select %gt3A_41, %add3A_39, %mul3A_43 : vector<64x128xi1>, vector<64x128xf32>
      %get3A_44 = arith.constant 0 : index
      %get3A_45 = arith.constant 0 : index
      %get3A_46 = vector.load %arg4[%get3A_44, %get3A_45] : memref<64x10xf32, #tpu.memory_space<vmem>>, vector<64x10xf32>
      %get3A_47 = arith.constant 0 : index
      %get3A_48 = arith.constant 0 : index
      %get3A_49 = vector.load %arg7[%get3A_47, %get3A_48] : memref<10x128xf32, #tpu.memory_space<vmem>>, vector<10x128xf32>
      %dot_general3A_50 = arith.constant dense<0.000000e+00> : vector<64x128xf32>
      %dot_general3A_51 = tpu.matmul %get3A_46, %get3A_49, %dot_general3A_50 {dimension_numbers = #tpu.dot_dimension_numbers<[1], [0], [0], [1], [0, 0, 1, 1], [], []>, transpose_lhs_hint = false} : vector<64x10xf32>, vector<10x128xf32>, vector<64x128xf32> -> vector<64x128xf32>
      %get3A_52 = arith.constant 0 : index
      %get3A_53 = arith.constant 0 : index
      %get3A_54 = vector.load %arg8[%get3A_52, %get3A_53] : memref<1x128xf32, #tpu.memory_space<vmem>>, vector<1x128xf32>
      %add3A_55 = vector.broadcast %get3A_54 : vector<1x128xf32> to vector<64x128xf32>
      %add3A_56 = arith.addf %dot_general3A_51, %add3A_55 : vector<64x128xf32>
      %gt3A_57 = arith.constant 0.000000e+00 : f32
      %gt3A_58 = vector.broadcast %gt3A_57 : f32 to vector<64x128xf32>
      %gt3A_59 = arith.cmpf ogt, %add3A_56, %gt3A_58 : vector<64x128xf32>
      %mul3A_60 = arith.constant 1.000000e-01 : f32
      %mul3A_61 = vector.broadcast %mul3A_60 : f32 to vector<64x128xf32>
      %mul3A_62 = arith.mulf %mul3A_61, %add3A_56 : vector<64x128xf32>
      %select_n3A_63 = arith.select %gt3A_59, %add3A_56, %mul3A_62 : vector<64x128xi1>, vector<64x128xf32>
      %get3A_64 = arith.constant 0 : index
      %get3A_65 = arith.constant 0 : index
      %get3A_66 = vector.load %arg17[%get3A_64, %get3A_65] : memref<1x1xf32, #tpu.memory_space<vmem>>, vector<1x1xf32>
      %get3A_67 = vector.extract %get3A_66[0, 0] : f32 from vector<1x1xf32>
      %div3A = arith.constant 1.000000e+00 : f32
      %div3A_68 = arith.divf %div3A, %get3A_67 : f32
      %get3A_69 = arith.constant 0 : index
      %get3A_70 = arith.constant 0 : index
      %get3A_71 = vector.load %arg9[%get3A_69, %get3A_70] : memref<128x512xf32, #tpu.memory_space<vmem>>, vector<128x512xf32>
      %dot_general3A_72 = arith.constant dense<0.000000e+00> : vector<64x512xf32>
      %dot_general3A_73 = tpu.matmul %get3A_26, %get3A_71, %dot_general3A_72 {dimension_numbers = #tpu.dot_dimension_numbers<[1], [0], [0], [1], [0, 0, 1, 1], [], []>, transpose_lhs_hint = false} : vector<64x128xf32>, vector<128x512xf32>, vector<64x512xf32> -> vector<64x512xf32>
      %get3A_74 = arith.constant 0 : index
      %get3A_75 = arith.constant 0 : index
      %get3A_76 = vector.load %arg10[%get3A_74, %get3A_75] : memref<1x512xf32, #tpu.memory_space<vmem>>, vector<1x512xf32>
      %add3A_77 = vector.broadcast %get3A_76 : vector<1x512xf32> to vector<64x512xf32>
      %add3A_78 = arith.addf %dot_general3A_73, %add3A_77 : vector<64x512xf32>
      %get3A_79 = arith.constant 0 : index
      %get3A_80 = arith.constant 0 : index
      %get3A_81 = vector.load %arg9[%get3A_79, %get3A_80] : memref<128x512xf32, #tpu.memory_space<vmem>>, vector<128x512xf32>
      %dot_general3A_82 = arith.constant dense<0.000000e+00> : vector<64x512xf32>
      %dot_general3A_83 = tpu.matmul %select_n3A, %get3A_81, %dot_general3A_82 {dimension_numbers = #tpu.dot_dimension_numbers<[1], [0], [0], [1], [0, 0, 1, 1], [], []>, transpose_lhs_hint = false} : vector<64x128xf32>, vector<128x512xf32>, vector<64x512xf32> -> vector<64x512xf32>
      %get3A_84 = arith.constant 0 : index
      %get3A_85 = arith.constant 0 : index
      %get3A_86 = vector.load %arg10[%get3A_84, %get3A_85] : memref<1x512xf32, #tpu.memory_space<vmem>>, vector<1x512xf32>
      %add3A_87 = vector.broadcast %get3A_86 : vector<1x512xf32> to vector<64x512xf32>
      %add3A_88 = arith.addf %dot_general3A_83, %add3A_87 : vector<64x512xf32>
      %get3A_89 = arith.constant 0 : index
      %get3A_90 = arith.constant 0 : index
      %get3A_91 = vector.load %arg9[%get3A_89, %get3A_90] : memref<128x512xf32, #tpu.memory_space<vmem>>, vector<128x512xf32>
      %dot_general3A_92 = arith.constant dense<0.000000e+00> : vector<64x512xf32>
      %dot_general3A_93 = tpu.matmul %select_n3A_63, %get3A_91, %dot_general3A_92 {dimension_numbers = #tpu.dot_dimension_numbers<[1], [0], [0], [1], [0, 0, 1, 1], [], []>, transpose_lhs_hint = false} : vector<64x128xf32>, vector<128x512xf32>, vector<64x512xf32> -> vector<64x512xf32>
      %get3A_94 = arith.constant 0 : index
      %get3A_95 = arith.constant 0 : index
      %get3A_96 = vector.load %arg10[%get3A_94, %get3A_95] : memref<1x512xf32, #tpu.memory_space<vmem>>, vector<1x512xf32>
      %add3A_97 = vector.broadcast %get3A_96 : vector<1x512xf32> to vector<64x512xf32>
      %add3A_98 = arith.addf %dot_general3A_93, %add3A_97 : vector<64x512xf32>
      %get3A_99 = arith.constant 0 : index
      %get3A_100 = arith.constant 0 : index
      %get3A_101 = vector.load %arg11[%get3A_99, %get3A_100] : memref<128x512xf32, #tpu.memory_space<vmem>>, vector<128x512xf32>
      %dot_general3A_102 = arith.constant dense<0.000000e+00> : vector<64x512xf32>
      %dot_general3A_103 = tpu.matmul %get3A_26, %get3A_101, %dot_general3A_102 {dimension_numbers = #tpu.dot_dimension_numbers<[1], [0], [0], [1], [0, 0, 1, 1], [], []>, transpose_lhs_hint = false} : vector<64x128xf32>, vector<128x512xf32>, vector<64x512xf32> -> vector<64x512xf32>
      %get3A_104 = arith.constant 0 : index
      %get3A_105 = arith.constant 0 : index
      %get3A_106 = vector.load %arg12[%get3A_104, %get3A_105] : memref<1x512xf32, #tpu.memory_space<vmem>>, vector<1x512xf32>
      %add3A_107 = vector.broadcast %get3A_106 : vector<1x512xf32> to vector<64x512xf32>
      %add3A_108 = arith.addf %dot_general3A_103, %add3A_107 : vector<64x512xf32>
      %get3A_109 = arith.constant 0 : index
      %get3A_110 = arith.constant 0 : index
      %get3A_111 = vector.load %arg11[%get3A_109, %get3A_110] : memref<128x512xf32, #tpu.memory_space<vmem>>, vector<128x512xf32>
      %dot_general3A_112 = arith.constant dense<0.000000e+00> : vector<64x512xf32>
      %dot_general3A_113 = tpu.matmul %select_n3A, %get3A_111, %dot_general3A_112 {dimension_numbers = #tpu.dot_dimension_numbers<[1], [0], [0], [1], [0, 0, 1, 1], [], []>, transpose_lhs_hint = false} : vector<64x128xf32>, vector<128x512xf32>, vector<64x512xf32> -> vector<64x512xf32>
      %get3A_114 = arith.constant 0 : index
      %get3A_115 = arith.constant 0 : index
      %get3A_116 = vector.load %arg12[%get3A_114, %get3A_115] : memref<1x512xf32, #tpu.memory_space<vmem>>, vector<1x512xf32>
      %add3A_117 = vector.broadcast %get3A_116 : vector<1x512xf32> to vector<64x512xf32>
      %add3A_118 = arith.addf %dot_general3A_113, %add3A_117 : vector<64x512xf32>
      %get3A_119 = arith.constant 0 : index
      %get3A_120 = arith.constant 0 : index
      %get3A_121 = vector.load %arg11[%get3A_119, %get3A_120] : memref<128x512xf32, #tpu.memory_space<vmem>>, vector<128x512xf32>
      %dot_general3A_122 = arith.constant dense<0.000000e+00> : vector<64x512xf32>
      %dot_general3A_123 = tpu.matmul %select_n3A_63, %get3A_121, %dot_general3A_122 {dimension_numbers = #tpu.dot_dimension_numbers<[1], [0], [0], [1], [0, 0, 1, 1], [], []>, transpose_lhs_hint = false} : vector<64x128xf32>, vector<128x512xf32>, vector<64x512xf32> -> vector<64x512xf32>
      %get3A_124 = arith.constant 0 : index
      %get3A_125 = arith.constant 0 : index
      %get3A_126 = vector.load %arg12[%get3A_124, %get3A_125] : memref<1x512xf32, #tpu.memory_space<vmem>>, vector<1x512xf32>
      %add3A_127 = vector.broadcast %get3A_126 : vector<1x512xf32> to vector<64x512xf32>
      %add3A_128 = arith.addf %dot_general3A_123, %add3A_127 : vector<64x512xf32>
      %get3A_129 = arith.constant 0 : index
      %get3A_130 = arith.constant 0 : index
      %get3A_131 = vector.load %arg13[%get3A_129, %get3A_130] : memref<128x512xf32, #tpu.memory_space<vmem>>, vector<128x512xf32>
      %dot_general3A_132 = arith.constant dense<0.000000e+00> : vector<64x512xf32>
      %dot_general3A_133 = tpu.matmul %get3A_26, %get3A_131, %dot_general3A_132 {dimension_numbers = #tpu.dot_dimension_numbers<[1], [0], [0], [1], [0, 0, 1, 1], [], []>, transpose_lhs_hint = false} : vector<64x128xf32>, vector<128x512xf32>, vector<64x512xf32> -> vector<64x512xf32>
      %get3A_134 = arith.constant 0 : index
      %get3A_135 = arith.constant 0 : index
      %get3A_136 = vector.load %arg14[%get3A_134, %get3A_135] : memref<1x512xf32, #tpu.memory_space<vmem>>, vector<1x512xf32>
      %add3A_137 = vector.broadcast %get3A_136 : vector<1x512xf32> to vector<64x512xf32>
      %add3A_138 = arith.addf %dot_general3A_133, %add3A_137 : vector<64x512xf32>
      %get3A_139 = arith.constant 0 : index
      %get3A_140 = arith.constant 0 : index
      %get3A_141 = vector.load %arg13[%get3A_139, %get3A_140] : memref<128x512xf32, #tpu.memory_space<vmem>>, vector<128x512xf32>
      %dot_general3A_142 = arith.constant dense<0.000000e+00> : vector<64x512xf32>
      %dot_general3A_143 = tpu.matmul %select_n3A, %get3A_141, %dot_general3A_142 {dimension_numbers = #tpu.dot_dimension_numbers<[1], [0], [0], [1], [0, 0, 1, 1], [], []>, transpose_lhs_hint = false} : vector<64x128xf32>, vector<128x512xf32>, vector<64x512xf32> -> vector<64x512xf32>
      %get3A_144 = arith.constant 0 : index
      %get3A_145 = arith.constant 0 : index
      %get3A_146 = vector.load %arg14[%get3A_144, %get3A_145] : memref<1x512xf32, #tpu.memory_space<vmem>>, vector<1x512xf32>
      %add3A_147 = vector.broadcast %get3A_146 : vector<1x512xf32> to vector<64x512xf32>
      %add3A_148 = arith.addf %dot_general3A_143, %add3A_147 : vector<64x512xf32>
      %get3A_149 = arith.constant 0 : index
      %get3A_150 = arith.constant 0 : index
      %get3A_151 = vector.load %arg13[%get3A_149, %get3A_150] : memref<128x512xf32, #tpu.memory_space<vmem>>, vector<128x512xf32>
      %dot_general3A_152 = arith.constant dense<0.000000e+00> : vector<64x512xf32>
      %dot_general3A_153 = tpu.matmul %select_n3A_63, %get3A_151, %dot_general3A_152 {dimension_numbers = #tpu.dot_dimension_numbers<[1], [0], [0], [1], [0, 0, 1, 1], [], []>, transpose_lhs_hint = false} : vector<64x128xf32>, vector<128x512xf32>, vector<64x512xf32> -> vector<64x512xf32>
      %get3A_154 = arith.constant 0 : index
      %get3A_155 = arith.constant 0 : index
      %get3A_156 = vector.load %arg14[%get3A_154, %get3A_155] : memref<1x512xf32, #tpu.memory_space<vmem>>, vector<1x512xf32>
      %add3A_157 = vector.broadcast %get3A_156 : vector<1x512xf32> to vector<64x512xf32>
      %add3A_158 = arith.addf %dot_general3A_153, %add3A_157 : vector<64x512xf32>
      %slice3A = vector.extract_strided_slice %add3A_78 {offsets = [0, 0], sizes = [64, 128], strides = [1, 1]} : vector<64x512xf32> to vector<64x128xf32>
      %slice3A_159 = vector.extract_strided_slice %add3A_88 {offsets = [0, 0], sizes = [64, 128], strides = [1, 1]} : vector<64x512xf32> to vector<64x128xf32>
      %slice3A_160 = vector.extract_strided_slice %add3A_98 {offsets = [0, 0], sizes = [64, 128], strides = [1, 1]} : vector<64x512xf32> to vector<64x128xf32>
      %slice3A_161 = vector.extract_strided_slice %add3A_108 {offsets = [0, 0], sizes = [64, 128], strides = [1, 1]} : vector<64x512xf32> to vector<64x128xf32>
      %slice3A_162 = vector.extract_strided_slice %add3A_118 {offsets = [0, 0], sizes = [64, 128], strides = [1, 1]} : vector<64x512xf32> to vector<64x128xf32>
      %slice3A_163 = vector.extract_strided_slice %add3A_128 {offsets = [0, 0], sizes = [64, 128], strides = [1, 1]} : vector<64x512xf32> to vector<64x128xf32>
      %slice3A_164 = vector.extract_strided_slice %add3A_138 {offsets = [0, 0], sizes = [64, 128], strides = [1, 1]} : vector<64x512xf32> to vector<64x128xf32>
      %slice3A_165 = vector.extract_strided_slice %add3A_148 {offsets = [0, 0], sizes = [64, 128], strides = [1, 1]} : vector<64x512xf32> to vector<64x128xf32>
      %slice3A_166 = vector.extract_strided_slice %add3A_158 {offsets = [0, 0], sizes = [64, 128], strides = [1, 1]} : vector<64x512xf32> to vector<64x128xf32>
      %broadcast_in_dim3A_167 = arith.constant 0.000000e+00 : f32
      %broadcast_in_dim3A_168 = vector.broadcast %broadcast_in_dim3A_167 : f32 to vector<64x128xf32>
      %mul3A_169 = arith.mulf %slice3A, %slice3A_161 : vector<64x128xf32>
      %reduce_sum3A = arith.constant dense<0.000000e+00> : vector<64xf32>
      %reduce_sum3A_170 = vector.multi_reduction <add>, %mul3A_169, %reduce_sum3A [1] : vector<64x128xf32> to vector<64xf32>
      %broadcast_in_dim3A_171 = vector.shape_cast %reduce_sum3A_170 : vector<64xf32> to vector<64x1xf32>
      %mul3A_172 = vector.broadcast %div3A_68 : f32 to vector<64x1xf32>
      %mul3A_173 = arith.mulf %broadcast_in_dim3A_171, %mul3A_172 : vector<64x1xf32>
      %mul3A_174 = arith.mulf %slice3A, %slice3A_162 : vector<64x128xf32>
      %reduce_sum3A_175 = arith.constant dense<0.000000e+00> : vector<64xf32>
      %reduce_sum3A_176 = vector.multi_reduction <add>, %mul3A_174, %reduce_sum3A_175 [1] : vector<64x128xf32> to vector<64xf32>
      %broadcast_in_dim3A_177 = vector.shape_cast %reduce_sum3A_176 : vector<64xf32> to vector<64x1xf32>
      %mul3A_178 = vector.broadcast %div3A_68 : f32 to vector<64x1xf32>
      %mul3A_179 = arith.mulf %broadcast_in_dim3A_177, %mul3A_178 : vector<64x1xf32>
      %mul3A_180 = arith.mulf %slice3A, %slice3A_163 : vector<64x128xf32>
      %reduce_sum3A_181 = arith.constant dense<0.000000e+00> : vector<64xf32>
      %reduce_sum3A_182 = vector.multi_reduction <add>, %mul3A_180, %reduce_sum3A_181 [1] : vector<64x128xf32> to vector<64xf32>
      %broadcast_in_dim3A_183 = vector.shape_cast %reduce_sum3A_182 : vector<64xf32> to vector<64x1xf32>
      %mul3A_184 = vector.broadcast %div3A_68 : f32 to vector<64x1xf32>
      %mul3A_185 = arith.mulf %broadcast_in_dim3A_183, %mul3A_184 : vector<64x1xf32>
      %max3A = arith.maximumf %mul3A_173, %mul3A_179 : vector<64x1xf32>
      %max3A_186 = arith.maximumf %max3A, %mul3A_185 : vector<64x1xf32>
      %sub3A = arith.subf %mul3A_173, %max3A_186 : vector<64x1xf32>
      %exp3A = math.exp %sub3A : vector<64x1xf32>
      %sub3A_187 = arith.subf %mul3A_179, %max3A_186 : vector<64x1xf32>
      %exp3A_188 = math.exp %sub3A_187 : vector<64x1xf32>
      %sub3A_189 = arith.subf %mul3A_185, %max3A_186 : vector<64x1xf32>
      %exp3A_190 = math.exp %sub3A_189 : vector<64x1xf32>
      %add3A_191 = arith.addf %exp3A, %exp3A_188 : vector<64x1xf32>
      %add3A_192 = arith.addf %add3A_191, %exp3A_190 : vector<64x1xf32>
      %div3A_193 = arith.divf %exp3A, %add3A_192 : vector<64x1xf32>
      %div3A_194 = arith.divf %exp3A_188, %add3A_192 : vector<64x1xf32>
      %div3A_195 = arith.divf %exp3A_190, %add3A_192 : vector<64x1xf32>
      %mul3A_196 = vector.broadcast %div3A_193 : vector<64x1xf32> to vector<64x128xf32>
      %mul3A_197 = arith.mulf %mul3A_196, %slice3A_164 : vector<64x128xf32>
      %add3A_198 = arith.addf %broadcast_in_dim3A_168, %mul3A_197 : vector<64x128xf32>
      %mul3A_199 = vector.broadcast %div3A_194 : vector<64x1xf32> to vector<64x128xf32>
      %mul3A_200 = arith.mulf %mul3A_199, %slice3A_165 : vector<64x128xf32>
      %add3A_201 = arith.addf %add3A_198, %mul3A_200 : vector<64x128xf32>
      %mul3A_202 = vector.broadcast %div3A_195 : vector<64x1xf32> to vector<64x128xf32>
      %mul3A_203 = arith.mulf %mul3A_202, %slice3A_166 : vector<64x128xf32>
      %add3A_204 = arith.addf %add3A_201, %mul3A_203 : vector<64x128xf32>
      %mul3A_205 = arith.mulf %slice3A_159, %slice3A_161 : vector<64x128xf32>
      %reduce_sum3A_206 = arith.constant dense<0.000000e+00> : vector<64xf32>
      %reduce_sum3A_207 = vector.multi_reduction <add>, %mul3A_205, %reduce_sum3A_206 [1] : vector<64x128xf32> to vector<64xf32>
      %broadcast_in_dim3A_208 = vector.shape_cast %reduce_sum3A_207 : vector<64xf32> to vector<64x1xf32>
      %mul3A_209 = vector.broadcast %div3A_68 : f32 to vector<64x1xf32>
      %mul3A_210 = arith.mulf %broadcast_in_dim3A_208, %mul3A_209 : vector<64x1xf32>
      %mul3A_211 = arith.mulf %slice3A_159, %slice3A_162 : vector<64x128xf32>
      %reduce_sum3A_212 = arith.constant dense<0.000000e+00> : vector<64xf32>
      %reduce_sum3A_213 = vector.multi_reduction <add>, %mul3A_211, %reduce_sum3A_212 [1] : vector<64x128xf32> to vector<64xf32>
      %broadcast_in_dim3A_214 = vector.shape_cast %reduce_sum3A_213 : vector<64xf32> to vector<64x1xf32>
      %mul3A_215 = vector.broadcast %div3A_68 : f32 to vector<64x1xf32>
      %mul3A_216 = arith.mulf %broadcast_in_dim3A_214, %mul3A_215 : vector<64x1xf32>
      %mul3A_217 = arith.mulf %slice3A_159, %slice3A_163 : vector<64x128xf32>
      %reduce_sum3A_218 = arith.constant dense<0.000000e+00> : vector<64xf32>
      %reduce_sum3A_219 = vector.multi_reduction <add>, %mul3A_217, %reduce_sum3A_218 [1] : vector<64x128xf32> to vector<64xf32>
      %broadcast_in_dim3A_220 = vector.shape_cast %reduce_sum3A_219 : vector<64xf32> to vector<64x1xf32>
      %mul3A_221 = vector.broadcast %div3A_68 : f32 to vector<64x1xf32>
      %mul3A_222 = arith.mulf %broadcast_in_dim3A_220, %mul3A_221 : vector<64x1xf32>
      %max3A_223 = arith.maximumf %mul3A_210, %mul3A_216 : vector<64x1xf32>
      %max3A_224 = arith.maximumf %max3A_223, %mul3A_222 : vector<64x1xf32>
      %sub3A_225 = arith.subf %mul3A_210, %max3A_224 : vector<64x1xf32>
      %exp3A_226 = math.exp %sub3A_225 : vector<64x1xf32>
      %sub3A_227 = arith.subf %mul3A_216, %max3A_224 : vector<64x1xf32>
      %exp3A_228 = math.exp %sub3A_227 : vector<64x1xf32>
      %sub3A_229 = arith.subf %mul3A_222, %max3A_224 : vector<64x1xf32>
      %exp3A_230 = math.exp %sub3A_229 : vector<64x1xf32>
      %add3A_231 = arith.addf %exp3A_226, %exp3A_228 : vector<64x1xf32>
      %add3A_232 = arith.addf %add3A_231, %exp3A_230 : vector<64x1xf32>
      %div3A_233 = arith.divf %exp3A_226, %add3A_232 : vector<64x1xf32>
      %div3A_234 = arith.divf %exp3A_228, %add3A_232 : vector<64x1xf32>
      %div3A_235 = arith.divf %exp3A_230, %add3A_232 : vector<64x1xf32>
      %mul3A_236 = vector.broadcast %div3A_233 : vector<64x1xf32> to vector<64x128xf32>
      %mul3A_237 = arith.mulf %mul3A_236, %slice3A_164 : vector<64x128xf32>
      %add3A_238 = arith.addf %add3A_204, %mul3A_237 : vector<64x128xf32>
      %mul3A_239 = vector.broadcast %div3A_234 : vector<64x1xf32> to vector<64x128xf32>
      %mul3A_240 = arith.mulf %mul3A_239, %slice3A_165 : vector<64x128xf32>
      %add3A_241 = arith.addf %add3A_238, %mul3A_240 : vector<64x128xf32>
      %mul3A_242 = vector.broadcast %div3A_235 : vector<64x1xf32> to vector<64x128xf32>
      %mul3A_243 = arith.mulf %mul3A_242, %slice3A_166 : vector<64x128xf32>
      %add3A_244 = arith.addf %add3A_241, %mul3A_243 : vector<64x128xf32>
      %mul3A_245 = arith.mulf %slice3A_160, %slice3A_161 : vector<64x128xf32>
      %reduce_sum3A_246 = arith.constant dense<0.000000e+00> : vector<64xf32>
      %reduce_sum3A_247 = vector.multi_reduction <add>, %mul3A_245, %reduce_sum3A_246 [1] : vector<64x128xf32> to vector<64xf32>
      %broadcast_in_dim3A_248 = vector.shape_cast %reduce_sum3A_247 : vector<64xf32> to vector<64x1xf32>
      %mul3A_249 = vector.broadcast %div3A_68 : f32 to vector<64x1xf32>
      %mul3A_250 = arith.mulf %broadcast_in_dim3A_248, %mul3A_249 : vector<64x1xf32>
      %mul3A_251 = arith.mulf %slice3A_160, %slice3A_162 : vector<64x128xf32>
      %reduce_sum3A_252 = arith.constant dense<0.000000e+00> : vector<64xf32>
      %reduce_sum3A_253 = vector.multi_reduction <add>, %mul3A_251, %reduce_sum3A_252 [1] : vector<64x128xf32> to vector<64xf32>
      %broadcast_in_dim3A_254 = vector.shape_cast %reduce_sum3A_253 : vector<64xf32> to vector<64x1xf32>
      %mul3A_255 = vector.broadcast %div3A_68 : f32 to vector<64x1xf32>
      %mul3A_256 = arith.mulf %broadcast_in_dim3A_254, %mul3A_255 : vector<64x1xf32>
      %mul3A_257 = arith.mulf %slice3A_160, %slice3A_163 : vector<64x128xf32>
      %reduce_sum3A_258 = arith.constant dense<0.000000e+00> : vector<64xf32>
      %reduce_sum3A_259 = vector.multi_reduction <add>, %mul3A_257, %reduce_sum3A_258 [1] : vector<64x128xf32> to vector<64xf32>
      %broadcast_in_dim3A_260 = vector.shape_cast %reduce_sum3A_259 : vector<64xf32> to vector<64x1xf32>
      %mul3A_261 = vector.broadcast %div3A_68 : f32 to vector<64x1xf32>
      %mul3A_262 = arith.mulf %broadcast_in_dim3A_260, %mul3A_261 : vector<64x1xf32>
      %max3A_263 = arith.maximumf %mul3A_250, %mul3A_256 : vector<64x1xf32>
      %max3A_264 = arith.maximumf %max3A_263, %mul3A_262 : vector<64x1xf32>
      %sub3A_265 = arith.subf %mul3A_250, %max3A_264 : vector<64x1xf32>
      %exp3A_266 = math.exp %sub3A_265 : vector<64x1xf32>
      %sub3A_267 = arith.subf %mul3A_256, %max3A_264 : vector<64x1xf32>
      %exp3A_268 = math.exp %sub3A_267 : vector<64x1xf32>
      %sub3A_269 = arith.subf %mul3A_262, %max3A_264 : vector<64x1xf32>
      %exp3A_270 = math.exp %sub3A_269 : vector<64x1xf32>
      %add3A_271 = arith.addf %exp3A_266, %exp3A_268 : vector<64x1xf32>
      %add3A_272 = arith.addf %add3A_271, %exp3A_270 : vector<64x1xf32>
      %div3A_273 = arith.divf %exp3A_266, %add3A_272 : vector<64x1xf32>
      %div3A_274 = arith.divf %exp3A_268, %add3A_272 : vector<64x1xf32>
      %div3A_275 = arith.divf %exp3A_270, %add3A_272 : vector<64x1xf32>
      %mul3A_276 = vector.broadcast %div3A_273 : vector<64x1xf32> to vector<64x128xf32>
      %mul3A_277 = arith.mulf %mul3A_276, %slice3A_164 : vector<64x128xf32>
      %add3A_278 = arith.addf %add3A_244, %mul3A_277 : vector<64x128xf32>
      %mul3A_279 = vector.broadcast %div3A_274 : vector<64x1xf32> to vector<64x128xf32>
      %mul3A_280 = arith.mulf %mul3A_279, %slice3A_165 : vector<64x128xf32>
      %add3A_281 = arith.addf %add3A_278, %mul3A_280 : vector<64x128xf32>
      %mul3A_282 = vector.broadcast %div3A_275 : vector<64x1xf32> to vector<64x128xf32>
      %mul3A_283 = arith.mulf %mul3A_282, %slice3A_166 : vector<64x128xf32>
      %add3A_284 = arith.addf %add3A_281, %mul3A_283 : vector<64x128xf32>
      %slice3A_285 = vector.extract_strided_slice %add3A_78 {offsets = [0, 128], sizes = [64, 128], strides = [1, 1]} : vector<64x512xf32> to vector<64x128xf32>
      %slice3A_286 = vector.extract_strided_slice %add3A_88 {offsets = [0, 128], sizes = [64, 128], strides = [1, 1]} : vector<64x512xf32> to vector<64x128xf32>
      %slice3A_287 = vector.extract_strided_slice %add3A_98 {offsets = [0, 128], sizes = [64, 128], strides = [1, 1]} : vector<64x512xf32> to vector<64x128xf32>
      %slice3A_288 = vector.extract_strided_slice %add3A_108 {offsets = [0, 128], sizes = [64, 128], strides = [1, 1]} : vector<64x512xf32> to vector<64x128xf32>
      %slice3A_289 = vector.extract_strided_slice %add3A_118 {offsets = [0, 128], sizes = [64, 128], strides = [1, 1]} : vector<64x512xf32> to vector<64x128xf32>
      %slice3A_290 = vector.extract_strided_slice %add3A_128 {offsets = [0, 128], sizes = [64, 128], strides = [1, 1]} : vector<64x512xf32> to vector<64x128xf32>
      %slice3A_291 = vector.extract_strided_slice %add3A_138 {offsets = [0, 128], sizes = [64, 128], strides = [1, 1]} : vector<64x512xf32> to vector<64x128xf32>
      %slice3A_292 = vector.extract_strided_slice %add3A_148 {offsets = [0, 128], sizes = [64, 128], strides = [1, 1]} : vector<64x512xf32> to vector<64x128xf32>
      %slice3A_293 = vector.extract_strided_slice %add3A_158 {offsets = [0, 128], sizes = [64, 128], strides = [1, 1]} : vector<64x512xf32> to vector<64x128xf32>
      %broadcast_in_dim3A_294 = arith.constant 0.000000e+00 : f32
      %broadcast_in_dim3A_295 = vector.broadcast %broadcast_in_dim3A_294 : f32 to vector<64x128xf32>
      %mul3A_296 = arith.mulf %slice3A_285, %slice3A_288 : vector<64x128xf32>
      %reduce_sum3A_297 = arith.constant dense<0.000000e+00> : vector<64xf32>
      %reduce_sum3A_298 = vector.multi_reduction <add>, %mul3A_296, %reduce_sum3A_297 [1] : vector<64x128xf32> to vector<64xf32>
      %broadcast_in_dim3A_299 = vector.shape_cast %reduce_sum3A_298 : vector<64xf32> to vector<64x1xf32>
      %mul3A_300 = vector.broadcast %div3A_68 : f32 to vector<64x1xf32>
      %mul3A_301 = arith.mulf %broadcast_in_dim3A_299, %mul3A_300 : vector<64x1xf32>
      %mul3A_302 = arith.mulf %slice3A_285, %slice3A_289 : vector<64x128xf32>
      %reduce_sum3A_303 = arith.constant dense<0.000000e+00> : vector<64xf32>
      %reduce_sum3A_304 = vector.multi_reduction <add>, %mul3A_302, %reduce_sum3A_303 [1] : vector<64x128xf32> to vector<64xf32>
      %broadcast_in_dim3A_305 = vector.shape_cast %reduce_sum3A_304 : vector<64xf32> to vector<64x1xf32>
      %mul3A_306 = vector.broadcast %div3A_68 : f32 to vector<64x1xf32>
      %mul3A_307 = arith.mulf %broadcast_in_dim3A_305, %mul3A_306 : vector<64x1xf32>
      %mul3A_308 = arith.mulf %slice3A_285, %slice3A_290 : vector<64x128xf32>
      %reduce_sum3A_309 = arith.constant dense<0.000000e+00> : vector<64xf32>
      %reduce_sum3A_310 = vector.multi_reduction <add>, %mul3A_308, %reduce_sum3A_309 [1] : vector<64x128xf32> to vector<64xf32>
      %broadcast_in_dim3A_311 = vector.shape_cast %reduce_sum3A_310 : vector<64xf32> to vector<64x1xf32>
      %mul3A_312 = vector.broadcast %div3A_68 : f32 to vector<64x1xf32>
      %mul3A_313 = arith.mulf %broadcast_in_dim3A_311, %mul3A_312 : vector<64x1xf32>
      %max3A_314 = arith.maximumf %mul3A_301, %mul3A_307 : vector<64x1xf32>
      %max3A_315 = arith.maximumf %max3A_314, %mul3A_313 : vector<64x1xf32>
      %sub3A_316 = arith.subf %mul3A_301, %max3A_315 : vector<64x1xf32>
      %exp3A_317 = math.exp %sub3A_316 : vector<64x1xf32>
      %sub3A_318 = arith.subf %mul3A_307, %max3A_315 : vector<64x1xf32>
      %exp3A_319 = math.exp %sub3A_318 : vector<64x1xf32>
      %sub3A_320 = arith.subf %mul3A_313, %max3A_315 : vector<64x1xf32>
      %exp3A_321 = math.exp %sub3A_320 : vector<64x1xf32>
      %add3A_322 = arith.addf %exp3A_317, %exp3A_319 : vector<64x1xf32>
      %add3A_323 = arith.addf %add3A_322, %exp3A_321 : vector<64x1xf32>
      %div3A_324 = arith.divf %exp3A_317, %add3A_323 : vector<64x1xf32>
      %div3A_325 = arith.divf %exp3A_319, %add3A_323 : vector<64x1xf32>
      %div3A_326 = arith.divf %exp3A_321, %add3A_323 : vector<64x1xf32>
      %mul3A_327 = vector.broadcast %div3A_324 : vector<64x1xf32> to vector<64x128xf32>
      %mul3A_328 = arith.mulf %mul3A_327, %slice3A_291 : vector<64x128xf32>
      %add3A_329 = arith.addf %broadcast_in_dim3A_295, %mul3A_328 : vector<64x128xf32>
      %mul3A_330 = vector.broadcast %div3A_325 : vector<64x1xf32> to vector<64x128xf32>
      %mul3A_331 = arith.mulf %mul3A_330, %slice3A_292 : vector<64x128xf32>
      %add3A_332 = arith.addf %add3A_329, %mul3A_331 : vector<64x128xf32>
      %mul3A_333 = vector.broadcast %div3A_326 : vector<64x1xf32> to vector<64x128xf32>
      %mul3A_334 = arith.mulf %mul3A_333, %slice3A_293 : vector<64x128xf32>
      %add3A_335 = arith.addf %add3A_332, %mul3A_334 : vector<64x128xf32>
      %mul3A_336 = arith.mulf %slice3A_286, %slice3A_288 : vector<64x128xf32>
      %reduce_sum3A_337 = arith.constant dense<0.000000e+00> : vector<64xf32>
      %reduce_sum3A_338 = vector.multi_reduction <add>, %mul3A_336, %reduce_sum3A_337 [1] : vector<64x128xf32> to vector<64xf32>
      %broadcast_in_dim3A_339 = vector.shape_cast %reduce_sum3A_338 : vector<64xf32> to vector<64x1xf32>
      %mul3A_340 = vector.broadcast %div3A_68 : f32 to vector<64x1xf32>
      %mul3A_341 = arith.mulf %broadcast_in_dim3A_339, %mul3A_340 : vector<64x1xf32>
      %mul3A_342 = arith.mulf %slice3A_286, %slice3A_289 : vector<64x128xf32>
      %reduce_sum3A_343 = arith.constant dense<0.000000e+00> : vector<64xf32>
      %reduce_sum3A_344 = vector.multi_reduction <add>, %mul3A_342, %reduce_sum3A_343 [1] : vector<64x128xf32> to vector<64xf32>
      %broadcast_in_dim3A_345 = vector.shape_cast %reduce_sum3A_344 : vector<64xf32> to vector<64x1xf32>
      %mul3A_346 = vector.broadcast %div3A_68 : f32 to vector<64x1xf32>
      %mul3A_347 = arith.mulf %broadcast_in_dim3A_345, %mul3A_346 : vector<64x1xf32>
      %mul3A_348 = arith.mulf %slice3A_286, %slice3A_290 : vector<64x128xf32>
      %reduce_sum3A_349 = arith.constant dense<0.000000e+00> : vector<64xf32>
      %reduce_sum3A_350 = vector.multi_reduction <add>, %mul3A_348, %reduce_sum3A_349 [1] : vector<64x128xf32> to vector<64xf32>
      %broadcast_in_dim3A_351 = vector.shape_cast %reduce_sum3A_350 : vector<64xf32> to vector<64x1xf32>
      %mul3A_352 = vector.broadcast %div3A_68 : f32 to vector<64x1xf32>
      %mul3A_353 = arith.mulf %broadcast_in_dim3A_351, %mul3A_352 : vector<64x1xf32>
      %max3A_354 = arith.maximumf %mul3A_341, %mul3A_347 : vector<64x1xf32>
      %max3A_355 = arith.maximumf %max3A_354, %mul3A_353 : vector<64x1xf32>
      %sub3A_356 = arith.subf %mul3A_341, %max3A_355 : vector<64x1xf32>
      %exp3A_357 = math.exp %sub3A_356 : vector<64x1xf32>
      %sub3A_358 = arith.subf %mul3A_347, %max3A_355 : vector<64x1xf32>
      %exp3A_359 = math.exp %sub3A_358 : vector<64x1xf32>
      %sub3A_360 = arith.subf %mul3A_353, %max3A_355 : vector<64x1xf32>
      %exp3A_361 = math.exp %sub3A_360 : vector<64x1xf32>
      %add3A_362 = arith.addf %exp3A_357, %exp3A_359 : vector<64x1xf32>
      %add3A_363 = arith.addf %add3A_362, %exp3A_361 : vector<64x1xf32>
      %div3A_364 = arith.divf %exp3A_357, %add3A_363 : vector<64x1xf32>
      %div3A_365 = arith.divf %exp3A_359, %add3A_363 : vector<64x1xf32>
      %div3A_366 = arith.divf %exp3A_361, %add3A_363 : vector<64x1xf32>
      %mul3A_367 = vector.broadcast %div3A_364 : vector<64x1xf32> to vector<64x128xf32>
      %mul3A_368 = arith.mulf %mul3A_367, %slice3A_291 : vector<64x128xf32>
      %add3A_369 = arith.addf %add3A_335, %mul3A_368 : vector<64x128xf32>
      %mul3A_370 = vector.broadcast %div3A_365 : vector<64x1xf32> to vector<64x128xf32>
      %mul3A_371 = arith.mulf %mul3A_370, %slice3A_292 : vector<64x128xf32>
      %add3A_372 = arith.addf %add3A_369, %mul3A_371 : vector<64x128xf32>
      %mul3A_373 = vector.broadcast %div3A_366 : vector<64x1xf32> to vector<64x128xf32>
      %mul3A_374 = arith.mulf %mul3A_373, %slice3A_293 : vector<64x128xf32>
      %add3A_375 = arith.addf %add3A_372, %mul3A_374 : vector<64x128xf32>
      %mul3A_376 = arith.mulf %slice3A_287, %slice3A_288 : vector<64x128xf32>
      %reduce_sum3A_377 = arith.constant dense<0.000000e+00> : vector<64xf32>
      %reduce_sum3A_378 = vector.multi_reduction <add>, %mul3A_376, %reduce_sum3A_377 [1] : vector<64x128xf32> to vector<64xf32>
      %broadcast_in_dim3A_379 = vector.shape_cast %reduce_sum3A_378 : vector<64xf32> to vector<64x1xf32>
      %mul3A_380 = vector.broadcast %div3A_68 : f32 to vector<64x1xf32>
      %mul3A_381 = arith.mulf %broadcast_in_dim3A_379, %mul3A_380 : vector<64x1xf32>
      %mul3A_382 = arith.mulf %slice3A_287, %slice3A_289 : vector<64x128xf32>
      %reduce_sum3A_383 = arith.constant dense<0.000000e+00> : vector<64xf32>
      %reduce_sum3A_384 = vector.multi_reduction <add>, %mul3A_382, %reduce_sum3A_383 [1] : vector<64x128xf32> to vector<64xf32>
      %broadcast_in_dim3A_385 = vector.shape_cast %reduce_sum3A_384 : vector<64xf32> to vector<64x1xf32>
      %mul3A_386 = vector.broadcast %div3A_68 : f32 to vector<64x1xf32>
      %mul3A_387 = arith.mulf %broadcast_in_dim3A_385, %mul3A_386 : vector<64x1xf32>
      %mul3A_388 = arith.mulf %slice3A_287, %slice3A_290 : vector<64x128xf32>
      %reduce_sum3A_389 = arith.constant dense<0.000000e+00> : vector<64xf32>
      %reduce_sum3A_390 = vector.multi_reduction <add>, %mul3A_388, %reduce_sum3A_389 [1] : vector<64x128xf32> to vector<64xf32>
      %broadcast_in_dim3A_391 = vector.shape_cast %reduce_sum3A_390 : vector<64xf32> to vector<64x1xf32>
      %mul3A_392 = vector.broadcast %div3A_68 : f32 to vector<64x1xf32>
      %mul3A_393 = arith.mulf %broadcast_in_dim3A_391, %mul3A_392 : vector<64x1xf32>
      %max3A_394 = arith.maximumf %mul3A_381, %mul3A_387 : vector<64x1xf32>
      %max3A_395 = arith.maximumf %max3A_394, %mul3A_393 : vector<64x1xf32>
      %sub3A_396 = arith.subf %mul3A_381, %max3A_395 : vector<64x1xf32>
      %exp3A_397 = math.exp %sub3A_396 : vector<64x1xf32>
      %sub3A_398 = arith.subf %mul3A_387, %max3A_395 : vector<64x1xf32>
      %exp3A_399 = math.exp %sub3A_398 : vector<64x1xf32>
      %sub3A_400 = arith.subf %mul3A_393, %max3A_395 : vector<64x1xf32>
      %exp3A_401 = math.exp %sub3A_400 : vector<64x1xf32>
      %add3A_402 = arith.addf %exp3A_397, %exp3A_399 : vector<64x1xf32>
      %add3A_403 = arith.addf %add3A_402, %exp3A_401 : vector<64x1xf32>
      %div3A_404 = arith.divf %exp3A_397, %add3A_403 : vector<64x1xf32>
      %div3A_405 = arith.divf %exp3A_399, %add3A_403 : vector<64x1xf32>
      %div3A_406 = arith.divf %exp3A_401, %add3A_403 : vector<64x1xf32>
      %mul3A_407 = vector.broadcast %div3A_404 : vector<64x1xf32> to vector<64x128xf32>
      %mul3A_408 = arith.mulf %mul3A_407, %slice3A_291 : vector<64x128xf32>
      %add3A_409 = arith.addf %add3A_375, %mul3A_408 : vector<64x128xf32>
      %mul3A_410 = vector.broadcast %div3A_405 : vector<64x1xf32> to vector<64x128xf32>
      %mul3A_411 = arith.mulf %mul3A_410, %slice3A_292 : vector<64x128xf32>
      %add3A_412 = arith.addf %add3A_409, %mul3A_411 : vector<64x128xf32>
      %mul3A_413 = vector.broadcast %div3A_406 : vector<64x1xf32> to vector<64x128xf32>
      %mul3A_414 = arith.mulf %mul3A_413, %slice3A_293 : vector<64x128xf32>
      %add3A_415 = arith.addf %add3A_412, %mul3A_414 : vector<64x128xf32>
      %slice3A_416 = vector.extract_strided_slice %add3A_78 {offsets = [0, 256], sizes = [64, 128], strides = [1, 1]} : vector<64x512xf32> to vector<64x128xf32>
      %slice3A_417 = vector.extract_strided_slice %add3A_88 {offsets = [0, 256], sizes = [64, 128], strides = [1, 1]} : vector<64x512xf32> to vector<64x128xf32>
      %slice3A_418 = vector.extract_strided_slice %add3A_98 {offsets = [0, 256], sizes = [64, 128], strides = [1, 1]} : vector<64x512xf32> to vector<64x128xf32>
      %slice3A_419 = vector.extract_strided_slice %add3A_108 {offsets = [0, 256], sizes = [64, 128], strides = [1, 1]} : vector<64x512xf32> to vector<64x128xf32>
      %slice3A_420 = vector.extract_strided_slice %add3A_118 {offsets = [0, 256], sizes = [64, 128], strides = [1, 1]} : vector<64x512xf32> to vector<64x128xf32>
      %slice3A_421 = vector.extract_strided_slice %add3A_128 {offsets = [0, 256], sizes = [64, 128], strides = [1, 1]} : vector<64x512xf32> to vector<64x128xf32>
      %slice3A_422 = vector.extract_strided_slice %add3A_138 {offsets = [0, 256], sizes = [64, 128], strides = [1, 1]} : vector<64x512xf32> to vector<64x128xf32>
      %slice3A_423 = vector.extract_strided_slice %add3A_148 {offsets = [0, 256], sizes = [64, 128], strides = [1, 1]} : vector<64x512xf32> to vector<64x128xf32>
      %slice3A_424 = vector.extract_strided_slice %add3A_158 {offsets = [0, 256], sizes = [64, 128], strides = [1, 1]} : vector<64x512xf32> to vector<64x128xf32>
      %broadcast_in_dim3A_425 = arith.constant 0.000000e+00 : f32
      %broadcast_in_dim3A_426 = vector.broadcast %broadcast_in_dim3A_425 : f32 to vector<64x128xf32>
      %mul3A_427 = arith.mulf %slice3A_416, %slice3A_419 : vector<64x128xf32>
      %reduce_sum3A_428 = arith.constant dense<0.000000e+00> : vector<64xf32>
      %reduce_sum3A_429 = vector.multi_reduction <add>, %mul3A_427, %reduce_sum3A_428 [1] : vector<64x128xf32> to vector<64xf32>
      %broadcast_in_dim3A_430 = vector.shape_cast %reduce_sum3A_429 : vector<64xf32> to vector<64x1xf32>
      %mul3A_431 = vector.broadcast %div3A_68 : f32 to vector<64x1xf32>
      %mul3A_432 = arith.mulf %broadcast_in_dim3A_430, %mul3A_431 : vector<64x1xf32>
      %mul3A_433 = arith.mulf %slice3A_416, %slice3A_420 : vector<64x128xf32>
      %reduce_sum3A_434 = arith.constant dense<0.000000e+00> : vector<64xf32>
      %reduce_sum3A_435 = vector.multi_reduction <add>, %mul3A_433, %reduce_sum3A_434 [1] : vector<64x128xf32> to vector<64xf32>
      %broadcast_in_dim3A_436 = vector.shape_cast %reduce_sum3A_435 : vector<64xf32> to vector<64x1xf32>
      %mul3A_437 = vector.broadcast %div3A_68 : f32 to vector<64x1xf32>
      %mul3A_438 = arith.mulf %broadcast_in_dim3A_436, %mul3A_437 : vector<64x1xf32>
      %mul3A_439 = arith.mulf %slice3A_416, %slice3A_421 : vector<64x128xf32>
      %reduce_sum3A_440 = arith.constant dense<0.000000e+00> : vector<64xf32>
      %reduce_sum3A_441 = vector.multi_reduction <add>, %mul3A_439, %reduce_sum3A_440 [1] : vector<64x128xf32> to vector<64xf32>
      %broadcast_in_dim3A_442 = vector.shape_cast %reduce_sum3A_441 : vector<64xf32> to vector<64x1xf32>
      %mul3A_443 = vector.broadcast %div3A_68 : f32 to vector<64x1xf32>
      %mul3A_444 = arith.mulf %broadcast_in_dim3A_442, %mul3A_443 : vector<64x1xf32>
      %max3A_445 = arith.maximumf %mul3A_432, %mul3A_438 : vector<64x1xf32>
      %max3A_446 = arith.maximumf %max3A_445, %mul3A_444 : vector<64x1xf32>
      %sub3A_447 = arith.subf %mul3A_432, %max3A_446 : vector<64x1xf32>
      %exp3A_448 = math.exp %sub3A_447 : vector<64x1xf32>
      %sub3A_449 = arith.subf %mul3A_438, %max3A_446 : vector<64x1xf32>
      %exp3A_450 = math.exp %sub3A_449 : vector<64x1xf32>
      %sub3A_451 = arith.subf %mul3A_444, %max3A_446 : vector<64x1xf32>
      %exp3A_452 = math.exp %sub3A_451 : vector<64x1xf32>
      %add3A_453 = arith.addf %exp3A_448, %exp3A_450 : vector<64x1xf32>
      %add3A_454 = arith.addf %add3A_453, %exp3A_452 : vector<64x1xf32>
      %div3A_455 = arith.divf %exp3A_448, %add3A_454 : vector<64x1xf32>
      %div3A_456 = arith.divf %exp3A_450, %add3A_454 : vector<64x1xf32>
      %div3A_457 = arith.divf %exp3A_452, %add3A_454 : vector<64x1xf32>
      %mul3A_458 = vector.broadcast %div3A_455 : vector<64x1xf32> to vector<64x128xf32>
      %mul3A_459 = arith.mulf %mul3A_458, %slice3A_422 : vector<64x128xf32>
      %add3A_460 = arith.addf %broadcast_in_dim3A_426, %mul3A_459 : vector<64x128xf32>
      %mul3A_461 = vector.broadcast %div3A_456 : vector<64x1xf32> to vector<64x128xf32>
      %mul3A_462 = arith.mulf %mul3A_461, %slice3A_423 : vector<64x128xf32>
      %add3A_463 = arith.addf %add3A_460, %mul3A_462 : vector<64x128xf32>
      %mul3A_464 = vector.broadcast %div3A_457 : vector<64x1xf32> to vector<64x128xf32>
      %mul3A_465 = arith.mulf %mul3A_464, %slice3A_424 : vector<64x128xf32>
      %add3A_466 = arith.addf %add3A_463, %mul3A_465 : vector<64x128xf32>
      %mul3A_467 = arith.mulf %slice3A_417, %slice3A_419 : vector<64x128xf32>
      %reduce_sum3A_468 = arith.constant dense<0.000000e+00> : vector<64xf32>
      %reduce_sum3A_469 = vector.multi_reduction <add>, %mul3A_467, %reduce_sum3A_468 [1] : vector<64x128xf32> to vector<64xf32>
      %broadcast_in_dim3A_470 = vector.shape_cast %reduce_sum3A_469 : vector<64xf32> to vector<64x1xf32>
      %mul3A_471 = vector.broadcast %div3A_68 : f32 to vector<64x1xf32>
      %mul3A_472 = arith.mulf %broadcast_in_dim3A_470, %mul3A_471 : vector<64x1xf32>
      %mul3A_473 = arith.mulf %slice3A_417, %slice3A_420 : vector<64x128xf32>
      %reduce_sum3A_474 = arith.constant dense<0.000000e+00> : vector<64xf32>
      %reduce_sum3A_475 = vector.multi_reduction <add>, %mul3A_473, %reduce_sum3A_474 [1] : vector<64x128xf32> to vector<64xf32>
      %broadcast_in_dim3A_476 = vector.shape_cast %reduce_sum3A_475 : vector<64xf32> to vector<64x1xf32>
      %mul3A_477 = vector.broadcast %div3A_68 : f32 to vector<64x1xf32>
      %mul3A_478 = arith.mulf %broadcast_in_dim3A_476, %mul3A_477 : vector<64x1xf32>
      %mul3A_479 = arith.mulf %slice3A_417, %slice3A_421 : vector<64x128xf32>
      %reduce_sum3A_480 = arith.constant dense<0.000000e+00> : vector<64xf32>
      %reduce_sum3A_481 = vector.multi_reduction <add>, %mul3A_479, %reduce_sum3A_480 [1] : vector<64x128xf32> to vector<64xf32>
      %broadcast_in_dim3A_482 = vector.shape_cast %reduce_sum3A_481 : vector<64xf32> to vector<64x1xf32>
      %mul3A_483 = vector.broadcast %div3A_68 : f32 to vector<64x1xf32>
      %mul3A_484 = arith.mulf %broadcast_in_dim3A_482, %mul3A_483 : vector<64x1xf32>
      %max3A_485 = arith.maximumf %mul3A_472, %mul3A_478 : vector<64x1xf32>
      %max3A_486 = arith.maximumf %max3A_485, %mul3A_484 : vector<64x1xf32>
      %sub3A_487 = arith.subf %mul3A_472, %max3A_486 : vector<64x1xf32>
      %exp3A_488 = math.exp %sub3A_487 : vector<64x1xf32>
      %sub3A_489 = arith.subf %mul3A_478, %max3A_486 : vector<64x1xf32>
      %exp3A_490 = math.exp %sub3A_489 : vector<64x1xf32>
      %sub3A_491 = arith.subf %mul3A_484, %max3A_486 : vector<64x1xf32>
      %exp3A_492 = math.exp %sub3A_491 : vector<64x1xf32>
      %add3A_493 = arith.addf %exp3A_488, %exp3A_490 : vector<64x1xf32>
      %add3A_494 = arith.addf %add3A_493, %exp3A_492 : vector<64x1xf32>
      %div3A_495 = arith.divf %exp3A_488, %add3A_494 : vector<64x1xf32>
      %div3A_496 = arith.divf %exp3A_490, %add3A_494 : vector<64x1xf32>
      %div3A_497 = arith.divf %exp3A_492, %add3A_494 : vector<64x1xf32>
      %mul3A_498 = vector.broadcast %div3A_495 : vector<64x1xf32> to vector<64x128xf32>
      %mul3A_499 = arith.mulf %mul3A_498, %slice3A_422 : vector<64x128xf32>
      %add3A_500 = arith.addf %add3A_466, %mul3A_499 : vector<64x128xf32>
      %mul3A_501 = vector.broadcast %div3A_496 : vector<64x1xf32> to vector<64x128xf32>
      %mul3A_502 = arith.mulf %mul3A_501, %slice3A_423 : vector<64x128xf32>
      %add3A_503 = arith.addf %add3A_500, %mul3A_502 : vector<64x128xf32>
      %mul3A_504 = vector.broadcast %div3A_497 : vector<64x1xf32> to vector<64x128xf32>
      %mul3A_505 = arith.mulf %mul3A_504, %slice3A_424 : vector<64x128xf32>
      %add3A_506 = arith.addf %add3A_503, %mul3A_505 : vector<64x128xf32>
      %mul3A_507 = arith.mulf %slice3A_418, %slice3A_419 : vector<64x128xf32>
      %reduce_sum3A_508 = arith.constant dense<0.000000e+00> : vector<64xf32>
      %reduce_sum3A_509 = vector.multi_reduction <add>, %mul3A_507, %reduce_sum3A_508 [1] : vector<64x128xf32> to vector<64xf32>
      %broadcast_in_dim3A_510 = vector.shape_cast %reduce_sum3A_509 : vector<64xf32> to vector<64x1xf32>
      %mul3A_511 = vector.broadcast %div3A_68 : f32 to vector<64x1xf32>
      %mul3A_512 = arith.mulf %broadcast_in_dim3A_510, %mul3A_511 : vector<64x1xf32>
      %mul3A_513 = arith.mulf %slice3A_418, %slice3A_420 : vector<64x128xf32>
      %reduce_sum3A_514 = arith.constant dense<0.000000e+00> : vector<64xf32>
      %reduce_sum3A_515 = vector.multi_reduction <add>, %mul3A_513, %reduce_sum3A_514 [1] : vector<64x128xf32> to vector<64xf32>
      %broadcast_in_dim3A_516 = vector.shape_cast %reduce_sum3A_515 : vector<64xf32> to vector<64x1xf32>
      %mul3A_517 = vector.broadcast %div3A_68 : f32 to vector<64x1xf32>
      %mul3A_518 = arith.mulf %broadcast_in_dim3A_516, %mul3A_517 : vector<64x1xf32>
      %mul3A_519 = arith.mulf %slice3A_418, %slice3A_421 : vector<64x128xf32>
      %reduce_sum3A_520 = arith.constant dense<0.000000e+00> : vector<64xf32>
      %reduce_sum3A_521 = vector.multi_reduction <add>, %mul3A_519, %reduce_sum3A_520 [1] : vector<64x128xf32> to vector<64xf32>
      %broadcast_in_dim3A_522 = vector.shape_cast %reduce_sum3A_521 : vector<64xf32> to vector<64x1xf32>
      %mul3A_523 = vector.broadcast %div3A_68 : f32 to vector<64x1xf32>
      %mul3A_524 = arith.mulf %broadcast_in_dim3A_522, %mul3A_523 : vector<64x1xf32>
      %max3A_525 = arith.maximumf %mul3A_512, %mul3A_518 : vector<64x1xf32>
      %max3A_526 = arith.maximumf %max3A_525, %mul3A_524 : vector<64x1xf32>
      %sub3A_527 = arith.subf %mul3A_512, %max3A_526 : vector<64x1xf32>
      %exp3A_528 = math.exp %sub3A_527 : vector<64x1xf32>
      %sub3A_529 = arith.subf %mul3A_518, %max3A_526 : vector<64x1xf32>
      %exp3A_530 = math.exp %sub3A_529 : vector<64x1xf32>
      %sub3A_531 = arith.subf %mul3A_524, %max3A_526 : vector<64x1xf32>
      %exp3A_532 = math.exp %sub3A_531 : vector<64x1xf32>
      %add3A_533 = arith.addf %exp3A_528, %exp3A_530 : vector<64x1xf32>
      %add3A_534 = arith.addf %add3A_533, %exp3A_532 : vector<64x1xf32>
      %div3A_535 = arith.divf %exp3A_528, %add3A_534 : vector<64x1xf32>
      %div3A_536 = arith.divf %exp3A_530, %add3A_534 : vector<64x1xf32>
      %div3A_537 = arith.divf %exp3A_532, %add3A_534 : vector<64x1xf32>
      %mul3A_538 = vector.broadcast %div3A_535 : vector<64x1xf32> to vector<64x128xf32>
      %mul3A_539 = arith.mulf %mul3A_538, %slice3A_422 : vector<64x128xf32>
      %add3A_540 = arith.addf %add3A_506, %mul3A_539 : vector<64x128xf32>
      %mul3A_541 = vector.broadcast %div3A_536 : vector<64x1xf32> to vector<64x128xf32>
      %mul3A_542 = arith.mulf %mul3A_541, %slice3A_423 : vector<64x128xf32>
      %add3A_543 = arith.addf %add3A_540, %mul3A_542 : vector<64x128xf32>
      %mul3A_544 = vector.broadcast %div3A_537 : vector<64x1xf32> to vector<64x128xf32>
      %mul3A_545 = arith.mulf %mul3A_544, %slice3A_424 : vector<64x128xf32>
      %add3A_546 = arith.addf %add3A_543, %mul3A_545 : vector<64x128xf32>
      %slice3A_547 = vector.extract_strided_slice %add3A_78 {offsets = [0, 384], sizes = [64, 128], strides = [1, 1]} : vector<64x512xf32> to vector<64x128xf32>
      %slice3A_548 = vector.extract_strided_slice %add3A_88 {offsets = [0, 384], sizes = [64, 128], strides = [1, 1]} : vector<64x512xf32> to vector<64x128xf32>
      %slice3A_549 = vector.extract_strided_slice %add3A_98 {offsets = [0, 384], sizes = [64, 128], strides = [1, 1]} : vector<64x512xf32> to vector<64x128xf32>
      %slice3A_550 = vector.extract_strided_slice %add3A_108 {offsets = [0, 384], sizes = [64, 128], strides = [1, 1]} : vector<64x512xf32> to vector<64x128xf32>
      %slice3A_551 = vector.extract_strided_slice %add3A_118 {offsets = [0, 384], sizes = [64, 128], strides = [1, 1]} : vector<64x512xf32> to vector<64x128xf32>
      %slice3A_552 = vector.extract_strided_slice %add3A_128 {offsets = [0, 384], sizes = [64, 128], strides = [1, 1]} : vector<64x512xf32> to vector<64x128xf32>
      %slice3A_553 = vector.extract_strided_slice %add3A_138 {offsets = [0, 384], sizes = [64, 128], strides = [1, 1]} : vector<64x512xf32> to vector<64x128xf32>
      %slice3A_554 = vector.extract_strided_slice %add3A_148 {offsets = [0, 384], sizes = [64, 128], strides = [1, 1]} : vector<64x512xf32> to vector<64x128xf32>
      %slice3A_555 = vector.extract_strided_slice %add3A_158 {offsets = [0, 384], sizes = [64, 128], strides = [1, 1]} : vector<64x512xf32> to vector<64x128xf32>
      %broadcast_in_dim3A_556 = arith.constant 0.000000e+00 : f32
      %broadcast_in_dim3A_557 = vector.broadcast %broadcast_in_dim3A_556 : f32 to vector<64x128xf32>
      %mul3A_558 = arith.mulf %slice3A_547, %slice3A_550 : vector<64x128xf32>
      %reduce_sum3A_559 = arith.constant dense<0.000000e+00> : vector<64xf32>
      %reduce_sum3A_560 = vector.multi_reduction <add>, %mul3A_558, %reduce_sum3A_559 [1] : vector<64x128xf32> to vector<64xf32>
      %broadcast_in_dim3A_561 = vector.shape_cast %reduce_sum3A_560 : vector<64xf32> to vector<64x1xf32>
      %mul3A_562 = vector.broadcast %div3A_68 : f32 to vector<64x1xf32>
      %mul3A_563 = arith.mulf %broadcast_in_dim3A_561, %mul3A_562 : vector<64x1xf32>
      %mul3A_564 = arith.mulf %slice3A_547, %slice3A_551 : vector<64x128xf32>
      %reduce_sum3A_565 = arith.constant dense<0.000000e+00> : vector<64xf32>
      %reduce_sum3A_566 = vector.multi_reduction <add>, %mul3A_564, %reduce_sum3A_565 [1] : vector<64x128xf32> to vector<64xf32>
      %broadcast_in_dim3A_567 = vector.shape_cast %reduce_sum3A_566 : vector<64xf32> to vector<64x1xf32>
      %mul3A_568 = vector.broadcast %div3A_68 : f32 to vector<64x1xf32>
      %mul3A_569 = arith.mulf %broadcast_in_dim3A_567, %mul3A_568 : vector<64x1xf32>
      %mul3A_570 = arith.mulf %slice3A_547, %slice3A_552 : vector<64x128xf32>
      %reduce_sum3A_571 = arith.constant dense<0.000000e+00> : vector<64xf32>
      %reduce_sum3A_572 = vector.multi_reduction <add>, %mul3A_570, %reduce_sum3A_571 [1] : vector<64x128xf32> to vector<64xf32>
      %broadcast_in_dim3A_573 = vector.shape_cast %reduce_sum3A_572 : vector<64xf32> to vector<64x1xf32>
      %mul3A_574 = vector.broadcast %div3A_68 : f32 to vector<64x1xf32>
      %mul3A_575 = arith.mulf %broadcast_in_dim3A_573, %mul3A_574 : vector<64x1xf32>
      %max3A_576 = arith.maximumf %mul3A_563, %mul3A_569 : vector<64x1xf32>
      %max3A_577 = arith.maximumf %max3A_576, %mul3A_575 : vector<64x1xf32>
      %sub3A_578 = arith.subf %mul3A_563, %max3A_577 : vector<64x1xf32>
      %exp3A_579 = math.exp %sub3A_578 : vector<64x1xf32>
      %sub3A_580 = arith.subf %mul3A_569, %max3A_577 : vector<64x1xf32>
      %exp3A_581 = math.exp %sub3A_580 : vector<64x1xf32>
      %sub3A_582 = arith.subf %mul3A_575, %max3A_577 : vector<64x1xf32>
      %exp3A_583 = math.exp %sub3A_582 : vector<64x1xf32>
      %add3A_584 = arith.addf %exp3A_579, %exp3A_581 : vector<64x1xf32>
      %add3A_585 = arith.addf %add3A_584, %exp3A_583 : vector<64x1xf32>
      %div3A_586 = arith.divf %exp3A_579, %add3A_585 : vector<64x1xf32>
      %div3A_587 = arith.divf %exp3A_581, %add3A_585 : vector<64x1xf32>
      %div3A_588 = arith.divf %exp3A_583, %add3A_585 : vector<64x1xf32>
      %mul3A_589 = vector.broadcast %div3A_586 : vector<64x1xf32> to vector<64x128xf32>
      %mul3A_590 = arith.mulf %mul3A_589, %slice3A_553 : vector<64x128xf32>
      %add3A_591 = arith.addf %broadcast_in_dim3A_557, %mul3A_590 : vector<64x128xf32>
      %mul3A_592 = vector.broadcast %div3A_587 : vector<64x1xf32> to vector<64x128xf32>
      %mul3A_593 = arith.mulf %mul3A_592, %slice3A_554 : vector<64x128xf32>
      %add3A_594 = arith.addf %add3A_591, %mul3A_593 : vector<64x128xf32>
      %mul3A_595 = vector.broadcast %div3A_588 : vector<64x1xf32> to vector<64x128xf32>
      %mul3A_596 = arith.mulf %mul3A_595, %slice3A_555 : vector<64x128xf32>
      %add3A_597 = arith.addf %add3A_594, %mul3A_596 : vector<64x128xf32>
      %mul3A_598 = arith.mulf %slice3A_548, %slice3A_550 : vector<64x128xf32>
      %reduce_sum3A_599 = arith.constant dense<0.000000e+00> : vector<64xf32>
      %reduce_sum3A_600 = vector.multi_reduction <add>, %mul3A_598, %reduce_sum3A_599 [1] : vector<64x128xf32> to vector<64xf32>
      %broadcast_in_dim3A_601 = vector.shape_cast %reduce_sum3A_600 : vector<64xf32> to vector<64x1xf32>
      %mul3A_602 = vector.broadcast %div3A_68 : f32 to vector<64x1xf32>
      %mul3A_603 = arith.mulf %broadcast_in_dim3A_601, %mul3A_602 : vector<64x1xf32>
      %mul3A_604 = arith.mulf %slice3A_548, %slice3A_551 : vector<64x128xf32>
      %reduce_sum3A_605 = arith.constant dense<0.000000e+00> : vector<64xf32>
      %reduce_sum3A_606 = vector.multi_reduction <add>, %mul3A_604, %reduce_sum3A_605 [1] : vector<64x128xf32> to vector<64xf32>
      %broadcast_in_dim3A_607 = vector.shape_cast %reduce_sum3A_606 : vector<64xf32> to vector<64x1xf32>
      %mul3A_608 = vector.broadcast %div3A_68 : f32 to vector<64x1xf32>
      %mul3A_609 = arith.mulf %broadcast_in_dim3A_607, %mul3A_608 : vector<64x1xf32>
      %mul3A_610 = arith.mulf %slice3A_548, %slice3A_552 : vector<64x128xf32>
      %reduce_sum3A_611 = arith.constant dense<0.000000e+00> : vector<64xf32>
      %reduce_sum3A_612 = vector.multi_reduction <add>, %mul3A_610, %reduce_sum3A_611 [1] : vector<64x128xf32> to vector<64xf32>
      %broadcast_in_dim3A_613 = vector.shape_cast %reduce_sum3A_612 : vector<64xf32> to vector<64x1xf32>
      %mul3A_614 = vector.broadcast %div3A_68 : f32 to vector<64x1xf32>
      %mul3A_615 = arith.mulf %broadcast_in_dim3A_613, %mul3A_614 : vector<64x1xf32>
      %max3A_616 = arith.maximumf %mul3A_603, %mul3A_609 : vector<64x1xf32>
      %max3A_617 = arith.maximumf %max3A_616, %mul3A_615 : vector<64x1xf32>
      %sub3A_618 = arith.subf %mul3A_603, %max3A_617 : vector<64x1xf32>
      %exp3A_619 = math.exp %sub3A_618 : vector<64x1xf32>
      %sub3A_620 = arith.subf %mul3A_609, %max3A_617 : vector<64x1xf32>
      %exp3A_621 = math.exp %sub3A_620 : vector<64x1xf32>
      %sub3A_622 = arith.subf %mul3A_615, %max3A_617 : vector<64x1xf32>
      %exp3A_623 = math.exp %sub3A_622 : vector<64x1xf32>
      %add3A_624 = arith.addf %exp3A_619, %exp3A_621 : vector<64x1xf32>
      %add3A_625 = arith.addf %add3A_624, %exp3A_623 : vector<64x1xf32>
      %div3A_626 = arith.divf %exp3A_619, %add3A_625 : vector<64x1xf32>
      %div3A_627 = arith.divf %exp3A_621, %add3A_625 : vector<64x1xf32>
      %div3A_628 = arith.divf %exp3A_623, %add3A_625 : vector<64x1xf32>
      %mul3A_629 = vector.broadcast %div3A_626 : vector<64x1xf32> to vector<64x128xf32>
      %mul3A_630 = arith.mulf %mul3A_629, %slice3A_553 : vector<64x128xf32>
      %add3A_631 = arith.addf %add3A_597, %mul3A_630 : vector<64x128xf32>
      %mul3A_632 = vector.broadcast %div3A_627 : vector<64x1xf32> to vector<64x128xf32>
      %mul3A_633 = arith.mulf %mul3A_632, %slice3A_554 : vector<64x128xf32>
      %add3A_634 = arith.addf %add3A_631, %mul3A_633 : vector<64x128xf32>
      %mul3A_635 = vector.broadcast %div3A_628 : vector<64x1xf32> to vector<64x128xf32>
      %mul3A_636 = arith.mulf %mul3A_635, %slice3A_555 : vector<64x128xf32>
      %add3A_637 = arith.addf %add3A_634, %mul3A_636 : vector<64x128xf32>
      %mul3A_638 = arith.mulf %slice3A_549, %slice3A_550 : vector<64x128xf32>
      %reduce_sum3A_639 = arith.constant dense<0.000000e+00> : vector<64xf32>
      %reduce_sum3A_640 = vector.multi_reduction <add>, %mul3A_638, %reduce_sum3A_639 [1] : vector<64x128xf32> to vector<64xf32>
      %broadcast_in_dim3A_641 = vector.shape_cast %reduce_sum3A_640 : vector<64xf32> to vector<64x1xf32>
      %mul3A_642 = vector.broadcast %div3A_68 : f32 to vector<64x1xf32>
      %mul3A_643 = arith.mulf %broadcast_in_dim3A_641, %mul3A_642 : vector<64x1xf32>
      %mul3A_644 = arith.mulf %slice3A_549, %slice3A_551 : vector<64x128xf32>
      %reduce_sum3A_645 = arith.constant dense<0.000000e+00> : vector<64xf32>
      %reduce_sum3A_646 = vector.multi_reduction <add>, %mul3A_644, %reduce_sum3A_645 [1] : vector<64x128xf32> to vector<64xf32>
      %broadcast_in_dim3A_647 = vector.shape_cast %reduce_sum3A_646 : vector<64xf32> to vector<64x1xf32>
      %mul3A_648 = vector.broadcast %div3A_68 : f32 to vector<64x1xf32>
      %mul3A_649 = arith.mulf %broadcast_in_dim3A_647, %mul3A_648 : vector<64x1xf32>
      %mul3A_650 = arith.mulf %slice3A_549, %slice3A_552 : vector<64x128xf32>
      %reduce_sum3A_651 = arith.constant dense<0.000000e+00> : vector<64xf32>
      %reduce_sum3A_652 = vector.multi_reduction <add>, %mul3A_650, %reduce_sum3A_651 [1] : vector<64x128xf32> to vector<64xf32>
      %broadcast_in_dim3A_653 = vector.shape_cast %reduce_sum3A_652 : vector<64xf32> to vector<64x1xf32>
      %mul3A_654 = vector.broadcast %div3A_68 : f32 to vector<64x1xf32>
      %mul3A_655 = arith.mulf %broadcast_in_dim3A_653, %mul3A_654 : vector<64x1xf32>
      %max3A_656 = arith.maximumf %mul3A_643, %mul3A_649 : vector<64x1xf32>
      %max3A_657 = arith.maximumf %max3A_656, %mul3A_655 : vector<64x1xf32>
      %sub3A_658 = arith.subf %mul3A_643, %max3A_657 : vector<64x1xf32>
      %exp3A_659 = math.exp %sub3A_658 : vector<64x1xf32>
      %sub3A_660 = arith.subf %mul3A_649, %max3A_657 : vector<64x1xf32>
      %exp3A_661 = math.exp %sub3A_660 : vector<64x1xf32>
      %sub3A_662 = arith.subf %mul3A_655, %max3A_657 : vector<64x1xf32>
      %exp3A_663 = math.exp %sub3A_662 : vector<64x1xf32>
      %add3A_664 = arith.addf %exp3A_659, %exp3A_661 : vector<64x1xf32>
      %add3A_665 = arith.addf %add3A_664, %exp3A_663 : vector<64x1xf32>
      %div3A_666 = arith.divf %exp3A_659, %add3A_665 : vector<64x1xf32>
      %div3A_667 = arith.divf %exp3A_661, %add3A_665 : vector<64x1xf32>
      %div3A_668 = arith.divf %exp3A_663, %add3A_665 : vector<64x1xf32>
      %mul3A_669 = vector.broadcast %div3A_666 : vector<64x1xf32> to vector<64x128xf32>
      %mul3A_670 = arith.mulf %mul3A_669, %slice3A_553 : vector<64x128xf32>
      %add3A_671 = arith.addf %add3A_637, %mul3A_670 : vector<64x128xf32>
      %mul3A_672 = vector.broadcast %div3A_667 : vector<64x1xf32> to vector<64x128xf32>
      %mul3A_673 = arith.mulf %mul3A_672, %slice3A_554 : vector<64x128xf32>
      %add3A_674 = arith.addf %add3A_671, %mul3A_673 : vector<64x128xf32>
      %mul3A_675 = vector.broadcast %div3A_668 : vector<64x1xf32> to vector<64x128xf32>
      %mul3A_676 = arith.mulf %mul3A_675, %slice3A_555 : vector<64x128xf32>
      %add3A_677 = arith.addf %add3A_674, %mul3A_676 : vector<64x128xf32>
      %concatenate3A = tpu.concatenate %add3A_284, %add3A_415, %add3A_546, %add3A_677 in 1 : vector<64x128xf32>, vector<64x128xf32>, vector<64x128xf32>, vector<64x128xf32> -> vector<64x512xf32>
      %get3A_678 = arith.constant 0 : index
      %get3A_679 = arith.constant 0 : index
      %get3A_680 = vector.load %arg15[%get3A_678, %get3A_679] : memref<512x128xf32, #tpu.memory_space<vmem>>, vector<512x128xf32>
      %dot_general3A_681 = arith.constant dense<0.000000e+00> : vector<64x128xf32>
      %dot_general3A_682 = tpu.matmul %concatenate3A, %get3A_680, %dot_general3A_681 {dimension_numbers = #tpu.dot_dimension_numbers<[1], [0], [0], [1], [0, 0, 1, 1], [], []>, transpose_lhs_hint = false} : vector<64x512xf32>, vector<512x128xf32>, vector<64x128xf32> -> vector<64x128xf32>
      %get3A_683 = arith.constant 0 : index
      %get3A_684 = arith.constant 0 : index
      %get3A_685 = vector.load %arg16[%get3A_683, %get3A_684] : memref<1x128xf32, #tpu.memory_space<vmem>>, vector<1x128xf32>
      %mul3A_686 = arith.constant 3.000000e+00 : f32
      %mul3A_687 = vector.broadcast %mul3A_686 : f32 to vector<1x128xf32>
      %mul3A_688 = arith.mulf %mul3A_687, %get3A_685 : vector<1x128xf32>
      %add3A_689 = vector.broadcast %mul3A_688 : vector<1x128xf32> to vector<64x128xf32>
      %add3A_690 = arith.addf %dot_general3A_682, %add3A_689 : vector<64x128xf32>
      %get3A_691 = arith.constant 0 : index
      %get3A_692 = arith.constant 0 : index
      %get3A_693 = vector.load %arg18[%get3A_691, %get3A_692] : memref<128x128xf32, #tpu.memory_space<vmem>>, vector<128x128xf32>
      %dot_general3A_694 = arith.constant dense<0.000000e+00> : vector<64x128xf32>
      %dot_general3A_695 = tpu.matmul %add3A_690, %get3A_693, %dot_general3A_694 {dimension_numbers = #tpu.dot_dimension_numbers<[1], [0], [0], [1], [0, 0, 1, 1], [], []>, transpose_lhs_hint = false} : vector<64x128xf32>, vector<128x128xf32>, vector<64x128xf32> -> vector<64x128xf32>
      %get3A_696 = arith.constant 0 : index
      %get3A_697 = arith.constant 0 : index
      %get3A_698 = vector.load %arg19[%get3A_696, %get3A_697] : memref<1x128xf32, #tpu.memory_space<vmem>>, vector<1x128xf32>
      %add3A_699 = vector.broadcast %get3A_698 : vector<1x128xf32> to vector<64x128xf32>
      %add3A_700 = arith.addf %dot_general3A_695, %add3A_699 : vector<64x128xf32>
      %gt3A_701 = arith.constant 0.000000e+00 : f32
      %gt3A_702 = vector.broadcast %gt3A_701 : f32 to vector<64x128xf32>
      %gt3A_703 = arith.cmpf ogt, %add3A_700, %gt3A_702 : vector<64x128xf32>
      %mul3A_704 = arith.constant 1.000000e-01 : f32
      %mul3A_705 = vector.broadcast %mul3A_704 : f32 to vector<64x128xf32>
      %mul3A_706 = arith.mulf %mul3A_705, %add3A_700 : vector<64x128xf32>
      %select_n3A_707 = arith.select %gt3A_703, %add3A_700, %mul3A_706 : vector<64x128xi1>, vector<64x128xf32>
      %get3A_708 = arith.constant 0 : index
      %get3A_709 = arith.constant 0 : index
      %get3A_710 = vector.load %arg20[%get3A_708, %get3A_709] : memref<128x1xf32, #tpu.memory_space<vmem>>, vector<128x1xf32>
      %dot_general3A_711 = arith.constant dense<0.000000e+00> : vector<64x1xf32>
      %dot_general3A_712 = tpu.matmul %select_n3A_707, %get3A_710, %dot_general3A_711 {dimension_numbers = #tpu.dot_dimension_numbers<[1], [0], [0], [1], [0, 0, 1, 1], [], []>, transpose_lhs_hint = false} : vector<64x128xf32>, vector<128x1xf32>, vector<64x1xf32> -> vector<64x1xf32>
      %get3A_713 = arith.constant 0 : index
      %get3A_714 = arith.constant 0 : index
      %get3A_715 = vector.load %arg21[%get3A_713, %get3A_714] : memref<1x1xf32, #tpu.memory_space<vmem>>, vector<1x1xf32>
      %add3A_716 = vector.broadcast %get3A_715 : vector<1x1xf32> to vector<64x1xf32>
      %add3A_717 = arith.addf %dot_general3A_712, %add3A_716 : vector<64x1xf32>
      %swap3A_718 = arith.constant 0 : index
      %swap3A_719 = arith.constant 0 : index
      %swap3A_720 = vector.load %arg22[%swap3A_718, %swap3A_719] : memref<64x1xf32, #tpu.memory_space<vmem>>, vector<64x1xf32>
      tpu.vector_store %arg22[%swap3A_718, %swap3A_719], %add3A_717 {strides = array<i32>} : memref<64x1xf32, #tpu.memory_space<vmem>>, vector<64x1xf32>,
    } else {
    }
    return
  }
  func.func @transform_0(%arg0: i32) -> (i32, i32) {
    %c0_i32 = arith.constant 0 : i32
    %c0_i32_0 = arith.constant 0 : i32
    return %arg0, %c0_i32 : i32, i32
  }
  func.func @transform_1(%arg0: i32) -> (i32, i32, i32) {
    %c0_i32 = arith.constant 0 : i32
    %c0_i32_0 = arith.constant 0 : i32
    %c0_i32_1 = arith.constant 0 : i32
    return %arg0, %c0_i32, %c0_i32_0 : i32, i32, i32
  }
  func.func @transform_2(%arg0: i32) -> (i32, i32) {
    %c0_i32 = arith.constant 0 : i32
    %c0_i32_0 = arith.constant 0 : i32
    %c0_i32_1 = arith.constant 0 : i32
    return %c0_i32, %c0_i32_0 : i32, i32
  }
  func.func @transform_3(%arg0: i32) -> (i32, i32) {
    %c0_i32 = arith.constant 0 : i32
    %c0_i32_0 = arith.constant 0 : i32
    %c0_i32_1 = arith.constant 0 : i32
    return %c0_i32, %c0_i32_0 : i32, i32
  }
  func.func @transform_4(%arg0: i32) -> (i32, i32) {
    %c0_i32 = arith.constant 0 : i32
    %c0_i32_0 = arith.constant 0 : i32
    %c0_i32_1 = arith.constant 0 : i32
    return %c0_i32, %c0_i32_0 : i32, i32
  }
  func.func @transform_5(%arg0: i32) -> (i32, i32) {
    %c0_i32 = arith.constant 0 : i32
    %c0_i32_0 = arith.constant 0 : i32
    %c0_i32_1 = arith.constant 0 : i32
    return %c0_i32, %c0_i32_0 : i32, i32
  }
  func.func @transform_6(%arg0: i32) -> (i32, i32) {
    %c0_i32 = arith.constant 0 : i32
    %c0_i32_0 = arith.constant 0 : i32
    %c0_i32_1 = arith.constant 0 : i32
    return %c0_i32, %c0_i32_0 : i32, i32
  }
  func.func @transform_7(%arg0: i32) -> (i32, i32) {
    %c0_i32 = arith.constant 0 : i32
    %c0_i32_0 = arith.constant 0 : i32
    %c0_i32_1 = arith.constant 0 : i32
    return %c0_i32, %c0_i32_0 : i32, i32
  }
  func.func @transform_8(%arg0: i32) -> (i32, i32) {
    %c0_i32 = arith.constant 0 : i32
    %c0_i32_0 = arith.constant 0 : i32
    %c0_i32_1 = arith.constant 0 : i32
    return %c0_i32, %c0_i32_0 : i32, i32
  }
  func.func @transform_9(%arg0: i32) -> (i32, i32) {
    %c0_i32 = arith.constant 0 : i32
    %c0_i32_0 = arith.constant 0 : i32
    %c0_i32_1 = arith.constant 0 : i32
    return %c0_i32, %c0_i32_0 : i32, i32
  }
  func.func @transform_10(%arg0: i32) -> (i32, i32) {
    %c0_i32 = arith.constant 0 : i32
    %c0_i32_0 = arith.constant 0 : i32
    %c0_i32_1 = arith.constant 0 : i32
    return %c0_i32, %c0_i32_0 : i32, i32
  }
  func.func @transform_11(%arg0: i32) -> (i32, i32) {
    %c0_i32 = arith.constant 0 : i32
    %c0_i32_0 = arith.constant 0 : i32
    %c0_i32_1 = arith.constant 0 : i32
    return %c0_i32, %c0_i32_0 : i32, i32
  }
  func.func @transform_12(%arg0: i32) -> (i32, i32) {
    %c0_i32 = arith.constant 0 : i32
    %c0_i32_0 = arith.constant 0 : i32
    %c0_i32_1 = arith.constant 0 : i32
    return %c0_i32, %c0_i32_0 : i32, i32
  }
  func.func @transform_13(%arg0: i32) -> (i32, i32) {
    %c0_i32 = arith.constant 0 : i32
    %c0_i32_0 = arith.constant 0 : i32
    %c0_i32_1 = arith.constant 0 : i32
    return %c0_i32, %c0_i32_0 : i32, i32
  }
  func.func @transform_14(%arg0: i32) -> (i32, i32) {
    %c0_i32 = arith.constant 0 : i32
    %c0_i32_0 = arith.constant 0 : i32
    %c0_i32_1 = arith.constant 0 : i32
    return %c0_i32, %c0_i32_0 : i32, i32
  }
  func.func @transform_15(%arg0: i32) -> (i32, i32) {
    %c0_i32 = arith.constant 0 : i32
    %c0_i32_0 = arith.constant 0 : i32
    %c0_i32_1 = arith.constant 0 : i32
    return %c0_i32, %c0_i32_0 : i32, i32
  }
  func.func @transform_16(%arg0: i32) -> (i32, i32) {
    %c0_i32 = arith.constant 0 : i32
    %c0_i32_0 = arith.constant 0 : i32
    %c0_i32_1 = arith.constant 0 : i32
    return %c0_i32, %c0_i32_0 : i32, i32
  }
  func.func @transform_17(%arg0: i32) -> (i32, i32) {
    %c0_i32 = arith.constant 0 : i32
    %c0_i32_0 = arith.constant 0 : i32
    %c0_i32_1 = arith.constant 0 : i32
    return %c0_i32, %c0_i32_0 : i32, i32
  }
  func.func @transform_18(%arg0: i32) -> (i32, i32) {
    %c0_i32 = arith.constant 0 : i32
    %c0_i32_0 = arith.constant 0 : i32
    %c0_i32_1 = arith.constant 0 : i32
    return %c0_i32, %c0_i32_0 : i32, i32
  }
  func.func @transform_19(%arg0: i32) -> (i32, i32) {
    %c0_i32 = arith.constant 0 : i32
    %c0_i32_0 = arith.constant 0 : i32
    %c0_i32_1 = arith.constant 0 : i32
    return %c0_i32, %c0_i32_0 : i32, i32
  }
  func.func @transform_20(%arg0: i32) -> (i32, i32) {
    %c0_i32 = arith.constant 0 : i32
    %c0_i32_0 = arith.constant 0 : i32
    %c0_i32_1 = arith.constant 0 : i32
    return %c0_i32, %c0_i32_0 : i32, i32
  }
  func.func @transform_21(%arg0: i32) -> (i32, i32) {
    %c0_i32 = arith.constant 0 : i32
    %c0_i32_0 = arith.constant 0 : i32
    %c0_i32_1 = arith.constant 0 : i32
    return %c0_i32, %c0_i32_0 : i32, i32
  }
}

</mosaic_0001>

<sc_bundles>
// kernel: kernel.10.cloned.1.call-start
scs
__scs_entry_jumppad:
0x0: {  	(pc) =	sbr.rel $0x88, $3  }
0x1: {  	(tag) =	ssettag $0x0;
	lr =	simm.s32 $0x1  }
0x2: {  	[smem:$0x3F82] =	sst lr;
	_ =	strace $0xD0000000  }
0x3: {  	_ = 	snop  }
0x4: {  	_ = 	snop  }
0x5: {  	_ = 	snop  }
0x6: {  	_ = 	snop  }
0x7: {  	_ = 	snop  }
__scs_overlays_trampoline_lowered:
0x8: {  	[smem:$0x3F91] =	sst s0  }
0x9: {  	[smem:$0x3F92] =	sst s1  }
0xa: {  	[smem:$0x3F93] =	sst s2  }
0xb: {  	[smem:$0x3F94] =	sst s3  }
0xc: {  	[smem:$0x3F95] =	sst s4  }
0xd: {  	[smem:$0x3F96] =	sst s5  }
0xe: {  	[smem:$0x3F97] =	sst s6  }
0xf: {  	[smem:$0x3F98] =	sst s7  }
0x10: {  	[smem:$0x3F99] =	sst s8  }
0x11: {  	[smem:$0x3F9A] =	sst s9;
	s0 =	simm.s32 @!p0 $0x0  }
0x12: {  	s1 =	sld [smem:$0x3F80];
	s0 =	simm.s32 @p0 $0x1  }
0x13: {  	[smem:$0x3F9B] =	sst s0;
	s0 =	simm.s32 @!p1 $0x0  }
0x14: {  	s2 =	sld [smem:$0x3F7F];
	s0 =	simm.s32 @p1 $0x1  }
0x15: {  	[smem:$0x3F9C] =	sst s0;
	s0 =	simm.s32 @!p2 $0x0  }
0x16: {  	s3 =	sld [smem:$0x3FDB];
	s0 =	simm.s32 @p2 $0x1  }
0x17: {  	s4 =	simm.s32 $0x1BF5;
	[smem:$0x3F9E] =	sst s0  }
0x18: {  	s0 =	sld [smem:$0x3F81];
	_ =	swait.ge [sflag:s4], $0x0  }
0x19: {  	s7 =	sld [smem:$0x3F82]  }
0x1a: {  	s8 =	sadd.s32 $0xFFFFE003, lr  }
0x1b: {  	s9 =	sadd.s32 $0xFFFFFEF7, lr;
	s5 =	simm.s32 $0xFFFFFFFF;
	p2 =	slt.u32 s8, $0xFFFFF086  }
0x1c: {  	p1 =	slt.u32 s9, $0xF7A;
	s5 =	simm.s32 @!p2 $0x0  }
0x1d: {  	s5 =	simm.s32 @p1 $0x1;
	p0 =	seq.s32 s7, s2  }
0x1e: {  	s7 =	smul.u32 @!p0 $0xF7A, s2;
	p2 =	seq.s32 @!p0 s5, $0x0  }
0x1f: {  	s9 =	smul.u32 $0xF7A, s1;
	s8 =	simm.s32 @!p0 $0x1BF5;
	p2 =	por !p2, p0  }
0x20: {  	[sflag:s8] =	ssyncset.s32 @!p0 $0xFFFFF086;
	s6 =	sadd.s32 @!p0 s3, s7;
	s7 =	simm.s32 @!p0 $0x108  }
0x21: {  	s3 =	sadd.s32 s3, s9;
	s6 =	sadd.s32 @!p0 $0x88, s6;
	s7 =	simm.s32 @p2 $0x1082  }
0x22: {  	[simem:s7], [sflag:s8] =	dma.local @!p0 [hbm:s6], $0xF7A  }
0x23: {  	s9 =	sor.u32 $0xD0000000, s2;
	s6 =	simm.s32 $0x108;
	_ =	swait.ge @!p0 [sflag:s8], $0x0  }
0x24: {  	s3 =	sadd.s32 $0x88, s3;
	s6 =	simm.s32 @!p1 $0x1082;
	[sflag:s4] =	ssyncset.s32 $0xFFFFF086  }
0x25: {  	[simem:s6], [sflag:s4] =	dma.local [hbm:s3], $0xF7A  }
0x26: {  	[smem:$0x3F82] =	sst s1;
	(tag) =	ssettag s2;
	_ =	strace s9  }
0x27: {  	s1 =	sld [smem:$0x3F92]  }
0x28: {  	s2 =	sld [smem:$0x3F93]  }
0x29: {  	s4 =	sld [smem:$0x3F95]  }
0x2a: {  	p0 =	seq.s32 s5, $0x0;
	s5 =	sld [smem:$0x3F96]  }
0x2b: {  	s6 =	sld [smem:$0x3F97]  }
0x2c: {  	s7 =	sld [smem:$0x3F98]  }
0x2d: {  	s3 =	simm.s32 $0x108;
	s8 =	sld [smem:$0x3F99]  }
0x2e: {  	s3 =	simm.s32 @!p0 $0x1082;
	s9 =	sld [smem:$0x3F9A]  }
0x2f: {  	lr =	sadd.s32 s0, s3;
	s0 =	sld [smem:$0x3F91]  }
0x30: {  	s3 =	sld [smem:$0x3F94]  }
0x31: {  	[smem:$0x3F9D] =	sst s10  }
0x32: {  	s10 =	sld [smem:$0x3F9B];
	_ =	sdelay $0x3  }
0x33: {  	p0 =	seq.s32 s10, $0x1;
	s10 =	sld [smem:$0x3F9D];
	_ =	sdelay $0x3  }
0x34: {  	[smem:$0x3F9D] =	sst s10  }
0x35: {  	s10 =	sld [smem:$0x3F9C];
	_ =	sdelay $0x3  }
0x36: {  	p1 =	seq.s32 s10, $0x1;
	s10 =	sld [smem:$0x3F9D];
	_ =	sdelay $0x3  }
0x37: {  	[smem:$0x3F9D] =	sst s10  }
0x38: {  	s10 =	sld [smem:$0x3F9E]  }
0x39: {  	_ = 	snop;
	(pc) =	sbr.ind lr, $3  }
0x3a: {  	_ = 	snop  }
0x3b: {  	_ = 	snop  }
0x3c: {  	p2 =	seq.s32 s10, $0x1;
	s10 =	sld [smem:$0x3F9D]  }
0x3d: {  	_ =	shalt  }
0x3e: {  	_ =	shalt  }
0x3f: {  	_ =	shalt  }
0x40: {  	_ =	shalt  }
0x41: {  	_ =	shalt  }
0x42: {  	_ =	shalt  }
0x43: {  	_ =	shalt  }
0x44: {  	_ =	shalt  }
0x45: {  	_ =	shalt  }
0x46: {  	_ =	shalt  }
0x47: {  	_ =	shalt  }
0x48: {  	_ =	shalt  }
0x49: {  	_ =	shalt  }
0x4a: {  	_ =	shalt  }
0x4b: {  	_ =	shalt  }
0x4c: {  	_ =	shalt  }
0x4d: {  	_ =	shalt  }
0x4e: {  	_ =	shalt  }
0x4f: {  	_ =	shalt  }
0x50: {  	_ =	shalt  }
0x51: {  	_ =	shalt  }
0x52: {  	_ =	shalt  }
0x53: {  	_ =	shalt  }
0x54: {  	_ =	shalt  }
0x55: {  	_ =	shalt  }
0x56: {  	_ =	shalt  }
0x57: {  	_ =	shalt  }
0x58: {  	_ =	shalt  }
0x59: {  	_ =	shalt  }
0x5a: {  	_ =	shalt  }
0x5b: {  	_ =	shalt  }
0x5c: {  	_ =	shalt  }
0x5d: {  	_ =	shalt  }
0x5e: {  	_ =	shalt  }
0x5f: {  	_ =	shalt  }
0x60: {  	_ =	shalt  }
0x61: {  	_ =	shalt  }
0x62: {  	_ =	shalt  }
0x63: {  	_ =	shalt  }
0x64: {  	_ =	shalt  }
0x65: {  	_ =	shalt  }
0x66: {  	_ =	shalt  }
0x67: {  	_ =	shalt  }
0x68: {  	_ =	shalt  }
0x69: {  	_ =	shalt  }
0x6a: {  	_ =	shalt  }
0x6b: {  	_ =	shalt  }
0x6c: {  	_ =	shalt  }
0x6d: {  	_ =	shalt  }
0x6e: {  	_ =	shalt  }
0x6f: {  	_ =	shalt  }
0x70: {  	_ =	shalt  }
0x71: {  	_ =	shalt  }
0x72: {  	_ =	shalt  }
0x73: {  	_ =	shalt  }
0x74: {  	_ =	shalt  }
0x75: {  	_ =	shalt  }
0x76: {  	_ =	shalt  }
0x77: {  	_ =	shalt  }
0x78: {  	_ =	shalt  }
0x79: {  	_ =	shalt  }
0x7a: {  	_ =	shalt  }
0x7b: {  	_ =	shalt  }
0x7c: {  	_ =	shalt  }
0x7d: {  	_ =	shalt  }
0x7e: {  	_ =	shalt  }
0x7f: {  	_ =	shalt  }
0x80: {  	_ =	shalt  }
0x81: {  	_ =	shalt  }
0x82: {  	_ =	shalt  }
0x83: {  	_ =	shalt  }
0x84: {  	_ =	shalt  }
0x85: {  	_ =	shalt  }
0x86: {  	_ =	shalt  }
0x87: {  	_ =	shalt  }
.Lfunc_end0:
.L_simem_size_0:
called_computation_lowered:
.L_overlay_start_0:
0x88: {  	s2 =	sld [smem:$0x3FD9]  }
0x89: {  	s3 =	sld [smem:$0x3FFE];
	_ =	sdelay $0x1  }
0x8a: {  	s1 =	srdreg.scid  }
0x8b: {  	s0 =	sand.u32 $0x1, s1  }
0x8c: {  	s17 =	sshll.u32 s0, $0xA;
	s2 =	sadd.s32 s3, s2  }
0x8d: {  	s2 =	sadd.s32 s2, s17  }
0x8e: {  	[smem:$0x3FA9] =	sst s2  }
0x8f: {  	_ = 	snop  }
0x90: {  	s2 =	sld [smem:$0x3FC9];
	(tm) =	ssettm $0x1  }
0x91: {  	s18 =	sld [smem:$0x3FFB];
	_ =	sdelay $0x3  }
0x92: {  	_ =	strace s18  }
0x93: {  	s3 =	sld [smem:$0x3FFC];
	_ =	sdelay $0x3  }
0x94: {  	_ =	strace s3  }
0x95: {  	s3 =	sld [smem:$0x3FFD];
	_ =	sdelay $0x3  }
0x96: {  	_ =	strace s3  }
0x97: {  	_ =	strace $0x8FFFFFFF  }
0x98: {  	s19 =	sld [smem:$0x3FDB];
	_ =	sdelay $0x1  }
0x99: {  	s4 =	simm.s32 $_scs_section_size  }
0x9a: {  	s5 =	simm.s32 $_size__tile_overlayer_lowered;
	s6 =	simm.s32 $_tile_overlayer_lowered  }
0x9b: {  	s22 =	simm.s32 $0x1BFF;
	s21 =	sshll.u32 s6, $0x1;
	s3 =	sadd.s32 s4, s19  }
0x9c: {  	s7 =	simm.s32 $0x0;
	s20 =	sshll.u32 s5, $0x1;
	s5 =	sadd.s32 s21, s3  }
0x9d: {  	[timem:s7], [sflag:s22] =	dma.local [hbm:s5], s20  }
0x9e: {  	_ =	swait.ge [sflag:s22], s20  }
0x9f: {  	s4 =	ssub.s32 $0x0, s20;
	[sflag:s22] =	ssyncset.done $0x0  }
0xa0: {  	[sflag:s22] =	ssyncadd.s32 s4;
	_ =	sdelay $0x1  }
0xa1: {  	s23 =	simm.s32 $0x1B8B  }
0xa2: {  	_ =	swait.ge [sflag:s23], $0x1  }
0xa3: {  	[sflag:s23] =	ssyncset.done $0x0  }
0xa4: {  	s25 =	simm.s32 $0x1B8E;
	s24 =	sld [smem:$0x3FFE];
	[sflag:s23] =	ssyncadd.s32 $0xFFFFFFFF  }
0xa5: {  	s26 =	simm.s32 $execute0_lowered;
	[smem:$0x3FD2] =	sst s25  }
0xa6: {  	s5 =	sshll.u32 s26, $0x1;
	_ =	strace $0x80000046;
	[dreg:$0x1] =	wrdreg $0xFFFFFFFF  }
0xa7: {  	s28 =	simm.s32 $_size_execute0_lowered;
	s3 =	sadd.s32 s3, s5;
	[dreg:$0x0] =	wrdreg $0x0  }
0xa8: {  	s5 =	sshll.u32 s28, $0x1;
	[dreg:$0x2] =	wrdreg s3  }
0xa9: {  	[dreg:$0x3] =	wrdreg s5  }
0xaa: {  	[dreg:$0x4] =	wrdreg $0xC0  }
0xab: {  	_ =	task [dreg:s7], $0x5FFFF  }
0xac: {  	[dreg:$0x1] =	wrdreg $0xFFFFFFFF  }
0xad: {  	[dreg:$0x0] =	wrdreg $0x60  }
0xae: {  	[dreg:$0x2] =	wrdreg s2  }
0xaf: {  	[dreg:$0x3] =	wrdreg s24  }
0xb0: {  	[dreg:$0x4] =	wrdreg $0x90000  }
0xb1: {  	[dreg:$0x5] =	wrdreg $0x9  }
0xb2: {  	_ =	task.clear_ibuf [dreg:s7], $0x6FFFF;
	_ =	strace $0x90000046  }
0xb3: {  	s29 =	simm.s32 $0x9;
	_ =	strace $0x80000048  }
0xb4: {  	_ =	swait.ge [sflag:s29], $0x1  }
0xb5: {  	[sflag:s29] =	ssyncadd.s32 $0xFFFFFFFF  }
0xb6: {  	_ =	strace $0x90000048  }
0xb7: {  	_ =	sfence  }
0xb8: {  	s30 =	sld [smem:$0x0];
	_ =	sdelay $0x2  }
0xb9: {  	s31 =	sshll.u32 s1, $0xD;
	s1 =	sshrl.u32 s1, $0x2  }
0xba: {  	s3 =	sand.u32 $0x4000, s31;
	s1 =	sadd.s32 s1, s30  }
0xbb: {  	s0 =	sor.u32 s3, s0;
	s1 =	sshll.u32 s1, $0x11  }
0xbc: {  	s0 =	sor.u32 s1, s0  }
0xbd: {  	s0 =	sadd.s32 $0x8F2B, s0  }
0xbe: {  	[sflag:s0] =	ssyncadd.remote.s32 $0x1  }
0xbf: {  	_ =	sfence.sel $0xFFFF  }
0xc0: {  	[dreg:$0x0] =	wrdreg $0xFFFFFFFF;
	(pc) =	sbr.abs _section_cstart, $3  }
0xc1: {  	[dreg:$0x1] =	wrdreg $0xFFFFFFFF  }
0xc2: {  	_ =	task.clear_ibuf [dreg:s7], $0x2FFFF;
	_ =	strace $0x9FFFFFFF  }
0xc3: {  	(tm) =	ssettm $0x7FFFFFFF  }
tec
execute0_lowered:
.L_overlay_start_1:
0x0: {  	(tag) =	ssettag $0x1  }
0x1: {  	s1 =	rddreg [dreg:$0x0]  }
0x2: {  	s6 =	rddreg [dreg:$0x1]  }
0x3: {  	s0 =	srdreg.scid;
	s3 =	rddreg [dreg:$0x2];
	s4 =	simm.s32 $0x0  }
0x4: {  	s14 =	simm.s32 $0x80;
	s15 =	simm.s32 $0x5000;
	s16 =	simm.s32 $0x5800  }
0x5: {  	s17 =	simm.s32 $0x6000;
	s18 =	simm.s32 $0x6800;
	s19 =	simm.s32 $0x7000  }
0x6: {  	s20 =	simm.s32 $0x7800;
	s21 =	simm.s32 $0x8000;
	s22 =	simm.s32 $0x8800  }
0x7: {  	s23 =	simm.s32 $0x2;
	s5 =	sand.u32 $0x1, s0;
	s0 =	stileid.u32  }
0x8: {  	s24 =	simm.s32 $0x0;
	[smem:$0x7FF] =	sst s4;
	s8 =	smul.u32 $0x140000, s5  }
0x9: {  	s2 =	sshll.u32 s5, $0x4;
	s9 =	smul.u32 $0x14000, s0;
	s31 =	ssub.s32 $0x2, s5  }
0xa: {  	s10 =	smul.u32 $0x50000, s0;
	s5 =	sadd.s32 $0x19E00, s6;
	s12 =	sshll.u32 s0, $0x6  }
0xb: {  	s2 =	sor.u32 s0, s2;
	s11 =	sshrl.u32 s31, $0x1;
	s12 =	sor.u32 $0x1C01, s12  }
0xc: {  	s7 =	smul.u32 $0x500, s2;
	s2 =	rddreg [dreg:$0x3];
	_ =	strace $0x80000047  }
.Ltmp0:
0xd: {  	s8 =	sadd.s32 s9, s8;
	s9 =	ssub.s32 s31, s11;
	(pc) =	sbr.rel .LBB2_1-.Ltmp0, $4  }
0xe: {  	v7 =	vlaneseq.u32;
	s10 =	sshrl.u32 s10, $0x2;
	s11 =	simm.s32 $0x2800;
	s8 =	sshrl.u32 s8, $0x3  }
0xf: {  	vm0 =	vmmov $0xffff;
	v0 =	vor.u32 $0x2780, v7;
	v1 =	vor.u32 $0x2790, v7;
	s13 =	sadd.s32 s10, s3;
	s9 =	smax.u32 s9, $0x1;
	s10 =	simm.s32 $0x1  }
0x10: {  	v2 =	vor.u32 $0x27A0, v7;
	v3 =	vor.u32 $0x27B0, v7;
	v4 =	vor.u32 $0x27C0, v7;
	s7 =	sadd.s32 s7, s6;
	s8 =	sadd.s32 s8, s6;
	s13 =	sshrl.u32 s13, $0x3  }
0x11: {  	v5 =	vor.u32 $0x27D0, v7;
	v6 =	vor.u32 $0x27E0, v7;
	v7 =	vor.u32 $0x27F0, v7;
	s6 =	sadd.s32 $0x5E00, s7;
	s7 =	sadd.s32 $0xFE00, s7;
	s8 =	sadd.s32 $0x1C600, s8  }
.LBB2_43:
0x12: {  	s24 =	sadd.s32 $0x1, s24  }
0x13: {  	p0 =	sne.s32 s24, s9  }
.Ltmp1:
0x14: {  	[bflag:$0x0] =	sbarrier.arrive $0xFFFF;
	(pc) =	sbr.rel @!p0 .LBB2_44-.Ltmp1, $4  }
0x15: {  	[hbm:s8], [sflag:s12] =	dma.local [spmem:s13], $0x2800  }
0x16: {  	_ =	swait.ge [sflag:s10], $0x2800  }
0x17: {  	[sflag:s10] =	ssyncset.done $0x0  }
0x18: {  	[sflag:s10] =	ssyncadd.s32 $0xFFFFD800  }
.LBB2_1:
0x19: {  	[tilespmem:s4], [sflag:$0x1] =	stream.linear.gather [hbm4b:s6+s4], $0x2800, $0x38;
	[tilespmem:$0x1D000] =	vst v63  }
0x1a: {  	_ =	swait.ge [sflag:s10], $0x2800  }
0x1b: {  	[sflag:s10] =	ssyncset.done $0x0  }
0x1c: {  	[sflag:s10] =	ssyncadd.s32 $0xFFFFD800  }
0x1d: {  	[tilespmem:s11], [sflag:$0x1] =	stream.linear.gather [hbm4b:s7+s4], $0x2800, $0x38;
	[tilespmem:$0x1D000] =	vst v63  }
0x1e: {  	_ =	swait.ge [sflag:s10], $0x2800  }
0x1f: {  	[sflag:s10] =	ssyncset.done $0x0  }
0x20: {  	[sflag:s10] =	ssyncadd.s32 $0xFFFFD800  }
0x21: {  	[spmem:s13], [sflag:s12] =	dma.local [hbm:s5], $0x2800  }
.Ltmp2:
0x22: {  	_ =	swait.ge [sflag:s10], $0x2800;
	(pc) =	sbr.rel .LBB2_2-.Ltmp2, $4  }
0x23: {  	[sflag:s10] =	ssyncset.done $0x0  }
0x24: {  	[sflag:s10] =	ssyncadd.s32 $0xFFFFD800  }
0x25: {  	[bflag:$0x0] =	sbarrier.arrive $0xFFFF  }
0x26: {  	s25 =	simm.s32 $0x0  }
.LBB2_41:
0x27: {  	_ =	sdelay $0x2  }
0x28: {  	[sflag:s23] =	ssyncadd.s32 @p0 $0xFFFFF800  }
0x29: {  	[spmem:s3] =	stream.indirect_vreg.scatter.add.f32 [tilespmem:s22], [sflag:$0x2], $0x80, v10, vm0, $0xb8;
	[tilespmem:$0x1D000] =	vst v63  }
0x2a: {  	_ =	swait.ge [sflag:s23], $0x800  }
0x2b: {  	[sflag:s23] =	ssyncset.done $0x0  }
0x2c: {  	[sflag:s23] =	ssyncadd.s32 $0xFFFFF800  }
.LBB2_42:
0x2d: {  	s25 =	sadd.s32 $0x1, s25  }
0x2e: {  	p0 =	sne.s32 s25, $0x50  }
.Ltmp3:
0x2f: {  	_ = 	snop;
	(pc) =	sbr.rel @!p0 .LBB2_43-.Ltmp3, $1  }
0x30: {  	_ =	sdelay $0x3  }
.LBB2_2:
0x31: {  	s26 =	sshll.u32 s25, $0x7  }
0x32: {  	[tilespmem:s15], [sflag:$0x1] =	stream.indirect.gather [hbm4b:s1+s14], $0x80, s26, s14, $0xb8;
	[tilespmem:$0x1D000] =	vst v63  }
0x33: {  	_ =	swait.ge [sflag:s10], $0x4000  }
0x34: {  	[sflag:s10] =	ssyncset.done $0x0  }
0x35: {  	[sflag:s10] =	ssyncadd.s32 $0xFFFFC000  }
0x36: {  	v8 =	vld [tilespmem:s26+$0x2800];
	_ =	sdelay $0x4  }
0x37: {  	v9 =	vand.u32 $0x3C000, v8  }
0x38: {  	v8 =	vand.u32 $0x3FFF, v8;
	vm1 =	veq.s32 v9, $0x0  }
0x39: {  	v8 =	vsel vm1, v8, v0;
	_ =	sdelay $0x4  }
0x3a: {  	[spmem:s3] =	stream.indirect_vreg.scatter.add.f32 [tilespmem:s15], [sflag:$0x2], $0x80, v8, vm0, $0xb8;
	[tilespmem:$0x1D000] =	vst v63  }
0x3b: {  	v8 =	vld [tilespmem:s26+$0x2810];
	_ =	sdelay $0x4  }
0x3c: {  	v9 =	vand.u32 $0x3C000, v8  }
0x3d: {  	v8 =	vand.u32 $0x3FFF, v8;
	vm1 =	veq.s32 v9, $0x0  }
0x3e: {  	v8 =	vsel vm1, v8, v1;
	_ =	sdelay $0x4  }
0x3f: {  	[spmem:s3] =	stream.indirect_vreg.scatter.add.f32 [tilespmem:s16], [sflag:$0x2], $0x80, v8, vm0, $0xb8;
	[tilespmem:$0x1D000] =	vst v63  }
0x40: {  	v8 =	vld [tilespmem:s26+$0x2820];
	_ =	sdelay $0x4  }
0x41: {  	v9 =	vand.u32 $0x3C000, v8  }
0x42: {  	v8 =	vand.u32 $0x3FFF, v8;
	vm1 =	veq.s32 v9, $0x0  }
0x43: {  	v8 =	vsel vm1, v8, v2;
	_ =	sdelay $0x4  }
0x44: {  	[spmem:s3] =	stream.indirect_vreg.scatter.add.f32 [tilespmem:s17], [sflag:$0x2], $0x80, v8, vm0, $0xb8;
	[tilespmem:$0x1D000] =	vst v63  }
0x45: {  	v8 =	vld [tilespmem:s26+$0x2830];
	_ =	sdelay $0x4  }
0x46: {  	v9 =	vand.u32 $0x3C000, v8  }
0x47: {  	v8 =	vand.u32 $0x3FFF, v8;
	vm1 =	veq.s32 v9, $0x0  }
0x48: {  	v8 =	vsel vm1, v8, v3;
	_ =	sdelay $0x4  }
0x49: {  	[spmem:s3] =	stream.indirect_vreg.scatter.add.f32 [tilespmem:s18], [sflag:$0x2], $0x80, v8, vm0, $0xb8;
	[tilespmem:$0x1D000] =	vst v63  }
0x4a: {  	v8 =	vld [tilespmem:s26+$0x2840];
	_ =	sdelay $0x4  }
0x4b: {  	v9 =	vand.u32 $0x3C000, v8  }
0x4c: {  	v8 =	vand.u32 $0x3FFF, v8;
	vm1 =	veq.s32 v9, $0x0  }
0x4d: {  	v8 =	vsel vm1, v8, v4;
	_ =	sdelay $0x4  }
0x4e: {  	[spmem:s3] =	stream.indirect_vreg.scatter.add.f32 [tilespmem:s19], [sflag:$0x2], $0x80, v8, vm0, $0xb8;
	[tilespmem:$0x1D000] =	vst v63  }
0x4f: {  	v8 =	vld [tilespmem:s26+$0x2850];
	_ =	sdelay $0x4  }
0x50: {  	v9 =	vand.u32 $0x3C000, v8  }
0x51: {  	v8 =	vand.u32 $0x3FFF, v8;
	vm1 =	veq.s32 v9, $0x0  }
0x52: {  	v8 =	vsel vm1, v8, v5;
	_ =	sdelay $0x4  }
0x53: {  	[spmem:s3] =	stream.indirect_vreg.scatter.add.f32 [tilespmem:s20], [sflag:$0x2], $0x80, v8, vm0, $0xb8;
	[tilespmem:$0x1D000] =	vst v63  }
0x54: {  	v8 =	vld [tilespmem:s26+$0x2860];
	_ =	sdelay $0x4  }
0x55: {  	v9 =	vand.u32 $0x3C000, v8  }
0x56: {  	v8 =	vand.u32 $0x3FFF, v8;
	vm1 =	veq.s32 v9, $0x0  }
0x57: {  	v8 =	vsel vm1, v8, v6;
	_ =	sdelay $0x4  }
0x58: {  	[spmem:s3] =	stream.indirect_vreg.scatter.add.f32 [tilespmem:s21], [sflag:$0x2], $0x80, v8, vm0, $0xb8;
	[tilespmem:$0x1D000] =	vst v63  }
0x59: {  	v8 =	vld [tilespmem:s26+$0x2870];
	_ =	sdelay $0x4  }
0x5a: {  	v9 =	vand.u32 $0x3C000, v8  }
0x5b: {  	v8 =	vand.u32 $0x3FFF, v8;
	vm1 =	veq.s32 v9, $0x0  }
0x5c: {  	v8 =	vsel vm1, v8, v7;
	_ =	sdelay $0x4  }
0x5d: {  	[spmem:s3] =	stream.indirect_vreg.scatter.add.f32 [tilespmem:s22], [sflag:$0x2], $0x80, v8, vm0, $0xb8;
	[tilespmem:$0x1D000] =	vst v63  }
0x5e: {  	_ =	swait.ge [sflag:s23], $0x800  }
0x5f: {  	[sflag:s23] =	ssyncset.done $0x0  }
0x60: {  	[sflag:s23] =	ssyncadd.s32 $0xFFFFF800  }
0x61: {  	_ =	swait.ge [sflag:s23], $0x800  }
0x62: {  	[sflag:s23] =	ssyncset.done $0x0  }
0x63: {  	[sflag:s23] =	ssyncadd.s32 $0xFFFFF800  }
0x64: {  	_ =	swait.ge [sflag:s23], $0x800  }
0x65: {  	[sflag:s23] =	ssyncset.done $0x0  }
0x66: {  	[sflag:s23] =	ssyncadd.s32 $0xFFFFF800  }
0x67: {  	_ =	swait.ge [sflag:s23], $0x800  }
0x68: {  	[sflag:s23] =	ssyncset.done $0x0  }
0x69: {  	[sflag:s23] =	ssyncadd.s32 $0xFFFFF800  }
0x6a: {  	_ =	swait.ge [sflag:s23], $0x800  }
0x6b: {  	[sflag:s23] =	ssyncset.done $0x0  }
0x6c: {  	[sflag:s23] =	ssyncadd.s32 $0xFFFFF800  }
0x6d: {  	_ =	swait.ge [sflag:s23], $0x800  }
0x6e: {  	[sflag:s23] =	ssyncset.done $0x0  }
0x6f: {  	[sflag:s23] =	ssyncadd.s32 $0xFFFFF800  }
0x70: {  	_ =	swait.ge [sflag:s23], $0x800  }
0x71: {  	[sflag:s23] =	ssyncset.done $0x0  }
0x72: {  	[sflag:s23] =	ssyncadd.s32 $0xFFFFF800  }
0x73: {  	_ =	swait.ge [sflag:s23], $0x800  }
0x74: {  	[sflag:s23] =	ssyncset.done $0x0  }
0x75: {  	[sflag:s23] =	ssyncadd.s32 $0xFFFFF800  }
0x76: {  	v9 =	vld [tilespmem:s26+$0x2800];
	_ =	sdelay $0x4  }
0x77: {  	(v2sf) =	vpush v9, $0x0;
	_ =	sdelay $0xe  }
0x78: {  	s28 =	spop (v2sf)  }
0x79: {  	s28 =	sshrl.u32 s28, $0x12  }
0x7a: {  	s28 =	sand.u32 $0xF, s28  }
0x7b: {  	p0 =	seq.s32 s28, $0x0  }
.Ltmp4:
0x7c: {  	_ = 	snop;
	(pc) =	sbr.rel @p0 .LBB2_7-.Ltmp4, $1  }
0x7d: {  	_ =	sdelay $0x3  }
0x7e: {  	p1 =	sne.s32 s28, $0x1  }
.Ltmp5:
0x7f: {  	_ = 	snop;
	(pc) =	sbr.rel @!p1 .LBB2_6-.Ltmp5, $4  }
0x80: {  	v8 =	vshrl.u32 v9, $0xE  }
0x81: {  	s29 =	simm.s32 $0x1;
	v8 =	vand.u32 $0xF, v8  }
0x82: {  	v9 =	vand.u32 $0x3FFF, v9;
	vm1 =	veq.s32 v8, s29  }
0x83: {  	p0 =	por $0x0, $0x0;
	v10 =	vsel vm1, v9, v0  }
0x84: {  	_ =	sdelay $0x1  }
0x85: {  	s29 =	simm.s32 $0x2;
	p1 =	sne.s32 s28, $0x2  }
.Ltmp6:
0x86: {  	vm1 =	veq.s32 v8, s29;
	(pc) =	sbr.rel @!p1 .LBB2_6-.Ltmp6, $4  }
0x87: {  	[spmem:s3] =	stream.indirect_vreg.scatter.add.f32 [tilespmem:s15], [sflag:$0x2], $0x80, v10, vm0, $0xb8;
	v10 =	vsel vm1, v9, v0;
	[tilespmem:$0x1D000] =	vst v63  }
0x88: {  	_ = 	snop  }
0x89: {  	_ =	swait.ge [sflag:s23], $0x800  }
0x8a: {  	p0 =	por $0x1, $0x1;
	[sflag:s23] =	ssyncset.done $0x0  }
.LBB2_5:
0x8b: {  	s29 =	sadd.s32 $0x1, s29;
	[sflag:s23] =	ssyncadd.s32 $0xFFFFF800  }
0x8c: {  	[spmem:s3] =	stream.indirect_vreg.scatter.add.f32 [tilespmem:s15], [sflag:$0x2], $0x80, v10, vm0, $0xb8;
	[tilespmem:$0x1D000] =	vst v63  }
0x8d: {  	p1 =	sne.s32 s28, s29  }
.Ltmp7:
0x8e: {  	vm1 =	veq.s32 v8, s29;
	(pc) =	sbr.rel @p1 .LBB2_5-.Ltmp7, $3  }
0x8f: {  	v10 =	vsel vm1, v9, v0;
	_ =	sdelay $0x1  }
0x90: {  	_ =	swait.ge [sflag:s23], $0x800  }
0x91: {  	[sflag:s23] =	ssyncset.done $0x0  }
.LBB2_6:
0x92: {  	_ =	sdelay $0x2  }
0x93: {  	[sflag:s23] =	ssyncadd.s32 @p0 $0xFFFFF800  }
0x94: {  	[spmem:s3] =	stream.indirect_vreg.scatter.add.f32 [tilespmem:s15], [sflag:$0x2], $0x80, v10, vm0, $0xb8;
	[tilespmem:$0x1D000] =	vst v63  }
0x95: {  	_ =	swait.ge [sflag:s23], $0x800  }
0x96: {  	[sflag:s23] =	ssyncset.done $0x0  }
0x97: {  	[sflag:s23] =	ssyncadd.s32 $0xFFFFF800  }
.LBB2_7:
0x98: {  	v9 =	vld [tilespmem:s26+$0x2810];
	_ =	sdelay $0x4  }
0x99: {  	(v2sf) =	vpush v9, $0x0;
	_ =	sdelay $0xe  }
0x9a: {  	s28 =	spop (v2sf)  }
0x9b: {  	s28 =	sshrl.u32 s28, $0x12  }
0x9c: {  	s28 =	sand.u32 $0xF, s28  }
0x9d: {  	p0 =	seq.s32 s28, $0x0  }
.Ltmp8:
0x9e: {  	_ = 	snop;
	(pc) =	sbr.rel @p0 .LBB2_12-.Ltmp8, $1  }
0x9f: {  	_ =	sdelay $0x3  }
0xa0: {  	p1 =	sne.s32 s28, $0x1  }
.Ltmp9:
0xa1: {  	_ = 	snop;
	(pc) =	sbr.rel @!p1 .LBB2_11-.Ltmp9, $4  }
0xa2: {  	v8 =	vshrl.u32 v9, $0xE  }
0xa3: {  	s29 =	simm.s32 $0x1;
	v8 =	vand.u32 $0xF, v8  }
0xa4: {  	v9 =	vand.u32 $0x3FFF, v9;
	vm1 =	veq.s32 v8, s29  }
0xa5: {  	p0 =	por $0x0, $0x0;
	v10 =	vsel vm1, v9, v1  }
0xa6: {  	_ =	sdelay $0x1  }
0xa7: {  	s29 =	simm.s32 $0x2;
	p1 =	sne.s32 s28, $0x2  }
.Ltmp10:
0xa8: {  	vm1 =	veq.s32 v8, s29;
	(pc) =	sbr.rel @!p1 .LBB2_11-.Ltmp10, $4  }
0xa9: {  	[spmem:s3] =	stream.indirect_vreg.scatter.add.f32 [tilespmem:s16], [sflag:$0x2], $0x80, v10, vm0, $0xb8;
	v10 =	vsel vm1, v9, v1;
	[tilespmem:$0x1D000] =	vst v63  }
0xaa: {  	_ = 	snop  }
0xab: {  	_ =	swait.ge [sflag:s23], $0x800  }
0xac: {  	p0 =	por $0x1, $0x1;
	[sflag:s23] =	ssyncset.done $0x0  }
.LBB2_10:
0xad: {  	s29 =	sadd.s32 $0x1, s29;
	[sflag:s23] =	ssyncadd.s32 $0xFFFFF800  }
0xae: {  	[spmem:s3] =	stream.indirect_vreg.scatter.add.f32 [tilespmem:s16], [sflag:$0x2], $0x80, v10, vm0, $0xb8;
	[tilespmem:$0x1D000] =	vst v63  }
0xaf: {  	p1 =	sne.s32 s28, s29  }
.Ltmp11:
0xb0: {  	vm1 =	veq.s32 v8, s29;
	(pc) =	sbr.rel @p1 .LBB2_10-.Ltmp11, $3  }
0xb1: {  	v10 =	vsel vm1, v9, v1;
	_ =	sdelay $0x1  }
0xb2: {  	_ =	swait.ge [sflag:s23], $0x800  }
0xb3: {  	[sflag:s23] =	ssyncset.done $0x0  }
.LBB2_11:
0xb4: {  	_ =	sdelay $0x2  }
0xb5: {  	[sflag:s23] =	ssyncadd.s32 @p0 $0xFFFFF800  }
0xb6: {  	[spmem:s3] =	stream.indirect_vreg.scatter.add.f32 [tilespmem:s16], [sflag:$0x2], $0x80, v10, vm0, $0xb8;
	[tilespmem:$0x1D000] =	vst v63  }
0xb7: {  	_ =	swait.ge [sflag:s23], $0x800  }
0xb8: {  	[sflag:s23] =	ssyncset.done $0x0  }
0xb9: {  	[sflag:s23] =	ssyncadd.s32 $0xFFFFF800  }
.LBB2_12:
0xba: {  	v9 =	vld [tilespmem:s26+$0x2820];
	_ =	sdelay $0x4  }
0xbb: {  	(v2sf) =	vpush v9, $0x0;
	_ =	sdelay $0xe  }
0xbc: {  	s28 =	spop (v2sf)  }
0xbd: {  	s28 =	sshrl.u32 s28, $0x12  }
0xbe: {  	s28 =	sand.u32 $0xF, s28  }
0xbf: {  	p0 =	seq.s32 s28, $0x0  }
.Ltmp12:
0xc0: {  	_ = 	snop;
	(pc) =	sbr.rel @p0 .LBB2_17-.Ltmp12, $1  }
0xc1: {  	_ =	sdelay $0x3  }
0xc2: {  	p1 =	sne.s32 s28, $0x1  }
.Ltmp13:
0xc3: {  	_ = 	snop;
	(pc) =	sbr.rel @!p1 .LBB2_16-.Ltmp13, $4  }
0xc4: {  	v8 =	vshrl.u32 v9, $0xE  }
0xc5: {  	s29 =	simm.s32 $0x1;
	v8 =	vand.u32 $0xF, v8  }
0xc6: {  	v9 =	vand.u32 $0x3FFF, v9;
	vm1 =	veq.s32 v8, s29  }
0xc7: {  	p0 =	por $0x0, $0x0;
	v10 =	vsel vm1, v9, v2  }
0xc8: {  	_ =	sdelay $0x1  }
0xc9: {  	s29 =	simm.s32 $0x2;
	p1 =	sne.s32 s28, $0x2  }
.Ltmp14:
0xca: {  	vm1 =	veq.s32 v8, s29;
	(pc) =	sbr.rel @!p1 .LBB2_16-.Ltmp14, $4  }
0xcb: {  	[spmem:s3] =	stream.indirect_vreg.scatter.add.f32 [tilespmem:s17], [sflag:$0x2], $0x80, v10, vm0, $0xb8;
	v10 =	vsel vm1, v9, v2;
	[tilespmem:$0x1D000] =	vst v63  }
0xcc: {  	_ = 	snop  }
0xcd: {  	_ =	swait.ge [sflag:s23], $0x800  }
0xce: {  	p0 =	por $0x1, $0x1;
	[sflag:s23] =	ssyncset.done $0x0  }
.LBB2_15:
0xcf: {  	s29 =	sadd.s32 $0x1, s29;
	[sflag:s23] =	ssyncadd.s32 $0xFFFFF800  }
0xd0: {  	[spmem:s3] =	stream.indirect_vreg.scatter.add.f32 [tilespmem:s17], [sflag:$0x2], $0x80, v10, vm0, $0xb8;
	[tilespmem:$0x1D000] =	vst v63  }
0xd1: {  	p1 =	sne.s32 s28, s29  }
.Ltmp15:
0xd2: {  	vm1 =	veq.s32 v8, s29;
	(pc) =	sbr.rel @p1 .LBB2_15-.Ltmp15, $3  }
0xd3: {  	v10 =	vsel vm1, v9, v2;
	_ =	sdelay $0x1  }
0xd4: {  	_ =	swait.ge [sflag:s23], $0x800  }
0xd5: {  	[sflag:s23] =	ssyncset.done $0x0  }
.LBB2_16:
0xd6: {  	_ =	sdelay $0x2  }
0xd7: {  	[sflag:s23] =	ssyncadd.s32 @p0 $0xFFFFF800  }
0xd8: {  	[spmem:s3] =	stream.indirect_vreg.scatter.add.f32 [tilespmem:s17], [sflag:$0x2], $0x80, v10, vm0, $0xb8;
	[tilespmem:$0x1D000] =	vst v63  }
0xd9: {  	_ =	swait.ge [sflag:s23], $0x800  }
0xda: {  	[sflag:s23] =	ssyncset.done $0x0  }
0xdb: {  	[sflag:s23] =	ssyncadd.s32 $0xFFFFF800  }
.LBB2_17:
0xdc: {  	v9 =	vld [tilespmem:s26+$0x2830];
	_ =	sdelay $0x4  }
0xdd: {  	(v2sf) =	vpush v9, $0x0;
	_ =	sdelay $0xe  }
0xde: {  	s28 =	spop (v2sf)  }
0xdf: {  	s28 =	sshrl.u32 s28, $0x12  }
0xe0: {  	s28 =	sand.u32 $0xF, s28  }
0xe1: {  	p0 =	seq.s32 s28, $0x0  }
.Ltmp16:
0xe2: {  	_ = 	snop;
	(pc) =	sbr.rel @p0 .LBB2_22-.Ltmp16, $1  }
0xe3: {  	_ =	sdelay $0x3  }
0xe4: {  	p1 =	sne.s32 s28, $0x1  }
.Ltmp17:
0xe5: {  	_ = 	snop;
	(pc) =	sbr.rel @!p1 .LBB2_21-.Ltmp17, $4  }
0xe6: {  	v8 =	vshrl.u32 v9, $0xE  }
0xe7: {  	s29 =	simm.s32 $0x1;
	v8 =	vand.u32 $0xF, v8  }
0xe8: {  	v9 =	vand.u32 $0x3FFF, v9;
	vm1 =	veq.s32 v8, s29  }
0xe9: {  	p0 =	por $0x0, $0x0;
	v10 =	vsel vm1, v9, v3  }
0xea: {  	_ =	sdelay $0x1  }
0xeb: {  	s29 =	simm.s32 $0x2;
	p1 =	sne.s32 s28, $0x2  }
.Ltmp18:
0xec: {  	vm1 =	veq.s32 v8, s29;
	(pc) =	sbr.rel @!p1 .LBB2_21-.Ltmp18, $4  }
0xed: {  	[spmem:s3] =	stream.indirect_vreg.scatter.add.f32 [tilespmem:s18], [sflag:$0x2], $0x80, v10, vm0, $0xb8;
	v10 =	vsel vm1, v9, v3;
	[tilespmem:$0x1D000] =	vst v63  }
0xee: {  	_ = 	snop  }
0xef: {  	_ =	swait.ge [sflag:s23], $0x800  }
0xf0: {  	p0 =	por $0x1, $0x1;
	[sflag:s23] =	ssyncset.done $0x0  }
.LBB2_20:
0xf1: {  	s29 =	sadd.s32 $0x1, s29;
	[sflag:s23] =	ssyncadd.s32 $0xFFFFF800  }
0xf2: {  	[spmem:s3] =	stream.indirect_vreg.scatter.add.f32 [tilespmem:s18], [sflag:$0x2], $0x80, v10, vm0, $0xb8;
	[tilespmem:$0x1D000] =	vst v63  }
0xf3: {  	p1 =	sne.s32 s28, s29  }
.Ltmp19:
0xf4: {  	vm1 =	veq.s32 v8, s29;
	(pc) =	sbr.rel @p1 .LBB2_20-.Ltmp19, $3  }
0xf5: {  	v10 =	vsel vm1, v9, v3;
	_ =	sdelay $0x1  }
0xf6: {  	_ =	swait.ge [sflag:s23], $0x800  }
0xf7: {  	[sflag:s23] =	ssyncset.done $0x0  }
.LBB2_21:
0xf8: {  	_ =	sdelay $0x2  }
0xf9: {  	[sflag:s23] =	ssyncadd.s32 @p0 $0xFFFFF800  }
0xfa: {  	[spmem:s3] =	stream.indirect_vreg.scatter.add.f32 [tilespmem:s18], [sflag:$0x2], $0x80, v10, vm0, $0xb8;
	[tilespmem:$0x1D000] =	vst v63  }
0xfb: {  	_ =	swait.ge [sflag:s23], $0x800  }
0xfc: {  	[sflag:s23] =	ssyncset.done $0x0  }
0xfd: {  	[sflag:s23] =	ssyncadd.s32 $0xFFFFF800  }
.LBB2_22:
0xfe: {  	v9 =	vld [tilespmem:s26+$0x2840];
	_ =	sdelay $0x4  }
0xff: {  	(v2sf) =	vpush v9, $0x0;
	_ =	sdelay $0xe  }
0x100: {  	s28 =	spop (v2sf)  }
0x101: {  	s28 =	sshrl.u32 s28, $0x12  }
0x102: {  	s28 =	sand.u32 $0xF, s28  }
0x103: {  	p0 =	seq.s32 s28, $0x0  }
.Ltmp20:
0x104: {  	_ = 	snop;
	(pc) =	sbr.rel @p0 .LBB2_27-.Ltmp20, $1  }
0x105: {  	_ =	sdelay $0x3  }
0x106: {  	p1 =	sne.s32 s28, $0x1  }
.Ltmp21:
0x107: {  	_ = 	snop;
	(pc) =	sbr.rel @!p1 .LBB2_26-.Ltmp21, $4  }
0x108: {  	v8 =	vshrl.u32 v9, $0xE  }
0x109: {  	s29 =	simm.s32 $0x1;
	v8 =	vand.u32 $0xF, v8  }
0x10a: {  	v9 =	vand.u32 $0x3FFF, v9;
	vm1 =	veq.s32 v8, s29  }
0x10b: {  	p0 =	por $0x0, $0x0;
	v10 =	vsel vm1, v9, v4  }
0x10c: {  	_ =	sdelay $0x1  }
0x10d: {  	s29 =	simm.s32 $0x2;
	p1 =	sne.s32 s28, $0x2  }
.Ltmp22:
0x10e: {  	vm1 =	veq.s32 v8, s29;
	(pc) =	sbr.rel @!p1 .LBB2_26-.Ltmp22, $4  }
0x10f: {  	[spmem:s3] =	stream.indirect_vreg.scatter.add.f32 [tilespmem:s19], [sflag:$0x2], $0x80, v10, vm0, $0xb8;
	v10 =	vsel vm1, v9, v4;
	[tilespmem:$0x1D000] =	vst v63  }
0x110: {  	_ = 	snop  }
0x111: {  	_ =	swait.ge [sflag:s23], $0x800  }
0x112: {  	p0 =	por $0x1, $0x1;
	[sflag:s23] =	ssyncset.done $0x0  }
.LBB2_25:
0x113: {  	s29 =	sadd.s32 $0x1, s29;
	[sflag:s23] =	ssyncadd.s32 $0xFFFFF800  }
0x114: {  	[spmem:s3] =	stream.indirect_vreg.scatter.add.f32 [tilespmem:s19], [sflag:$0x2], $0x80, v10, vm0, $0xb8;
	[tilespmem:$0x1D000] =	vst v63  }
0x115: {  	p1 =	sne.s32 s28, s29  }
.Ltmp23:
0x116: {  	vm1 =	veq.s32 v8, s29;
	(pc) =	sbr.rel @p1 .LBB2_25-.Ltmp23, $3  }
0x117: {  	v10 =	vsel vm1, v9, v4;
	_ =	sdelay $0x1  }
0x118: {  	_ =	swait.ge [sflag:s23], $0x800  }
0x119: {  	[sflag:s23] =	ssyncset.done $0x0  }
.LBB2_26:
0x11a: {  	_ =	sdelay $0x2  }
0x11b: {  	[sflag:s23] =	ssyncadd.s32 @p0 $0xFFFFF800  }
0x11c: {  	[spmem:s3] =	stream.indirect_vreg.scatter.add.f32 [tilespmem:s19], [sflag:$0x2], $0x80, v10, vm0, $0xb8;
	[tilespmem:$0x1D000] =	vst v63  }
0x11d: {  	_ =	swait.ge [sflag:s23], $0x800  }
0x11e: {  	[sflag:s23] =	ssyncset.done $0x0  }
0x11f: {  	[sflag:s23] =	ssyncadd.s32 $0xFFFFF800  }
.LBB2_27:
0x120: {  	v9 =	vld [tilespmem:s26+$0x2850];
	_ =	sdelay $0x4  }
0x121: {  	(v2sf) =	vpush v9, $0x0;
	_ =	sdelay $0xe  }
0x122: {  	s28 =	spop (v2sf)  }
0x123: {  	s28 =	sshrl.u32 s28, $0x12  }
0x124: {  	s28 =	sand.u32 $0xF, s28  }
0x125: {  	p0 =	seq.s32 s28, $0x0  }
.Ltmp24:
0x126: {  	_ = 	snop;
	(pc) =	sbr.rel @p0 .LBB2_32-.Ltmp24, $1  }
0x127: {  	_ =	sdelay $0x3  }
0x128: {  	p1 =	sne.s32 s28, $0x1  }
.Ltmp25:
0x129: {  	_ = 	snop;
	(pc) =	sbr.rel @!p1 .LBB2_31-.Ltmp25, $4  }
0x12a: {  	v8 =	vshrl.u32 v9, $0xE  }
0x12b: {  	s29 =	simm.s32 $0x1;
	v8 =	vand.u32 $0xF, v8  }
0x12c: {  	v9 =	vand.u32 $0x3FFF, v9;
	vm1 =	veq.s32 v8, s29  }
0x12d: {  	p0 =	por $0x0, $0x0;
	v10 =	vsel vm1, v9, v5  }
0x12e: {  	_ =	sdelay $0x1  }
0x12f: {  	s29 =	simm.s32 $0x2;
	p1 =	sne.s32 s28, $0x2  }
.Ltmp26:
0x130: {  	vm1 =	veq.s32 v8, s29;
	(pc) =	sbr.rel @!p1 .LBB2_31-.Ltmp26, $4  }
0x131: {  	[spmem:s3] =	stream.indirect_vreg.scatter.add.f32 [tilespmem:s20], [sflag:$0x2], $0x80, v10, vm0, $0xb8;
	v10 =	vsel vm1, v9, v5;
	[tilespmem:$0x1D000] =	vst v63  }
0x132: {  	_ = 	snop  }
0x133: {  	_ =	swait.ge [sflag:s23], $0x800  }
0x134: {  	p0 =	por $0x1, $0x1;
	[sflag:s23] =	ssyncset.done $0x0  }
.LBB2_30:
0x135: {  	s29 =	sadd.s32 $0x1, s29;
	[sflag:s23] =	ssyncadd.s32 $0xFFFFF800  }
0x136: {  	[spmem:s3] =	stream.indirect_vreg.scatter.add.f32 [tilespmem:s20], [sflag:$0x2], $0x80, v10, vm0, $0xb8;
	[tilespmem:$0x1D000] =	vst v63  }
0x137: {  	p1 =	sne.s32 s28, s29  }
.Ltmp27:
0x138: {  	vm1 =	veq.s32 v8, s29;
	(pc) =	sbr.rel @p1 .LBB2_30-.Ltmp27, $3  }
0x139: {  	v10 =	vsel vm1, v9, v5;
	_ =	sdelay $0x1  }
0x13a: {  	_ =	swait.ge [sflag:s23], $0x800  }
0x13b: {  	[sflag:s23] =	ssyncset.done $0x0  }
.LBB2_31:
0x13c: {  	_ =	sdelay $0x2  }
0x13d: {  	[sflag:s23] =	ssyncadd.s32 @p0 $0xFFFFF800  }
0x13e: {  	[spmem:s3] =	stream.indirect_vreg.scatter.add.f32 [tilespmem:s20], [sflag:$0x2], $0x80, v10, vm0, $0xb8;
	[tilespmem:$0x1D000] =	vst v63  }
0x13f: {  	_ =	swait.ge [sflag:s23], $0x800  }
0x140: {  	[sflag:s23] =	ssyncset.done $0x0  }
0x141: {  	[sflag:s23] =	ssyncadd.s32 $0xFFFFF800  }
.LBB2_32:
0x142: {  	v9 =	vld [tilespmem:s26+$0x2860];
	_ =	sdelay $0x4  }
0x143: {  	(v2sf) =	vpush v9, $0x0;
	_ =	sdelay $0xe  }
0x144: {  	s28 =	spop (v2sf)  }
0x145: {  	s28 =	sshrl.u32 s28, $0x12  }
0x146: {  	s28 =	sand.u32 $0xF, s28  }
0x147: {  	p0 =	seq.s32 s28, $0x0  }
.Ltmp28:
0x148: {  	_ = 	snop;
	(pc) =	sbr.rel @p0 .LBB2_37-.Ltmp28, $1  }
0x149: {  	_ =	sdelay $0x3  }
0x14a: {  	p1 =	sne.s32 s28, $0x1  }
.Ltmp29:
0x14b: {  	_ = 	snop;
	(pc) =	sbr.rel @!p1 .LBB2_36-.Ltmp29, $4  }
0x14c: {  	v8 =	vshrl.u32 v9, $0xE  }
0x14d: {  	s29 =	simm.s32 $0x1;
	v8 =	vand.u32 $0xF, v8  }
0x14e: {  	v9 =	vand.u32 $0x3FFF, v9;
	vm1 =	veq.s32 v8, s29  }
0x14f: {  	p0 =	por $0x0, $0x0;
	v10 =	vsel vm1, v9, v6  }
0x150: {  	_ =	sdelay $0x1  }
0x151: {  	s29 =	simm.s32 $0x2;
	p1 =	sne.s32 s28, $0x2  }
.Ltmp30:
0x152: {  	vm1 =	veq.s32 v8, s29;
	(pc) =	sbr.rel @!p1 .LBB2_36-.Ltmp30, $4  }
0x153: {  	[spmem:s3] =	stream.indirect_vreg.scatter.add.f32 [tilespmem:s21], [sflag:$0x2], $0x80, v10, vm0, $0xb8;
	v10 =	vsel vm1, v9, v6;
	[tilespmem:$0x1D000] =	vst v63  }
0x154: {  	_ = 	snop  }
0x155: {  	_ =	swait.ge [sflag:s23], $0x800  }
0x156: {  	p0 =	por $0x1, $0x1;
	[sflag:s23] =	ssyncset.done $0x0  }
.LBB2_35:
0x157: {  	s29 =	sadd.s32 $0x1, s29;
	[sflag:s23] =	ssyncadd.s32 $0xFFFFF800  }
0x158: {  	[spmem:s3] =	stream.indirect_vreg.scatter.add.f32 [tilespmem:s21], [sflag:$0x2], $0x80, v10, vm0, $0xb8;
	[tilespmem:$0x1D000] =	vst v63  }
0x159: {  	p1 =	sne.s32 s28, s29  }
.Ltmp31:
0x15a: {  	vm1 =	veq.s32 v8, s29;
	(pc) =	sbr.rel @p1 .LBB2_35-.Ltmp31, $3  }
0x15b: {  	v10 =	vsel vm1, v9, v6;
	_ =	sdelay $0x1  }
0x15c: {  	_ =	swait.ge [sflag:s23], $0x800  }
0x15d: {  	[sflag:s23] =	ssyncset.done $0x0  }
.LBB2_36:
0x15e: {  	_ =	sdelay $0x2  }
0x15f: {  	[sflag:s23] =	ssyncadd.s32 @p0 $0xFFFFF800  }
0x160: {  	[spmem:s3] =	stream.indirect_vreg.scatter.add.f32 [tilespmem:s21], [sflag:$0x2], $0x80, v10, vm0, $0xb8;
	[tilespmem:$0x1D000] =	vst v63  }
0x161: {  	_ =	swait.ge [sflag:s23], $0x800  }
0x162: {  	[sflag:s23] =	ssyncset.done $0x0  }
0x163: {  	[sflag:s23] =	ssyncadd.s32 $0xFFFFF800  }
.LBB2_37:
0x164: {  	v9 =	vld [tilespmem:s26+$0x2870];
	_ =	sdelay $0x4  }
0x165: {  	(v2sf) =	vpush v9, $0x0;
	_ =	sdelay $0xe  }
0x166: {  	s31 =	spop (v2sf)  }
0x167: {  	s26 =	sshrl.u32 s31, $0x12  }
0x168: {  	s26 =	sand.u32 $0xF, s26  }
0x169: {  	p0 =	seq.s32 s26, $0x0  }
.Ltmp32:
0x16a: {  	_ = 	snop;
	(pc) =	sbr.rel @p0 .LBB2_42-.Ltmp32, $1  }
0x16b: {  	_ =	sdelay $0x3  }
0x16c: {  	p1 =	sne.s32 s26, $0x1  }
.Ltmp33:
0x16d: {  	_ = 	snop;
	(pc) =	sbr.rel @!p1 .LBB2_41-.Ltmp33, $4  }
0x16e: {  	v8 =	vshrl.u32 v9, $0xE  }
0x16f: {  	s28 =	simm.s32 $0x1;
	v8 =	vand.u32 $0xF, v8  }
0x170: {  	v9 =	vand.u32 $0x3FFF, v9;
	vm1 =	veq.s32 v8, s28  }
0x171: {  	p0 =	por $0x0, $0x0;
	v10 =	vsel vm1, v9, v7  }
0x172: {  	_ =	sdelay $0x1  }
0x173: {  	s28 =	simm.s32 $0x2;
	p1 =	sne.s32 s26, $0x2  }
.Ltmp34:
0x174: {  	vm1 =	veq.s32 v8, s28;
	(pc) =	sbr.rel @!p1 .LBB2_41-.Ltmp34, $4  }
0x175: {  	[spmem:s3] =	stream.indirect_vreg.scatter.add.f32 [tilespmem:s22], [sflag:$0x2], $0x80, v10, vm0, $0xb8;
	v10 =	vsel vm1, v9, v7;
	[tilespmem:$0x1D000] =	vst v63  }
0x176: {  	_ = 	snop  }
0x177: {  	_ =	swait.ge [sflag:s23], $0x800  }
0x178: {  	p0 =	por $0x1, $0x1;
	[sflag:s23] =	ssyncset.done $0x0  }
.LBB2_40:
0x179: {  	s28 =	sadd.s32 $0x1, s28;
	[sflag:s23] =	ssyncadd.s32 $0xFFFFF800  }
0x17a: {  	[spmem:s3] =	stream.indirect_vreg.scatter.add.f32 [tilespmem:s22], [sflag:$0x2], $0x80, v10, vm0, $0xb8;
	[tilespmem:$0x1D000] =	vst v63  }
0x17b: {  	p1 =	sne.s32 s26, s28  }
.Ltmp35:
0x17c: {  	vm1 =	veq.s32 v8, s28;
	(pc) =	sbr.rel @p1 .LBB2_40-.Ltmp35, $3  }
0x17d: {  	v10 =	vsel vm1, v9, v7;
	_ =	sdelay $0x1  }
0x17e: {  	_ =	swait.ge [sflag:s23], $0x800  }
0x17f: {  	[sflag:s23] =	ssyncset.done $0x0  }
.Ltmp36:
0x180: {  	_ = 	snop;
	(pc) =	sbr.rel .LBB2_41-.Ltmp36, $1  }
0x181: {  	_ =	sdelay $0x3  }
.LBB2_44:
0x182: {  	_ =	sfence.sel $0x180000  }
0x183: {  	[bflag:$0x0] =	sbarrier.arrive $0xFFFF  }
0x184: {  	p0 =	sne.s32 s0, $0x0;
	_ =	strace $0x90000047  }
0x185: {  	s0 =	sadd.s32 @!p0 $0x100000, s2;
	[bflag:$0x2] =	sbarrier.arrive $0xFFFF  }
0x186: {  	[sflag:s0] =	ssyncadd.tile.s32 @!p0 $0x1;
	_ =	shalt  }
.Lfunc_end2:
_tile_overlayer_lowered:
.L_overlay_start_2:
0x187: {  	(tag) =	ssettag $0x2  }
0x188: {  	s0 =	rddreg [dreg:$0x0];
	s2 =	stileid.u32  }
0x189: {  	s1 =	rddreg [dreg:$0x1];
	p0 =	sne.s32 s2, $0x0  }
0x18a: {  	s3 =	rddreg [dreg:$0x2];
	[bflag:$0x3] =	sbarrier.arrive $0xFFFF;
	s2 =	simm.s32 @!p0 $0x1C03  }
0x18b: {  	[timem:s3], [sflag:s2] =	dma.local @!p0 [hbm:s0], s1  }
0x18c: {  	s0 =	simm.s32 @!p0 $0x3  }
0x18d: {  	_ =	swait.ge @!p0 [sflag:s0], s1  }
0x18e: {  	s1 =	ssub.s32 @!p0 $0x0, s1;
	[sflag:s0] =	ssyncset.done @!p0 $0x0  }
0x18f: {  	[sflag:s0] =	ssyncadd.s32 @!p0 s1  }
0x190: {  	[bflag:$0x3] =	sbarrier.arrive $0xFFFF  }
0x191: {  	_ =	shalt  }

// kernel: kernel.13.cloned.1.call-start
scs
__scs_entry_jumppad:
0x0: {  	(pc) =	sbr.rel $0x88, $3  }
0x1: {  	(tag) =	ssettag $0x0;
	lr =	simm.s32 $0x1  }
0x2: {  	[smem:$0x3F82] =	sst lr;
	_ =	strace $0xD0000000  }
0x3: {  	_ = 	snop  }
0x4: {  	_ = 	snop  }
0x5: {  	_ = 	snop  }
0x6: {  	_ = 	snop  }
0x7: {  	_ = 	snop  }
__scs_overlays_trampoline_lowered:
0x8: {  	[smem:$0x3F91] =	sst s0  }
0x9: {  	[smem:$0x3F92] =	sst s1  }
0xa: {  	[smem:$0x3F93] =	sst s2  }
0xb: {  	[smem:$0x3F94] =	sst s3  }
0xc: {  	[smem:$0x3F95] =	sst s4  }
0xd: {  	[smem:$0x3F96] =	sst s5  }
0xe: {  	[smem:$0x3F97] =	sst s6  }
0xf: {  	[smem:$0x3F98] =	sst s7  }
0x10: {  	[smem:$0x3F99] =	sst s8  }
0x11: {  	[smem:$0x3F9A] =	sst s9;
	s0 =	simm.s32 @!p0 $0x0  }
0x12: {  	s1 =	sld [smem:$0x3F80];
	s0 =	simm.s32 @p0 $0x1  }
0x13: {  	[smem:$0x3F9B] =	sst s0;
	s0 =	simm.s32 @!p1 $0x0  }
0x14: {  	s2 =	sld [smem:$0x3F7F];
	s0 =	simm.s32 @p1 $0x1  }
0x15: {  	[smem:$0x3F9C] =	sst s0;
	s0 =	simm.s32 @!p2 $0x0  }
0x16: {  	s3 =	sld [smem:$0x3FDB];
	s0 =	simm.s32 @p2 $0x1  }
0x17: {  	s4 =	simm.s32 $0x1BF5;
	[smem:$0x3F9E] =	sst s0  }
0x18: {  	s0 =	sld [smem:$0x3F81];
	_ =	swait.ge [sflag:s4], $0x0  }
0x19: {  	s7 =	sld [smem:$0x3F82]  }
0x1a: {  	s8 =	sadd.s32 $0xFFFFE003, lr  }
0x1b: {  	s9 =	sadd.s32 $0xFFFFFEF7, lr;
	s5 =	simm.s32 $0xFFFFFFFF;
	p2 =	slt.u32 s8, $0xFFFFF086  }
0x1c: {  	p1 =	slt.u32 s9, $0xF7A;
	s5 =	simm.s32 @!p2 $0x0  }
0x1d: {  	s5 =	simm.s32 @p1 $0x1;
	p0 =	seq.s32 s7, s2  }
0x1e: {  	s7 =	smul.u32 @!p0 $0xF7A, s2;
	p2 =	seq.s32 @!p0 s5, $0x0  }
0x1f: {  	s9 =	smul.u32 $0xF7A, s1;
	s8 =	simm.s32 @!p0 $0x1BF5;
	p2 =	por !p2, p0  }
0x20: {  	[sflag:s8] =	ssyncset.s32 @!p0 $0xFFFFF086;
	s6 =	sadd.s32 @!p0 s3, s7;
	s7 =	simm.s32 @!p0 $0x108  }
0x21: {  	s3 =	sadd.s32 s3, s9;
	s6 =	sadd.s32 @!p0 $0x88, s6;
	s7 =	simm.s32 @p2 $0x1082  }
0x22: {  	[simem:s7], [sflag:s8] =	dma.local @!p0 [hbm:s6], $0xF7A  }
0x23: {  	s9 =	sor.u32 $0xD0000000, s2;
	s6 =	simm.s32 $0x108;
	_ =	swait.ge @!p0 [sflag:s8], $0x0  }
0x24: {  	s3 =	sadd.s32 $0x88, s3;
	s6 =	simm.s32 @!p1 $0x1082;
	[sflag:s4] =	ssyncset.s32 $0xFFFFF086  }
0x25: {  	[simem:s6], [sflag:s4] =	dma.local [hbm:s3], $0xF7A  }
0x26: {  	[smem:$0x3F82] =	sst s1;
	(tag) =	ssettag s2;
	_ =	strace s9  }
0x27: {  	s1 =	sld [smem:$0x3F92]  }
0x28: {  	s2 =	sld [smem:$0x3F93]  }
0x29: {  	s4 =	sld [smem:$0x3F95]  }
0x2a: {  	p0 =	seq.s32 s5, $0x0;
	s5 =	sld [smem:$0x3F96]  }
0x2b: {  	s6 =	sld [smem:$0x3F97]  }
0x2c: {  	s7 =	sld [smem:$0x3F98]  }
0x2d: {  	s3 =	simm.s32 $0x108;
	s8 =	sld [smem:$0x3F99]  }
0x2e: {  	s3 =	simm.s32 @!p0 $0x1082;
	s9 =	sld [smem:$0x3F9A]  }
0x2f: {  	lr =	sadd.s32 s0, s3;
	s0 =	sld [smem:$0x3F91]  }
0x30: {  	s3 =	sld [smem:$0x3F94]  }
0x31: {  	[smem:$0x3F9D] =	sst s10  }
0x32: {  	s10 =	sld [smem:$0x3F9B];
	_ =	sdelay $0x3  }
0x33: {  	p0 =	seq.s32 s10, $0x1;
	s10 =	sld [smem:$0x3F9D];
	_ =	sdelay $0x3  }
0x34: {  	[smem:$0x3F9D] =	sst s10  }
0x35: {  	s10 =	sld [smem:$0x3F9C];
	_ =	sdelay $0x3  }
0x36: {  	p1 =	seq.s32 s10, $0x1;
	s10 =	sld [smem:$0x3F9D];
	_ =	sdelay $0x3  }
0x37: {  	[smem:$0x3F9D] =	sst s10  }
0x38: {  	s10 =	sld [smem:$0x3F9E]  }
0x39: {  	_ = 	snop;
	(pc) =	sbr.ind lr, $3  }
0x3a: {  	_ = 	snop  }
0x3b: {  	_ = 	snop  }
0x3c: {  	p2 =	seq.s32 s10, $0x1;
	s10 =	sld [smem:$0x3F9D]  }
0x3d: {  	_ =	shalt  }
0x3e: {  	_ =	shalt  }
0x3f: {  	_ =	shalt  }
0x40: {  	_ =	shalt  }
0x41: {  	_ =	shalt  }
0x42: {  	_ =	shalt  }
0x43: {  	_ =	shalt  }
0x44: {  	_ =	shalt  }
0x45: {  	_ =	shalt  }
0x46: {  	_ =	shalt  }
0x47: {  	_ =	shalt  }
0x48: {  	_ =	shalt  }
0x49: {  	_ =	shalt  }
0x4a: {  	_ =	shalt  }
0x4b: {  	_ =	shalt  }
0x4c: {  	_ =	shalt  }
0x4d: {  	_ =	shalt  }
0x4e: {  	_ =	shalt  }
0x4f: {  	_ =	shalt  }
0x50: {  	_ =	shalt  }
0x51: {  	_ =	shalt  }
0x52: {  	_ =	shalt  }
0x53: {  	_ =	shalt  }
0x54: {  	_ =	shalt  }
0x55: {  	_ =	shalt  }
0x56: {  	_ =	shalt  }
0x57: {  	_ =	shalt  }
0x58: {  	_ =	shalt  }
0x59: {  	_ =	shalt  }
0x5a: {  	_ =	shalt  }
0x5b: {  	_ =	shalt  }
0x5c: {  	_ =	shalt  }
0x5d: {  	_ =	shalt  }
0x5e: {  	_ =	shalt  }
0x5f: {  	_ =	shalt  }
0x60: {  	_ =	shalt  }
0x61: {  	_ =	shalt  }
0x62: {  	_ =	shalt  }
0x63: {  	_ =	shalt  }
0x64: {  	_ =	shalt  }
0x65: {  	_ =	shalt  }
0x66: {  	_ =	shalt  }
0x67: {  	_ =	shalt  }
0x68: {  	_ =	shalt  }
0x69: {  	_ =	shalt  }
0x6a: {  	_ =	shalt  }
0x6b: {  	_ =	shalt  }
0x6c: {  	_ =	shalt  }
0x6d: {  	_ =	shalt  }
0x6e: {  	_ =	shalt  }
0x6f: {  	_ =	shalt  }
0x70: {  	_ =	shalt  }
0x71: {  	_ =	shalt  }
0x72: {  	_ =	shalt  }
0x73: {  	_ =	shalt  }
0x74: {  	_ =	shalt  }
0x75: {  	_ =	shalt  }
0x76: {  	_ =	shalt  }
0x77: {  	_ =	shalt  }
0x78: {  	_ =	shalt  }
0x79: {  	_ =	shalt  }
0x7a: {  	_ =	shalt  }
0x7b: {  	_ =	shalt  }
0x7c: {  	_ =	shalt  }
0x7d: {  	_ =	shalt  }
0x7e: {  	_ =	shalt  }
0x7f: {  	_ =	shalt  }
0x80: {  	_ =	shalt  }
0x81: {  	_ =	shalt  }
0x82: {  	_ =	shalt  }
0x83: {  	_ =	shalt  }
0x84: {  	_ =	shalt  }
0x85: {  	_ =	shalt  }
0x86: {  	_ =	shalt  }
0x87: {  	_ =	shalt  }
.Lfunc_end0:
.L_simem_size_0:
called_computation.1_lowered:
.L_overlay_start_0:
0x88: {  	s2 =	sld [smem:$0x3FD9]  }
0x89: {  	s3 =	sld [smem:$0x3FFE];
	_ =	sdelay $0x1  }
0x8a: {  	s1 =	srdreg.scid  }
0x8b: {  	s0 =	sand.u32 $0x1, s1  }
0x8c: {  	s16 =	sshll.u32 s0, $0xA;
	s2 =	sadd.s32 s3, s2  }
0x8d: {  	s2 =	sadd.s32 s2, s16  }
0x8e: {  	[smem:$0x3FA9] =	sst s2  }
0x8f: {  	_ = 	snop  }
0x90: {  	(tm) =	ssettm $0x1  }
0x91: {  	s17 =	sld [smem:$0x3FFB];
	_ =	sdelay $0x3  }
0x92: {  	_ =	strace s17  }
0x93: {  	s2 =	sld [smem:$0x3FFC];
	_ =	sdelay $0x3  }
0x94: {  	_ =	strace s2  }
0x95: {  	s2 =	sld [smem:$0x3FFD];
	_ =	sdelay $0x3  }
0x96: {  	_ =	strace s2  }
0x97: {  	_ =	strace $0x8FFFFFFF  }
0x98: {  	s18 =	sld [smem:$0x3FDB];
	_ =	sdelay $0x1  }
0x99: {  	s19 =	simm.s32 $_scs_section_size  }
0x9a: {  	s4 =	simm.s32 $_size__tile_overlayer_lowered;
	s5 =	simm.s32 $_tile_overlayer_lowered  }
0x9b: {  	s22 =	simm.s32 $0x1BFF;
	s21 =	sshll.u32 s5, $0x1;
	s2 =	sadd.s32 s19, s18  }
0x9c: {  	s6 =	simm.s32 $0x0;
	s20 =	sshll.u32 s4, $0x1;
	s4 =	sadd.s32 s21, s2  }
0x9d: {  	[timem:s6], [sflag:s22] =	dma.local [hbm:s4], s20  }
0x9e: {  	_ =	swait.ge [sflag:s22], s20  }
0x9f: {  	s3 =	ssub.s32 $0x0, s20;
	[sflag:s22] =	ssyncset.done $0x0  }
0xa0: {  	[sflag:s22] =	ssyncadd.s32 s3;
	_ =	sdelay $0x1  }
0xa1: {  	s23 =	simm.s32 $0x1B8B  }
0xa2: {  	_ =	swait.ge [sflag:s23], $0x1  }
0xa3: {  	[sflag:s23] =	ssyncset.done $0x0  }
0xa4: {  	s25 =	simm.s32 $0x1B8E;
	s24 =	sld [smem:$0x3FFE];
	[sflag:s23] =	ssyncadd.s32 $0xFFFFFFFF  }
0xa5: {  	s26 =	simm.s32 $execute0_lowered;
	[smem:$0x3FD2] =	sst s25  }
0xa6: {  	s4 =	sshll.u32 s26, $0x1;
	_ =	strace $0x80000049;
	[dreg:$0x1] =	wrdreg $0xFFFFFFFF  }
0xa7: {  	s28 =	simm.s32 $_size_execute0_lowered;
	s2 =	sadd.s32 s2, s4;
	[dreg:$0x0] =	wrdreg $0x0  }
0xa8: {  	s4 =	sshll.u32 s28, $0x1;
	[dreg:$0x2] =	wrdreg s2  }
0xa9: {  	[dreg:$0x3] =	wrdreg s4  }
0xaa: {  	[dreg:$0x4] =	wrdreg $0xC0  }
0xab: {  	_ =	task [dreg:s6], $0x5FFFF  }
0xac: {  	[dreg:$0x1] =	wrdreg $0xFFFFFFFF  }
0xad: {  	[dreg:$0x0] =	wrdreg $0x60  }
0xae: {  	[dreg:$0x2] =	wrdreg s24  }
0xaf: {  	[dreg:$0x3] =	wrdreg $0x90000  }
0xb0: {  	[dreg:$0x4] =	wrdreg $0x9  }
0xb1: {  	_ =	task.clear_ibuf [dreg:s6], $0x5FFFF;
	_ =	strace $0x90000049  }
0xb2: {  	s29 =	simm.s32 $0x9;
	_ =	strace $0x8000004B  }
0xb3: {  	_ =	swait.ge [sflag:s29], $0x1  }
0xb4: {  	[sflag:s29] =	ssyncadd.s32 $0xFFFFFFFF  }
0xb5: {  	_ =	strace $0x9000004B  }
0xb6: {  	_ =	sfence  }
0xb7: {  	s30 =	sld [smem:$0x0];
	_ =	sdelay $0x2  }
0xb8: {  	s31 =	sshll.u32 s1, $0xD;
	s1 =	sshrl.u32 s1, $0x2  }
0xb9: {  	s3 =	sand.u32 $0x4000, s31;
	s1 =	sadd.s32 s1, s30  }
0xba: {  	s0 =	sor.u32 s3, s0;
	s1 =	sshll.u32 s1, $0x11  }
0xbb: {  	s0 =	sor.u32 s1, s0  }
0xbc: {  	s0 =	sadd.s32 $0x8F2B, s0  }
0xbd: {  	[sflag:s0] =	ssyncadd.remote.s32 $0x1  }
0xbe: {  	_ =	sfence.sel $0xFFFF  }
0xbf: {  	[dreg:$0x0] =	wrdreg $0xFFFFFFFF;
	(pc) =	sbr.abs _section_cstart, $3  }
0xc0: {  	[dreg:$0x1] =	wrdreg $0xFFFFFFFF  }
0xc1: {  	_ =	task.clear_ibuf [dreg:s6], $0x2FFFF;
	_ =	strace $0x9FFFFFFF  }
0xc2: {  	(tm) =	ssettm $0x7FFFFFFF  }
0xc3: {  	_ =	shalt  }
tec
execute0_lowered:
.L_overlay_start_1:
0x0: {  	(tag) =	ssettag $0x1  }
0x1: {  	s0 =	srdreg.scid;
	s6 =	rddreg [dreg:$0x0]  }
0x2: {  	s2 =	rddreg [dreg:$0x1];
	s3 =	simm.s32 $0x0;
	s14 =	simm.s32 $0x80  }
0x3: {  	s15 =	simm.s32 $0x5000;
	s16 =	simm.s32 $0x5800;
	s17 =	simm.s32 $0x6000  }
0x4: {  	s18 =	simm.s32 $0x6800;
	s19 =	simm.s32 $0x7000;
	s20 =	simm.s32 $0x7800  }
0x5: {  	s21 =	simm.s32 $0x8000;
	s22 =	simm.s32 $0x8800;
	s23 =	simm.s32 $0x2  }
0x6: {  	s24 =	simm.s32 $0x0;
	s5 =	sand.u32 $0x1, s0;
	s0 =	stileid.u32  }
0x7: {  	[smem:$0x7FF] =	sst s3;
	s4 =	sadd.s32 $0x1C600, s6;
	s8 =	smul.u32 $0x140000, s5  }
0x8: {  	s1 =	sshll.u32 s5, $0x4;
	s9 =	smul.u32 $0x14000, s0;
	s31 =	ssub.s32 $0x2, s5  }
0x9: {  	s10 =	smul.u32 $0x50000, s0;
	s5 =	sadd.s32 $0x19E00, s6;
	s12 =	sshll.u32 s0, $0x6  }
0xa: {  	s1 =	sor.u32 s0, s1;
	s11 =	sshrl.u32 s31, $0x1;
	s12 =	sor.u32 $0x1C01, s12  }
0xb: {  	s7 =	smul.u32 $0x500, s1;
	s1 =	rddreg [dreg:$0x2];
	_ =	strace $0x8000004A  }
.Ltmp0:
0xc: {  	s8 =	sadd.s32 s9, s8;
	s9 =	ssub.s32 s31, s11;
	(pc) =	sbr.rel .LBB2_1-.Ltmp0, $4  }
0xd: {  	v7 =	vlaneseq.u32;
	s10 =	sshrl.u32 s10, $0x2;
	s11 =	simm.s32 $0x2800;
	s8 =	sshrl.u32 s8, $0x3  }
0xe: {  	vm0 =	vmmov $0xffff;
	v0 =	vor.u32 $0x2780, v7;
	v1 =	vor.u32 $0x2790, v7;
	s13 =	sadd.s32 s10, s2;
	s9 =	smax.u32 s9, $0x1;
	s10 =	simm.s32 $0x1  }
0xf: {  	v2 =	vor.u32 $0x27A0, v7;
	v3 =	vor.u32 $0x27B0, v7;
	v4 =	vor.u32 $0x27C0, v7;
	s7 =	sadd.s32 s7, s6;
	s8 =	sadd.s32 s8, s6;
	s13 =	sshrl.u32 s13, $0x3  }
0x10: {  	v5 =	vor.u32 $0x27D0, v7;
	v6 =	vor.u32 $0x27E0, v7;
	v7 =	vor.u32 $0x27F0, v7;
	s6 =	sadd.s32 $0x5E00, s7;
	s7 =	sadd.s32 $0xFE00, s7;
	s8 =	sadd.s32 $0x43800, s8  }
.LBB2_43:
0x11: {  	s24 =	sadd.s32 $0x1, s24  }
0x12: {  	p0 =	sne.s32 s24, s9  }
.Ltmp1:
0x13: {  	[bflag:$0x0] =	sbarrier.arrive $0xFFFF;
	(pc) =	sbr.rel @!p0 .LBB2_44-.Ltmp1, $4  }
0x14: {  	[hbm:s8], [sflag:s12] =	dma.local [spmem:s13], $0x2800  }
0x15: {  	_ =	swait.ge [sflag:s10], $0x2800  }
0x16: {  	[sflag:s10] =	ssyncset.done $0x0  }
0x17: {  	[sflag:s10] =	ssyncadd.s32 $0xFFFFD800  }
.LBB2_1:
0x18: {  	[tilespmem:s3], [sflag:$0x1] =	stream.linear.gather [hbm4b:s6+s3], $0x2800, $0x38;
	[tilespmem:$0x1D000] =	vst v63  }
0x19: {  	_ =	swait.ge [sflag:s10], $0x2800  }
0x1a: {  	[sflag:s10] =	ssyncset.done $0x0  }
0x1b: {  	[sflag:s10] =	ssyncadd.s32 $0xFFFFD800  }
0x1c: {  	[tilespmem:s11], [sflag:$0x1] =	stream.linear.gather [hbm4b:s7+s3], $0x2800, $0x38;
	[tilespmem:$0x1D000] =	vst v63  }
0x1d: {  	_ =	swait.ge [sflag:s10], $0x2800  }
0x1e: {  	[sflag:s10] =	ssyncset.done $0x0  }
0x1f: {  	[sflag:s10] =	ssyncadd.s32 $0xFFFFD800  }
0x20: {  	[spmem:s13], [sflag:s12] =	dma.local [hbm:s5], $0x2800  }
.Ltmp2:
0x21: {  	_ =	swait.ge [sflag:s10], $0x2800;
	(pc) =	sbr.rel .LBB2_2-.Ltmp2, $4  }
0x22: {  	[sflag:s10] =	ssyncset.done $0x0  }
0x23: {  	[sflag:s10] =	ssyncadd.s32 $0xFFFFD800  }
0x24: {  	[bflag:$0x0] =	sbarrier.arrive $0xFFFF  }
0x25: {  	s25 =	simm.s32 $0x0  }
.LBB2_41:
0x26: {  	_ =	sdelay $0x2  }
0x27: {  	[sflag:s23] =	ssyncadd.s32 @p0 $0xFFFFF800  }
0x28: {  	[spmem:s2] =	stream.indirect_vreg.scatter.add.f32 [tilespmem:s22], [sflag:$0x2], $0x80, v10, vm0, $0xb8;
	[tilespmem:$0x1D000] =	vst v63  }
0x29: {  	_ =	swait.ge [sflag:s23], $0x800  }
0x2a: {  	[sflag:s23] =	ssyncset.done $0x0  }
0x2b: {  	[sflag:s23] =	ssyncadd.s32 $0xFFFFF800  }
.LBB2_42:
0x2c: {  	s25 =	sadd.s32 $0x1, s25  }
0x2d: {  	p0 =	sne.s32 s25, $0x50  }
.Ltmp3:
0x2e: {  	_ = 	snop;
	(pc) =	sbr.rel @!p0 .LBB2_43-.Ltmp3, $1  }
0x2f: {  	_ =	sdelay $0x3  }
.LBB2_2:
0x30: {  	s26 =	sshll.u32 s25, $0x7  }
0x31: {  	[tilespmem:s15], [sflag:$0x1] =	stream.indirect.gather [hbm4b:s4+s14], $0x80, s26, s14, $0xb8;
	[tilespmem:$0x1D000] =	vst v63  }
0x32: {  	_ =	swait.ge [sflag:s10], $0x4000  }
0x33: {  	[sflag:s10] =	ssyncset.done $0x0  }
0x34: {  	[sflag:s10] =	ssyncadd.s32 $0xFFFFC000  }
0x35: {  	v8 =	vld [tilespmem:s26+$0x2800];
	_ =	sdelay $0x4  }
0x36: {  	v9 =	vand.u32 $0x3C000, v8  }
0x37: {  	v8 =	vand.u32 $0x3FFF, v8;
	vm1 =	veq.s32 v9, $0x0  }
0x38: {  	v8 =	vsel vm1, v8, v0;
	_ =	sdelay $0x4  }
0x39: {  	[spmem:s2] =	stream.indirect_vreg.scatter.add.f32 [tilespmem:s15], [sflag:$0x2], $0x80, v8, vm0, $0xb8;
	[tilespmem:$0x1D000] =	vst v63  }
0x3a: {  	v8 =	vld [tilespmem:s26+$0x2810];
	_ =	sdelay $0x4  }
0x3b: {  	v9 =	vand.u32 $0x3C000, v8  }
0x3c: {  	v8 =	vand.u32 $0x3FFF, v8;
	vm1 =	veq.s32 v9, $0x0  }
0x3d: {  	v8 =	vsel vm1, v8, v1;
	_ =	sdelay $0x4  }
0x3e: {  	[spmem:s2] =	stream.indirect_vreg.scatter.add.f32 [tilespmem:s16], [sflag:$0x2], $0x80, v8, vm0, $0xb8;
	[tilespmem:$0x1D000] =	vst v63  }
0x3f: {  	v8 =	vld [tilespmem:s26+$0x2820];
	_ =	sdelay $0x4  }
0x40: {  	v9 =	vand.u32 $0x3C000, v8  }
0x41: {  	v8 =	vand.u32 $0x3FFF, v8;
	vm1 =	veq.s32 v9, $0x0  }
0x42: {  	v8 =	vsel vm1, v8, v2;
	_ =	sdelay $0x4  }
0x43: {  	[spmem:s2] =	stream.indirect_vreg.scatter.add.f32 [tilespmem:s17], [sflag:$0x2], $0x80, v8, vm0, $0xb8;
	[tilespmem:$0x1D000] =	vst v63  }
0x44: {  	v8 =	vld [tilespmem:s26+$0x2830];
	_ =	sdelay $0x4  }
0x45: {  	v9 =	vand.u32 $0x3C000, v8  }
0x46: {  	v8 =	vand.u32 $0x3FFF, v8;
	vm1 =	veq.s32 v9, $0x0  }
0x47: {  	v8 =	vsel vm1, v8, v3;
	_ =	sdelay $0x4  }
0x48: {  	[spmem:s2] =	stream.indirect_vreg.scatter.add.f32 [tilespmem:s18], [sflag:$0x2], $0x80, v8, vm0, $0xb8;
	[tilespmem:$0x1D000] =	vst v63  }
0x49: {  	v8 =	vld [tilespmem:s26+$0x2840];
	_ =	sdelay $0x4  }
0x4a: {  	v9 =	vand.u32 $0x3C000, v8  }
0x4b: {  	v8 =	vand.u32 $0x3FFF, v8;
	vm1 =	veq.s32 v9, $0x0  }
0x4c: {  	v8 =	vsel vm1, v8, v4;
	_ =	sdelay $0x4  }
0x4d: {  	[spmem:s2] =	stream.indirect_vreg.scatter.add.f32 [tilespmem:s19], [sflag:$0x2], $0x80, v8, vm0, $0xb8;
	[tilespmem:$0x1D000] =	vst v63  }
0x4e: {  	v8 =	vld [tilespmem:s26+$0x2850];
	_ =	sdelay $0x4  }
0x4f: {  	v9 =	vand.u32 $0x3C000, v8  }
0x50: {  	v8 =	vand.u32 $0x3FFF, v8;
	vm1 =	veq.s32 v9, $0x0  }
0x51: {  	v8 =	vsel vm1, v8, v5;
	_ =	sdelay $0x4  }
0x52: {  	[spmem:s2] =	stream.indirect_vreg.scatter.add.f32 [tilespmem:s20], [sflag:$0x2], $0x80, v8, vm0, $0xb8;
	[tilespmem:$0x1D000] =	vst v63  }
0x53: {  	v8 =	vld [tilespmem:s26+$0x2860];
	_ =	sdelay $0x4  }
0x54: {  	v9 =	vand.u32 $0x3C000, v8  }
0x55: {  	v8 =	vand.u32 $0x3FFF, v8;
	vm1 =	veq.s32 v9, $0x0  }
0x56: {  	v8 =	vsel vm1, v8, v6;
	_ =	sdelay $0x4  }
0x57: {  	[spmem:s2] =	stream.indirect_vreg.scatter.add.f32 [tilespmem:s21], [sflag:$0x2], $0x80, v8, vm0, $0xb8;
	[tilespmem:$0x1D000] =	vst v63  }
0x58: {  	v8 =	vld [tilespmem:s26+$0x2870];
	_ =	sdelay $0x4  }
0x59: {  	v9 =	vand.u32 $0x3C000, v8  }
0x5a: {  	v8 =	vand.u32 $0x3FFF, v8;
	vm1 =	veq.s32 v9, $0x0  }
0x5b: {  	v8 =	vsel vm1, v8, v7;
	_ =	sdelay $0x4  }
0x5c: {  	[spmem:s2] =	stream.indirect_vreg.scatter.add.f32 [tilespmem:s22], [sflag:$0x2], $0x80, v8, vm0, $0xb8;
	[tilespmem:$0x1D000] =	vst v63  }
0x5d: {  	_ =	swait.ge [sflag:s23], $0x800  }
0x5e: {  	[sflag:s23] =	ssyncset.done $0x0  }
0x5f: {  	[sflag:s23] =	ssyncadd.s32 $0xFFFFF800  }
0x60: {  	_ =	swait.ge [sflag:s23], $0x800  }
0x61: {  	[sflag:s23] =	ssyncset.done $0x0  }
0x62: {  	[sflag:s23] =	ssyncadd.s32 $0xFFFFF800  }
0x63: {  	_ =	swait.ge [sflag:s23], $0x800  }
0x64: {  	[sflag:s23] =	ssyncset.done $0x0  }
0x65: {  	[sflag:s23] =	ssyncadd.s32 $0xFFFFF800  }
0x66: {  	_ =	swait.ge [sflag:s23], $0x800  }
0x67: {  	[sflag:s23] =	ssyncset.done $0x0  }
0x68: {  	[sflag:s23] =	ssyncadd.s32 $0xFFFFF800  }
0x69: {  	_ =	swait.ge [sflag:s23], $0x800  }
0x6a: {  	[sflag:s23] =	ssyncset.done $0x0  }
0x6b: {  	[sflag:s23] =	ssyncadd.s32 $0xFFFFF800  }
0x6c: {  	_ =	swait.ge [sflag:s23], $0x800  }
0x6d: {  	[sflag:s23] =	ssyncset.done $0x0  }
0x6e: {  	[sflag:s23] =	ssyncadd.s32 $0xFFFFF800  }
0x6f: {  	_ =	swait.ge [sflag:s23], $0x800  }
0x70: {  	[sflag:s23] =	ssyncset.done $0x0  }
0x71: {  	[sflag:s23] =	ssyncadd.s32 $0xFFFFF800  }
0x72: {  	_ =	swait.ge [sflag:s23], $0x800  }
0x73: {  	[sflag:s23] =	ssyncset.done $0x0  }
0x74: {  	[sflag:s23] =	ssyncadd.s32 $0xFFFFF800  }
0x75: {  	v9 =	vld [tilespmem:s26+$0x2800];
	_ =	sdelay $0x4  }
0x76: {  	(v2sf) =	vpush v9, $0x0;
	_ =	sdelay $0xe  }
0x77: {  	s28 =	spop (v2sf)  }
0x78: {  	s28 =	sshrl.u32 s28, $0x12  }
0x79: {  	s28 =	sand.u32 $0xF, s28  }
0x7a: {  	p0 =	seq.s32 s28, $0x0  }
.Ltmp4:
0x7b: {  	_ = 	snop;
	(pc) =	sbr.rel @p0 .LBB2_7-.Ltmp4, $1  }
0x7c: {  	_ =	sdelay $0x3  }
0x7d: {  	p1 =	sne.s32 s28, $0x1  }
.Ltmp5:
0x7e: {  	_ = 	snop;
	(pc) =	sbr.rel @!p1 .LBB2_6-.Ltmp5, $4  }
0x7f: {  	v8 =	vshrl.u32 v9, $0xE  }
0x80: {  	s29 =	simm.s32 $0x1;
	v8 =	vand.u32 $0xF, v8  }
0x81: {  	v9 =	vand.u32 $0x3FFF, v9;
	vm1 =	veq.s32 v8, s29  }
0x82: {  	p0 =	por $0x0, $0x0;
	v10 =	vsel vm1, v9, v0  }
0x83: {  	_ =	sdelay $0x1  }
0x84: {  	s29 =	simm.s32 $0x2;
	p1 =	sne.s32 s28, $0x2  }
.Ltmp6:
0x85: {  	vm1 =	veq.s32 v8, s29;
	(pc) =	sbr.rel @!p1 .LBB2_6-.Ltmp6, $4  }
0x86: {  	[spmem:s2] =	stream.indirect_vreg.scatter.add.f32 [tilespmem:s15], [sflag:$0x2], $0x80, v10, vm0, $0xb8;
	v10 =	vsel vm1, v9, v0;
	[tilespmem:$0x1D000] =	vst v63  }
0x87: {  	_ = 	snop  }
0x88: {  	_ =	swait.ge [sflag:s23], $0x800  }
0x89: {  	p0 =	por $0x1, $0x1;
	[sflag:s23] =	ssyncset.done $0x0  }
.LBB2_5:
0x8a: {  	s29 =	sadd.s32 $0x1, s29;
	[sflag:s23] =	ssyncadd.s32 $0xFFFFF800  }
0x8b: {  	[spmem:s2] =	stream.indirect_vreg.scatter.add.f32 [tilespmem:s15], [sflag:$0x2], $0x80, v10, vm0, $0xb8;
	[tilespmem:$0x1D000] =	vst v63  }
0x8c: {  	p1 =	sne.s32 s28, s29  }
.Ltmp7:
0x8d: {  	vm1 =	veq.s32 v8, s29;
	(pc) =	sbr.rel @p1 .LBB2_5-.Ltmp7, $3  }
0x8e: {  	v10 =	vsel vm1, v9, v0;
	_ =	sdelay $0x1  }
0x8f: {  	_ =	swait.ge [sflag:s23], $0x800  }
0x90: {  	[sflag:s23] =	ssyncset.done $0x0  }
.LBB2_6:
0x91: {  	_ =	sdelay $0x2  }
0x92: {  	[sflag:s23] =	ssyncadd.s32 @p0 $0xFFFFF800  }
0x93: {  	[spmem:s2] =	stream.indirect_vreg.scatter.add.f32 [tilespmem:s15], [sflag:$0x2], $0x80, v10, vm0, $0xb8;
	[tilespmem:$0x1D000] =	vst v63  }
0x94: {  	_ =	swait.ge [sflag:s23], $0x800  }
0x95: {  	[sflag:s23] =	ssyncset.done $0x0  }
0x96: {  	[sflag:s23] =	ssyncadd.s32 $0xFFFFF800  }
.LBB2_7:
0x97: {  	v9 =	vld [tilespmem:s26+$0x2810];
	_ =	sdelay $0x4  }
0x98: {  	(v2sf) =	vpush v9, $0x0;
	_ =	sdelay $0xe  }
0x99: {  	s28 =	spop (v2sf)  }
0x9a: {  	s28 =	sshrl.u32 s28, $0x12  }
0x9b: {  	s28 =	sand.u32 $0xF, s28  }
0x9c: {  	p0 =	seq.s32 s28, $0x0  }
.Ltmp8:
0x9d: {  	_ = 	snop;
	(pc) =	sbr.rel @p0 .LBB2_12-.Ltmp8, $1  }
0x9e: {  	_ =	sdelay $0x3  }
0x9f: {  	p1 =	sne.s32 s28, $0x1  }
.Ltmp9:
0xa0: {  	_ = 	snop;
	(pc) =	sbr.rel @!p1 .LBB2_11-.Ltmp9, $4  }
0xa1: {  	v8 =	vshrl.u32 v9, $0xE  }
0xa2: {  	s29 =	simm.s32 $0x1;
	v8 =	vand.u32 $0xF, v8  }
0xa3: {  	v9 =	vand.u32 $0x3FFF, v9;
	vm1 =	veq.s32 v8, s29  }
0xa4: {  	p0 =	por $0x0, $0x0;
	v10 =	vsel vm1, v9, v1  }
0xa5: {  	_ =	sdelay $0x1  }
0xa6: {  	s29 =	simm.s32 $0x2;
	p1 =	sne.s32 s28, $0x2  }
.Ltmp10:
0xa7: {  	vm1 =	veq.s32 v8, s29;
	(pc) =	sbr.rel @!p1 .LBB2_11-.Ltmp10, $4  }
0xa8: {  	[spmem:s2] =	stream.indirect_vreg.scatter.add.f32 [tilespmem:s16], [sflag:$0x2], $0x80, v10, vm0, $0xb8;
	v10 =	vsel vm1, v9, v1;
	[tilespmem:$0x1D000] =	vst v63  }
0xa9: {  	_ = 	snop  }
0xaa: {  	_ =	swait.ge [sflag:s23], $0x800  }
0xab: {  	p0 =	por $0x1, $0x1;
	[sflag:s23] =	ssyncset.done $0x0  }
.LBB2_10:
0xac: {  	s29 =	sadd.s32 $0x1, s29;
	[sflag:s23] =	ssyncadd.s32 $0xFFFFF800  }
0xad: {  	[spmem:s2] =	stream.indirect_vreg.scatter.add.f32 [tilespmem:s16], [sflag:$0x2], $0x80, v10, vm0, $0xb8;
	[tilespmem:$0x1D000] =	vst v63  }
0xae: {  	p1 =	sne.s32 s28, s29  }
.Ltmp11:
0xaf: {  	vm1 =	veq.s32 v8, s29;
	(pc) =	sbr.rel @p1 .LBB2_10-.Ltmp11, $3  }
0xb0: {  	v10 =	vsel vm1, v9, v1;
	_ =	sdelay $0x1  }
0xb1: {  	_ =	swait.ge [sflag:s23], $0x800  }
0xb2: {  	[sflag:s23] =	ssyncset.done $0x0  }
.LBB2_11:
0xb3: {  	_ =	sdelay $0x2  }
0xb4: {  	[sflag:s23] =	ssyncadd.s32 @p0 $0xFFFFF800  }
0xb5: {  	[spmem:s2] =	stream.indirect_vreg.scatter.add.f32 [tilespmem:s16], [sflag:$0x2], $0x80, v10, vm0, $0xb8;
	[tilespmem:$0x1D000] =	vst v63  }
0xb6: {  	_ =	swait.ge [sflag:s23], $0x800  }
0xb7: {  	[sflag:s23] =	ssyncset.done $0x0  }
0xb8: {  	[sflag:s23] =	ssyncadd.s32 $0xFFFFF800  }
.LBB2_12:
0xb9: {  	v9 =	vld [tilespmem:s26+$0x2820];
	_ =	sdelay $0x4  }
0xba: {  	(v2sf) =	vpush v9, $0x0;
	_ =	sdelay $0xe  }
0xbb: {  	s28 =	spop (v2sf)  }
0xbc: {  	s28 =	sshrl.u32 s28, $0x12  }
0xbd: {  	s28 =	sand.u32 $0xF, s28  }
0xbe: {  	p0 =	seq.s32 s28, $0x0  }
.Ltmp12:
0xbf: {  	_ = 	snop;
	(pc) =	sbr.rel @p0 .LBB2_17-.Ltmp12, $1  }
0xc0: {  	_ =	sdelay $0x3  }
0xc1: {  	p1 =	sne.s32 s28, $0x1  }
.Ltmp13:
0xc2: {  	_ = 	snop;
	(pc) =	sbr.rel @!p1 .LBB2_16-.Ltmp13, $4  }
0xc3: {  	v8 =	vshrl.u32 v9, $0xE  }
0xc4: {  	s29 =	simm.s32 $0x1;
	v8 =	vand.u32 $0xF, v8  }
0xc5: {  	v9 =	vand.u32 $0x3FFF, v9;
	vm1 =	veq.s32 v8, s29  }
0xc6: {  	p0 =	por $0x0, $0x0;
	v10 =	vsel vm1, v9, v2  }
0xc7: {  	_ =	sdelay $0x1  }
0xc8: {  	s29 =	simm.s32 $0x2;
	p1 =	sne.s32 s28, $0x2  }
.Ltmp14:
0xc9: {  	vm1 =	veq.s32 v8, s29;
	(pc) =	sbr.rel @!p1 .LBB2_16-.Ltmp14, $4  }
0xca: {  	[spmem:s2] =	stream.indirect_vreg.scatter.add.f32 [tilespmem:s17], [sflag:$0x2], $0x80, v10, vm0, $0xb8;
	v10 =	vsel vm1, v9, v2;
	[tilespmem:$0x1D000] =	vst v63  }
0xcb: {  	_ = 	snop  }
0xcc: {  	_ =	swait.ge [sflag:s23], $0x800  }
0xcd: {  	p0 =	por $0x1, $0x1;
	[sflag:s23] =	ssyncset.done $0x0  }
.LBB2_15:
0xce: {  	s29 =	sadd.s32 $0x1, s29;
	[sflag:s23] =	ssyncadd.s32 $0xFFFFF800  }
0xcf: {  	[spmem:s2] =	stream.indirect_vreg.scatter.add.f32 [tilespmem:s17], [sflag:$0x2], $0x80, v10, vm0, $0xb8;
	[tilespmem:$0x1D000] =	vst v63  }
0xd0: {  	p1 =	sne.s32 s28, s29  }
.Ltmp15:
0xd1: {  	vm1 =	veq.s32 v8, s29;
	(pc) =	sbr.rel @p1 .LBB2_15-.Ltmp15, $3  }
0xd2: {  	v10 =	vsel vm1, v9, v2;
	_ =	sdelay $0x1  }
0xd3: {  	_ =	swait.ge [sflag:s23], $0x800  }
0xd4: {  	[sflag:s23] =	ssyncset.done $0x0  }
.LBB2_16:
0xd5: {  	_ =	sdelay $0x2  }
0xd6: {  	[sflag:s23] =	ssyncadd.s32 @p0 $0xFFFFF800  }
0xd7: {  	[spmem:s2] =	stream.indirect_vreg.scatter.add.f32 [tilespmem:s17], [sflag:$0x2], $0x80, v10, vm0, $0xb8;
	[tilespmem:$0x1D000] =	vst v63  }
0xd8: {  	_ =	swait.ge [sflag:s23], $0x800  }
0xd9: {  	[sflag:s23] =	ssyncset.done $0x0  }
0xda: {  	[sflag:s23] =	ssyncadd.s32 $0xFFFFF800  }
.LBB2_17:
0xdb: {  	v9 =	vld [tilespmem:s26+$0x2830];
	_ =	sdelay $0x4  }
0xdc: {  	(v2sf) =	vpush v9, $0x0;
	_ =	sdelay $0xe  }
0xdd: {  	s28 =	spop (v2sf)  }
0xde: {  	s28 =	sshrl.u32 s28, $0x12  }
0xdf: {  	s28 =	sand.u32 $0xF, s28  }
0xe0: {  	p0 =	seq.s32 s28, $0x0  }
.Ltmp16:
0xe1: {  	_ = 	snop;
	(pc) =	sbr.rel @p0 .LBB2_22-.Ltmp16, $1  }
0xe2: {  	_ =	sdelay $0x3  }
0xe3: {  	p1 =	sne.s32 s28, $0x1  }
.Ltmp17:
0xe4: {  	_ = 	snop;
	(pc) =	sbr.rel @!p1 .LBB2_21-.Ltmp17, $4  }
0xe5: {  	v8 =	vshrl.u32 v9, $0xE  }
0xe6: {  	s29 =	simm.s32 $0x1;
	v8 =	vand.u32 $0xF, v8  }
0xe7: {  	v9 =	vand.u32 $0x3FFF, v9;
	vm1 =	veq.s32 v8, s29  }
0xe8: {  	p0 =	por $0x0, $0x0;
	v10 =	vsel vm1, v9, v3  }
0xe9: {  	_ =	sdelay $0x1  }
0xea: {  	s29 =	simm.s32 $0x2;
	p1 =	sne.s32 s28, $0x2  }
.Ltmp18:
0xeb: {  	vm1 =	veq.s32 v8, s29;
	(pc) =	sbr.rel @!p1 .LBB2_21-.Ltmp18, $4  }
0xec: {  	[spmem:s2] =	stream.indirect_vreg.scatter.add.f32 [tilespmem:s18], [sflag:$0x2], $0x80, v10, vm0, $0xb8;
	v10 =	vsel vm1, v9, v3;
	[tilespmem:$0x1D000] =	vst v63  }
0xed: {  	_ = 	snop  }
0xee: {  	_ =	swait.ge [sflag:s23], $0x800  }
0xef: {  	p0 =	por $0x1, $0x1;
	[sflag:s23] =	ssyncset.done $0x0  }
.LBB2_20:
0xf0: {  	s29 =	sadd.s32 $0x1, s29;
	[sflag:s23] =	ssyncadd.s32 $0xFFFFF800  }
0xf1: {  	[spmem:s2] =	stream.indirect_vreg.scatter.add.f32 [tilespmem:s18], [sflag:$0x2], $0x80, v10, vm0, $0xb8;
	[tilespmem:$0x1D000] =	vst v63  }
0xf2: {  	p1 =	sne.s32 s28, s29  }
.Ltmp19:
0xf3: {  	vm1 =	veq.s32 v8, s29;
	(pc) =	sbr.rel @p1 .LBB2_20-.Ltmp19, $3  }
0xf4: {  	v10 =	vsel vm1, v9, v3;
	_ =	sdelay $0x1  }
0xf5: {  	_ =	swait.ge [sflag:s23], $0x800  }
0xf6: {  	[sflag:s23] =	ssyncset.done $0x0  }
.LBB2_21:
0xf7: {  	_ =	sdelay $0x2  }
0xf8: {  	[sflag:s23] =	ssyncadd.s32 @p0 $0xFFFFF800  }
0xf9: {  	[spmem:s2] =	stream.indirect_vreg.scatter.add.f32 [tilespmem:s18], [sflag:$0x2], $0x80, v10, vm0, $0xb8;
	[tilespmem:$0x1D000] =	vst v63  }
0xfa: {  	_ =	swait.ge [sflag:s23], $0x800  }
0xfb: {  	[sflag:s23] =	ssyncset.done $0x0  }
0xfc: {  	[sflag:s23] =	ssyncadd.s32 $0xFFFFF800  }
.LBB2_22:
0xfd: {  	v9 =	vld [tilespmem:s26+$0x2840];
	_ =	sdelay $0x4  }
0xfe: {  	(v2sf) =	vpush v9, $0x0;
	_ =	sdelay $0xe  }
0xff: {  	s28 =	spop (v2sf)  }
0x100: {  	s28 =	sshrl.u32 s28, $0x12  }
0x101: {  	s28 =	sand.u32 $0xF, s28  }
0x102: {  	p0 =	seq.s32 s28, $0x0  }
.Ltmp20:
0x103: {  	_ = 	snop;
	(pc) =	sbr.rel @p0 .LBB2_27-.Ltmp20, $1  }
0x104: {  	_ =	sdelay $0x3  }
0x105: {  	p1 =	sne.s32 s28, $0x1  }
.Ltmp21:
0x106: {  	_ = 	snop;
	(pc) =	sbr.rel @!p1 .LBB2_26-.Ltmp21, $4  }
0x107: {  	v8 =	vshrl.u32 v9, $0xE  }
0x108: {  	s29 =	simm.s32 $0x1;
	v8 =	vand.u32 $0xF, v8  }
0x109: {  	v9 =	vand.u32 $0x3FFF, v9;
	vm1 =	veq.s32 v8, s29  }
0x10a: {  	p0 =	por $0x0, $0x0;
	v10 =	vsel vm1, v9, v4  }
0x10b: {  	_ =	sdelay $0x1  }
0x10c: {  	s29 =	simm.s32 $0x2;
	p1 =	sne.s32 s28, $0x2  }
.Ltmp22:
0x10d: {  	vm1 =	veq.s32 v8, s29;
	(pc) =	sbr.rel @!p1 .LBB2_26-.Ltmp22, $4  }
0x10e: {  	[spmem:s2] =	stream.indirect_vreg.scatter.add.f32 [tilespmem:s19], [sflag:$0x2], $0x80, v10, vm0, $0xb8;
	v10 =	vsel vm1, v9, v4;
	[tilespmem:$0x1D000] =	vst v63  }
0x10f: {  	_ = 	snop  }
0x110: {  	_ =	swait.ge [sflag:s23], $0x800  }
0x111: {  	p0 =	por $0x1, $0x1;
	[sflag:s23] =	ssyncset.done $0x0  }
.LBB2_25:
0x112: {  	s29 =	sadd.s32 $0x1, s29;
	[sflag:s23] =	ssyncadd.s32 $0xFFFFF800  }
0x113: {  	[spmem:s2] =	stream.indirect_vreg.scatter.add.f32 [tilespmem:s19], [sflag:$0x2], $0x80, v10, vm0, $0xb8;
	[tilespmem:$0x1D000] =	vst v63  }
0x114: {  	p1 =	sne.s32 s28, s29  }
.Ltmp23:
0x115: {  	vm1 =	veq.s32 v8, s29;
	(pc) =	sbr.rel @p1 .LBB2_25-.Ltmp23, $3  }
0x116: {  	v10 =	vsel vm1, v9, v4;
	_ =	sdelay $0x1  }
0x117: {  	_ =	swait.ge [sflag:s23], $0x800  }
0x118: {  	[sflag:s23] =	ssyncset.done $0x0  }
.LBB2_26:
0x119: {  	_ =	sdelay $0x2  }
0x11a: {  	[sflag:s23] =	ssyncadd.s32 @p0 $0xFFFFF800  }
0x11b: {  	[spmem:s2] =	stream.indirect_vreg.scatter.add.f32 [tilespmem:s19], [sflag:$0x2], $0x80, v10, vm0, $0xb8;
	[tilespmem:$0x1D000] =	vst v63  }
0x11c: {  	_ =	swait.ge [sflag:s23], $0x800  }
0x11d: {  	[sflag:s23] =	ssyncset.done $0x0  }
0x11e: {  	[sflag:s23] =	ssyncadd.s32 $0xFFFFF800  }
.LBB2_27:
0x11f: {  	v9 =	vld [tilespmem:s26+$0x2850];
	_ =	sdelay $0x4  }
0x120: {  	(v2sf) =	vpush v9, $0x0;
	_ =	sdelay $0xe  }
0x121: {  	s28 =	spop (v2sf)  }
0x122: {  	s28 =	sshrl.u32 s28, $0x12  }
0x123: {  	s28 =	sand.u32 $0xF, s28  }
0x124: {  	p0 =	seq.s32 s28, $0x0  }
.Ltmp24:
0x125: {  	_ = 	snop;
	(pc) =	sbr.rel @p0 .LBB2_32-.Ltmp24, $1  }
0x126: {  	_ =	sdelay $0x3  }
0x127: {  	p1 =	sne.s32 s28, $0x1  }
.Ltmp25:
0x128: {  	_ = 	snop;
	(pc) =	sbr.rel @!p1 .LBB2_31-.Ltmp25, $4  }
0x129: {  	v8 =	vshrl.u32 v9, $0xE  }
0x12a: {  	s29 =	simm.s32 $0x1;
	v8 =	vand.u32 $0xF, v8  }
0x12b: {  	v9 =	vand.u32 $0x3FFF, v9;
	vm1 =	veq.s32 v8, s29  }
0x12c: {  	p0 =	por $0x0, $0x0;
	v10 =	vsel vm1, v9, v5  }
0x12d: {  	_ =	sdelay $0x1  }
0x12e: {  	s29 =	simm.s32 $0x2;
	p1 =	sne.s32 s28, $0x2  }
.Ltmp26:
0x12f: {  	vm1 =	veq.s32 v8, s29;
	(pc) =	sbr.rel @!p1 .LBB2_31-.Ltmp26, $4  }
0x130: {  	[spmem:s2] =	stream.indirect_vreg.scatter.add.f32 [tilespmem:s20], [sflag:$0x2], $0x80, v10, vm0, $0xb8;
	v10 =	vsel vm1, v9, v5;
	[tilespmem:$0x1D000] =	vst v63  }
0x131: {  	_ = 	snop  }
0x132: {  	_ =	swait.ge [sflag:s23], $0x800  }
0x133: {  	p0 =	por $0x1, $0x1;
	[sflag:s23] =	ssyncset.done $0x0  }
.LBB2_30:
0x134: {  	s29 =	sadd.s32 $0x1, s29;
	[sflag:s23] =	ssyncadd.s32 $0xFFFFF800  }
0x135: {  	[spmem:s2] =	stream.indirect_vreg.scatter.add.f32 [tilespmem:s20], [sflag:$0x2], $0x80, v10, vm0, $0xb8;
	[tilespmem:$0x1D000] =	vst v63  }
0x136: {  	p1 =	sne.s32 s28, s29  }
.Ltmp27:
0x137: {  	vm1 =	veq.s32 v8, s29;
	(pc) =	sbr.rel @p1 .LBB2_30-.Ltmp27, $3  }
0x138: {  	v10 =	vsel vm1, v9, v5;
	_ =	sdelay $0x1  }
0x139: {  	_ =	swait.ge [sflag:s23], $0x800  }
0x13a: {  	[sflag:s23] =	ssyncset.done $0x0  }
.LBB2_31:
0x13b: {  	_ =	sdelay $0x2  }
0x13c: {  	[sflag:s23] =	ssyncadd.s32 @p0 $0xFFFFF800  }
0x13d: {  	[spmem:s2] =	stream.indirect_vreg.scatter.add.f32 [tilespmem:s20], [sflag:$0x2], $0x80, v10, vm0, $0xb8;
	[tilespmem:$0x1D000] =	vst v63  }
0x13e: {  	_ =	swait.ge [sflag:s23], $0x800  }
0x13f: {  	[sflag:s23] =	ssyncset.done $0x0  }
0x140: {  	[sflag:s23] =	ssyncadd.s32 $0xFFFFF800  }
.LBB2_32:
0x141: {  	v9 =	vld [tilespmem:s26+$0x2860];
	_ =	sdelay $0x4  }
0x142: {  	(v2sf) =	vpush v9, $0x0;
	_ =	sdelay $0xe  }
0x143: {  	s28 =	spop (v2sf)  }
0x144: {  	s28 =	sshrl.u32 s28, $0x12  }
0x145: {  	s28 =	sand.u32 $0xF, s28  }
0x146: {  	p0 =	seq.s32 s28, $0x0  }
.Ltmp28:
0x147: {  	_ = 	snop;
	(pc) =	sbr.rel @p0 .LBB2_37-.Ltmp28, $1  }
0x148: {  	_ =	sdelay $0x3  }
0x149: {  	p1 =	sne.s32 s28, $0x1  }
.Ltmp29:
0x14a: {  	_ = 	snop;
	(pc) =	sbr.rel @!p1 .LBB2_36-.Ltmp29, $4  }
0x14b: {  	v8 =	vshrl.u32 v9, $0xE  }
0x14c: {  	s29 =	simm.s32 $0x1;
	v8 =	vand.u32 $0xF, v8  }
0x14d: {  	v9 =	vand.u32 $0x3FFF, v9;
	vm1 =	veq.s32 v8, s29  }
0x14e: {  	p0 =	por $0x0, $0x0;
	v10 =	vsel vm1, v9, v6  }
0x14f: {  	_ =	sdelay $0x1  }
0x150: {  	s29 =	simm.s32 $0x2;
	p1 =	sne.s32 s28, $0x2  }
.Ltmp30:
0x151: {  	vm1 =	veq.s32 v8, s29;
	(pc) =	sbr.rel @!p1 .LBB2_36-.Ltmp30, $4  }
0x152: {  	[spmem:s2] =	stream.indirect_vreg.scatter.add.f32 [tilespmem:s21], [sflag:$0x2], $0x80, v10, vm0, $0xb8;
	v10 =	vsel vm1, v9, v6;
	[tilespmem:$0x1D000] =	vst v63  }
0x153: {  	_ = 	snop  }
0x154: {  	_ =	swait.ge [sflag:s23], $0x800  }
0x155: {  	p0 =	por $0x1, $0x1;
	[sflag:s23] =	ssyncset.done $0x0  }
.LBB2_35:
0x156: {  	s29 =	sadd.s32 $0x1, s29;
	[sflag:s23] =	ssyncadd.s32 $0xFFFFF800  }
0x157: {  	[spmem:s2] =	stream.indirect_vreg.scatter.add.f32 [tilespmem:s21], [sflag:$0x2], $0x80, v10, vm0, $0xb8;
	[tilespmem:$0x1D000] =	vst v63  }
0x158: {  	p1 =	sne.s32 s28, s29  }
.Ltmp31:
0x159: {  	vm1 =	veq.s32 v8, s29;
	(pc) =	sbr.rel @p1 .LBB2_35-.Ltmp31, $3  }
0x15a: {  	v10 =	vsel vm1, v9, v6;
	_ =	sdelay $0x1  }
0x15b: {  	_ =	swait.ge [sflag:s23], $0x800  }
0x15c: {  	[sflag:s23] =	ssyncset.done $0x0  }
.LBB2_36:
0x15d: {  	_ =	sdelay $0x2  }
0x15e: {  	[sflag:s23] =	ssyncadd.s32 @p0 $0xFFFFF800  }
0x15f: {  	[spmem:s2] =	stream.indirect_vreg.scatter.add.f32 [tilespmem:s21], [sflag:$0x2], $0x80, v10, vm0, $0xb8;
	[tilespmem:$0x1D000] =	vst v63  }
0x160: {  	_ =	swait.ge [sflag:s23], $0x800  }
0x161: {  	[sflag:s23] =	ssyncset.done $0x0  }
0x162: {  	[sflag:s23] =	ssyncadd.s32 $0xFFFFF800  }
.LBB2_37:
0x163: {  	v9 =	vld [tilespmem:s26+$0x2870];
	_ =	sdelay $0x4  }
0x164: {  	(v2sf) =	vpush v9, $0x0;
	_ =	sdelay $0xe  }
0x165: {  	s31 =	spop (v2sf)  }
0x166: {  	s26 =	sshrl.u32 s31, $0x12  }
0x167: {  	s26 =	sand.u32 $0xF, s26  }
0x168: {  	p0 =	seq.s32 s26, $0x0  }
.Ltmp32:
0x169: {  	_ = 	snop;
	(pc) =	sbr.rel @p0 .LBB2_42-.Ltmp32, $1  }
0x16a: {  	_ =	sdelay $0x3  }
0x16b: {  	p1 =	sne.s32 s26, $0x1  }
.Ltmp33:
0x16c: {  	_ = 	snop;
	(pc) =	sbr.rel @!p1 .LBB2_41-.Ltmp33, $4  }
0x16d: {  	v8 =	vshrl.u32 v9, $0xE  }
0x16e: {  	s28 =	simm.s32 $0x1;
	v8 =	vand.u32 $0xF, v8  }
0x16f: {  	v9 =	vand.u32 $0x3FFF, v9;
	vm1 =	veq.s32 v8, s28  }
0x170: {  	p0 =	por $0x0, $0x0;
	v10 =	vsel vm1, v9, v7  }
0x171: {  	_ =	sdelay $0x1  }
0x172: {  	s28 =	simm.s32 $0x2;
	p1 =	sne.s32 s26, $0x2  }
.Ltmp34:
0x173: {  	vm1 =	veq.s32 v8, s28;
	(pc) =	sbr.rel @!p1 .LBB2_41-.Ltmp34, $4  }
0x174: {  	[spmem:s2] =	stream.indirect_vreg.scatter.add.f32 [tilespmem:s22], [sflag:$0x2], $0x80, v10, vm0, $0xb8;
	v10 =	vsel vm1, v9, v7;
	[tilespmem:$0x1D000] =	vst v63  }
0x175: {  	_ = 	snop  }
0x176: {  	_ =	swait.ge [sflag:s23], $0x800  }
0x177: {  	p0 =	por $0x1, $0x1;
	[sflag:s23] =	ssyncset.done $0x0  }
.LBB2_40:
0x178: {  	s28 =	sadd.s32 $0x1, s28;
	[sflag:s23] =	ssyncadd.s32 $0xFFFFF800  }
0x179: {  	[spmem:s2] =	stream.indirect_vreg.scatter.add.f32 [tilespmem:s22], [sflag:$0x2], $0x80, v10, vm0, $0xb8;
	[tilespmem:$0x1D000] =	vst v63  }
0x17a: {  	p1 =	sne.s32 s26, s28  }
.Ltmp35:
0x17b: {  	vm1 =	veq.s32 v8, s28;
	(pc) =	sbr.rel @p1 .LBB2_40-.Ltmp35, $3  }
0x17c: {  	v10 =	vsel vm1, v9, v7;
	_ =	sdelay $0x1  }
0x17d: {  	_ =	swait.ge [sflag:s23], $0x800  }
0x17e: {  	[sflag:s23] =	ssyncset.done $0x0  }
.Ltmp36:
0x17f: {  	_ = 	snop;
	(pc) =	sbr.rel .LBB2_41-.Ltmp36, $1  }
0x180: {  	_ =	sdelay $0x3  }
.LBB2_44:
0x181: {  	_ =	sfence.sel $0x180000  }
0x182: {  	[bflag:$0x0] =	sbarrier.arrive $0xFFFF  }
0x183: {  	p0 =	sne.s32 s0, $0x0;
	_ =	strace $0x9000004A  }
0x184: {  	s0 =	sadd.s32 @!p0 $0x100000, s1;
	[bflag:$0x2] =	sbarrier.arrive $0xFFFF  }
0x185: {  	[sflag:s0] =	ssyncadd.tile.s32 @!p0 $0x1;
	_ =	shalt  }
.Lfunc_end2:
_tile_overlayer_lowered:
.L_overlay_start_2:
0x186: {  	(tag) =	ssettag $0x2  }
0x187: {  	s0 =	rddreg [dreg:$0x0];
	s2 =	stileid.u32  }
0x188: {  	s1 =	rddreg [dreg:$0x1];
	p0 =	sne.s32 s2, $0x0  }
0x189: {  	s3 =	rddreg [dreg:$0x2];
	[bflag:$0x3] =	sbarrier.arrive $0xFFFF;
	s2 =	simm.s32 @!p0 $0x1C03  }
0x18a: {  	[timem:s3], [sflag:s2] =	dma.local @!p0 [hbm:s0], s1  }
0x18b: {  	s0 =	simm.s32 @!p0 $0x3  }
0x18c: {  	_ =	swait.ge @!p0 [sflag:s0], s1  }
0x18d: {  	s1 =	ssub.s32 @!p0 $0x0, s1;
	[sflag:s0] =	ssyncset.done @!p0 $0x0  }
0x18e: {  	[sflag:s0] =	ssyncadd.s32 @!p0 s1  }
0x18f: {  	[bflag:$0x3] =	sbarrier.arrive $0xFFFF  }
0x190: {  	_ =	shalt  }

// kernel: kernel.16.cloned.1.call-start
scs
__scs_entry_jumppad:
0x0: {  	(pc) =	sbr.rel $0x88, $3  }
0x1: {  	(tag) =	ssettag $0x0;
	lr =	simm.s32 $0x1  }
0x2: {  	[smem:$0x3F82] =	sst lr;
	_ =	strace $0xD0000000  }
0x3: {  	_ = 	snop  }
0x4: {  	_ = 	snop  }
0x5: {  	_ = 	snop  }
0x6: {  	_ = 	snop  }
0x7: {  	_ = 	snop  }
__scs_overlays_trampoline_lowered:
0x8: {  	[smem:$0x3F91] =	sst s0  }
0x9: {  	[smem:$0x3F92] =	sst s1  }
0xa: {  	[smem:$0x3F93] =	sst s2  }
0xb: {  	[smem:$0x3F94] =	sst s3  }
0xc: {  	[smem:$0x3F95] =	sst s4  }
0xd: {  	[smem:$0x3F96] =	sst s5  }
0xe: {  	[smem:$0x3F97] =	sst s6  }
0xf: {  	[smem:$0x3F98] =	sst s7  }
0x10: {  	[smem:$0x3F99] =	sst s8  }
0x11: {  	[smem:$0x3F9A] =	sst s9;
	s0 =	simm.s32 @!p0 $0x0  }
0x12: {  	s1 =	sld [smem:$0x3F80];
	s0 =	simm.s32 @p0 $0x1  }
0x13: {  	[smem:$0x3F9B] =	sst s0;
	s0 =	simm.s32 @!p1 $0x0  }
0x14: {  	s2 =	sld [smem:$0x3F7F];
	s0 =	simm.s32 @p1 $0x1  }
0x15: {  	[smem:$0x3F9C] =	sst s0;
	s0 =	simm.s32 @!p2 $0x0  }
0x16: {  	s3 =	sld [smem:$0x3FDB];
	s0 =	simm.s32 @p2 $0x1  }
0x17: {  	s4 =	simm.s32 $0x1BF5;
	[smem:$0x3F9E] =	sst s0  }
0x18: {  	s0 =	sld [smem:$0x3F81];
	_ =	swait.ge [sflag:s4], $0x0  }
0x19: {  	s7 =	sld [smem:$0x3F82]  }
0x1a: {  	s8 =	sadd.s32 $0xFFFFE003, lr  }
0x1b: {  	s9 =	sadd.s32 $0xFFFFFEF7, lr;
	s5 =	simm.s32 $0xFFFFFFFF;
	p2 =	slt.u32 s8, $0xFFFFF086  }
0x1c: {  	p1 =	slt.u32 s9, $0xF7A;
	s5 =	simm.s32 @!p2 $0x0  }
0x1d: {  	s5 =	simm.s32 @p1 $0x1;
	p0 =	seq.s32 s7, s2  }
0x1e: {  	s7 =	smul.u32 @!p0 $0xF7A, s2;
	p2 =	seq.s32 @!p0 s5, $0x0  }
0x1f: {  	s9 =	smul.u32 $0xF7A, s1;
	s8 =	simm.s32 @!p0 $0x1BF5;
	p2 =	por !p2, p0  }
0x20: {  	[sflag:s8] =	ssyncset.s32 @!p0 $0xFFFFF086;
	s6 =	sadd.s32 @!p0 s3, s7;
	s7 =	simm.s32 @!p0 $0x108  }
0x21: {  	s3 =	sadd.s32 s3, s9;
	s6 =	sadd.s32 @!p0 $0x88, s6;
	s7 =	simm.s32 @p2 $0x1082  }
0x22: {  	[simem:s7], [sflag:s8] =	dma.local @!p0 [hbm:s6], $0xF7A  }
0x23: {  	s9 =	sor.u32 $0xD0000000, s2;
	s6 =	simm.s32 $0x108;
	_ =	swait.ge @!p0 [sflag:s8], $0x0  }
0x24: {  	s3 =	sadd.s32 $0x88, s3;
	s6 =	simm.s32 @!p1 $0x1082;
	[sflag:s4] =	ssyncset.s32 $0xFFFFF086  }
0x25: {  	[simem:s6], [sflag:s4] =	dma.local [hbm:s3], $0xF7A  }
0x26: {  	[smem:$0x3F82] =	sst s1;
	(tag) =	ssettag s2;
	_ =	strace s9  }
0x27: {  	s1 =	sld [smem:$0x3F92]  }
0x28: {  	s2 =	sld [smem:$0x3F93]  }
0x29: {  	s4 =	sld [smem:$0x3F95]  }
0x2a: {  	p0 =	seq.s32 s5, $0x0;
	s5 =	sld [smem:$0x3F96]  }
0x2b: {  	s6 =	sld [smem:$0x3F97]  }
0x2c: {  	s7 =	sld [smem:$0x3F98]  }
0x2d: {  	s3 =	simm.s32 $0x108;
	s8 =	sld [smem:$0x3F99]  }
0x2e: {  	s3 =	simm.s32 @!p0 $0x1082;
	s9 =	sld [smem:$0x3F9A]  }
0x2f: {  	lr =	sadd.s32 s0, s3;
	s0 =	sld [smem:$0x3F91]  }
0x30: {  	s3 =	sld [smem:$0x3F94]  }
0x31: {  	[smem:$0x3F9D] =	sst s10  }
0x32: {  	s10 =	sld [smem:$0x3F9B];
	_ =	sdelay $0x3  }
0x33: {  	p0 =	seq.s32 s10, $0x1;
	s10 =	sld [smem:$0x3F9D];
	_ =	sdelay $0x3  }
0x34: {  	[smem:$0x3F9D] =	sst s10  }
0x35: {  	s10 =	sld [smem:$0x3F9C];
	_ =	sdelay $0x3  }
0x36: {  	p1 =	seq.s32 s10, $0x1;
	s10 =	sld [smem:$0x3F9D];
	_ =	sdelay $0x3  }
0x37: {  	[smem:$0x3F9D] =	sst s10  }
0x38: {  	s10 =	sld [smem:$0x3F9E]  }
0x39: {  	_ = 	snop;
	(pc) =	sbr.ind lr, $3  }
0x3a: {  	_ = 	snop  }
0x3b: {  	_ = 	snop  }
0x3c: {  	p2 =	seq.s32 s10, $0x1;
	s10 =	sld [smem:$0x3F9D]  }
0x3d: {  	_ =	shalt  }
0x3e: {  	_ =	shalt  }
0x3f: {  	_ =	shalt  }
0x40: {  	_ =	shalt  }
0x41: {  	_ =	shalt  }
0x42: {  	_ =	shalt  }
0x43: {  	_ =	shalt  }
0x44: {  	_ =	shalt  }
0x45: {  	_ =	shalt  }
0x46: {  	_ =	shalt  }
0x47: {  	_ =	shalt  }
0x48: {  	_ =	shalt  }
0x49: {  	_ =	shalt  }
0x4a: {  	_ =	shalt  }
0x4b: {  	_ =	shalt  }
0x4c: {  	_ =	shalt  }
0x4d: {  	_ =	shalt  }
0x4e: {  	_ =	shalt  }
0x4f: {  	_ =	shalt  }
0x50: {  	_ =	shalt  }
0x51: {  	_ =	shalt  }
0x52: {  	_ =	shalt  }
0x53: {  	_ =	shalt  }
0x54: {  	_ =	shalt  }
0x55: {  	_ =	shalt  }
0x56: {  	_ =	shalt  }
0x57: {  	_ =	shalt  }
0x58: {  	_ =	shalt  }
0x59: {  	_ =	shalt  }
0x5a: {  	_ =	shalt  }
0x5b: {  	_ =	shalt  }
0x5c: {  	_ =	shalt  }
0x5d: {  	_ =	shalt  }
0x5e: {  	_ =	shalt  }
0x5f: {  	_ =	shalt  }
0x60: {  	_ =	shalt  }
0x61: {  	_ =	shalt  }
0x62: {  	_ =	shalt  }
0x63: {  	_ =	shalt  }
0x64: {  	_ =	shalt  }
0x65: {  	_ =	shalt  }
0x66: {  	_ =	shalt  }
0x67: {  	_ =	shalt  }
0x68: {  	_ =	shalt  }
0x69: {  	_ =	shalt  }
0x6a: {  	_ =	shalt  }
0x6b: {  	_ =	shalt  }
0x6c: {  	_ =	shalt  }
0x6d: {  	_ =	shalt  }
0x6e: {  	_ =	shalt  }
0x6f: {  	_ =	shalt  }
0x70: {  	_ =	shalt  }
0x71: {  	_ =	shalt  }
0x72: {  	_ =	shalt  }
0x73: {  	_ =	shalt  }
0x74: {  	_ =	shalt  }
0x75: {  	_ =	shalt  }
0x76: {  	_ =	shalt  }
0x77: {  	_ =	shalt  }
0x78: {  	_ =	shalt  }
0x79: {  	_ =	shalt  }
0x7a: {  	_ =	shalt  }
0x7b: {  	_ =	shalt  }
0x7c: {  	_ =	shalt  }
0x7d: {  	_ =	shalt  }
0x7e: {  	_ =	shalt  }
0x7f: {  	_ =	shalt  }
0x80: {  	_ =	shalt  }
0x81: {  	_ =	shalt  }
0x82: {  	_ =	shalt  }
0x83: {  	_ =	shalt  }
0x84: {  	_ =	shalt  }
0x85: {  	_ =	shalt  }
0x86: {  	_ =	shalt  }
0x87: {  	_ =	shalt  }
.Lfunc_end0:
.L_simem_size_0:
called_computation.2_lowered:
.L_overlay_start_0:
0x88: {  	s2 =	sld [smem:$0x3FD9]  }
0x89: {  	s3 =	sld [smem:$0x3FFE];
	_ =	sdelay $0x1  }
0x8a: {  	s1 =	srdreg.scid  }
0x8b: {  	s0 =	sand.u32 $0x1, s1  }
0x8c: {  	s16 =	sshll.u32 s0, $0xA;
	s2 =	sadd.s32 s3, s2  }
0x8d: {  	s2 =	sadd.s32 s2, s16  }
0x8e: {  	[smem:$0x3FA9] =	sst s2  }
0x8f: {  	_ = 	snop  }
0x90: {  	(tm) =	ssettm $0x1  }
0x91: {  	s17 =	sld [smem:$0x3FFB];
	_ =	sdelay $0x3  }
0x92: {  	_ =	strace s17  }
0x93: {  	s2 =	sld [smem:$0x3FFC];
	_ =	sdelay $0x3  }
0x94: {  	_ =	strace s2  }
0x95: {  	s2 =	sld [smem:$0x3FFD];
	_ =	sdelay $0x3  }
0x96: {  	_ =	strace s2  }
0x97: {  	_ =	strace $0x8FFFFFFF  }
0x98: {  	s18 =	sld [smem:$0x3FDB];
	_ =	sdelay $0x1  }
0x99: {  	s19 =	simm.s32 $_scs_section_size  }
0x9a: {  	s4 =	simm.s32 $_size__tile_overlayer_lowered;
	s5 =	simm.s32 $_tile_overlayer_lowered  }
0x9b: {  	s22 =	simm.s32 $0x1BFF;
	s21 =	sshll.u32 s5, $0x1;
	s2 =	sadd.s32 s19, s18  }
0x9c: {  	s6 =	simm.s32 $0x0;
	s20 =	sshll.u32 s4, $0x1;
	s4 =	sadd.s32 s21, s2  }
0x9d: {  	[timem:s6], [sflag:s22] =	dma.local [hbm:s4], s20  }
0x9e: {  	_ =	swait.ge [sflag:s22], s20  }
0x9f: {  	s3 =	ssub.s32 $0x0, s20;
	[sflag:s22] =	ssyncset.done $0x0  }
0xa0: {  	[sflag:s22] =	ssyncadd.s32 s3;
	_ =	sdelay $0x1  }
0xa1: {  	s23 =	simm.s32 $0x1B8B  }
0xa2: {  	_ =	swait.ge [sflag:s23], $0x1  }
0xa3: {  	[sflag:s23] =	ssyncset.done $0x0  }
0xa4: {  	s25 =	simm.s32 $0x1B8E;
	s24 =	sld [smem:$0x3FFE];
	[sflag:s23] =	ssyncadd.s32 $0xFFFFFFFF  }
0xa5: {  	s26 =	simm.s32 $execute0_lowered;
	[smem:$0x3FD2] =	sst s25  }
0xa6: {  	s4 =	sshll.u32 s26, $0x1;
	_ =	strace $0x8000004C;
	[dreg:$0x1] =	wrdreg $0xFFFFFFFF  }
0xa7: {  	s28 =	simm.s32 $_size_execute0_lowered;
	s2 =	sadd.s32 s2, s4;
	[dreg:$0x0] =	wrdreg $0x0  }
0xa8: {  	s4 =	sshll.u32 s28, $0x1;
	[dreg:$0x2] =	wrdreg s2  }
0xa9: {  	[dreg:$0x3] =	wrdreg s4  }
0xaa: {  	[dreg:$0x4] =	wrdreg $0xC0  }
0xab: {  	_ =	task [dreg:s6], $0x5FFFF  }
0xac: {  	[dreg:$0x1] =	wrdreg $0xFFFFFFFF  }
0xad: {  	[dreg:$0x0] =	wrdreg $0x60  }
0xae: {  	[dreg:$0x2] =	wrdreg s24  }
0xaf: {  	[dreg:$0x3] =	wrdreg $0x90000  }
0xb0: {  	[dreg:$0x4] =	wrdreg $0x9  }
0xb1: {  	_ =	task.clear_ibuf [dreg:s6], $0x5FFFF;
	_ =	strace $0x9000004C  }
0xb2: {  	s29 =	simm.s32 $0x9;
	_ =	strace $0x8000004E  }
0xb3: {  	_ =	swait.ge [sflag:s29], $0x1  }
0xb4: {  	[sflag:s29] =	ssyncadd.s32 $0xFFFFFFFF  }
0xb5: {  	_ =	strace $0x9000004E  }
0xb6: {  	_ =	sfence  }
0xb7: {  	s30 =	sld [smem:$0x0];
	_ =	sdelay $0x2  }
0xb8: {  	s31 =	sshll.u32 s1, $0xD;
	s1 =	sshrl.u32 s1, $0x2  }
0xb9: {  	s3 =	sand.u32 $0x4000, s31;
	s1 =	sadd.s32 s1, s30  }
0xba: {  	s0 =	sor.u32 s3, s0;
	s1 =	sshll.u32 s1, $0x11  }
0xbb: {  	s0 =	sor.u32 s1, s0  }
0xbc: {  	s0 =	sadd.s32 $0x8F2B, s0  }
0xbd: {  	[sflag:s0] =	ssyncadd.remote.s32 $0x1  }
0xbe: {  	_ =	sfence.sel $0xFFFF  }
0xbf: {  	[dreg:$0x0] =	wrdreg $0xFFFFFFFF;
	(pc) =	sbr.abs _section_cstart, $3  }
0xc0: {  	[dreg:$0x1] =	wrdreg $0xFFFFFFFF  }
0xc1: {  	_ =	task.clear_ibuf [dreg:s6], $0x2FFFF;
	_ =	strace $0x9FFFFFFF  }
0xc2: {  	(tm) =	ssettm $0x7FFFFFFF  }
0xc3: {  	_ =	shalt  }
tec
execute0_lowered:
.L_overlay_start_1:
0x0: {  	(tag) =	ssettag $0x1  }
0x1: {  	s0 =	srdreg.scid;
	s6 =	rddreg [dreg:$0x0]  }
0x2: {  	s2 =	rddreg [dreg:$0x1];
	s3 =	simm.s32 $0x0;
	s14 =	simm.s32 $0x80  }
0x3: {  	s15 =	simm.s32 $0x5000;
	s16 =	simm.s32 $0x5800;
	s17 =	simm.s32 $0x6000  }
0x4: {  	s18 =	simm.s32 $0x6800;
	s19 =	simm.s32 $0x7000;
	s20 =	simm.s32 $0x7800  }
0x5: {  	s21 =	simm.s32 $0x8000;
	s22 =	simm.s32 $0x8800;
	s23 =	simm.s32 $0x2  }
0x6: {  	s24 =	simm.s32 $0x0;
	s5 =	sand.u32 $0x1, s0;
	s0 =	stileid.u32  }
0x7: {  	[smem:$0x7FF] =	sst s3;
	s4 =	sadd.s32 $0x1C600, s6;
	s8 =	smul.u32 $0x140000, s5  }
0x8: {  	s1 =	sshll.u32 s5, $0x4;
	s9 =	smul.u32 $0x14000, s0;
	s31 =	ssub.s32 $0x2, s5  }
0x9: {  	s10 =	smul.u32 $0x50000, s0;
	s5 =	sadd.s32 $0x19E00, s6;
	s12 =	sshll.u32 s0, $0x6  }
0xa: {  	s1 =	sor.u32 s0, s1;
	s11 =	sshrl.u32 s31, $0x1;
	s12 =	sor.u32 $0x1C01, s12  }
0xb: {  	s7 =	smul.u32 $0x500, s1;
	s1 =	rddreg [dreg:$0x2];
	_ =	strace $0x8000004D  }
.Ltmp0:
0xc: {  	s8 =	sadd.s32 s9, s8;
	s9 =	ssub.s32 s31, s11;
	(pc) =	sbr.rel .LBB2_1-.Ltmp0, $4  }
0xd: {  	v7 =	vlaneseq.u32;
	s10 =	sshrl.u32 s10, $0x2;
	s11 =	simm.s32 $0x2800;
	s8 =	sshrl.u32 s8, $0x3  }
0xe: {  	vm0 =	vmmov $0xffff;
	v0 =	vor.u32 $0x2780, v7;
	v1 =	vor.u32 $0x2790, v7;
	s13 =	sadd.s32 s10, s2;
	s9 =	smax.u32 s9, $0x1;
	s10 =	simm.s32 $0x1  }
0xf: {  	v2 =	vor.u32 $0x27A0, v7;
	v3 =	vor.u32 $0x27B0, v7;
	v4 =	vor.u32 $0x27C0, v7;
	s7 =	sadd.s32 s7, s6;
	s8 =	sadd.s32 s8, s6;
	s13 =	sshrl.u32 s13, $0x3  }
0x10: {  	v5 =	vor.u32 $0x27D0, v7;
	v6 =	vor.u32 $0x27E0, v7;
	v7 =	vor.u32 $0x27F0, v7;
	s6 =	sadd.s32 $0x5E00, s7;
	s7 =	sadd.s32 $0xFE00, s7;
	s8 =	sadd.s32 $0x43800, s8  }
.LBB2_43:
0x11: {  	s24 =	sadd.s32 $0x1, s24  }
0x12: {  	p0 =	sne.s32 s24, s9  }
.Ltmp1:
0x13: {  	[bflag:$0x0] =	sbarrier.arrive $0xFFFF;
	(pc) =	sbr.rel @!p0 .LBB2_44-.Ltmp1, $4  }
0x14: {  	[hbm:s8], [sflag:s12] =	dma.local [spmem:s13], $0x2800  }
0x15: {  	_ =	swait.ge [sflag:s10], $0x2800  }
0x16: {  	[sflag:s10] =	ssyncset.done $0x0  }
0x17: {  	[sflag:s10] =	ssyncadd.s32 $0xFFFFD800  }
.LBB2_1:
0x18: {  	[tilespmem:s3], [sflag:$0x1] =	stream.linear.gather [hbm4b:s6+s3], $0x2800, $0x38;
	[tilespmem:$0x1D000] =	vst v63  }
0x19: {  	_ =	swait.ge [sflag:s10], $0x2800  }
0x1a: {  	[sflag:s10] =	ssyncset.done $0x0  }
0x1b: {  	[sflag:s10] =	ssyncadd.s32 $0xFFFFD800  }
0x1c: {  	[tilespmem:s11], [sflag:$0x1] =	stream.linear.gather [hbm4b:s7+s3], $0x2800, $0x38;
	[tilespmem:$0x1D000] =	vst v63  }
0x1d: {  	_ =	swait.ge [sflag:s10], $0x2800  }
0x1e: {  	[sflag:s10] =	ssyncset.done $0x0  }
0x1f: {  	[sflag:s10] =	ssyncadd.s32 $0xFFFFD800  }
0x20: {  	[spmem:s13], [sflag:s12] =	dma.local [hbm:s5], $0x2800  }
.Ltmp2:
0x21: {  	_ =	swait.ge [sflag:s10], $0x2800;
	(pc) =	sbr.rel .LBB2_2-.Ltmp2, $4  }
0x22: {  	[sflag:s10] =	ssyncset.done $0x0  }
0x23: {  	[sflag:s10] =	ssyncadd.s32 $0xFFFFD800  }
0x24: {  	[bflag:$0x0] =	sbarrier.arrive $0xFFFF  }
0x25: {  	s25 =	simm.s32 $0x0  }
.LBB2_41:
0x26: {  	_ =	sdelay $0x2  }
0x27: {  	[sflag:s23] =	ssyncadd.s32 @p0 $0xFFFFF800  }
0x28: {  	[spmem:s2] =	stream.indirect_vreg.scatter.add.f32 [tilespmem:s22], [sflag:$0x2], $0x80, v10, vm0, $0xb8;
	[tilespmem:$0x1D000] =	vst v63  }
0x29: {  	_ =	swait.ge [sflag:s23], $0x800  }
0x2a: {  	[sflag:s23] =	ssyncset.done $0x0  }
0x2b: {  	[sflag:s23] =	ssyncadd.s32 $0xFFFFF800  }
.LBB2_42:
0x2c: {  	s25 =	sadd.s32 $0x1, s25  }
0x2d: {  	p0 =	sne.s32 s25, $0x50  }
.Ltmp3:
0x2e: {  	_ = 	snop;
	(pc) =	sbr.rel @!p0 .LBB2_43-.Ltmp3, $1  }
0x2f: {  	_ =	sdelay $0x3  }
.LBB2_2:
0x30: {  	s26 =	sshll.u32 s25, $0x7  }
0x31: {  	[tilespmem:s15], [sflag:$0x1] =	stream.indirect.gather [hbm4b:s4+s14], $0x80, s26, s14, $0xb8;
	[tilespmem:$0x1D000] =	vst v63  }
0x32: {  	_ =	swait.ge [sflag:s10], $0x4000  }
0x33: {  	[sflag:s10] =	ssyncset.done $0x0  }
0x34: {  	[sflag:s10] =	ssyncadd.s32 $0xFFFFC000  }
0x35: {  	v8 =	vld [tilespmem:s26+$0x2800];
	_ =	sdelay $0x4  }
0x36: {  	v9 =	vand.u32 $0x3C000, v8  }
0x37: {  	v8 =	vand.u32 $0x3FFF, v8;
	vm1 =	veq.s32 v9, $0x0  }
0x38: {  	v8 =	vsel vm1, v8, v0;
	_ =	sdelay $0x4  }
0x39: {  	[spmem:s2] =	stream.indirect_vreg.scatter.add.f32 [tilespmem:s15], [sflag:$0x2], $0x80, v8, vm0, $0xb8;
	[tilespmem:$0x1D000] =	vst v63  }
0x3a: {  	v8 =	vld [tilespmem:s26+$0x2810];
	_ =	sdelay $0x4  }
0x3b: {  	v9 =	vand.u32 $0x3C000, v8  }
0x3c: {  	v8 =	vand.u32 $0x3FFF, v8;
	vm1 =	veq.s32 v9, $0x0  }
0x3d: {  	v8 =	vsel vm1, v8, v1;
	_ =	sdelay $0x4  }
0x3e: {  	[spmem:s2] =	stream.indirect_vreg.scatter.add.f32 [tilespmem:s16], [sflag:$0x2], $0x80, v8, vm0, $0xb8;
	[tilespmem:$0x1D000] =	vst v63  }
0x3f: {  	v8 =	vld [tilespmem:s26+$0x2820];
	_ =	sdelay $0x4  }
0x40: {  	v9 =	vand.u32 $0x3C000, v8  }
0x41: {  	v8 =	vand.u32 $0x3FFF, v8;
	vm1 =	veq.s32 v9, $0x0  }
0x42: {  	v8 =	vsel vm1, v8, v2;
	_ =	sdelay $0x4  }
0x43: {  	[spmem:s2] =	stream.indirect_vreg.scatter.add.f32 [tilespmem:s17], [sflag:$0x2], $0x80, v8, vm0, $0xb8;
	[tilespmem:$0x1D000] =	vst v63  }
0x44: {  	v8 =	vld [tilespmem:s26+$0x2830];
	_ =	sdelay $0x4  }
0x45: {  	v9 =	vand.u32 $0x3C000, v8  }
0x46: {  	v8 =	vand.u32 $0x3FFF, v8;
	vm1 =	veq.s32 v9, $0x0  }
0x47: {  	v8 =	vsel vm1, v8, v3;
	_ =	sdelay $0x4  }
0x48: {  	[spmem:s2] =	stream.indirect_vreg.scatter.add.f32 [tilespmem:s18], [sflag:$0x2], $0x80, v8, vm0, $0xb8;
	[tilespmem:$0x1D000] =	vst v63  }
0x49: {  	v8 =	vld [tilespmem:s26+$0x2840];
	_ =	sdelay $0x4  }
0x4a: {  	v9 =	vand.u32 $0x3C000, v8  }
0x4b: {  	v8 =	vand.u32 $0x3FFF, v8;
	vm1 =	veq.s32 v9, $0x0  }
0x4c: {  	v8 =	vsel vm1, v8, v4;
	_ =	sdelay $0x4  }
0x4d: {  	[spmem:s2] =	stream.indirect_vreg.scatter.add.f32 [tilespmem:s19], [sflag:$0x2], $0x80, v8, vm0, $0xb8;
	[tilespmem:$0x1D000] =	vst v63  }
0x4e: {  	v8 =	vld [tilespmem:s26+$0x2850];
	_ =	sdelay $0x4  }
0x4f: {  	v9 =	vand.u32 $0x3C000, v8  }
0x50: {  	v8 =	vand.u32 $0x3FFF, v8;
	vm1 =	veq.s32 v9, $0x0  }
0x51: {  	v8 =	vsel vm1, v8, v5;
	_ =	sdelay $0x4  }
0x52: {  	[spmem:s2] =	stream.indirect_vreg.scatter.add.f32 [tilespmem:s20], [sflag:$0x2], $0x80, v8, vm0, $0xb8;
	[tilespmem:$0x1D000] =	vst v63  }
0x53: {  	v8 =	vld [tilespmem:s26+$0x2860];
	_ =	sdelay $0x4  }
0x54: {  	v9 =	vand.u32 $0x3C000, v8  }
0x55: {  	v8 =	vand.u32 $0x3FFF, v8;
	vm1 =	veq.s32 v9, $0x0  }
0x56: {  	v8 =	vsel vm1, v8, v6;
	_ =	sdelay $0x4  }
0x57: {  	[spmem:s2] =	stream.indirect_vreg.scatter.add.f32 [tilespmem:s21], [sflag:$0x2], $0x80, v8, vm0, $0xb8;
	[tilespmem:$0x1D000] =	vst v63  }
0x58: {  	v8 =	vld [tilespmem:s26+$0x2870];
	_ =	sdelay $0x4  }
0x59: {  	v9 =	vand.u32 $0x3C000, v8  }
0x5a: {  	v8 =	vand.u32 $0x3FFF, v8;
	vm1 =	veq.s32 v9, $0x0  }
0x5b: {  	v8 =	vsel vm1, v8, v7;
	_ =	sdelay $0x4  }
0x5c: {  	[spmem:s2] =	stream.indirect_vreg.scatter.add.f32 [tilespmem:s22], [sflag:$0x2], $0x80, v8, vm0, $0xb8;
	[tilespmem:$0x1D000] =	vst v63  }
0x5d: {  	_ =	swait.ge [sflag:s23], $0x800  }
0x5e: {  	[sflag:s23] =	ssyncset.done $0x0  }
0x5f: {  	[sflag:s23] =	ssyncadd.s32 $0xFFFFF800  }
0x60: {  	_ =	swait.ge [sflag:s23], $0x800  }
0x61: {  	[sflag:s23] =	ssyncset.done $0x0  }
0x62: {  	[sflag:s23] =	ssyncadd.s32 $0xFFFFF800  }
0x63: {  	_ =	swait.ge [sflag:s23], $0x800  }
0x64: {  	[sflag:s23] =	ssyncset.done $0x0  }
0x65: {  	[sflag:s23] =	ssyncadd.s32 $0xFFFFF800  }
0x66: {  	_ =	swait.ge [sflag:s23], $0x800  }
0x67: {  	[sflag:s23] =	ssyncset.done $0x0  }
0x68: {  	[sflag:s23] =	ssyncadd.s32 $0xFFFFF800  }
0x69: {  	_ =	swait.ge [sflag:s23], $0x800  }
0x6a: {  	[sflag:s23] =	ssyncset.done $0x0  }
0x6b: {  	[sflag:s23] =	ssyncadd.s32 $0xFFFFF800  }
0x6c: {  	_ =	swait.ge [sflag:s23], $0x800  }
0x6d: {  	[sflag:s23] =	ssyncset.done $0x0  }
0x6e: {  	[sflag:s23] =	ssyncadd.s32 $0xFFFFF800  }
0x6f: {  	_ =	swait.ge [sflag:s23], $0x800  }
0x70: {  	[sflag:s23] =	ssyncset.done $0x0  }
0x71: {  	[sflag:s23] =	ssyncadd.s32 $0xFFFFF800  }
0x72: {  	_ =	swait.ge [sflag:s23], $0x800  }
0x73: {  	[sflag:s23] =	ssyncset.done $0x0  }
0x74: {  	[sflag:s23] =	ssyncadd.s32 $0xFFFFF800  }
0x75: {  	v9 =	vld [tilespmem:s26+$0x2800];
	_ =	sdelay $0x4  }
0x76: {  	(v2sf) =	vpush v9, $0x0;
	_ =	sdelay $0xe  }
0x77: {  	s28 =	spop (v2sf)  }
0x78: {  	s28 =	sshrl.u32 s28, $0x12  }
0x79: {  	s28 =	sand.u32 $0xF, s28  }
0x7a: {  	p0 =	seq.s32 s28, $0x0  }
.Ltmp4:
0x7b: {  	_ = 	snop;
	(pc) =	sbr.rel @p0 .LBB2_7-.Ltmp4, $1  }
0x7c: {  	_ =	sdelay $0x3  }
0x7d: {  	p1 =	sne.s32 s28, $0x1  }
.Ltmp5:
0x7e: {  	_ = 	snop;
	(pc) =	sbr.rel @!p1 .LBB2_6-.Ltmp5, $4  }
0x7f: {  	v8 =	vshrl.u32 v9, $0xE  }
0x80: {  	s29 =	simm.s32 $0x1;
	v8 =	vand.u32 $0xF, v8  }
0x81: {  	v9 =	vand.u32 $0x3FFF, v9;
	vm1 =	veq.s32 v8, s29  }
0x82: {  	p0 =	por $0x0, $0x0;
	v10 =	vsel vm1, v9, v0  }
0x83: {  	_ =	sdelay $0x1  }
0x84: {  	s29 =	simm.s32 $0x2;
	p1 =	sne.s32 s28, $0x2  }
.Ltmp6:
0x85: {  	vm1 =	veq.s32 v8, s29;
	(pc) =	sbr.rel @!p1 .LBB2_6-.Ltmp6, $4  }
0x86: {  	[spmem:s2] =	stream.indirect_vreg.scatter.add.f32 [tilespmem:s15], [sflag:$0x2], $0x80, v10, vm0, $0xb8;
	v10 =	vsel vm1, v9, v0;
	[tilespmem:$0x1D000] =	vst v63  }
0x87: {  	_ = 	snop  }
0x88: {  	_ =	swait.ge [sflag:s23], $0x800  }
0x89: {  	p0 =	por $0x1, $0x1;
	[sflag:s23] =	ssyncset.done $0x0  }
.LBB2_5:
0x8a: {  	s29 =	sadd.s32 $0x1, s29;
	[sflag:s23] =	ssyncadd.s32 $0xFFFFF800  }
0x8b: {  	[spmem:s2] =	stream.indirect_vreg.scatter.add.f32 [tilespmem:s15], [sflag:$0x2], $0x80, v10, vm0, $0xb8;
	[tilespmem:$0x1D000] =	vst v63  }
0x8c: {  	p1 =	sne.s32 s28, s29  }
.Ltmp7:
0x8d: {  	vm1 =	veq.s32 v8, s29;
	(pc) =	sbr.rel @p1 .LBB2_5-.Ltmp7, $3  }
0x8e: {  	v10 =	vsel vm1, v9, v0;
	_ =	sdelay $0x1  }
0x8f: {  	_ =	swait.ge [sflag:s23], $0x800  }
0x90: {  	[sflag:s23] =	ssyncset.done $0x0  }
.LBB2_6:
0x91: {  	_ =	sdelay $0x2  }
0x92: {  	[sflag:s23] =	ssyncadd.s32 @p0 $0xFFFFF800  }
0x93: {  	[spmem:s2] =	stream.indirect_vreg.scatter.add.f32 [tilespmem:s15], [sflag:$0x2], $0x80, v10, vm0, $0xb8;
	[tilespmem:$0x1D000] =	vst v63  }
0x94: {  	_ =	swait.ge [sflag:s23], $0x800  }
0x95: {  	[sflag:s23] =	ssyncset.done $0x0  }
0x96: {  	[sflag:s23] =	ssyncadd.s32 $0xFFFFF800  }
.LBB2_7:
0x97: {  	v9 =	vld [tilespmem:s26+$0x2810];
	_ =	sdelay $0x4  }
0x98: {  	(v2sf) =	vpush v9, $0x0;
	_ =	sdelay $0xe  }
0x99: {  	s28 =	spop (v2sf)  }
0x9a: {  	s28 =	sshrl.u32 s28, $0x12  }
0x9b: {  	s28 =	sand.u32 $0xF, s28  }
0x9c: {  	p0 =	seq.s32 s28, $0x0  }
.Ltmp8:
0x9d: {  	_ = 	snop;
	(pc) =	sbr.rel @p0 .LBB2_12-.Ltmp8, $1  }
0x9e: {  	_ =	sdelay $0x3  }
0x9f: {  	p1 =	sne.s32 s28, $0x1  }
.Ltmp9:
0xa0: {  	_ = 	snop;
	(pc) =	sbr.rel @!p1 .LBB2_11-.Ltmp9, $4  }
0xa1: {  	v8 =	vshrl.u32 v9, $0xE  }
0xa2: {  	s29 =	simm.s32 $0x1;
	v8 =	vand.u32 $0xF, v8  }
0xa3: {  	v9 =	vand.u32 $0x3FFF, v9;
	vm1 =	veq.s32 v8, s29  }
0xa4: {  	p0 =	por $0x0, $0x0;
	v10 =	vsel vm1, v9, v1  }
0xa5: {  	_ =	sdelay $0x1  }
0xa6: {  	s29 =	simm.s32 $0x2;
	p1 =	sne.s32 s28, $0x2  }
.Ltmp10:
0xa7: {  	vm1 =	veq.s32 v8, s29;
	(pc) =	sbr.rel @!p1 .LBB2_11-.Ltmp10, $4  }
0xa8: {  	[spmem:s2] =	stream.indirect_vreg.scatter.add.f32 [tilespmem:s16], [sflag:$0x2], $0x80, v10, vm0, $0xb8;
	v10 =	vsel vm1, v9, v1;
	[tilespmem:$0x1D000] =	vst v63  }
0xa9: {  	_ = 	snop  }
0xaa: {  	_ =	swait.ge [sflag:s23], $0x800  }
0xab: {  	p0 =	por $0x1, $0x1;
	[sflag:s23] =	ssyncset.done $0x0  }
.LBB2_10:
0xac: {  	s29 =	sadd.s32 $0x1, s29;
	[sflag:s23] =	ssyncadd.s32 $0xFFFFF800  }
0xad: {  	[spmem:s2] =	stream.indirect_vreg.scatter.add.f32 [tilespmem:s16], [sflag:$0x2], $0x80, v10, vm0, $0xb8;
	[tilespmem:$0x1D000] =	vst v63  }
0xae: {  	p1 =	sne.s32 s28, s29  }
.Ltmp11:
0xaf: {  	vm1 =	veq.s32 v8, s29;
	(pc) =	sbr.rel @p1 .LBB2_10-.Ltmp11, $3  }
0xb0: {  	v10 =	vsel vm1, v9, v1;
	_ =	sdelay $0x1  }
0xb1: {  	_ =	swait.ge [sflag:s23], $0x800  }
0xb2: {  	[sflag:s23] =	ssyncset.done $0x0  }
.LBB2_11:
0xb3: {  	_ =	sdelay $0x2  }
0xb4: {  	[sflag:s23] =	ssyncadd.s32 @p0 $0xFFFFF800  }
0xb5: {  	[spmem:s2] =	stream.indirect_vreg.scatter.add.f32 [tilespmem:s16], [sflag:$0x2], $0x80, v10, vm0, $0xb8;
	[tilespmem:$0x1D000] =	vst v63  }
0xb6: {  	_ =	swait.ge [sflag:s23], $0x800  }
0xb7: {  	[sflag:s23] =	ssyncset.done $0x0  }
0xb8: {  	[sflag:s23] =	ssyncadd.s32 $0xFFFFF800  }
.LBB2_12:
0xb9: {  	v9 =	vld [tilespmem:s26+$0x2820];
	_ =	sdelay $0x4  }
0xba: {  	(v2sf) =	vpush v9, $0x0;
	_ =	sdelay $0xe  }
0xbb: {  	s28 =	spop (v2sf)  }
0xbc: {  	s28 =	sshrl.u32 s28, $0x12  }
0xbd: {  	s28 =	sand.u32 $0xF, s28  }
0xbe: {  	p0 =	seq.s32 s28, $0x0  }
.Ltmp12:
0xbf: {  	_ = 	snop;
	(pc) =	sbr.rel @p0 .LBB2_17-.Ltmp12, $1  }
0xc0: {  	_ =	sdelay $0x3  }
0xc1: {  	p1 =	sne.s32 s28, $0x1  }
.Ltmp13:
0xc2: {  	_ = 	snop;
	(pc) =	sbr.rel @!p1 .LBB2_16-.Ltmp13, $4  }
0xc3: {  	v8 =	vshrl.u32 v9, $0xE  }
0xc4: {  	s29 =	simm.s32 $0x1;
	v8 =	vand.u32 $0xF, v8  }
0xc5: {  	v9 =	vand.u32 $0x3FFF, v9;
	vm1 =	veq.s32 v8, s29  }
0xc6: {  	p0 =	por $0x0, $0x0;
	v10 =	vsel vm1, v9, v2  }
0xc7: {  	_ =	sdelay $0x1  }
0xc8: {  	s29 =	simm.s32 $0x2;
	p1 =	sne.s32 s28, $0x2  }
.Ltmp14:
0xc9: {  	vm1 =	veq.s32 v8, s29;
	(pc) =	sbr.rel @!p1 .LBB2_16-.Ltmp14, $4  }
0xca: {  	[spmem:s2] =	stream.indirect_vreg.scatter.add.f32 [tilespmem:s17], [sflag:$0x2], $0x80, v10, vm0, $0xb8;
	v10 =	vsel vm1, v9, v2;
	[tilespmem:$0x1D000] =	vst v63  }
0xcb: {  	_ = 	snop  }
0xcc: {  	_ =	swait.ge [sflag:s23], $0x800  }
0xcd: {  	p0 =	por $0x1, $0x1;
	[sflag:s23] =	ssyncset.done $0x0  }
.LBB2_15:
0xce: {  	s29 =	sadd.s32 $0x1, s29;
	[sflag:s23] =	ssyncadd.s32 $0xFFFFF800  }
0xcf: {  	[spmem:s2] =	stream.indirect_vreg.scatter.add.f32 [tilespmem:s17], [sflag:$0x2], $0x80, v10, vm0, $0xb8;
	[tilespmem:$0x1D000] =	vst v63  }
0xd0: {  	p1 =	sne.s32 s28, s29  }
.Ltmp15:
0xd1: {  	vm1 =	veq.s32 v8, s29;
	(pc) =	sbr.rel @p1 .LBB2_15-.Ltmp15, $3  }
0xd2: {  	v10 =	vsel vm1, v9, v2;
	_ =	sdelay $0x1  }
0xd3: {  	_ =	swait.ge [sflag:s23], $0x800  }
0xd4: {  	[sflag:s23] =	ssyncset.done $0x0  }
.LBB2_16:
0xd5: {  	_ =	sdelay $0x2  }
0xd6: {  	[sflag:s23] =	ssyncadd.s32 @p0 $0xFFFFF800  }
0xd7: {  	[spmem:s2] =	stream.indirect_vreg.scatter.add.f32 [tilespmem:s17], [sflag:$0x2], $0x80, v10, vm0, $0xb8;
	[tilespmem:$0x1D000] =	vst v63  }
0xd8: {  	_ =	swait.ge [sflag:s23], $0x800  }
0xd9: {  	[sflag:s23] =	ssyncset.done $0x0  }
0xda: {  	[sflag:s23] =	ssyncadd.s32 $0xFFFFF800  }
.LBB2_17:
0xdb: {  	v9 =	vld [tilespmem:s26+$0x2830];
	_ =	sdelay $0x4  }
0xdc: {  	(v2sf) =	vpush v9, $0x0;
	_ =	sdelay $0xe  }
0xdd: {  	s28 =	spop (v2sf)  }
0xde: {  	s28 =	sshrl.u32 s28, $0x12  }
0xdf: {  	s28 =	sand.u32 $0xF, s28  }
0xe0: {  	p0 =	seq.s32 s28, $0x0  }
.Ltmp16:
0xe1: {  	_ = 	snop;
	(pc) =	sbr.rel @p0 .LBB2_22-.Ltmp16, $1  }
0xe2: {  	_ =	sdelay $0x3  }
0xe3: {  	p1 =	sne.s32 s28, $0x1  }
.Ltmp17:
0xe4: {  	_ = 	snop;
	(pc) =	sbr.rel @!p1 .LBB2_21-.Ltmp17, $4  }
0xe5: {  	v8 =	vshrl.u32 v9, $0xE  }
0xe6: {  	s29 =	simm.s32 $0x1;
	v8 =	vand.u32 $0xF, v8  }
0xe7: {  	v9 =	vand.u32 $0x3FFF, v9;
	vm1 =	veq.s32 v8, s29  }
0xe8: {  	p0 =	por $0x0, $0x0;
	v10 =	vsel vm1, v9, v3  }
0xe9: {  	_ =	sdelay $0x1  }
0xea: {  	s29 =	simm.s32 $0x2;
	p1 =	sne.s32 s28, $0x2  }
.Ltmp18:
0xeb: {  	vm1 =	veq.s32 v8, s29;
	(pc) =	sbr.rel @!p1 .LBB2_21-.Ltmp18, $4  }
0xec: {  	[spmem:s2] =	stream.indirect_vreg.scatter.add.f32 [tilespmem:s18], [sflag:$0x2], $0x80, v10, vm0, $0xb8;
	v10 =	vsel vm1, v9, v3;
	[tilespmem:$0x1D000] =	vst v63  }
0xed: {  	_ = 	snop  }
0xee: {  	_ =	swait.ge [sflag:s23], $0x800  }
0xef: {  	p0 =	por $0x1, $0x1;
	[sflag:s23] =	ssyncset.done $0x0  }
.LBB2_20:
0xf0: {  	s29 =	sadd.s32 $0x1, s29;
	[sflag:s23] =	ssyncadd.s32 $0xFFFFF800  }
0xf1: {  	[spmem:s2] =	stream.indirect_vreg.scatter.add.f32 [tilespmem:s18], [sflag:$0x2], $0x80, v10, vm0, $0xb8;
	[tilespmem:$0x1D000] =	vst v63  }
0xf2: {  	p1 =	sne.s32 s28, s29  }
.Ltmp19:
0xf3: {  	vm1 =	veq.s32 v8, s29;
	(pc) =	sbr.rel @p1 .LBB2_20-.Ltmp19, $3  }
0xf4: {  	v10 =	vsel vm1, v9, v3;
	_ =	sdelay $0x1  }
0xf5: {  	_ =	swait.ge [sflag:s23], $0x800  }
0xf6: {  	[sflag:s23] =	ssyncset.done $0x0  }
.LBB2_21:
0xf7: {  	_ =	sdelay $0x2  }
0xf8: {  	[sflag:s23] =	ssyncadd.s32 @p0 $0xFFFFF800  }
0xf9: {  	[spmem:s2] =	stream.indirect_vreg.scatter.add.f32 [tilespmem:s18], [sflag:$0x2], $0x80, v10, vm0, $0xb8;
	[tilespmem:$0x1D000] =	vst v63  }
0xfa: {  	_ =	swait.ge [sflag:s23], $0x800  }
0xfb: {  	[sflag:s23] =	ssyncset.done $0x0  }
0xfc: {  	[sflag:s23] =	ssyncadd.s32 $0xFFFFF800  }
.LBB2_22:
0xfd: {  	v9 =	vld [tilespmem:s26+$0x2840];
	_ =	sdelay $0x4  }
0xfe: {  	(v2sf) =	vpush v9, $0x0;
	_ =	sdelay $0xe  }
0xff: {  	s28 =	spop (v2sf)  }
0x100: {  	s28 =	sshrl.u32 s28, $0x12  }
0x101: {  	s28 =	sand.u32 $0xF, s28  }
0x102: {  	p0 =	seq.s32 s28, $0x0  }
.Ltmp20:
0x103: {  	_ = 	snop;
	(pc) =	sbr.rel @p0 .LBB2_27-.Ltmp20, $1  }
0x104: {  	_ =	sdelay $0x3  }
0x105: {  	p1 =	sne.s32 s28, $0x1  }
.Ltmp21:
0x106: {  	_ = 	snop;
	(pc) =	sbr.rel @!p1 .LBB2_26-.Ltmp21, $4  }
0x107: {  	v8 =	vshrl.u32 v9, $0xE  }
0x108: {  	s29 =	simm.s32 $0x1;
	v8 =	vand.u32 $0xF, v8  }
0x109: {  	v9 =	vand.u32 $0x3FFF, v9;
	vm1 =	veq.s32 v8, s29  }
0x10a: {  	p0 =	por $0x0, $0x0;
	v10 =	vsel vm1, v9, v4  }
0x10b: {  	_ =	sdelay $0x1  }
0x10c: {  	s29 =	simm.s32 $0x2;
	p1 =	sne.s32 s28, $0x2  }
.Ltmp22:
0x10d: {  	vm1 =	veq.s32 v8, s29;
	(pc) =	sbr.rel @!p1 .LBB2_26-.Ltmp22, $4  }
0x10e: {  	[spmem:s2] =	stream.indirect_vreg.scatter.add.f32 [tilespmem:s19], [sflag:$0x2], $0x80, v10, vm0, $0xb8;
	v10 =	vsel vm1, v9, v4;
	[tilespmem:$0x1D000] =	vst v63  }
0x10f: {  	_ = 	snop  }
0x110: {  	_ =	swait.ge [sflag:s23], $0x800  }
0x111: {  	p0 =	por $0x1, $0x1;
	[sflag:s23] =	ssyncset.done $0x0  }
.LBB2_25:
0x112: {  	s29 =	sadd.s32 $0x1, s29;
	[sflag:s23] =	ssyncadd.s32 $0xFFFFF800  }
0x113: {  	[spmem:s2] =	stream.indirect_vreg.scatter.add.f32 [tilespmem:s19], [sflag:$0x2], $0x80, v10, vm0, $0xb8;
	[tilespmem:$0x1D000] =	vst v63  }
0x114: {  	p1 =	sne.s32 s28, s29  }
.Ltmp23:
0x115: {  	vm1 =	veq.s32 v8, s29;
	(pc) =	sbr.rel @p1 .LBB2_25-.Ltmp23, $3  }
0x116: {  	v10 =	vsel vm1, v9, v4;
	_ =	sdelay $0x1  }
0x117: {  	_ =	swait.ge [sflag:s23], $0x800  }
0x118: {  	[sflag:s23] =	ssyncset.done $0x0  }
.LBB2_26:
0x119: {  	_ =	sdelay $0x2  }
0x11a: {  	[sflag:s23] =	ssyncadd.s32 @p0 $0xFFFFF800  }
0x11b: {  	[spmem:s2] =	stream.indirect_vreg.scatter.add.f32 [tilespmem:s19], [sflag:$0x2], $0x80, v10, vm0, $0xb8;
	[tilespmem:$0x1D000] =	vst v63  }
0x11c: {  	_ =	swait.ge [sflag:s23], $0x800  }
0x11d: {  	[sflag:s23] =	ssyncset.done $0x0  }
0x11e: {  	[sflag:s23] =	ssyncadd.s32 $0xFFFFF800  }
.LBB2_27:
0x11f: {  	v9 =	vld [tilespmem:s26+$0x2850];
	_ =	sdelay $0x4  }
0x120: {  	(v2sf) =	vpush v9, $0x0;
	_ =	sdelay $0xe  }
0x121: {  	s28 =	spop (v2sf)  }
0x122: {  	s28 =	sshrl.u32 s28, $0x12  }
0x123: {  	s28 =	sand.u32 $0xF, s28  }
0x124: {  	p0 =	seq.s32 s28, $0x0  }
.Ltmp24:
0x125: {  	_ = 	snop;
	(pc) =	sbr.rel @p0 .LBB2_32-.Ltmp24, $1  }
0x126: {  	_ =	sdelay $0x3  }
0x127: {  	p1 =	sne.s32 s28, $0x1  }
.Ltmp25:
0x128: {  	_ = 	snop;
	(pc) =	sbr.rel @!p1 .LBB2_31-.Ltmp25, $4  }
0x129: {  	v8 =	vshrl.u32 v9, $0xE  }
0x12a: {  	s29 =	simm.s32 $0x1;
	v8 =	vand.u32 $0xF, v8  }
0x12b: {  	v9 =	vand.u32 $0x3FFF, v9;
	vm1 =	veq.s32 v8, s29  }
0x12c: {  	p0 =	por $0x0, $0x0;
	v10 =	vsel vm1, v9, v5  }
0x12d: {  	_ =	sdelay $0x1  }
0x12e: {  	s29 =	simm.s32 $0x2;
	p1 =	sne.s32 s28, $0x2  }
.Ltmp26:
0x12f: {  	vm1 =	veq.s32 v8, s29;
	(pc) =	sbr.rel @!p1 .LBB2_31-.Ltmp26, $4  }
0x130: {  	[spmem:s2] =	stream.indirect_vreg.scatter.add.f32 [tilespmem:s20], [sflag:$0x2], $0x80, v10, vm0, $0xb8;
	v10 =	vsel vm1, v9, v5;
	[tilespmem:$0x1D000] =	vst v63  }
0x131: {  	_ = 	snop  }
0x132: {  	_ =	swait.ge [sflag:s23], $0x800  }
0x133: {  	p0 =	por $0x1, $0x1;
	[sflag:s23] =	ssyncset.done $0x0  }
.LBB2_30:
0x134: {  	s29 =	sadd.s32 $0x1, s29;
	[sflag:s23] =	ssyncadd.s32 $0xFFFFF800  }
0x135: {  	[spmem:s2] =	stream.indirect_vreg.scatter.add.f32 [tilespmem:s20], [sflag:$0x2], $0x80, v10, vm0, $0xb8;
	[tilespmem:$0x1D000] =	vst v63  }
0x136: {  	p1 =	sne.s32 s28, s29  }
.Ltmp27:
0x137: {  	vm1 =	veq.s32 v8, s29;
	(pc) =	sbr.rel @p1 .LBB2_30-.Ltmp27, $3  }
0x138: {  	v10 =	vsel vm1, v9, v5;
	_ =	sdelay $0x1  }
0x139: {  	_ =	swait.ge [sflag:s23], $0x800  }
0x13a: {  	[sflag:s23] =	ssyncset.done $0x0  }
.LBB2_31:
0x13b: {  	_ =	sdelay $0x2  }
0x13c: {  	[sflag:s23] =	ssyncadd.s32 @p0 $0xFFFFF800  }
0x13d: {  	[spmem:s2] =	stream.indirect_vreg.scatter.add.f32 [tilespmem:s20], [sflag:$0x2], $0x80, v10, vm0, $0xb8;
	[tilespmem:$0x1D000] =	vst v63  }
0x13e: {  	_ =	swait.ge [sflag:s23], $0x800  }
0x13f: {  	[sflag:s23] =	ssyncset.done $0x0  }
0x140: {  	[sflag:s23] =	ssyncadd.s32 $0xFFFFF800  }
.LBB2_32:
0x141: {  	v9 =	vld [tilespmem:s26+$0x2860];
	_ =	sdelay $0x4  }
0x142: {  	(v2sf) =	vpush v9, $0x0;
	_ =	sdelay $0xe  }
0x143: {  	s28 =	spop (v2sf)  }
0x144: {  	s28 =	sshrl.u32 s28, $0x12  }
0x145: {  	s28 =	sand.u32 $0xF, s28  }
0x146: {  	p0 =	seq.s32 s28, $0x0  }
.Ltmp28:
0x147: {  	_ = 	snop;
	(pc) =	sbr.rel @p0 .LBB2_37-.Ltmp28, $1  }
0x148: {  	_ =	sdelay $0x3  }
0x149: {  	p1 =	sne.s32 s28, $0x1  }
.Ltmp29:
0x14a: {  	_ = 	snop;
	(pc) =	sbr.rel @!p1 .LBB2_36-.Ltmp29, $4  }
0x14b: {  	v8 =	vshrl.u32 v9, $0xE  }
0x14c: {  	s29 =	simm.s32 $0x1;
	v8 =	vand.u32 $0xF, v8  }
0x14d: {  	v9 =	vand.u32 $0x3FFF, v9;
	vm1 =	veq.s32 v8, s29  }
0x14e: {  	p0 =	por $0x0, $0x0;
	v10 =	vsel vm1, v9, v6  }
0x14f: {  	_ =	sdelay $0x1  }
0x150: {  	s29 =	simm.s32 $0x2;
	p1 =	sne.s32 s28, $0x2  }
.Ltmp30:
0x151: {  	vm1 =	veq.s32 v8, s29;
	(pc) =	sbr.rel @!p1 .LBB2_36-.Ltmp30, $4  }
0x152: {  	[spmem:s2] =	stream.indirect_vreg.scatter.add.f32 [tilespmem:s21], [sflag:$0x2], $0x80, v10, vm0, $0xb8;
	v10 =	vsel vm1, v9, v6;
	[tilespmem:$0x1D000] =	vst v63  }
0x153: {  	_ = 	snop  }
0x154: {  	_ =	swait.ge [sflag:s23], $0x800  }
0x155: {  	p0 =	por $0x1, $0x1;
	[sflag:s23] =	ssyncset.done $0x0  }
.LBB2_35:
0x156: {  	s29 =	sadd.s32 $0x1, s29;
	[sflag:s23] =	ssyncadd.s32 $0xFFFFF800  }
0x157: {  	[spmem:s2] =	stream.indirect_vreg.scatter.add.f32 [tilespmem:s21], [sflag:$0x2], $0x80, v10, vm0, $0xb8;
	[tilespmem:$0x1D000] =	vst v63  }
0x158: {  	p1 =	sne.s32 s28, s29  }
.Ltmp31:
0x159: {  	vm1 =	veq.s32 v8, s29;
	(pc) =	sbr.rel @p1 .LBB2_35-.Ltmp31, $3  }
0x15a: {  	v10 =	vsel vm1, v9, v6;
	_ =	sdelay $0x1  }
0x15b: {  	_ =	swait.ge [sflag:s23], $0x800  }
0x15c: {  	[sflag:s23] =	ssyncset.done $0x0  }
.LBB2_36:
0x15d: {  	_ =	sdelay $0x2  }
0x15e: {  	[sflag:s23] =	ssyncadd.s32 @p0 $0xFFFFF800  }
0x15f: {  	[spmem:s2] =	stream.indirect_vreg.scatter.add.f32 [tilespmem:s21], [sflag:$0x2], $0x80, v10, vm0, $0xb8;
	[tilespmem:$0x1D000] =	vst v63  }
0x160: {  	_ =	swait.ge [sflag:s23], $0x800  }
0x161: {  	[sflag:s23] =	ssyncset.done $0x0  }
0x162: {  	[sflag:s23] =	ssyncadd.s32 $0xFFFFF800  }
.LBB2_37:
0x163: {  	v9 =	vld [tilespmem:s26+$0x2870];
	_ =	sdelay $0x4  }
0x164: {  	(v2sf) =	vpush v9, $0x0;
	_ =	sdelay $0xe  }
0x165: {  	s31 =	spop (v2sf)  }
0x166: {  	s26 =	sshrl.u32 s31, $0x12  }
0x167: {  	s26 =	sand.u32 $0xF, s26  }
0x168: {  	p0 =	seq.s32 s26, $0x0  }
.Ltmp32:
0x169: {  	_ = 	snop;
	(pc) =	sbr.rel @p0 .LBB2_42-.Ltmp32, $1  }
0x16a: {  	_ =	sdelay $0x3  }
0x16b: {  	p1 =	sne.s32 s26, $0x1  }
.Ltmp33:
0x16c: {  	_ = 	snop;
	(pc) =	sbr.rel @!p1 .LBB2_41-.Ltmp33, $4  }
0x16d: {  	v8 =	vshrl.u32 v9, $0xE  }
0x16e: {  	s28 =	simm.s32 $0x1;
	v8 =	vand.u32 $0xF, v8  }
0x16f: {  	v9 =	vand.u32 $0x3FFF, v9;
	vm1 =	veq.s32 v8, s28  }
0x170: {  	p0 =	por $0x0, $0x0;
	v10 =	vsel vm1, v9, v7  }
0x171: {  	_ =	sdelay $0x1  }
0x172: {  	s28 =	simm.s32 $0x2;
	p1 =	sne.s32 s26, $0x2  }
.Ltmp34:
0x173: {  	vm1 =	veq.s32 v8, s28;
	(pc) =	sbr.rel @!p1 .LBB2_41-.Ltmp34, $4  }
0x174: {  	[spmem:s2] =	stream.indirect_vreg.scatter.add.f32 [tilespmem:s22], [sflag:$0x2], $0x80, v10, vm0, $0xb8;
	v10 =	vsel vm1, v9, v7;
	[tilespmem:$0x1D000] =	vst v63  }
0x175: {  	_ = 	snop  }
0x176: {  	_ =	swait.ge [sflag:s23], $0x800  }
0x177: {  	p0 =	por $0x1, $0x1;
	[sflag:s23] =	ssyncset.done $0x0  }
.LBB2_40:
0x178: {  	s28 =	sadd.s32 $0x1, s28;
	[sflag:s23] =	ssyncadd.s32 $0xFFFFF800  }
0x179: {  	[spmem:s2] =	stream.indirect_vreg.scatter.add.f32 [tilespmem:s22], [sflag:$0x2], $0x80, v10, vm0, $0xb8;
	[tilespmem:$0x1D000] =	vst v63  }
0x17a: {  	p1 =	sne.s32 s26, s28  }
.Ltmp35:
0x17b: {  	vm1 =	veq.s32 v8, s28;
	(pc) =	sbr.rel @p1 .LBB2_40-.Ltmp35, $3  }
0x17c: {  	v10 =	vsel vm1, v9, v7;
	_ =	sdelay $0x1  }
0x17d: {  	_ =	swait.ge [sflag:s23], $0x800  }
0x17e: {  	[sflag:s23] =	ssyncset.done $0x0  }
.Ltmp36:
0x17f: {  	_ = 	snop;
	(pc) =	sbr.rel .LBB2_41-.Ltmp36, $1  }
0x180: {  	_ =	sdelay $0x3  }
.LBB2_44:
0x181: {  	_ =	sfence.sel $0x180000  }
0x182: {  	[bflag:$0x0] =	sbarrier.arrive $0xFFFF  }
0x183: {  	p0 =	sne.s32 s0, $0x0;
	_ =	strace $0x9000004D  }
0x184: {  	s0 =	sadd.s32 @!p0 $0x100000, s1;
	[bflag:$0x2] =	sbarrier.arrive $0xFFFF  }
0x185: {  	[sflag:s0] =	ssyncadd.tile.s32 @!p0 $0x1;
	_ =	shalt  }
.Lfunc_end2:
_tile_overlayer_lowered:
.L_overlay_start_2:
0x186: {  	(tag) =	ssettag $0x2  }
0x187: {  	s0 =	rddreg [dreg:$0x0];
	s2 =	stileid.u32  }
0x188: {  	s1 =	rddreg [dreg:$0x1];
	p0 =	sne.s32 s2, $0x0  }
0x189: {  	s3 =	rddreg [dreg:$0x2];
	[bflag:$0x3] =	sbarrier.arrive $0xFFFF;
	s2 =	simm.s32 @!p0 $0x1C03  }
0x18a: {  	[timem:s3], [sflag:s2] =	dma.local @!p0 [hbm:s0], s1  }
0x18b: {  	s0 =	simm.s32 @!p0 $0x3  }
0x18c: {  	_ =	swait.ge @!p0 [sflag:s0], s1  }
0x18d: {  	s1 =	ssub.s32 @!p0 $0x0, s1;
	[sflag:s0] =	ssyncset.done @!p0 $0x0  }
0x18e: {  	[sflag:s0] =	ssyncadd.s32 @!p0 s1  }
0x18f: {  	[bflag:$0x3] =	sbarrier.arrive $0xFFFF  }
0x190: {  	_ =	shalt  }

</sc_bundles>
